<compile_context>
chip_gen: v7x
topology: tpu7x:2x2x1
jax: 0.10.2.dev20260603
libtpu: 0.0.44.dev20260713+nightly
codegen_flags: <defaults>
</compile_context>

<pallas_src>
import jax
import jax.numpy as jnp
from jax import lax
from jax.experimental import pallas as pl
from jax.experimental.pallas import tpu as pltpu
from jax.experimental.pallas import tpu_sc as plsc

B = 16384
K = 128
L = 16
NC = 2
NS = 16
NW = NC * NS
RPW = B // NW
CHUNK = 64
NCHUNKS = RPW // CHUNK
GROUPS = CHUNK // L
TSTRIDE = L + 1


def _sc_body(in_hbm, out_hbm, u0, u1, i0, i1, ob, tbuf, su0, su1, si0, si1):
    wid = lax.axis_index("s") * NC + lax.axis_index("c")
    base_row = wid * RPW
    ubufs = (u0, u1)
    ibufs = (i0, i1)
    usems = (su0, su1)
    isems = (si0, si1)
    lane = lax.iota(jnp.int32, L)
    lane_t = lane * TSTRIDE

    def start(c, b):
        r0 = base_row + c * CHUNK
        pltpu.async_copy(in_hbm.at[0, pl.ds(r0, CHUNK)], ubufs[b], usems[b])
        pltpu.async_copy(in_hbm.at[1, pl.ds(r0, CHUNK)], ibufs[b], isems[b])

    start(0, 0)
    start(1, 1)

    @pl.loop(0, NCHUNKS, step=2)
    def _chunks(g):
        for b in range(2):
            c = g + b
            ub = ubufs[b]
            ib = ibufs[b]
            pltpu.make_async_copy(in_hbm.at[0, pl.ds(0, CHUNK)], ub, usems[b]).wait()
            pltpu.make_async_copy(in_hbm.at[1, pl.ds(0, CHUNK)], ib, isems[b]).wait()
            out_base = c * CHUNK

            @plsc.parallel_loop(0, GROUPS)
            def _group(grp):
                tb = grp * (L * TSTRIDE)
                for r in range(L):
                    rr = grp * L + r
                    acc = ub[rr, pl.ds(0, L)] * ib[rr, pl.ds(0, L)]
                    for k in range(1, K // L):
                        acc = acc + ub[rr, pl.ds(L * k, L)] * ib[rr, pl.ds(L * k, L)]
                    plsc.store_scatter(tbuf, [lane_t + (tb + r)], acc)
                ws = [plsc.load_gather(tbuf, [lane + (tb + TSTRIDE * l)])
                      for l in range(L)]
                while len(ws) > 1:
                    ws = [ws[2 * i] + ws[2 * i + 1] for i in range(len(ws) // 2)]
                ob[pl.ds(out_base + grp * L, L)] = ws[0]

            nxt = c + 2

            @pl.when(nxt < NCHUNKS)
            def _prefetch():
                start(nxt, b)

    pltpu.sync_copy(ob, out_hbm.at[pl.ds(base_row, RPW)])


def kernel(inputs):
    f = pl.kernel(
        _sc_body,
        out_type=jax.ShapeDtypeStruct((B,), jnp.float32),
        mesh=plsc.VectorSubcoreMesh(
            core_axis_name="c", subcore_axis_name="s",
            num_cores=NC, num_subcores=NS,
        ),
        scratch_types=[
            pltpu.VMEM((CHUNK, K), jnp.float32),
            pltpu.VMEM((CHUNK, K), jnp.float32),
            pltpu.VMEM((CHUNK, K), jnp.float32),
            pltpu.VMEM((CHUNK, K), jnp.float32),
            pltpu.VMEM((RPW,), jnp.float32),
            pltpu.VMEM((GROUPS * L * TSTRIDE,), jnp.float32),
            pltpu.SemaphoreType.DMA,
            pltpu.SemaphoreType.DMA,
            pltpu.SemaphoreType.DMA,
            pltpu.SemaphoreType.DMA,
        ],
        compiler_params=pltpu.CompilerParams(needs_layout_passes=False),
    )
    return f(inputs)

# --- scband reference (transcript-rebuilt; emitter-appended) ---
"""Pipeline reference for scband-light-gcnweighted-model-17755394802325 (READ-ONLY COPY).

The authoritative reference and input builder live on the scoring server;
editing this copy changes nothing except your own understanding.
"""

import jax, jax.numpy as jnp
import numpy as np

B = 16384
K = 128

def setup_inputs(seed: int = 0) -> dict:
    key = jax.random.key(seed)
    # 'inputs' is the tuple (gu, gi) in the torch forward; a [2, B, K] tensor
    # unpacks along dim 0 exactly like the tuple does.
    inputs = jax.random.normal(key, (2, B, K), dtype=jnp.float32)
    return {"inputs": inputs}

def reference(inputs):
    # forward: gu, gi = inputs; xui = sum(squeeze(gu) * squeeze(gi), dim=1)
    gu = jnp.squeeze(inputs[0])
    gi = jnp.squeeze(inputs[1])
    xui = jnp.sum(gu * gi, axis=1)
    return xui

if __name__ == "__main__":
    import jax
    _d = setup_inputs()
    print(jax.jit(kernel)(*tuple(_d.values())))

</pallas_src>

<mosaic_0001>
#map = affine_map<(d0, d1) -> (0, 0, 0)>
#map1 = affine_map<(d0, d1) -> (0)>
module attributes {stable_mosaic.version = 14 : i64} {
  func.func @_sc_body(%arg0: i32, %arg1: i32, %arg2: memref<2x16384x128xf32, #tpu.memory_space<hbm>>, %arg3: memref<16384xf32, #tpu.memory_space<hbm>>, %arg4: memref<64x128xf32, #tpu.memory_space<vmem>>, %arg5: memref<64x128xf32, #tpu.memory_space<vmem>>, %arg6: memref<64x128xf32, #tpu.memory_space<vmem>>, %arg7: memref<64x128xf32, #tpu.memory_space<vmem>>, %arg8: memref<512xf32, #tpu.memory_space<vmem>>, %arg9: memref<1088xf32, #tpu.memory_space<vmem>>, %arg10: memref<!tpu.dma_semaphore, #tpu.memory_space<semaphore_mem>>, %arg11: memref<!tpu.dma_semaphore, #tpu.memory_space<semaphore_mem>>, %arg12: memref<!tpu.dma_semaphore, #tpu.memory_space<semaphore_mem>>, %arg13: memref<!tpu.dma_semaphore, #tpu.memory_space<semaphore_mem>>) attributes {dimension_semantics = [#tpu.dimension_semantics<core_parallel>, #tpu.dimension_semantics<subcore_parallel>], iteration_bounds = array<i64: 2, 16>, scalar_prefetch = 0 : i64, scratch_operands = 10 : i64, tpu.core_type = #tpu.core_type<sc_vector_subcore>, window_params = [{transform_indices = #map}, {transform_indices = #map1}]} {
    %mul3A = arith.constant 2 : i32
    %mul3A_0 = arith.muli %arg1, %mul3A : i32
    %add3A = arith.addi %mul3A_0, %arg0 : i32
    %mul3A_1 = arith.constant 512 : i32
    %mul3A_2 = arith.muli %add3A, %mul3A_1 : i32
    %iota3A = tpu.iota {dimensions = array<i32: 0>} : vector<16xi32>
    %mul3A_3 = arith.constant 17 : i32
    %mul3A_4 = vector.broadcast %mul3A_3 : i32 to vector<16xi32>
    %mul3A_5 = arith.muli %iota3A, %mul3A_4 : vector<16xi32>
    %add3A_6 = arith.constant 0 : i32
    %add3A_7 = arith.addi %mul3A_2, %add3A_6 : i32
    %dma_start3A = arith.constant 0 : i32
    %dma_start3A_8 = arith.constant 0 : i32
    %dma_start3A_9 = tpu.memref_slice %arg2[%dma_start3A, %add3A_7, %dma_start3A_8] : memref<2x16384x128xf32, #tpu.memory_space<hbm>> -> memref<1x64x128xf32, #tpu.memory_space<hbm>>
    %dma_start3A_10 = tpu.memref_squeeze %dma_start3A_9 : memref<1x64x128xf32, #tpu.memory_space<hbm>> -> memref<64x128xf32, #tpu.memory_space<hbm>>
    %dma_start3A_11 = arith.constant 0 : i32
    %dma_start3A_12 = tpu.memref_slice %arg2[%dma_start3A, %add3A_7, %dma_start3A_11] : memref<2x16384x128xf32, #tpu.memory_space<hbm>> -> memref<1x64x128xf32, #tpu.memory_space<hbm>>
    %dma_start3A_13 = tpu.memref_squeeze %dma_start3A_12 : memref<1x64x128xf32, #tpu.memory_space<hbm>> -> memref<64x128xf32, #tpu.memory_space<hbm>>
    tpu.enqueue_dma source(%dma_start3A_13 : memref<64x128xf32, #tpu.memory_space<hbm>>) target(%arg4 : memref<64x128xf32, #tpu.memory_space<vmem>>) target_semaphore(%arg10 : memref<!tpu.dma_semaphore, #tpu.memory_space<semaphore_mem>>)
    %dma_start3A_14 = arith.constant 1 : i32
    %dma_start3A_15 = arith.constant 0 : i32
    %dma_start3A_16 = tpu.memref_slice %arg2[%dma_start3A_14, %add3A_7, %dma_start3A_15] : memref<2x16384x128xf32, #tpu.memory_space<hbm>> -> memref<1x64x128xf32, #tpu.memory_space<hbm>>
    %dma_start3A_17 = tpu.memref_squeeze %dma_start3A_16 : memref<1x64x128xf32, #tpu.memory_space<hbm>> -> memref<64x128xf32, #tpu.memory_space<hbm>>
    %dma_start3A_18 = arith.constant 0 : i32
    %dma_start3A_19 = tpu.memref_slice %arg2[%dma_start3A_14, %add3A_7, %dma_start3A_18] : memref<2x16384x128xf32, #tpu.memory_space<hbm>> -> memref<1x64x128xf32, #tpu.memory_space<hbm>>
    %dma_start3A_20 = tpu.memref_squeeze %dma_start3A_19 : memref<1x64x128xf32, #tpu.memory_space<hbm>> -> memref<64x128xf32, #tpu.memory_space<hbm>>
    tpu.enqueue_dma source(%dma_start3A_20 : memref<64x128xf32, #tpu.memory_space<hbm>>) target(%arg6 : memref<64x128xf32, #tpu.memory_space<vmem>>) target_semaphore(%arg12 : memref<!tpu.dma_semaphore, #tpu.memory_space<semaphore_mem>>)
    %add3A_21 = arith.constant 64 : i32
    %add3A_22 = arith.addi %mul3A_2, %add3A_21 : i32
    %dma_start3A_23 = arith.constant 0 : i32
    %dma_start3A_24 = arith.constant 0 : i32
    %dma_start3A_25 = tpu.memref_slice %arg2[%dma_start3A_23, %add3A_22, %dma_start3A_24] : memref<2x16384x128xf32, #tpu.memory_space<hbm>> -> memref<1x64x128xf32, #tpu.memory_space<hbm>>
    %dma_start3A_26 = tpu.memref_squeeze %dma_start3A_25 : memref<1x64x128xf32, #tpu.memory_space<hbm>> -> memref<64x128xf32, #tpu.memory_space<hbm>>
    %dma_start3A_27 = arith.constant 0 : i32
    %dma_start3A_28 = tpu.memref_slice %arg2[%dma_start3A_23, %add3A_22, %dma_start3A_27] : memref<2x16384x128xf32, #tpu.memory_space<hbm>> -> memref<1x64x128xf32, #tpu.memory_space<hbm>>
    %dma_start3A_29 = tpu.memref_squeeze %dma_start3A_28 : memref<1x64x128xf32, #tpu.memory_space<hbm>> -> memref<64x128xf32, #tpu.memory_space<hbm>>
    tpu.enqueue_dma source(%dma_start3A_29 : memref<64x128xf32, #tpu.memory_space<hbm>>) target(%arg5 : memref<64x128xf32, #tpu.memory_space<vmem>>) target_semaphore(%arg11 : memref<!tpu.dma_semaphore, #tpu.memory_space<semaphore_mem>>)
    %dma_start3A_30 = arith.constant 1 : i32
    %dma_start3A_31 = arith.constant 0 : i32
    %dma_start3A_32 = tpu.memref_slice %arg2[%dma_start3A_30, %add3A_22, %dma_start3A_31] : memref<2x16384x128xf32, #tpu.memory_space<hbm>> -> memref<1x64x128xf32, #tpu.memory_space<hbm>>
    %dma_start3A_33 = tpu.memref_squeeze %dma_start3A_32 : memref<1x64x128xf32, #tpu.memory_space<hbm>> -> memref<64x128xf32, #tpu.memory_space<hbm>>
    %dma_start3A_34 = arith.constant 0 : i32
    %dma_start3A_35 = tpu.memref_slice %arg2[%dma_start3A_30, %add3A_22, %dma_start3A_34] : memref<2x16384x128xf32, #tpu.memory_space<hbm>> -> memref<1x64x128xf32, #tpu.memory_space<hbm>>
    %dma_start3A_36 = tpu.memref_squeeze %dma_start3A_35 : memref<1x64x128xf32, #tpu.memory_space<hbm>> -> memref<64x128xf32, #tpu.memory_space<hbm>>
    tpu.enqueue_dma source(%dma_start3A_36 : memref<64x128xf32, #tpu.memory_space<hbm>>) target(%arg7 : memref<64x128xf32, #tpu.memory_space<vmem>>) target_semaphore(%arg13 : memref<!tpu.dma_semaphore, #tpu.memory_space<semaphore_mem>>)
    %scan3A = arith.constant 0 : i32
    %scan3A_37 = arith.constant 4 : i32
    %scan3A_38 = arith.addi %scan3A, %scan3A_37 : i32
    %scan3A_39 = arith.constant 1 : i32
    scf.for %scan3A_41 = %scan3A to %scan3A_38 step %scan3A_39  : i32 {
      %mul3A_42 = arith.constant 2 : i32
      %mul3A_43 = arith.muli %scan3A_41, %mul3A_42 : i32
      %add3A_44 = arith.constant 0 : i32
      %add3A_45 = arith.addi %add3A_44, %mul3A_43 : i32
      %add3A_46 = arith.constant 0 : i32
      %add3A_47 = arith.addi %add3A_45, %add3A_46 : i32
      %dma_wait3A = arith.constant 0 : i32
      %dma_wait3A_48 = arith.constant 0 : i32
      %dma_wait3A_49 = arith.constant 0 : i32
      %dma_wait3A_50 = tpu.memref_slice %arg2[%dma_wait3A, %dma_wait3A_48, %dma_wait3A_49] : memref<2x16384x128xf32, #tpu.memory_space<hbm>> -> memref<1x64x128xf32, #tpu.memory_space<hbm>>
      %dma_wait3A_51 = tpu.memref_squeeze %dma_wait3A_50 : memref<1x64x128xf32, #tpu.memory_space<hbm>> -> memref<64x128xf32, #tpu.memory_space<hbm>>
      %dma_wait3A_52 = arith.constant 0 : i32
      %dma_wait3A_53 = arith.constant 0 : i32
      %dma_wait3A_54 = tpu.memref_slice %arg2[%dma_wait3A, %dma_wait3A_52, %dma_wait3A_53] : memref<2x16384x128xf32, #tpu.memory_space<hbm>> -> memref<1x64x128xf32, #tpu.memory_space<hbm>>
      %dma_wait3A_55 = tpu.memref_squeeze %dma_wait3A_54 : memref<1x64x128xf32, #tpu.memory_space<hbm>> -> memref<64x128xf32, #tpu.memory_space<hbm>>
      tpu.wait_dma2 semaphore(%arg10 : memref<!tpu.dma_semaphore, #tpu.memory_space<semaphore_mem>>) src(%dma_wait3A_55 : memref<64x128xf32, #tpu.memory_space<hbm>>) dst(%arg4 : memref<64x128xf32, #tpu.memory_space<vmem>>)
      %dma_wait3A_56 = arith.constant 1 : i32
      %dma_wait3A_57 = arith.constant 0 : i32
      %dma_wait3A_58 = arith.constant 0 : i32
      %dma_wait3A_59 = tpu.memref_slice %arg2[%dma_wait3A_56, %dma_wait3A_57, %dma_wait3A_58] : memref<2x16384x128xf32, #tpu.memory_space<hbm>> -> memref<1x64x128xf32, #tpu.memory_space<hbm>>
      %dma_wait3A_60 = tpu.memref_squeeze %dma_wait3A_59 : memref<1x64x128xf32, #tpu.memory_space<hbm>> -> memref<64x128xf32, #tpu.memory_space<hbm>>
      %dma_wait3A_61 = arith.constant 0 : i32
      %dma_wait3A_62 = arith.constant 0 : i32
      %dma_wait3A_63 = tpu.memref_slice %arg2[%dma_wait3A_56, %dma_wait3A_61, %dma_wait3A_62] : memref<2x16384x128xf32, #tpu.memory_space<hbm>> -> memref<1x64x128xf32, #tpu.memory_space<hbm>>
      %dma_wait3A_64 = tpu.memref_squeeze %dma_wait3A_63 : memref<1x64x128xf32, #tpu.memory_space<hbm>> -> memref<64x128xf32, #tpu.memory_space<hbm>>
      tpu.wait_dma2 semaphore(%arg12 : memref<!tpu.dma_semaphore, #tpu.memory_space<semaphore_mem>>) src(%dma_wait3A_64 : memref<64x128xf32, #tpu.memory_space<hbm>>) dst(%arg6 : memref<64x128xf32, #tpu.memory_space<vmem>>)
      %mul3A_65 = arith.constant 64 : i32
      %mul3A_66 = arith.muli %add3A_47, %mul3A_65 : i32
      %parallel_loop3A = arith.constant 0 : i32
      %parallel_loop3A_67 = arith.constant 4 : i32
      %parallel_loop3A_68 = arith.constant 1 : i32
      scf.for %parallel_loop3A_105 = %parallel_loop3A to %parallel_loop3A_67 step %parallel_loop3A_68  : i32 {
        %parallel_loop3A_106 = arith.constant 272 : i32
        %parallel_loop3A_107 = arith.muli %parallel_loop3A_105, %parallel_loop3A_106 : i32
        %parallel_loop3A_108 = arith.constant 16 : i32
        %parallel_loop3A_109 = arith.muli %parallel_loop3A_105, %parallel_loop3A_108 : i32
        %parallel_loop3A_110 = arith.constant 0 : i32
        %parallel_loop3A_111 = arith.addi %parallel_loop3A_109, %parallel_loop3A_110 : i32
        %parallel_loop3A_112 = arith.index_cast %parallel_loop3A_111 : i32 to index
        %parallel_loop3A_113 = arith.constant 0 : index
        %parallel_loop3A_114 = tpu.vector_load %arg4[%parallel_loop3A_112, %parallel_loop3A_113] {strides = array<i32>} : memref<64x128xf32, #tpu.memory_space<vmem>>, vector<16xf32>,
        %parallel_loop3A_115 = arith.index_cast %parallel_loop3A_111 : i32 to index
        %parallel_loop3A_116 = arith.constant 0 : index
        %parallel_loop3A_117 = tpu.vector_load %arg6[%parallel_loop3A_115, %parallel_loop3A_116] {strides = array<i32>} : memref<64x128xf32, #tpu.memory_space<vmem>>, vector<16xf32>,
        %parallel_loop3A_118 = arith.mulf %parallel_loop3A_114, %parallel_loop3A_117 : vector<16xf32>
        %parallel_loop3A_119 = arith.index_cast %parallel_loop3A_111 : i32 to index
        %parallel_loop3A_120 = arith.constant 16 : index
        %parallel_loop3A_121 = tpu.vector_load %arg4[%parallel_loop3A_119, %parallel_loop3A_120] {strides = array<i32>} : memref<64x128xf32, #tpu.memory_space<vmem>>, vector<16xf32>,
        %parallel_loop3A_122 = arith.index_cast %parallel_loop3A_111 : i32 to index
        %parallel_loop3A_123 = arith.constant 16 : index
        %parallel_loop3A_124 = tpu.vector_load %arg6[%parallel_loop3A_122, %parallel_loop3A_123] {strides = array<i32>} : memref<64x128xf32, #tpu.memory_space<vmem>>, vector<16xf32>,
        %parallel_loop3A_125 = arith.mulf %parallel_loop3A_121, %parallel_loop3A_124 : vector<16xf32>
        %parallel_loop3A_126 = arith.addf %parallel_loop3A_118, %parallel_loop3A_125 : vector<16xf32>
        %parallel_loop3A_127 = arith.index_cast %parallel_loop3A_111 : i32 to index
        %parallel_loop3A_128 = arith.constant 32 : index
        %parallel_loop3A_129 = tpu.vector_load %arg4[%parallel_loop3A_127, %parallel_loop3A_128] {strides = array<i32>} : memref<64x128xf32, #tpu.memory_space<vmem>>, vector<16xf32>,
        %parallel_loop3A_130 = arith.index_cast %parallel_loop3A_111 : i32 to index
        %parallel_loop3A_131 = arith.constant 32 : index
        %parallel_loop3A_132 = tpu.vector_load %arg6[%parallel_loop3A_130, %parallel_loop3A_131] {strides = array<i32>} : memref<64x128xf32, #tpu.memory_space<vmem>>, vector<16xf32>,
        %parallel_loop3A_133 = arith.mulf %parallel_loop3A_129, %parallel_loop3A_132 : vector<16xf32>
        %parallel_loop3A_134 = arith.addf %parallel_loop3A_126, %parallel_loop3A_133 : vector<16xf32>
        %parallel_loop3A_135 = arith.index_cast %parallel_loop3A_111 : i32 to index
        %parallel_loop3A_136 = arith.constant 48 : index
        %parallel_loop3A_137 = tpu.vector_load %arg4[%parallel_loop3A_135, %parallel_loop3A_136] {strides = array<i32>} : memref<64x128xf32, #tpu.memory_space<vmem>>, vector<16xf32>,
        %parallel_loop3A_138 = arith.index_cast %parallel_loop3A_111 : i32 to index
        %parallel_loop3A_139 = arith.constant 48 : index
        %parallel_loop3A_140 = tpu.vector_load %arg6[%parallel_loop3A_138, %parallel_loop3A_139] {strides = array<i32>} : memref<64x128xf32, #tpu.memory_space<vmem>>, vector<16xf32>,
        %parallel_loop3A_141 = arith.mulf %parallel_loop3A_137, %parallel_loop3A_140 : vector<16xf32>
        %parallel_loop3A_142 = arith.addf %parallel_loop3A_134, %parallel_loop3A_141 : vector<16xf32>
        %parallel_loop3A_143 = arith.index_cast %parallel_loop3A_111 : i32 to index
        %parallel_loop3A_144 = arith.constant 64 : index
        %parallel_loop3A_145 = tpu.vector_load %arg4[%parallel_loop3A_143, %parallel_loop3A_144] {strides = array<i32>} : memref<64x128xf32, #tpu.memory_space<vmem>>, vector<16xf32>,
        %parallel_loop3A_146 = arith.index_cast %parallel_loop3A_111 : i32 to index
        %parallel_loop3A_147 = arith.constant 64 : index
        %parallel_loop3A_148 = tpu.vector_load %arg6[%parallel_loop3A_146, %parallel_loop3A_147] {strides = array<i32>} : memref<64x128xf32, #tpu.memory_space<vmem>>, vector<16xf32>,
        %parallel_loop3A_149 = arith.mulf %parallel_loop3A_145, %parallel_loop3A_148 : vector<16xf32>
        %parallel_loop3A_150 = arith.addf %parallel_loop3A_142, %parallel_loop3A_149 : vector<16xf32>
        %parallel_loop3A_151 = arith.index_cast %parallel_loop3A_111 : i32 to index
        %parallel_loop3A_152 = arith.constant 80 : index
        %parallel_loop3A_153 = tpu.vector_load %arg4[%parallel_loop3A_151, %parallel_loop3A_152] {strides = array<i32>} : memref<64x128xf32, #tpu.memory_space<vmem>>, vector<16xf32>,
        %parallel_loop3A_154 = arith.index_cast %parallel_loop3A_111 : i32 to index
        %parallel_loop3A_155 = arith.constant 80 : index
        %parallel_loop3A_156 = tpu.vector_load %arg6[%parallel_loop3A_154, %parallel_loop3A_155] {strides = array<i32>} : memref<64x128xf32, #tpu.memory_space<vmem>>, vector<16xf32>,
        %parallel_loop3A_157 = arith.mulf %parallel_loop3A_153, %parallel_loop3A_156 : vector<16xf32>
        %parallel_loop3A_158 = arith.addf %parallel_loop3A_150, %parallel_loop3A_157 : vector<16xf32>
        %parallel_loop3A_159 = arith.index_cast %parallel_loop3A_111 : i32 to index
        %parallel_loop3A_160 = arith.constant 96 : index
        %parallel_loop3A_161 = tpu.vector_load %arg4[%parallel_loop3A_159, %parallel_loop3A_160] {strides = array<i32>} : memref<64x128xf32, #tpu.memory_space<vmem>>, vector<16xf32>,
        %parallel_loop3A_162 = arith.index_cast %parallel_loop3A_111 : i32 to index
        %parallel_loop3A_163 = arith.constant 96 : index
        %parallel_loop3A_164 = tpu.vector_load %arg6[%parallel_loop3A_162, %parallel_loop3A_163] {strides = array<i32>} : memref<64x128xf32, #tpu.memory_space<vmem>>, vector<16xf32>,
        %parallel_loop3A_165 = arith.mulf %parallel_loop3A_161, %parallel_loop3A_164 : vector<16xf32>
        %parallel_loop3A_166 = arith.addf %parallel_loop3A_158, %parallel_loop3A_165 : vector<16xf32>
        %parallel_loop3A_167 = arith.index_cast %parallel_loop3A_111 : i32 to index
        %parallel_loop3A_168 = arith.constant 112 : index
        %parallel_loop3A_169 = tpu.vector_load %arg4[%parallel_loop3A_167, %parallel_loop3A_168] {strides = array<i32>} : memref<64x128xf32, #tpu.memory_space<vmem>>, vector<16xf32>,
        %parallel_loop3A_170 = arith.index_cast %parallel_loop3A_111 : i32 to index
        %parallel_loop3A_171 = arith.constant 112 : index
        %parallel_loop3A_172 = tpu.vector_load %arg6[%parallel_loop3A_170, %parallel_loop3A_171] {strides = array<i32>} : memref<64x128xf32, #tpu.memory_space<vmem>>, vector<16xf32>,
        %parallel_loop3A_173 = arith.mulf %parallel_loop3A_169, %parallel_loop3A_172 : vector<16xf32>
        %parallel_loop3A_174 = arith.addf %parallel_loop3A_166, %parallel_loop3A_173 : vector<16xf32>
        %parallel_loop3A_175 = arith.constant 0 : i32
        %parallel_loop3A_176 = arith.addi %parallel_loop3A_107, %parallel_loop3A_175 : i32
        %parallel_loop3A_177 = vector.broadcast %parallel_loop3A_176 : i32 to vector<16xi32>
        %parallel_loop3A_178 = arith.addi %mul3A_5, %parallel_loop3A_177 : vector<16xi32>
        tpu.vector_store_idx %arg9[%parallel_loop3A_178], %parallel_loop3A_174 : memref<1088xf32, #tpu.memory_space<vmem>>[vector<16xi32>], vector<16xf32>,
        %parallel_loop3A_179 = arith.constant 16 : i32
        %parallel_loop3A_180 = arith.muli %parallel_loop3A_105, %parallel_loop3A_179 : i32
        %parallel_loop3A_181 = arith.constant 1 : i32
        %parallel_loop3A_182 = arith.addi %parallel_loop3A_180, %parallel_loop3A_181 : i32
        %parallel_loop3A_183 = arith.index_cast %parallel_loop3A_182 : i32 to index
        %parallel_loop3A_184 = arith.constant 0 : index
        %parallel_loop3A_185 = tpu.vector_load %arg4[%parallel_loop3A_183, %parallel_loop3A_184] {strides = array<i32>} : memref<64x128xf32, #tpu.memory_space<vmem>>, vector<16xf32>,
        %parallel_loop3A_186 = arith.index_cast %parallel_loop3A_182 : i32 to index
        %parallel_loop3A_187 = arith.constant 0 : index
        %parallel_loop3A_188 = tpu.vector_load %arg6[%parallel_loop3A_186, %parallel_loop3A_187] {strides = array<i32>} : memref<64x128xf32, #tpu.memory_space<vmem>>, vector<16xf32>,
        %parallel_loop3A_189 = arith.mulf %parallel_loop3A_185, %parallel_loop3A_188 : vector<16xf32>
        %parallel_loop3A_190 = arith.index_cast %parallel_loop3A_182 : i32 to index
        %parallel_loop3A_191 = arith.constant 16 : index
        %parallel_loop3A_192 = tpu.vector_load %arg4[%parallel_loop3A_190, %parallel_loop3A_191] {strides = array<i32>} : memref<64x128xf32, #tpu.memory_space<vmem>>, vector<16xf32>,
        %parallel_loop3A_193 = arith.index_cast %parallel_loop3A_182 : i32 to index
        %parallel_loop3A_194 = arith.constant 16 : index
        %parallel_loop3A_195 = tpu.vector_load %arg6[%parallel_loop3A_193, %parallel_loop3A_194] {strides = array<i32>} : memref<64x128xf32, #tpu.memory_space<vmem>>, vector<16xf32>,
        %parallel_loop3A_196 = arith.mulf %parallel_loop3A_192, %parallel_loop3A_195 : vector<16xf32>
        %parallel_loop3A_197 = arith.addf %parallel_loop3A_189, %parallel_loop3A_196 : vector<16xf32>
        %parallel_loop3A_198 = arith.index_cast %parallel_loop3A_182 : i32 to index
        %parallel_loop3A_199 = arith.constant 32 : index
        %parallel_loop3A_200 = tpu.vector_load %arg4[%parallel_loop3A_198, %parallel_loop3A_199] {strides = array<i32>} : memref<64x128xf32, #tpu.memory_space<vmem>>, vector<16xf32>,
        %parallel_loop3A_201 = arith.index_cast %parallel_loop3A_182 : i32 to index
        %parallel_loop3A_202 = arith.constant 32 : index
        %parallel_loop3A_203 = tpu.vector_load %arg6[%parallel_loop3A_201, %parallel_loop3A_202] {strides = array<i32>} : memref<64x128xf32, #tpu.memory_space<vmem>>, vector<16xf32>,
        %parallel_loop3A_204 = arith.mulf %parallel_loop3A_200, %parallel_loop3A_203 : vector<16xf32>
        %parallel_loop3A_205 = arith.addf %parallel_loop3A_197, %parallel_loop3A_204 : vector<16xf32>
        %parallel_loop3A_206 = arith.index_cast %parallel_loop3A_182 : i32 to index
        %parallel_loop3A_207 = arith.constant 48 : index
        %parallel_loop3A_208 = tpu.vector_load %arg4[%parallel_loop3A_206, %parallel_loop3A_207] {strides = array<i32>} : memref<64x128xf32, #tpu.memory_space<vmem>>, vector<16xf32>,
        %parallel_loop3A_209 = arith.index_cast %parallel_loop3A_182 : i32 to index
        %parallel_loop3A_210 = arith.constant 48 : index
        %parallel_loop3A_211 = tpu.vector_load %arg6[%parallel_loop3A_209, %parallel_loop3A_210] {strides = array<i32>} : memref<64x128xf32, #tpu.memory_space<vmem>>, vector<16xf32>,
        %parallel_loop3A_212 = arith.mulf %parallel_loop3A_208, %parallel_loop3A_211 : vector<16xf32>
        %parallel_loop3A_213 = arith.addf %parallel_loop3A_205, %parallel_loop3A_212 : vector<16xf32>
        %parallel_loop3A_214 = arith.index_cast %parallel_loop3A_182 : i32 to index
        %parallel_loop3A_215 = arith.constant 64 : index
        %parallel_loop3A_216 = tpu.vector_load %arg4[%parallel_loop3A_214, %parallel_loop3A_215] {strides = array<i32>} : memref<64x128xf32, #tpu.memory_space<vmem>>, vector<16xf32>,
        %parallel_loop3A_217 = arith.index_cast %parallel_loop3A_182 : i32 to index
        %parallel_loop3A_218 = arith.constant 64 : index
        %parallel_loop3A_219 = tpu.vector_load %arg6[%parallel_loop3A_217, %parallel_loop3A_218] {strides = array<i32>} : memref<64x128xf32, #tpu.memory_space<vmem>>, vector<16xf32>,
        %parallel_loop3A_220 = arith.mulf %parallel_loop3A_216, %parallel_loop3A_219 : vector<16xf32>
        %parallel_loop3A_221 = arith.addf %parallel_loop3A_213, %parallel_loop3A_220 : vector<16xf32>
        %parallel_loop3A_222 = arith.index_cast %parallel_loop3A_182 : i32 to index
        %parallel_loop3A_223 = arith.constant 80 : index
        %parallel_loop3A_224 = tpu.vector_load %arg4[%parallel_loop3A_222, %parallel_loop3A_223] {strides = array<i32>} : memref<64x128xf32, #tpu.memory_space<vmem>>, vector<16xf32>,
        %parallel_loop3A_225 = arith.index_cast %parallel_loop3A_182 : i32 to index
        %parallel_loop3A_226 = arith.constant 80 : index
        %parallel_loop3A_227 = tpu.vector_load %arg6[%parallel_loop3A_225, %parallel_loop3A_226] {strides = array<i32>} : memref<64x128xf32, #tpu.memory_space<vmem>>, vector<16xf32>,
        %parallel_loop3A_228 = arith.mulf %parallel_loop3A_224, %parallel_loop3A_227 : vector<16xf32>
        %parallel_loop3A_229 = arith.addf %parallel_loop3A_221, %parallel_loop3A_228 : vector<16xf32>
        %parallel_loop3A_230 = arith.index_cast %parallel_loop3A_182 : i32 to index
        %parallel_loop3A_231 = arith.constant 96 : index
        %parallel_loop3A_232 = tpu.vector_load %arg4[%parallel_loop3A_230, %parallel_loop3A_231] {strides = array<i32>} : memref<64x128xf32, #tpu.memory_space<vmem>>, vector<16xf32>,
        %parallel_loop3A_233 = arith.index_cast %parallel_loop3A_182 : i32 to index
        %parallel_loop3A_234 = arith.constant 96 : index
        %parallel_loop3A_235 = tpu.vector_load %arg6[%parallel_loop3A_233, %parallel_loop3A_234] {strides = array<i32>} : memref<64x128xf32, #tpu.memory_space<vmem>>, vector<16xf32>,
        %parallel_loop3A_236 = arith.mulf %parallel_loop3A_232, %parallel_loop3A_235 : vector<16xf32>
        %parallel_loop3A_237 = arith.addf %parallel_loop3A_229, %parallel_loop3A_236 : vector<16xf32>
        %parallel_loop3A_238 = arith.index_cast %parallel_loop3A_182 : i32 to index
        %parallel_loop3A_239 = arith.constant 112 : index
        %parallel_loop3A_240 = tpu.vector_load %arg4[%parallel_loop3A_238, %parallel_loop3A_239] {strides = array<i32>} : memref<64x128xf32, #tpu.memory_space<vmem>>, vector<16xf32>,
        %parallel_loop3A_241 = arith.index_cast %parallel_loop3A_182 : i32 to index
        %parallel_loop3A_242 = arith.constant 112 : index
        %parallel_loop3A_243 = tpu.vector_load %arg6[%parallel_loop3A_241, %parallel_loop3A_242] {strides = array<i32>} : memref<64x128xf32, #tpu.memory_space<vmem>>, vector<16xf32>,
        %parallel_loop3A_244 = arith.mulf %parallel_loop3A_240, %parallel_loop3A_243 : vector<16xf32>
        %parallel_loop3A_245 = arith.addf %parallel_loop3A_237, %parallel_loop3A_244 : vector<16xf32>
        %parallel_loop3A_246 = arith.constant 1 : i32
        %parallel_loop3A_247 = arith.addi %parallel_loop3A_107, %parallel_loop3A_246 : i32
        %parallel_loop3A_248 = vector.broadcast %parallel_loop3A_247 : i32 to vector<16xi32>
        %parallel_loop3A_249 = arith.addi %mul3A_5, %parallel_loop3A_248 : vector<16xi32>
        tpu.vector_store_idx %arg9[%parallel_loop3A_249], %parallel_loop3A_245 : memref<1088xf32, #tpu.memory_space<vmem>>[vector<16xi32>], vector<16xf32>,
        %parallel_loop3A_250 = arith.constant 16 : i32
        %parallel_loop3A_251 = arith.muli %parallel_loop3A_105, %parallel_loop3A_250 : i32
        %parallel_loop3A_252 = arith.constant 2 : i32
        %parallel_loop3A_253 = arith.addi %parallel_loop3A_251, %parallel_loop3A_252 : i32
        %parallel_loop3A_254 = arith.index_cast %parallel_loop3A_253 : i32 to index
        %parallel_loop3A_255 = arith.constant 0 : index
        %parallel_loop3A_256 = tpu.vector_load %arg4[%parallel_loop3A_254, %parallel_loop3A_255] {strides = array<i32>} : memref<64x128xf32, #tpu.memory_space<vmem>>, vector<16xf32>,
        %parallel_loop3A_257 = arith.index_cast %parallel_loop3A_253 : i32 to index
        %parallel_loop3A_258 = arith.constant 0 : index
        %parallel_loop3A_259 = tpu.vector_load %arg6[%parallel_loop3A_257, %parallel_loop3A_258] {strides = array<i32>} : memref<64x128xf32, #tpu.memory_space<vmem>>, vector<16xf32>,
        %parallel_loop3A_260 = arith.mulf %parallel_loop3A_256, %parallel_loop3A_259 : vector<16xf32>
        %parallel_loop3A_261 = arith.index_cast %parallel_loop3A_253 : i32 to index
        %parallel_loop3A_262 = arith.constant 16 : index
        %parallel_loop3A_263 = tpu.vector_load %arg4[%parallel_loop3A_261, %parallel_loop3A_262] {strides = array<i32>} : memref<64x128xf32, #tpu.memory_space<vmem>>, vector<16xf32>,
        %parallel_loop3A_264 = arith.index_cast %parallel_loop3A_253 : i32 to index
        %parallel_loop3A_265 = arith.constant 16 : index
        %parallel_loop3A_266 = tpu.vector_load %arg6[%parallel_loop3A_264, %parallel_loop3A_265] {strides = array<i32>} : memref<64x128xf32, #tpu.memory_space<vmem>>, vector<16xf32>,
        %parallel_loop3A_267 = arith.mulf %parallel_loop3A_263, %parallel_loop3A_266 : vector<16xf32>
        %parallel_loop3A_268 = arith.addf %parallel_loop3A_260, %parallel_loop3A_267 : vector<16xf32>
        %parallel_loop3A_269 = arith.index_cast %parallel_loop3A_253 : i32 to index
        %parallel_loop3A_270 = arith.constant 32 : index
        %parallel_loop3A_271 = tpu.vector_load %arg4[%parallel_loop3A_269, %parallel_loop3A_270] {strides = array<i32>} : memref<64x128xf32, #tpu.memory_space<vmem>>, vector<16xf32>,
        %parallel_loop3A_272 = arith.index_cast %parallel_loop3A_253 : i32 to index
        %parallel_loop3A_273 = arith.constant 32 : index
        %parallel_loop3A_274 = tpu.vector_load %arg6[%parallel_loop3A_272, %parallel_loop3A_273] {strides = array<i32>} : memref<64x128xf32, #tpu.memory_space<vmem>>, vector<16xf32>,
        %parallel_loop3A_275 = arith.mulf %parallel_loop3A_271, %parallel_loop3A_274 : vector<16xf32>
        %parallel_loop3A_276 = arith.addf %parallel_loop3A_268, %parallel_loop3A_275 : vector<16xf32>
        %parallel_loop3A_277 = arith.index_cast %parallel_loop3A_253 : i32 to index
        %parallel_loop3A_278 = arith.constant 48 : index
        %parallel_loop3A_279 = tpu.vector_load %arg4[%parallel_loop3A_277, %parallel_loop3A_278] {strides = array<i32>} : memref<64x128xf32, #tpu.memory_space<vmem>>, vector<16xf32>,
        %parallel_loop3A_280 = arith.index_cast %parallel_loop3A_253 : i32 to index
        %parallel_loop3A_281 = arith.constant 48 : index
        %parallel_loop3A_282 = tpu.vector_load %arg6[%parallel_loop3A_280, %parallel_loop3A_281] {strides = array<i32>} : memref<64x128xf32, #tpu.memory_space<vmem>>, vector<16xf32>,
        %parallel_loop3A_283 = arith.mulf %parallel_loop3A_279, %parallel_loop3A_282 : vector<16xf32>
        %parallel_loop3A_284 = arith.addf %parallel_loop3A_276, %parallel_loop3A_283 : vector<16xf32>
        %parallel_loop3A_285 = arith.index_cast %parallel_loop3A_253 : i32 to index
        %parallel_loop3A_286 = arith.constant 64 : index
        %parallel_loop3A_287 = tpu.vector_load %arg4[%parallel_loop3A_285, %parallel_loop3A_286] {strides = array<i32>} : memref<64x128xf32, #tpu.memory_space<vmem>>, vector<16xf32>,
        %parallel_loop3A_288 = arith.index_cast %parallel_loop3A_253 : i32 to index
        %parallel_loop3A_289 = arith.constant 64 : index
        %parallel_loop3A_290 = tpu.vector_load %arg6[%parallel_loop3A_288, %parallel_loop3A_289] {strides = array<i32>} : memref<64x128xf32, #tpu.memory_space<vmem>>, vector<16xf32>,
        %parallel_loop3A_291 = arith.mulf %parallel_loop3A_287, %parallel_loop3A_290 : vector<16xf32>
        %parallel_loop3A_292 = arith.addf %parallel_loop3A_284, %parallel_loop3A_291 : vector<16xf32>
        %parallel_loop3A_293 = arith.index_cast %parallel_loop3A_253 : i32 to index
        %parallel_loop3A_294 = arith.constant 80 : index
        %parallel_loop3A_295 = tpu.vector_load %arg4[%parallel_loop3A_293, %parallel_loop3A_294] {strides = array<i32>} : memref<64x128xf32, #tpu.memory_space<vmem>>, vector<16xf32>,
        %parallel_loop3A_296 = arith.index_cast %parallel_loop3A_253 : i32 to index
        %parallel_loop3A_297 = arith.constant 80 : index
        %parallel_loop3A_298 = tpu.vector_load %arg6[%parallel_loop3A_296, %parallel_loop3A_297] {strides = array<i32>} : memref<64x128xf32, #tpu.memory_space<vmem>>, vector<16xf32>,
        %parallel_loop3A_299 = arith.mulf %parallel_loop3A_295, %parallel_loop3A_298 : vector<16xf32>
        %parallel_loop3A_300 = arith.addf %parallel_loop3A_292, %parallel_loop3A_299 : vector<16xf32>
        %parallel_loop3A_301 = arith.index_cast %parallel_loop3A_253 : i32 to index
        %parallel_loop3A_302 = arith.constant 96 : index
        %parallel_loop3A_303 = tpu.vector_load %arg4[%parallel_loop3A_301, %parallel_loop3A_302] {strides = array<i32>} : memref<64x128xf32, #tpu.memory_space<vmem>>, vector<16xf32>,
        %parallel_loop3A_304 = arith.index_cast %parallel_loop3A_253 : i32 to index
        %parallel_loop3A_305 = arith.constant 96 : index
        %parallel_loop3A_306 = tpu.vector_load %arg6[%parallel_loop3A_304, %parallel_loop3A_305] {strides = array<i32>} : memref<64x128xf32, #tpu.memory_space<vmem>>, vector<16xf32>,
        %parallel_loop3A_307 = arith.mulf %parallel_loop3A_303, %parallel_loop3A_306 : vector<16xf32>
        %parallel_loop3A_308 = arith.addf %parallel_loop3A_300, %parallel_loop3A_307 : vector<16xf32>
        %parallel_loop3A_309 = arith.index_cast %parallel_loop3A_253 : i32 to index
        %parallel_loop3A_310 = arith.constant 112 : index
        %parallel_loop3A_311 = tpu.vector_load %arg4[%parallel_loop3A_309, %parallel_loop3A_310] {strides = array<i32>} : memref<64x128xf32, #tpu.memory_space<vmem>>, vector<16xf32>,
        %parallel_loop3A_312 = arith.index_cast %parallel_loop3A_253 : i32 to index
        %parallel_loop3A_313 = arith.constant 112 : index
        %parallel_loop3A_314 = tpu.vector_load %arg6[%parallel_loop3A_312, %parallel_loop3A_313] {strides = array<i32>} : memref<64x128xf32, #tpu.memory_space<vmem>>, vector<16xf32>,
        %parallel_loop3A_315 = arith.mulf %parallel_loop3A_311, %parallel_loop3A_314 : vector<16xf32>
        %parallel_loop3A_316 = arith.addf %parallel_loop3A_308, %parallel_loop3A_315 : vector<16xf32>
        %parallel_loop3A_317 = arith.constant 2 : i32
        %parallel_loop3A_318 = arith.addi %parallel_loop3A_107, %parallel_loop3A_317 : i32
        %parallel_loop3A_319 = vector.broadcast %parallel_loop3A_318 : i32 to vector<16xi32>
        %parallel_loop3A_320 = arith.addi %mul3A_5, %parallel_loop3A_319 : vector<16xi32>
        tpu.vector_store_idx %arg9[%parallel_loop3A_320], %parallel_loop3A_316 : memref<1088xf32, #tpu.memory_space<vmem>>[vector<16xi32>], vector<16xf32>,
        %parallel_loop3A_321 = arith.constant 16 : i32
        %parallel_loop3A_322 = arith.muli %parallel_loop3A_105, %parallel_loop3A_321 : i32
        %parallel_loop3A_323 = arith.constant 3 : i32
        %parallel_loop3A_324 = arith.addi %parallel_loop3A_322, %parallel_loop3A_323 : i32
        %parallel_loop3A_325 = arith.index_cast %parallel_loop3A_324 : i32 to index
        %parallel_loop3A_326 = arith.constant 0 : index
        %parallel_loop3A_327 = tpu.vector_load %arg4[%parallel_loop3A_325, %parallel_loop3A_326] {strides = array<i32>} : memref<64x128xf32, #tpu.memory_space<vmem>>, vector<16xf32>,
        %parallel_loop3A_328 = arith.index_cast %parallel_loop3A_324 : i32 to index
        %parallel_loop3A_329 = arith.constant 0 : index
        %parallel_loop3A_330 = tpu.vector_load %arg6[%parallel_loop3A_328, %parallel_loop3A_329] {strides = array<i32>} : memref<64x128xf32, #tpu.memory_space<vmem>>, vector<16xf32>,
        %parallel_loop3A_331 = arith.mulf %parallel_loop3A_327, %parallel_loop3A_330 : vector<16xf32>
        %parallel_loop3A_332 = arith.index_cast %parallel_loop3A_324 : i32 to index
        %parallel_loop3A_333 = arith.constant 16 : index
        %parallel_loop3A_334 = tpu.vector_load %arg4[%parallel_loop3A_332, %parallel_loop3A_333] {strides = array<i32>} : memref<64x128xf32, #tpu.memory_space<vmem>>, vector<16xf32>,
        %parallel_loop3A_335 = arith.index_cast %parallel_loop3A_324 : i32 to index
        %parallel_loop3A_336 = arith.constant 16 : index
        %parallel_loop3A_337 = tpu.vector_load %arg6[%parallel_loop3A_335, %parallel_loop3A_336] {strides = array<i32>} : memref<64x128xf32, #tpu.memory_space<vmem>>, vector<16xf32>,
        %parallel_loop3A_338 = arith.mulf %parallel_loop3A_334, %parallel_loop3A_337 : vector<16xf32>
        %parallel_loop3A_339 = arith.addf %parallel_loop3A_331, %parallel_loop3A_338 : vector<16xf32>
        %parallel_loop3A_340 = arith.index_cast %parallel_loop3A_324 : i32 to index
        %parallel_loop3A_341 = arith.constant 32 : index
        %parallel_loop3A_342 = tpu.vector_load %arg4[%parallel_loop3A_340, %parallel_loop3A_341] {strides = array<i32>} : memref<64x128xf32, #tpu.memory_space<vmem>>, vector<16xf32>,
        %parallel_loop3A_343 = arith.index_cast %parallel_loop3A_324 : i32 to index
        %parallel_loop3A_344 = arith.constant 32 : index
        %parallel_loop3A_345 = tpu.vector_load %arg6[%parallel_loop3A_343, %parallel_loop3A_344] {strides = array<i32>} : memref<64x128xf32, #tpu.memory_space<vmem>>, vector<16xf32>,
        %parallel_loop3A_346 = arith.mulf %parallel_loop3A_342, %parallel_loop3A_345 : vector<16xf32>
        %parallel_loop3A_347 = arith.addf %parallel_loop3A_339, %parallel_loop3A_346 : vector<16xf32>
        %parallel_loop3A_348 = arith.index_cast %parallel_loop3A_324 : i32 to index
        %parallel_loop3A_349 = arith.constant 48 : index
        %parallel_loop3A_350 = tpu.vector_load %arg4[%parallel_loop3A_348, %parallel_loop3A_349] {strides = array<i32>} : memref<64x128xf32, #tpu.memory_space<vmem>>, vector<16xf32>,
        %parallel_loop3A_351 = arith.index_cast %parallel_loop3A_324 : i32 to index
        %parallel_loop3A_352 = arith.constant 48 : index
        %parallel_loop3A_353 = tpu.vector_load %arg6[%parallel_loop3A_351, %parallel_loop3A_352] {strides = array<i32>} : memref<64x128xf32, #tpu.memory_space<vmem>>, vector<16xf32>,
        %parallel_loop3A_354 = arith.mulf %parallel_loop3A_350, %parallel_loop3A_353 : vector<16xf32>
        %parallel_loop3A_355 = arith.addf %parallel_loop3A_347, %parallel_loop3A_354 : vector<16xf32>
        %parallel_loop3A_356 = arith.index_cast %parallel_loop3A_324 : i32 to index
        %parallel_loop3A_357 = arith.constant 64 : index
        %parallel_loop3A_358 = tpu.vector_load %arg4[%parallel_loop3A_356, %parallel_loop3A_357] {strides = array<i32>} : memref<64x128xf32, #tpu.memory_space<vmem>>, vector<16xf32>,
        %parallel_loop3A_359 = arith.index_cast %parallel_loop3A_324 : i32 to index
        %parallel_loop3A_360 = arith.constant 64 : index
        %parallel_loop3A_361 = tpu.vector_load %arg6[%parallel_loop3A_359, %parallel_loop3A_360] {strides = array<i32>} : memref<64x128xf32, #tpu.memory_space<vmem>>, vector<16xf32>,
        %parallel_loop3A_362 = arith.mulf %parallel_loop3A_358, %parallel_loop3A_361 : vector<16xf32>
        %parallel_loop3A_363 = arith.addf %parallel_loop3A_355, %parallel_loop3A_362 : vector<16xf32>
        %parallel_loop3A_364 = arith.index_cast %parallel_loop3A_324 : i32 to index
        %parallel_loop3A_365 = arith.constant 80 : index
        %parallel_loop3A_366 = tpu.vector_load %arg4[%parallel_loop3A_364, %parallel_loop3A_365] {strides = array<i32>} : memref<64x128xf32, #tpu.memory_space<vmem>>, vector<16xf32>,
        %parallel_loop3A_367 = arith.index_cast %parallel_loop3A_324 : i32 to index
        %parallel_loop3A_368 = arith.constant 80 : index
        %parallel_loop3A_369 = tpu.vector_load %arg6[%parallel_loop3A_367, %parallel_loop3A_368] {strides = array<i32>} : memref<64x128xf32, #tpu.memory_space<vmem>>, vector<16xf32>,
        %parallel_loop3A_370 = arith.mulf %parallel_loop3A_366, %parallel_loop3A_369 : vector<16xf32>
        %parallel_loop3A_371 = arith.addf %parallel_loop3A_363, %parallel_loop3A_370 : vector<16xf32>
        %parallel_loop3A_372 = arith.index_cast %parallel_loop3A_324 : i32 to index
        %parallel_loop3A_373 = arith.constant 96 : index
        %parallel_loop3A_374 = tpu.vector_load %arg4[%parallel_loop3A_372, %parallel_loop3A_373] {strides = array<i32>} : memref<64x128xf32, #tpu.memory_space<vmem>>, vector<16xf32>,
        %parallel_loop3A_375 = arith.index_cast %parallel_loop3A_324 : i32 to index
        %parallel_loop3A_376 = arith.constant 96 : index
        %parallel_loop3A_377 = tpu.vector_load %arg6[%parallel_loop3A_375, %parallel_loop3A_376] {strides = array<i32>} : memref<64x128xf32, #tpu.memory_space<vmem>>, vector<16xf32>,
        %parallel_loop3A_378 = arith.mulf %parallel_loop3A_374, %parallel_loop3A_377 : vector<16xf32>
        %parallel_loop3A_379 = arith.addf %parallel_loop3A_371, %parallel_loop3A_378 : vector<16xf32>
        %parallel_loop3A_380 = arith.index_cast %parallel_loop3A_324 : i32 to index
        %parallel_loop3A_381 = arith.constant 112 : index
        %parallel_loop3A_382 = tpu.vector_load %arg4[%parallel_loop3A_380, %parallel_loop3A_381] {strides = array<i32>} : memref<64x128xf32, #tpu.memory_space<vmem>>, vector<16xf32>,
        %parallel_loop3A_383 = arith.index_cast %parallel_loop3A_324 : i32 to index
        %parallel_loop3A_384 = arith.constant 112 : index
        %parallel_loop3A_385 = tpu.vector_load %arg6[%parallel_loop3A_383, %parallel_loop3A_384] {strides = array<i32>} : memref<64x128xf32, #tpu.memory_space<vmem>>, vector<16xf32>,
        %parallel_loop3A_386 = arith.mulf %parallel_loop3A_382, %parallel_loop3A_385 : vector<16xf32>
        %parallel_loop3A_387 = arith.addf %parallel_loop3A_379, %parallel_loop3A_386 : vector<16xf32>
        %parallel_loop3A_388 = arith.constant 3 : i32
        %parallel_loop3A_389 = arith.addi %parallel_loop3A_107, %parallel_loop3A_388 : i32
        %parallel_loop3A_390 = vector.broadcast %parallel_loop3A_389 : i32 to vector<16xi32>
        %parallel_loop3A_391 = arith.addi %mul3A_5, %parallel_loop3A_390 : vector<16xi32>
        tpu.vector_store_idx %arg9[%parallel_loop3A_391], %parallel_loop3A_387 : memref<1088xf32, #tpu.memory_space<vmem>>[vector<16xi32>], vector<16xf32>,
        %parallel_loop3A_392 = arith.constant 16 : i32
        %parallel_loop3A_393 = arith.muli %parallel_loop3A_105, %parallel_loop3A_392 : i32
        %parallel_loop3A_394 = arith.constant 4 : i32
        %parallel_loop3A_395 = arith.addi %parallel_loop3A_393, %parallel_loop3A_394 : i32
        %parallel_loop3A_396 = arith.index_cast %parallel_loop3A_395 : i32 to index
        %parallel_loop3A_397 = arith.constant 0 : index
        %parallel_loop3A_398 = tpu.vector_load %arg4[%parallel_loop3A_396, %parallel_loop3A_397] {strides = array<i32>} : memref<64x128xf32, #tpu.memory_space<vmem>>, vector<16xf32>,
        %parallel_loop3A_399 = arith.index_cast %parallel_loop3A_395 : i32 to index
        %parallel_loop3A_400 = arith.constant 0 : index
        %parallel_loop3A_401 = tpu.vector_load %arg6[%parallel_loop3A_399, %parallel_loop3A_400] {strides = array<i32>} : memref<64x128xf32, #tpu.memory_space<vmem>>, vector<16xf32>,
        %parallel_loop3A_402 = arith.mulf %parallel_loop3A_398, %parallel_loop3A_401 : vector<16xf32>
        %parallel_loop3A_403 = arith.index_cast %parallel_loop3A_395 : i32 to index
        %parallel_loop3A_404 = arith.constant 16 : index
        %parallel_loop3A_405 = tpu.vector_load %arg4[%parallel_loop3A_403, %parallel_loop3A_404] {strides = array<i32>} : memref<64x128xf32, #tpu.memory_space<vmem>>, vector<16xf32>,
        %parallel_loop3A_406 = arith.index_cast %parallel_loop3A_395 : i32 to index
        %parallel_loop3A_407 = arith.constant 16 : index
        %parallel_loop3A_408 = tpu.vector_load %arg6[%parallel_loop3A_406, %parallel_loop3A_407] {strides = array<i32>} : memref<64x128xf32, #tpu.memory_space<vmem>>, vector<16xf32>,
        %parallel_loop3A_409 = arith.mulf %parallel_loop3A_405, %parallel_loop3A_408 : vector<16xf32>
        %parallel_loop3A_410 = arith.addf %parallel_loop3A_402, %parallel_loop3A_409 : vector<16xf32>
        %parallel_loop3A_411 = arith.index_cast %parallel_loop3A_395 : i32 to index
        %parallel_loop3A_412 = arith.constant 32 : index
        %parallel_loop3A_413 = tpu.vector_load %arg4[%parallel_loop3A_411, %parallel_loop3A_412] {strides = array<i32>} : memref<64x128xf32, #tpu.memory_space<vmem>>, vector<16xf32>,
        %parallel_loop3A_414 = arith.index_cast %parallel_loop3A_395 : i32 to index
        %parallel_loop3A_415 = arith.constant 32 : index
        %parallel_loop3A_416 = tpu.vector_load %arg6[%parallel_loop3A_414, %parallel_loop3A_415] {strides = array<i32>} : memref<64x128xf32, #tpu.memory_space<vmem>>, vector<16xf32>,
        %parallel_loop3A_417 = arith.mulf %parallel_loop3A_413, %parallel_loop3A_416 : vector<16xf32>
        %parallel_loop3A_418 = arith.addf %parallel_loop3A_410, %parallel_loop3A_417 : vector<16xf32>
        %parallel_loop3A_419 = arith.index_cast %parallel_loop3A_395 : i32 to index
        %parallel_loop3A_420 = arith.constant 48 : index
        %parallel_loop3A_421 = tpu.vector_load %arg4[%parallel_loop3A_419, %parallel_loop3A_420] {strides = array<i32>} : memref<64x128xf32, #tpu.memory_space<vmem>>, vector<16xf32>,
        %parallel_loop3A_422 = arith.index_cast %parallel_loop3A_395 : i32 to index
        %parallel_loop3A_423 = arith.constant 48 : index
        %parallel_loop3A_424 = tpu.vector_load %arg6[%parallel_loop3A_422, %parallel_loop3A_423] {strides = array<i32>} : memref<64x128xf32, #tpu.memory_space<vmem>>, vector<16xf32>,
        %parallel_loop3A_425 = arith.mulf %parallel_loop3A_421, %parallel_loop3A_424 : vector<16xf32>
        %parallel_loop3A_426 = arith.addf %parallel_loop3A_418, %parallel_loop3A_425 : vector<16xf32>
        %parallel_loop3A_427 = arith.index_cast %parallel_loop3A_395 : i32 to index
        %parallel_loop3A_428 = arith.constant 64 : index
        %parallel_loop3A_429 = tpu.vector_load %arg4[%parallel_loop3A_427, %parallel_loop3A_428] {strides = array<i32>} : memref<64x128xf32, #tpu.memory_space<vmem>>, vector<16xf32>,
        %parallel_loop3A_430 = arith.index_cast %parallel_loop3A_395 : i32 to index
        %parallel_loop3A_431 = arith.constant 64 : index
        %parallel_loop3A_432 = tpu.vector_load %arg6[%parallel_loop3A_430, %parallel_loop3A_431] {strides = array<i32>} : memref<64x128xf32, #tpu.memory_space<vmem>>, vector<16xf32>,
        %parallel_loop3A_433 = arith.mulf %parallel_loop3A_429, %parallel_loop3A_432 : vector<16xf32>
        %parallel_loop3A_434 = arith.addf %parallel_loop3A_426, %parallel_loop3A_433 : vector<16xf32>
        %parallel_loop3A_435 = arith.index_cast %parallel_loop3A_395 : i32 to index
        %parallel_loop3A_436 = arith.constant 80 : index
        %parallel_loop3A_437 = tpu.vector_load %arg4[%parallel_loop3A_435, %parallel_loop3A_436] {strides = array<i32>} : memref<64x128xf32, #tpu.memory_space<vmem>>, vector<16xf32>,
        %parallel_loop3A_438 = arith.index_cast %parallel_loop3A_395 : i32 to index
        %parallel_loop3A_439 = arith.constant 80 : index
        %parallel_loop3A_440 = tpu.vector_load %arg6[%parallel_loop3A_438, %parallel_loop3A_439] {strides = array<i32>} : memref<64x128xf32, #tpu.memory_space<vmem>>, vector<16xf32>,
        %parallel_loop3A_441 = arith.mulf %parallel_loop3A_437, %parallel_loop3A_440 : vector<16xf32>
        %parallel_loop3A_442 = arith.addf %parallel_loop3A_434, %parallel_loop3A_441 : vector<16xf32>
        %parallel_loop3A_443 = arith.index_cast %parallel_loop3A_395 : i32 to index
        %parallel_loop3A_444 = arith.constant 96 : index
        %parallel_loop3A_445 = tpu.vector_load %arg4[%parallel_loop3A_443, %parallel_loop3A_444] {strides = array<i32>} : memref<64x128xf32, #tpu.memory_space<vmem>>, vector<16xf32>,
        %parallel_loop3A_446 = arith.index_cast %parallel_loop3A_395 : i32 to index
        %parallel_loop3A_447 = arith.constant 96 : index
        %parallel_loop3A_448 = tpu.vector_load %arg6[%parallel_loop3A_446, %parallel_loop3A_447] {strides = array<i32>} : memref<64x128xf32, #tpu.memory_space<vmem>>, vector<16xf32>,
        %parallel_loop3A_449 = arith.mulf %parallel_loop3A_445, %parallel_loop3A_448 : vector<16xf32>
        %parallel_loop3A_450 = arith.addf %parallel_loop3A_442, %parallel_loop3A_449 : vector<16xf32>
        %parallel_loop3A_451 = arith.index_cast %parallel_loop3A_395 : i32 to index
        %parallel_loop3A_452 = arith.constant 112 : index
        %parallel_loop3A_453 = tpu.vector_load %arg4[%parallel_loop3A_451, %parallel_loop3A_452] {strides = array<i32>} : memref<64x128xf32, #tpu.memory_space<vmem>>, vector<16xf32>,
        %parallel_loop3A_454 = arith.index_cast %parallel_loop3A_395 : i32 to index
        %parallel_loop3A_455 = arith.constant 112 : index
        %parallel_loop3A_456 = tpu.vector_load %arg6[%parallel_loop3A_454, %parallel_loop3A_455] {strides = array<i32>} : memref<64x128xf32, #tpu.memory_space<vmem>>, vector<16xf32>,
        %parallel_loop3A_457 = arith.mulf %parallel_loop3A_453, %parallel_loop3A_456 : vector<16xf32>
        %parallel_loop3A_458 = arith.addf %parallel_loop3A_450, %parallel_loop3A_457 : vector<16xf32>
        %parallel_loop3A_459 = arith.constant 4 : i32
        %parallel_loop3A_460 = arith.addi %parallel_loop3A_107, %parallel_loop3A_459 : i32
        %parallel_loop3A_461 = vector.broadcast %parallel_loop3A_460 : i32 to vector<16xi32>
        %parallel_loop3A_462 = arith.addi %mul3A_5, %parallel_loop3A_461 : vector<16xi32>
        tpu.vector_store_idx %arg9[%parallel_loop3A_462], %parallel_loop3A_458 : memref<1088xf32, #tpu.memory_space<vmem>>[vector<16xi32>], vector<16xf32>,
        %parallel_loop3A_463 = arith.constant 16 : i32
        %parallel_loop3A_464 = arith.muli %parallel_loop3A_105, %parallel_loop3A_463 : i32
        %parallel_loop3A_465 = arith.constant 5 : i32
        %parallel_loop3A_466 = arith.addi %parallel_loop3A_464, %parallel_loop3A_465 : i32
        %parallel_loop3A_467 = arith.index_cast %parallel_loop3A_466 : i32 to index
        %parallel_loop3A_468 = arith.constant 0 : index
        %parallel_loop3A_469 = tpu.vector_load %arg4[%parallel_loop3A_467, %parallel_loop3A_468] {strides = array<i32>} : memref<64x128xf32, #tpu.memory_space<vmem>>, vector<16xf32>,
        %parallel_loop3A_470 = arith.index_cast %parallel_loop3A_466 : i32 to index
        %parallel_loop3A_471 = arith.constant 0 : index
        %parallel_loop3A_472 = tpu.vector_load %arg6[%parallel_loop3A_470, %parallel_loop3A_471] {strides = array<i32>} : memref<64x128xf32, #tpu.memory_space<vmem>>, vector<16xf32>,
        %parallel_loop3A_473 = arith.mulf %parallel_loop3A_469, %parallel_loop3A_472 : vector<16xf32>
        %parallel_loop3A_474 = arith.index_cast %parallel_loop3A_466 : i32 to index
        %parallel_loop3A_475 = arith.constant 16 : index
        %parallel_loop3A_476 = tpu.vector_load %arg4[%parallel_loop3A_474, %parallel_loop3A_475] {strides = array<i32>} : memref<64x128xf32, #tpu.memory_space<vmem>>, vector<16xf32>,
        %parallel_loop3A_477 = arith.index_cast %parallel_loop3A_466 : i32 to index
        %parallel_loop3A_478 = arith.constant 16 : index
        %parallel_loop3A_479 = tpu.vector_load %arg6[%parallel_loop3A_477, %parallel_loop3A_478] {strides = array<i32>} : memref<64x128xf32, #tpu.memory_space<vmem>>, vector<16xf32>,
        %parallel_loop3A_480 = arith.mulf %parallel_loop3A_476, %parallel_loop3A_479 : vector<16xf32>
        %parallel_loop3A_481 = arith.addf %parallel_loop3A_473, %parallel_loop3A_480 : vector<16xf32>
        %parallel_loop3A_482 = arith.index_cast %parallel_loop3A_466 : i32 to index
        %parallel_loop3A_483 = arith.constant 32 : index
        %parallel_loop3A_484 = tpu.vector_load %arg4[%parallel_loop3A_482, %parallel_loop3A_483] {strides = array<i32>} : memref<64x128xf32, #tpu.memory_space<vmem>>, vector<16xf32>,
        %parallel_loop3A_485 = arith.index_cast %parallel_loop3A_466 : i32 to index
        %parallel_loop3A_486 = arith.constant 32 : index
        %parallel_loop3A_487 = tpu.vector_load %arg6[%parallel_loop3A_485, %parallel_loop3A_486] {strides = array<i32>} : memref<64x128xf32, #tpu.memory_space<vmem>>, vector<16xf32>,
        %parallel_loop3A_488 = arith.mulf %parallel_loop3A_484, %parallel_loop3A_487 : vector<16xf32>
        %parallel_loop3A_489 = arith.addf %parallel_loop3A_481, %parallel_loop3A_488 : vector<16xf32>
        %parallel_loop3A_490 = arith.index_cast %parallel_loop3A_466 : i32 to index
        %parallel_loop3A_491 = arith.constant 48 : index
        %parallel_loop3A_492 = tpu.vector_load %arg4[%parallel_loop3A_490, %parallel_loop3A_491] {strides = array<i32>} : memref<64x128xf32, #tpu.memory_space<vmem>>, vector<16xf32>,
        %parallel_loop3A_493 = arith.index_cast %parallel_loop3A_466 : i32 to index
        %parallel_loop3A_494 = arith.constant 48 : index
        %parallel_loop3A_495 = tpu.vector_load %arg6[%parallel_loop3A_493, %parallel_loop3A_494] {strides = array<i32>} : memref<64x128xf32, #tpu.memory_space<vmem>>, vector<16xf32>,
        %parallel_loop3A_496 = arith.mulf %parallel_loop3A_492, %parallel_loop3A_495 : vector<16xf32>
        %parallel_loop3A_497 = arith.addf %parallel_loop3A_489, %parallel_loop3A_496 : vector<16xf32>
        %parallel_loop3A_498 = arith.index_cast %parallel_loop3A_466 : i32 to index
        %parallel_loop3A_499 = arith.constant 64 : index
        %parallel_loop3A_500 = tpu.vector_load %arg4[%parallel_loop3A_498, %parallel_loop3A_499] {strides = array<i32>} : memref<64x128xf32, #tpu.memory_space<vmem>>, vector<16xf32>,
        %parallel_loop3A_501 = arith.index_cast %parallel_loop3A_466 : i32 to index
        %parallel_loop3A_502 = arith.constant 64 : index
        %parallel_loop3A_503 = tpu.vector_load %arg6[%parallel_loop3A_501, %parallel_loop3A_502] {strides = array<i32>} : memref<64x128xf32, #tpu.memory_space<vmem>>, vector<16xf32>,
        %parallel_loop3A_504 = arith.mulf %parallel_loop3A_500, %parallel_loop3A_503 : vector<16xf32>
        %parallel_loop3A_505 = arith.addf %parallel_loop3A_497, %parallel_loop3A_504 : vector<16xf32>
        %parallel_loop3A_506 = arith.index_cast %parallel_loop3A_466 : i32 to index
        %parallel_loop3A_507 = arith.constant 80 : index
        %parallel_loop3A_508 = tpu.vector_load %arg4[%parallel_loop3A_506, %parallel_loop3A_507] {strides = array<i32>} : memref<64x128xf32, #tpu.memory_space<vmem>>, vector<16xf32>,
        %parallel_loop3A_509 = arith.index_cast %parallel_loop3A_466 : i32 to index
        %parallel_loop3A_510 = arith.constant 80 : index
        %parallel_loop3A_511 = tpu.vector_load %arg6[%parallel_loop3A_509, %parallel_loop3A_510] {strides = array<i32>} : memref<64x128xf32, #tpu.memory_space<vmem>>, vector<16xf32>,
        %parallel_loop3A_512 = arith.mulf %parallel_loop3A_508, %parallel_loop3A_511 : vector<16xf32>
        %parallel_loop3A_513 = arith.addf %parallel_loop3A_505, %parallel_loop3A_512 : vector<16xf32>
        %parallel_loop3A_514 = arith.index_cast %parallel_loop3A_466 : i32 to index
        %parallel_loop3A_515 = arith.constant 96 : index
        %parallel_loop3A_516 = tpu.vector_load %arg4[%parallel_loop3A_514, %parallel_loop3A_515] {strides = array<i32>} : memref<64x128xf32, #tpu.memory_space<vmem>>, vector<16xf32>,
        %parallel_loop3A_517 = arith.index_cast %parallel_loop3A_466 : i32 to index
        %parallel_loop3A_518 = arith.constant 96 : index
        %parallel_loop3A_519 = tpu.vector_load %arg6[%parallel_loop3A_517, %parallel_loop3A_518] {strides = array<i32>} : memref<64x128xf32, #tpu.memory_space<vmem>>, vector<16xf32>,
        %parallel_loop3A_520 = arith.mulf %parallel_loop3A_516, %parallel_loop3A_519 : vector<16xf32>
        %parallel_loop3A_521 = arith.addf %parallel_loop3A_513, %parallel_loop3A_520 : vector<16xf32>
        %parallel_loop3A_522 = arith.index_cast %parallel_loop3A_466 : i32 to index
        %parallel_loop3A_523 = arith.constant 112 : index
        %parallel_loop3A_524 = tpu.vector_load %arg4[%parallel_loop3A_522, %parallel_loop3A_523] {strides = array<i32>} : memref<64x128xf32, #tpu.memory_space<vmem>>, vector<16xf32>,
        %parallel_loop3A_525 = arith.index_cast %parallel_loop3A_466 : i32 to index
        %parallel_loop3A_526 = arith.constant 112 : index
        %parallel_loop3A_527 = tpu.vector_load %arg6[%parallel_loop3A_525, %parallel_loop3A_526] {strides = array<i32>} : memref<64x128xf32, #tpu.memory_space<vmem>>, vector<16xf32>,
        %parallel_loop3A_528 = arith.mulf %parallel_loop3A_524, %parallel_loop3A_527 : vector<16xf32>
        %parallel_loop3A_529 = arith.addf %parallel_loop3A_521, %parallel_loop3A_528 : vector<16xf32>
        %parallel_loop3A_530 = arith.constant 5 : i32
        %parallel_loop3A_531 = arith.addi %parallel_loop3A_107, %parallel_loop3A_530 : i32
        %parallel_loop3A_532 = vector.broadcast %parallel_loop3A_531 : i32 to vector<16xi32>
        %parallel_loop3A_533 = arith.addi %mul3A_5, %parallel_loop3A_532 : vector<16xi32>
        tpu.vector_store_idx %arg9[%parallel_loop3A_533], %parallel_loop3A_529 : memref<1088xf32, #tpu.memory_space<vmem>>[vector<16xi32>], vector<16xf32>,
        %parallel_loop3A_534 = arith.constant 16 : i32
        %parallel_loop3A_535 = arith.muli %parallel_loop3A_105, %parallel_loop3A_534 : i32
        %parallel_loop3A_536 = arith.constant 6 : i32
        %parallel_loop3A_537 = arith.addi %parallel_loop3A_535, %parallel_loop3A_536 : i32
        %parallel_loop3A_538 = arith.index_cast %parallel_loop3A_537 : i32 to index
        %parallel_loop3A_539 = arith.constant 0 : index
        %parallel_loop3A_540 = tpu.vector_load %arg4[%parallel_loop3A_538, %parallel_loop3A_539] {strides = array<i32>} : memref<64x128xf32, #tpu.memory_space<vmem>>, vector<16xf32>,
        %parallel_loop3A_541 = arith.index_cast %parallel_loop3A_537 : i32 to index
        %parallel_loop3A_542 = arith.constant 0 : index
        %parallel_loop3A_543 = tpu.vector_load %arg6[%parallel_loop3A_541, %parallel_loop3A_542] {strides = array<i32>} : memref<64x128xf32, #tpu.memory_space<vmem>>, vector<16xf32>,
        %parallel_loop3A_544 = arith.mulf %parallel_loop3A_540, %parallel_loop3A_543 : vector<16xf32>
        %parallel_loop3A_545 = arith.index_cast %parallel_loop3A_537 : i32 to index
        %parallel_loop3A_546 = arith.constant 16 : index
        %parallel_loop3A_547 = tpu.vector_load %arg4[%parallel_loop3A_545, %parallel_loop3A_546] {strides = array<i32>} : memref<64x128xf32, #tpu.memory_space<vmem>>, vector<16xf32>,
        %parallel_loop3A_548 = arith.index_cast %parallel_loop3A_537 : i32 to index
        %parallel_loop3A_549 = arith.constant 16 : index
        %parallel_loop3A_550 = tpu.vector_load %arg6[%parallel_loop3A_548, %parallel_loop3A_549] {strides = array<i32>} : memref<64x128xf32, #tpu.memory_space<vmem>>, vector<16xf32>,
        %parallel_loop3A_551 = arith.mulf %parallel_loop3A_547, %parallel_loop3A_550 : vector<16xf32>
        %parallel_loop3A_552 = arith.addf %parallel_loop3A_544, %parallel_loop3A_551 : vector<16xf32>
        %parallel_loop3A_553 = arith.index_cast %parallel_loop3A_537 : i32 to index
        %parallel_loop3A_554 = arith.constant 32 : index
        %parallel_loop3A_555 = tpu.vector_load %arg4[%parallel_loop3A_553, %parallel_loop3A_554] {strides = array<i32>} : memref<64x128xf32, #tpu.memory_space<vmem>>, vector<16xf32>,
        %parallel_loop3A_556 = arith.index_cast %parallel_loop3A_537 : i32 to index
        %parallel_loop3A_557 = arith.constant 32 : index
        %parallel_loop3A_558 = tpu.vector_load %arg6[%parallel_loop3A_556, %parallel_loop3A_557] {strides = array<i32>} : memref<64x128xf32, #tpu.memory_space<vmem>>, vector<16xf32>,
        %parallel_loop3A_559 = arith.mulf %parallel_loop3A_555, %parallel_loop3A_558 : vector<16xf32>
        %parallel_loop3A_560 = arith.addf %parallel_loop3A_552, %parallel_loop3A_559 : vector<16xf32>
        %parallel_loop3A_561 = arith.index_cast %parallel_loop3A_537 : i32 to index
        %parallel_loop3A_562 = arith.constant 48 : index
        %parallel_loop3A_563 = tpu.vector_load %arg4[%parallel_loop3A_561, %parallel_loop3A_562] {strides = array<i32>} : memref<64x128xf32, #tpu.memory_space<vmem>>, vector<16xf32>,
        %parallel_loop3A_564 = arith.index_cast %parallel_loop3A_537 : i32 to index
        %parallel_loop3A_565 = arith.constant 48 : index
        %parallel_loop3A_566 = tpu.vector_load %arg6[%parallel_loop3A_564, %parallel_loop3A_565] {strides = array<i32>} : memref<64x128xf32, #tpu.memory_space<vmem>>, vector<16xf32>,
        %parallel_loop3A_567 = arith.mulf %parallel_loop3A_563, %parallel_loop3A_566 : vector<16xf32>
        %parallel_loop3A_568 = arith.addf %parallel_loop3A_560, %parallel_loop3A_567 : vector<16xf32>
        %parallel_loop3A_569 = arith.index_cast %parallel_loop3A_537 : i32 to index
        %parallel_loop3A_570 = arith.constant 64 : index
        %parallel_loop3A_571 = tpu.vector_load %arg4[%parallel_loop3A_569, %parallel_loop3A_570] {strides = array<i32>} : memref<64x128xf32, #tpu.memory_space<vmem>>, vector<16xf32>,
        %parallel_loop3A_572 = arith.index_cast %parallel_loop3A_537 : i32 to index
        %parallel_loop3A_573 = arith.constant 64 : index
        %parallel_loop3A_574 = tpu.vector_load %arg6[%parallel_loop3A_572, %parallel_loop3A_573] {strides = array<i32>} : memref<64x128xf32, #tpu.memory_space<vmem>>, vector<16xf32>,
        %parallel_loop3A_575 = arith.mulf %parallel_loop3A_571, %parallel_loop3A_574 : vector<16xf32>
        %parallel_loop3A_576 = arith.addf %parallel_loop3A_568, %parallel_loop3A_575 : vector<16xf32>
        %parallel_loop3A_577 = arith.index_cast %parallel_loop3A_537 : i32 to index
        %parallel_loop3A_578 = arith.constant 80 : index
        %parallel_loop3A_579 = tpu.vector_load %arg4[%parallel_loop3A_577, %parallel_loop3A_578] {strides = array<i32>} : memref<64x128xf32, #tpu.memory_space<vmem>>, vector<16xf32>,
        %parallel_loop3A_580 = arith.index_cast %parallel_loop3A_537 : i32 to index
        %parallel_loop3A_581 = arith.constant 80 : index
        %parallel_loop3A_582 = tpu.vector_load %arg6[%parallel_loop3A_580, %parallel_loop3A_581] {strides = array<i32>} : memref<64x128xf32, #tpu.memory_space<vmem>>, vector<16xf32>,
        %parallel_loop3A_583 = arith.mulf %parallel_loop3A_579, %parallel_loop3A_582 : vector<16xf32>
        %parallel_loop3A_584 = arith.addf %parallel_loop3A_576, %parallel_loop3A_583 : vector<16xf32>
        %parallel_loop3A_585 = arith.index_cast %parallel_loop3A_537 : i32 to index
        %parallel_loop3A_586 = arith.constant 96 : index
        %parallel_loop3A_587 = tpu.vector_load %arg4[%parallel_loop3A_585, %parallel_loop3A_586] {strides = array<i32>} : memref<64x128xf32, #tpu.memory_space<vmem>>, vector<16xf32>,
        %parallel_loop3A_588 = arith.index_cast %parallel_loop3A_537 : i32 to index
        %parallel_loop3A_589 = arith.constant 96 : index
        %parallel_loop3A_590 = tpu.vector_load %arg6[%parallel_loop3A_588, %parallel_loop3A_589] {strides = array<i32>} : memref<64x128xf32, #tpu.memory_space<vmem>>, vector<16xf32>,
        %parallel_loop3A_591 = arith.mulf %parallel_loop3A_587, %parallel_loop3A_590 : vector<16xf32>
        %parallel_loop3A_592 = arith.addf %parallel_loop3A_584, %parallel_loop3A_591 : vector<16xf32>
        %parallel_loop3A_593 = arith.index_cast %parallel_loop3A_537 : i32 to index
        %parallel_loop3A_594 = arith.constant 112 : index
        %parallel_loop3A_595 = tpu.vector_load %arg4[%parallel_loop3A_593, %parallel_loop3A_594] {strides = array<i32>} : memref<64x128xf32, #tpu.memory_space<vmem>>, vector<16xf32>,
        %parallel_loop3A_596 = arith.index_cast %parallel_loop3A_537 : i32 to index
        %parallel_loop3A_597 = arith.constant 112 : index
        %parallel_loop3A_598 = tpu.vector_load %arg6[%parallel_loop3A_596, %parallel_loop3A_597] {strides = array<i32>} : memref<64x128xf32, #tpu.memory_space<vmem>>, vector<16xf32>,
        %parallel_loop3A_599 = arith.mulf %parallel_loop3A_595, %parallel_loop3A_598 : vector<16xf32>
        %parallel_loop3A_600 = arith.addf %parallel_loop3A_592, %parallel_loop3A_599 : vector<16xf32>
        %parallel_loop3A_601 = arith.constant 6 : i32
        %parallel_loop3A_602 = arith.addi %parallel_loop3A_107, %parallel_loop3A_601 : i32
        %parallel_loop3A_603 = vector.broadcast %parallel_loop3A_602 : i32 to vector<16xi32>
        %parallel_loop3A_604 = arith.addi %mul3A_5, %parallel_loop3A_603 : vector<16xi32>
        tpu.vector_store_idx %arg9[%parallel_loop3A_604], %parallel_loop3A_600 : memref<1088xf32, #tpu.memory_space<vmem>>[vector<16xi32>], vector<16xf32>,
        %parallel_loop3A_605 = arith.constant 16 : i32
        %parallel_loop3A_606 = arith.muli %parallel_loop3A_105, %parallel_loop3A_605 : i32
        %parallel_loop3A_607 = arith.constant 7 : i32
        %parallel_loop3A_608 = arith.addi %parallel_loop3A_606, %parallel_loop3A_607 : i32
        %parallel_loop3A_609 = arith.index_cast %parallel_loop3A_608 : i32 to index
        %parallel_loop3A_610 = arith.constant 0 : index
        %parallel_loop3A_611 = tpu.vector_load %arg4[%parallel_loop3A_609, %parallel_loop3A_610] {strides = array<i32>} : memref<64x128xf32, #tpu.memory_space<vmem>>, vector<16xf32>,
        %parallel_loop3A_612 = arith.index_cast %parallel_loop3A_608 : i32 to index
        %parallel_loop3A_613 = arith.constant 0 : index
        %parallel_loop3A_614 = tpu.vector_load %arg6[%parallel_loop3A_612, %parallel_loop3A_613] {strides = array<i32>} : memref<64x128xf32, #tpu.memory_space<vmem>>, vector<16xf32>,
        %parallel_loop3A_615 = arith.mulf %parallel_loop3A_611, %parallel_loop3A_614 : vector<16xf32>
        %parallel_loop3A_616 = arith.index_cast %parallel_loop3A_608 : i32 to index
        %parallel_loop3A_617 = arith.constant 16 : index
        %parallel_loop3A_618 = tpu.vector_load %arg4[%parallel_loop3A_616, %parallel_loop3A_617] {strides = array<i32>} : memref<64x128xf32, #tpu.memory_space<vmem>>, vector<16xf32>,
        %parallel_loop3A_619 = arith.index_cast %parallel_loop3A_608 : i32 to index
        %parallel_loop3A_620 = arith.constant 16 : index
        %parallel_loop3A_621 = tpu.vector_load %arg6[%parallel_loop3A_619, %parallel_loop3A_620] {strides = array<i32>} : memref<64x128xf32, #tpu.memory_space<vmem>>, vector<16xf32>,
        %parallel_loop3A_622 = arith.mulf %parallel_loop3A_618, %parallel_loop3A_621 : vector<16xf32>
        %parallel_loop3A_623 = arith.addf %parallel_loop3A_615, %parallel_loop3A_622 : vector<16xf32>
        %parallel_loop3A_624 = arith.index_cast %parallel_loop3A_608 : i32 to index
        %parallel_loop3A_625 = arith.constant 32 : index
        %parallel_loop3A_626 = tpu.vector_load %arg4[%parallel_loop3A_624, %parallel_loop3A_625] {strides = array<i32>} : memref<64x128xf32, #tpu.memory_space<vmem>>, vector<16xf32>,
        %parallel_loop3A_627 = arith.index_cast %parallel_loop3A_608 : i32 to index
        %parallel_loop3A_628 = arith.constant 32 : index
        %parallel_loop3A_629 = tpu.vector_load %arg6[%parallel_loop3A_627, %parallel_loop3A_628] {strides = array<i32>} : memref<64x128xf32, #tpu.memory_space<vmem>>, vector<16xf32>,
        %parallel_loop3A_630 = arith.mulf %parallel_loop3A_626, %parallel_loop3A_629 : vector<16xf32>
        %parallel_loop3A_631 = arith.addf %parallel_loop3A_623, %parallel_loop3A_630 : vector<16xf32>
        %parallel_loop3A_632 = arith.index_cast %parallel_loop3A_608 : i32 to index
        %parallel_loop3A_633 = arith.constant 48 : index
        %parallel_loop3A_634 = tpu.vector_load %arg4[%parallel_loop3A_632, %parallel_loop3A_633] {strides = array<i32>} : memref<64x128xf32, #tpu.memory_space<vmem>>, vector<16xf32>,
        %parallel_loop3A_635 = arith.index_cast %parallel_loop3A_608 : i32 to index
        %parallel_loop3A_636 = arith.constant 48 : index
        %parallel_loop3A_637 = tpu.vector_load %arg6[%parallel_loop3A_635, %parallel_loop3A_636] {strides = array<i32>} : memref<64x128xf32, #tpu.memory_space<vmem>>, vector<16xf32>,
        %parallel_loop3A_638 = arith.mulf %parallel_loop3A_634, %parallel_loop3A_637 : vector<16xf32>
        %parallel_loop3A_639 = arith.addf %parallel_loop3A_631, %parallel_loop3A_638 : vector<16xf32>
        %parallel_loop3A_640 = arith.index_cast %parallel_loop3A_608 : i32 to index
        %parallel_loop3A_641 = arith.constant 64 : index
        %parallel_loop3A_642 = tpu.vector_load %arg4[%parallel_loop3A_640, %parallel_loop3A_641] {strides = array<i32>} : memref<64x128xf32, #tpu.memory_space<vmem>>, vector<16xf32>,
        %parallel_loop3A_643 = arith.index_cast %parallel_loop3A_608 : i32 to index
        %parallel_loop3A_644 = arith.constant 64 : index
        %parallel_loop3A_645 = tpu.vector_load %arg6[%parallel_loop3A_643, %parallel_loop3A_644] {strides = array<i32>} : memref<64x128xf32, #tpu.memory_space<vmem>>, vector<16xf32>,
        %parallel_loop3A_646 = arith.mulf %parallel_loop3A_642, %parallel_loop3A_645 : vector<16xf32>
        %parallel_loop3A_647 = arith.addf %parallel_loop3A_639, %parallel_loop3A_646 : vector<16xf32>
        %parallel_loop3A_648 = arith.index_cast %parallel_loop3A_608 : i32 to index
        %parallel_loop3A_649 = arith.constant 80 : index
        %parallel_loop3A_650 = tpu.vector_load %arg4[%parallel_loop3A_648, %parallel_loop3A_649] {strides = array<i32>} : memref<64x128xf32, #tpu.memory_space<vmem>>, vector<16xf32>,
        %parallel_loop3A_651 = arith.index_cast %parallel_loop3A_608 : i32 to index
        %parallel_loop3A_652 = arith.constant 80 : index
        %parallel_loop3A_653 = tpu.vector_load %arg6[%parallel_loop3A_651, %parallel_loop3A_652] {strides = array<i32>} : memref<64x128xf32, #tpu.memory_space<vmem>>, vector<16xf32>,
        %parallel_loop3A_654 = arith.mulf %parallel_loop3A_650, %parallel_loop3A_653 : vector<16xf32>
        %parallel_loop3A_655 = arith.addf %parallel_loop3A_647, %parallel_loop3A_654 : vector<16xf32>
        %parallel_loop3A_656 = arith.index_cast %parallel_loop3A_608 : i32 to index
        %parallel_loop3A_657 = arith.constant 96 : index
        %parallel_loop3A_658 = tpu.vector_load %arg4[%parallel_loop3A_656, %parallel_loop3A_657] {strides = array<i32>} : memref<64x128xf32, #tpu.memory_space<vmem>>, vector<16xf32>,
        %parallel_loop3A_659 = arith.index_cast %parallel_loop3A_608 : i32 to index
        %parallel_loop3A_660 = arith.constant 96 : index
        %parallel_loop3A_661 = tpu.vector_load %arg6[%parallel_loop3A_659, %parallel_loop3A_660] {strides = array<i32>} : memref<64x128xf32, #tpu.memory_space<vmem>>, vector<16xf32>,
        %parallel_loop3A_662 = arith.mulf %parallel_loop3A_658, %parallel_loop3A_661 : vector<16xf32>
        %parallel_loop3A_663 = arith.addf %parallel_loop3A_655, %parallel_loop3A_662 : vector<16xf32>
        %parallel_loop3A_664 = arith.index_cast %parallel_loop3A_608 : i32 to index
        %parallel_loop3A_665 = arith.constant 112 : index
        %parallel_loop3A_666 = tpu.vector_load %arg4[%parallel_loop3A_664, %parallel_loop3A_665] {strides = array<i32>} : memref<64x128xf32, #tpu.memory_space<vmem>>, vector<16xf32>,
        %parallel_loop3A_667 = arith.index_cast %parallel_loop3A_608 : i32 to index
        %parallel_loop3A_668 = arith.constant 112 : index
        %parallel_loop3A_669 = tpu.vector_load %arg6[%parallel_loop3A_667, %parallel_loop3A_668] {strides = array<i32>} : memref<64x128xf32, #tpu.memory_space<vmem>>, vector<16xf32>,
        %parallel_loop3A_670 = arith.mulf %parallel_loop3A_666, %parallel_loop3A_669 : vector<16xf32>
        %parallel_loop3A_671 = arith.addf %parallel_loop3A_663, %parallel_loop3A_670 : vector<16xf32>
        %parallel_loop3A_672 = arith.constant 7 : i32
        %parallel_loop3A_673 = arith.addi %parallel_loop3A_107, %parallel_loop3A_672 : i32
        %parallel_loop3A_674 = vector.broadcast %parallel_loop3A_673 : i32 to vector<16xi32>
        %parallel_loop3A_675 = arith.addi %mul3A_5, %parallel_loop3A_674 : vector<16xi32>
        tpu.vector_store_idx %arg9[%parallel_loop3A_675], %parallel_loop3A_671 : memref<1088xf32, #tpu.memory_space<vmem>>[vector<16xi32>], vector<16xf32>,
        %parallel_loop3A_676 = arith.constant 16 : i32
        %parallel_loop3A_677 = arith.muli %parallel_loop3A_105, %parallel_loop3A_676 : i32
        %parallel_loop3A_678 = arith.constant 8 : i32
        %parallel_loop3A_679 = arith.addi %parallel_loop3A_677, %parallel_loop3A_678 : i32
        %parallel_loop3A_680 = arith.index_cast %parallel_loop3A_679 : i32 to index
        %parallel_loop3A_681 = arith.constant 0 : index
        %parallel_loop3A_682 = tpu.vector_load %arg4[%parallel_loop3A_680, %parallel_loop3A_681] {strides = array<i32>} : memref<64x128xf32, #tpu.memory_space<vmem>>, vector<16xf32>,
        %parallel_loop3A_683 = arith.index_cast %parallel_loop3A_679 : i32 to index
        %parallel_loop3A_684 = arith.constant 0 : index
        %parallel_loop3A_685 = tpu.vector_load %arg6[%parallel_loop3A_683, %parallel_loop3A_684] {strides = array<i32>} : memref<64x128xf32, #tpu.memory_space<vmem>>, vector<16xf32>,
        %parallel_loop3A_686 = arith.mulf %parallel_loop3A_682, %parallel_loop3A_685 : vector<16xf32>
        %parallel_loop3A_687 = arith.index_cast %parallel_loop3A_679 : i32 to index
        %parallel_loop3A_688 = arith.constant 16 : index
        %parallel_loop3A_689 = tpu.vector_load %arg4[%parallel_loop3A_687, %parallel_loop3A_688] {strides = array<i32>} : memref<64x128xf32, #tpu.memory_space<vmem>>, vector<16xf32>,
        %parallel_loop3A_690 = arith.index_cast %parallel_loop3A_679 : i32 to index
        %parallel_loop3A_691 = arith.constant 16 : index
        %parallel_loop3A_692 = tpu.vector_load %arg6[%parallel_loop3A_690, %parallel_loop3A_691] {strides = array<i32>} : memref<64x128xf32, #tpu.memory_space<vmem>>, vector<16xf32>,
        %parallel_loop3A_693 = arith.mulf %parallel_loop3A_689, %parallel_loop3A_692 : vector<16xf32>
        %parallel_loop3A_694 = arith.addf %parallel_loop3A_686, %parallel_loop3A_693 : vector<16xf32>
        %parallel_loop3A_695 = arith.index_cast %parallel_loop3A_679 : i32 to index
        %parallel_loop3A_696 = arith.constant 32 : index
        %parallel_loop3A_697 = tpu.vector_load %arg4[%parallel_loop3A_695, %parallel_loop3A_696] {strides = array<i32>} : memref<64x128xf32, #tpu.memory_space<vmem>>, vector<16xf32>,
        %parallel_loop3A_698 = arith.index_cast %parallel_loop3A_679 : i32 to index
        %parallel_loop3A_699 = arith.constant 32 : index
        %parallel_loop3A_700 = tpu.vector_load %arg6[%parallel_loop3A_698, %parallel_loop3A_699] {strides = array<i32>} : memref<64x128xf32, #tpu.memory_space<vmem>>, vector<16xf32>,
        %parallel_loop3A_701 = arith.mulf %parallel_loop3A_697, %parallel_loop3A_700 : vector<16xf32>
        %parallel_loop3A_702 = arith.addf %parallel_loop3A_694, %parallel_loop3A_701 : vector<16xf32>
        %parallel_loop3A_703 = arith.index_cast %parallel_loop3A_679 : i32 to index
        %parallel_loop3A_704 = arith.constant 48 : index
        %parallel_loop3A_705 = tpu.vector_load %arg4[%parallel_loop3A_703, %parallel_loop3A_704] {strides = array<i32>} : memref<64x128xf32, #tpu.memory_space<vmem>>, vector<16xf32>,
        %parallel_loop3A_706 = arith.index_cast %parallel_loop3A_679 : i32 to index
        %parallel_loop3A_707 = arith.constant 48 : index
        %parallel_loop3A_708 = tpu.vector_load %arg6[%parallel_loop3A_706, %parallel_loop3A_707] {strides = array<i32>} : memref<64x128xf32, #tpu.memory_space<vmem>>, vector<16xf32>,
        %parallel_loop3A_709 = arith.mulf %parallel_loop3A_705, %parallel_loop3A_708 : vector<16xf32>
        %parallel_loop3A_710 = arith.addf %parallel_loop3A_702, %parallel_loop3A_709 : vector<16xf32>
        %parallel_loop3A_711 = arith.index_cast %parallel_loop3A_679 : i32 to index
        %parallel_loop3A_712 = arith.constant 64 : index
        %parallel_loop3A_713 = tpu.vector_load %arg4[%parallel_loop3A_711, %parallel_loop3A_712] {strides = array<i32>} : memref<64x128xf32, #tpu.memory_space<vmem>>, vector<16xf32>,
        %parallel_loop3A_714 = arith.index_cast %parallel_loop3A_679 : i32 to index
        %parallel_loop3A_715 = arith.constant 64 : index
        %parallel_loop3A_716 = tpu.vector_load %arg6[%parallel_loop3A_714, %parallel_loop3A_715] {strides = array<i32>} : memref<64x128xf32, #tpu.memory_space<vmem>>, vector<16xf32>,
        %parallel_loop3A_717 = arith.mulf %parallel_loop3A_713, %parallel_loop3A_716 : vector<16xf32>
        %parallel_loop3A_718 = arith.addf %parallel_loop3A_710, %parallel_loop3A_717 : vector<16xf32>
        %parallel_loop3A_719 = arith.index_cast %parallel_loop3A_679 : i32 to index
        %parallel_loop3A_720 = arith.constant 80 : index
        %parallel_loop3A_721 = tpu.vector_load %arg4[%parallel_loop3A_719, %parallel_loop3A_720] {strides = array<i32>} : memref<64x128xf32, #tpu.memory_space<vmem>>, vector<16xf32>,
        %parallel_loop3A_722 = arith.index_cast %parallel_loop3A_679 : i32 to index
        %parallel_loop3A_723 = arith.constant 80 : index
        %parallel_loop3A_724 = tpu.vector_load %arg6[%parallel_loop3A_722, %parallel_loop3A_723] {strides = array<i32>} : memref<64x128xf32, #tpu.memory_space<vmem>>, vector<16xf32>,
        %parallel_loop3A_725 = arith.mulf %parallel_loop3A_721, %parallel_loop3A_724 : vector<16xf32>
        %parallel_loop3A_726 = arith.addf %parallel_loop3A_718, %parallel_loop3A_725 : vector<16xf32>
        %parallel_loop3A_727 = arith.index_cast %parallel_loop3A_679 : i32 to index
        %parallel_loop3A_728 = arith.constant 96 : index
        %parallel_loop3A_729 = tpu.vector_load %arg4[%parallel_loop3A_727, %parallel_loop3A_728] {strides = array<i32>} : memref<64x128xf32, #tpu.memory_space<vmem>>, vector<16xf32>,
        %parallel_loop3A_730 = arith.index_cast %parallel_loop3A_679 : i32 to index
        %parallel_loop3A_731 = arith.constant 96 : index
        %parallel_loop3A_732 = tpu.vector_load %arg6[%parallel_loop3A_730, %parallel_loop3A_731] {strides = array<i32>} : memref<64x128xf32, #tpu.memory_space<vmem>>, vector<16xf32>,
        %parallel_loop3A_733 = arith.mulf %parallel_loop3A_729, %parallel_loop3A_732 : vector<16xf32>
        %parallel_loop3A_734 = arith.addf %parallel_loop3A_726, %parallel_loop3A_733 : vector<16xf32>
        %parallel_loop3A_735 = arith.index_cast %parallel_loop3A_679 : i32 to index
        %parallel_loop3A_736 = arith.constant 112 : index
        %parallel_loop3A_737 = tpu.vector_load %arg4[%parallel_loop3A_735, %parallel_loop3A_736] {strides = array<i32>} : memref<64x128xf32, #tpu.memory_space<vmem>>, vector<16xf32>,
        %parallel_loop3A_738 = arith.index_cast %parallel_loop3A_679 : i32 to index
        %parallel_loop3A_739 = arith.constant 112 : index
        %parallel_loop3A_740 = tpu.vector_load %arg6[%parallel_loop3A_738, %parallel_loop3A_739] {strides = array<i32>} : memref<64x128xf32, #tpu.memory_space<vmem>>, vector<16xf32>,
        %parallel_loop3A_741 = arith.mulf %parallel_loop3A_737, %parallel_loop3A_740 : vector<16xf32>
        %parallel_loop3A_742 = arith.addf %parallel_loop3A_734, %parallel_loop3A_741 : vector<16xf32>
        %parallel_loop3A_743 = arith.constant 8 : i32
        %parallel_loop3A_744 = arith.addi %parallel_loop3A_107, %parallel_loop3A_743 : i32
        %parallel_loop3A_745 = vector.broadcast %parallel_loop3A_744 : i32 to vector<16xi32>
        %parallel_loop3A_746 = arith.addi %mul3A_5, %parallel_loop3A_745 : vector<16xi32>
        tpu.vector_store_idx %arg9[%parallel_loop3A_746], %parallel_loop3A_742 : memref<1088xf32, #tpu.memory_space<vmem>>[vector<16xi32>], vector<16xf32>,
        %parallel_loop3A_747 = arith.constant 16 : i32
        %parallel_loop3A_748 = arith.muli %parallel_loop3A_105, %parallel_loop3A_747 : i32
        %parallel_loop3A_749 = arith.constant 9 : i32
        %parallel_loop3A_750 = arith.addi %parallel_loop3A_748, %parallel_loop3A_749 : i32
        %parallel_loop3A_751 = arith.index_cast %parallel_loop3A_750 : i32 to index
        %parallel_loop3A_752 = arith.constant 0 : index
        %parallel_loop3A_753 = tpu.vector_load %arg4[%parallel_loop3A_751, %parallel_loop3A_752] {strides = array<i32>} : memref<64x128xf32, #tpu.memory_space<vmem>>, vector<16xf32>,
        %parallel_loop3A_754 = arith.index_cast %parallel_loop3A_750 : i32 to index
        %parallel_loop3A_755 = arith.constant 0 : index
        %parallel_loop3A_756 = tpu.vector_load %arg6[%parallel_loop3A_754, %parallel_loop3A_755] {strides = array<i32>} : memref<64x128xf32, #tpu.memory_space<vmem>>, vector<16xf32>,
        %parallel_loop3A_757 = arith.mulf %parallel_loop3A_753, %parallel_loop3A_756 : vector<16xf32>
        %parallel_loop3A_758 = arith.index_cast %parallel_loop3A_750 : i32 to index
        %parallel_loop3A_759 = arith.constant 16 : index
        %parallel_loop3A_760 = tpu.vector_load %arg4[%parallel_loop3A_758, %parallel_loop3A_759] {strides = array<i32>} : memref<64x128xf32, #tpu.memory_space<vmem>>, vector<16xf32>,
        %parallel_loop3A_761 = arith.index_cast %parallel_loop3A_750 : i32 to index
        %parallel_loop3A_762 = arith.constant 16 : index
        %parallel_loop3A_763 = tpu.vector_load %arg6[%parallel_loop3A_761, %parallel_loop3A_762] {strides = array<i32>} : memref<64x128xf32, #tpu.memory_space<vmem>>, vector<16xf32>,
        %parallel_loop3A_764 = arith.mulf %parallel_loop3A_760, %parallel_loop3A_763 : vector<16xf32>
        %parallel_loop3A_765 = arith.addf %parallel_loop3A_757, %parallel_loop3A_764 : vector<16xf32>
        %parallel_loop3A_766 = arith.index_cast %parallel_loop3A_750 : i32 to index
        %parallel_loop3A_767 = arith.constant 32 : index
        %parallel_loop3A_768 = tpu.vector_load %arg4[%parallel_loop3A_766, %parallel_loop3A_767] {strides = array<i32>} : memref<64x128xf32, #tpu.memory_space<vmem>>, vector<16xf32>,
        %parallel_loop3A_769 = arith.index_cast %parallel_loop3A_750 : i32 to index
        %parallel_loop3A_770 = arith.constant 32 : index
        %parallel_loop3A_771 = tpu.vector_load %arg6[%parallel_loop3A_769, %parallel_loop3A_770] {strides = array<i32>} : memref<64x128xf32, #tpu.memory_space<vmem>>, vector<16xf32>,
        %parallel_loop3A_772 = arith.mulf %parallel_loop3A_768, %parallel_loop3A_771 : vector<16xf32>
        %parallel_loop3A_773 = arith.addf %parallel_loop3A_765, %parallel_loop3A_772 : vector<16xf32>
        %parallel_loop3A_774 = arith.index_cast %parallel_loop3A_750 : i32 to index
        %parallel_loop3A_775 = arith.constant 48 : index
        %parallel_loop3A_776 = tpu.vector_load %arg4[%parallel_loop3A_774, %parallel_loop3A_775] {strides = array<i32>} : memref<64x128xf32, #tpu.memory_space<vmem>>, vector<16xf32>,
        %parallel_loop3A_777 = arith.index_cast %parallel_loop3A_750 : i32 to index
        %parallel_loop3A_778 = arith.constant 48 : index
        %parallel_loop3A_779 = tpu.vector_load %arg6[%parallel_loop3A_777, %parallel_loop3A_778] {strides = array<i32>} : memref<64x128xf32, #tpu.memory_space<vmem>>, vector<16xf32>,
        %parallel_loop3A_780 = arith.mulf %parallel_loop3A_776, %parallel_loop3A_779 : vector<16xf32>
        %parallel_loop3A_781 = arith.addf %parallel_loop3A_773, %parallel_loop3A_780 : vector<16xf32>
        %parallel_loop3A_782 = arith.index_cast %parallel_loop3A_750 : i32 to index
        %parallel_loop3A_783 = arith.constant 64 : index
        %parallel_loop3A_784 = tpu.vector_load %arg4[%parallel_loop3A_782, %parallel_loop3A_783] {strides = array<i32>} : memref<64x128xf32, #tpu.memory_space<vmem>>, vector<16xf32>,
        %parallel_loop3A_785 = arith.index_cast %parallel_loop3A_750 : i32 to index
        %parallel_loop3A_786 = arith.constant 64 : index
        %parallel_loop3A_787 = tpu.vector_load %arg6[%parallel_loop3A_785, %parallel_loop3A_786] {strides = array<i32>} : memref<64x128xf32, #tpu.memory_space<vmem>>, vector<16xf32>,
        %parallel_loop3A_788 = arith.mulf %parallel_loop3A_784, %parallel_loop3A_787 : vector<16xf32>
        %parallel_loop3A_789 = arith.addf %parallel_loop3A_781, %parallel_loop3A_788 : vector<16xf32>
        %parallel_loop3A_790 = arith.index_cast %parallel_loop3A_750 : i32 to index
        %parallel_loop3A_791 = arith.constant 80 : index
        %parallel_loop3A_792 = tpu.vector_load %arg4[%parallel_loop3A_790, %parallel_loop3A_791] {strides = array<i32>} : memref<64x128xf32, #tpu.memory_space<vmem>>, vector<16xf32>,
        %parallel_loop3A_793 = arith.index_cast %parallel_loop3A_750 : i32 to index
        %parallel_loop3A_794 = arith.constant 80 : index
        %parallel_loop3A_795 = tpu.vector_load %arg6[%parallel_loop3A_793, %parallel_loop3A_794] {strides = array<i32>} : memref<64x128xf32, #tpu.memory_space<vmem>>, vector<16xf32>,
        %parallel_loop3A_796 = arith.mulf %parallel_loop3A_792, %parallel_loop3A_795 : vector<16xf32>
        %parallel_loop3A_797 = arith.addf %parallel_loop3A_789, %parallel_loop3A_796 : vector<16xf32>
        %parallel_loop3A_798 = arith.index_cast %parallel_loop3A_750 : i32 to index
        %parallel_loop3A_799 = arith.constant 96 : index
        %parallel_loop3A_800 = tpu.vector_load %arg4[%parallel_loop3A_798, %parallel_loop3A_799] {strides = array<i32>} : memref<64x128xf32, #tpu.memory_space<vmem>>, vector<16xf32>,
        %parallel_loop3A_801 = arith.index_cast %parallel_loop3A_750 : i32 to index
        %parallel_loop3A_802 = arith.constant 96 : index
        %parallel_loop3A_803 = tpu.vector_load %arg6[%parallel_loop3A_801, %parallel_loop3A_802] {strides = array<i32>} : memref<64x128xf32, #tpu.memory_space<vmem>>, vector<16xf32>,
        %parallel_loop3A_804 = arith.mulf %parallel_loop3A_800, %parallel_loop3A_803 : vector<16xf32>
        %parallel_loop3A_805 = arith.addf %parallel_loop3A_797, %parallel_loop3A_804 : vector<16xf32>
        %parallel_loop3A_806 = arith.index_cast %parallel_loop3A_750 : i32 to index
        %parallel_loop3A_807 = arith.constant 112 : index
        %parallel_loop3A_808 = tpu.vector_load %arg4[%parallel_loop3A_806, %parallel_loop3A_807] {strides = array<i32>} : memref<64x128xf32, #tpu.memory_space<vmem>>, vector<16xf32>,
        %parallel_loop3A_809 = arith.index_cast %parallel_loop3A_750 : i32 to index
        %parallel_loop3A_810 = arith.constant 112 : index
        %parallel_loop3A_811 = tpu.vector_load %arg6[%parallel_loop3A_809, %parallel_loop3A_810] {strides = array<i32>} : memref<64x128xf32, #tpu.memory_space<vmem>>, vector<16xf32>,
        %parallel_loop3A_812 = arith.mulf %parallel_loop3A_808, %parallel_loop3A_811 : vector<16xf32>
        %parallel_loop3A_813 = arith.addf %parallel_loop3A_805, %parallel_loop3A_812 : vector<16xf32>
        %parallel_loop3A_814 = arith.constant 9 : i32
        %parallel_loop3A_815 = arith.addi %parallel_loop3A_107, %parallel_loop3A_814 : i32
        %parallel_loop3A_816 = vector.broadcast %parallel_loop3A_815 : i32 to vector<16xi32>
        %parallel_loop3A_817 = arith.addi %mul3A_5, %parallel_loop3A_816 : vector<16xi32>
        tpu.vector_store_idx %arg9[%parallel_loop3A_817], %parallel_loop3A_813 : memref<1088xf32, #tpu.memory_space<vmem>>[vector<16xi32>], vector<16xf32>,
        %parallel_loop3A_818 = arith.constant 16 : i32
        %parallel_loop3A_819 = arith.muli %parallel_loop3A_105, %parallel_loop3A_818 : i32
        %parallel_loop3A_820 = arith.constant 10 : i32
        %parallel_loop3A_821 = arith.addi %parallel_loop3A_819, %parallel_loop3A_820 : i32
        %parallel_loop3A_822 = arith.index_cast %parallel_loop3A_821 : i32 to index
        %parallel_loop3A_823 = arith.constant 0 : index
        %parallel_loop3A_824 = tpu.vector_load %arg4[%parallel_loop3A_822, %parallel_loop3A_823] {strides = array<i32>} : memref<64x128xf32, #tpu.memory_space<vmem>>, vector<16xf32>,
        %parallel_loop3A_825 = arith.index_cast %parallel_loop3A_821 : i32 to index
        %parallel_loop3A_826 = arith.constant 0 : index
        %parallel_loop3A_827 = tpu.vector_load %arg6[%parallel_loop3A_825, %parallel_loop3A_826] {strides = array<i32>} : memref<64x128xf32, #tpu.memory_space<vmem>>, vector<16xf32>,
        %parallel_loop3A_828 = arith.mulf %parallel_loop3A_824, %parallel_loop3A_827 : vector<16xf32>
        %parallel_loop3A_829 = arith.index_cast %parallel_loop3A_821 : i32 to index
        %parallel_loop3A_830 = arith.constant 16 : index
        %parallel_loop3A_831 = tpu.vector_load %arg4[%parallel_loop3A_829, %parallel_loop3A_830] {strides = array<i32>} : memref<64x128xf32, #tpu.memory_space<vmem>>, vector<16xf32>,
        %parallel_loop3A_832 = arith.index_cast %parallel_loop3A_821 : i32 to index
        %parallel_loop3A_833 = arith.constant 16 : index
        %parallel_loop3A_834 = tpu.vector_load %arg6[%parallel_loop3A_832, %parallel_loop3A_833] {strides = array<i32>} : memref<64x128xf32, #tpu.memory_space<vmem>>, vector<16xf32>,
        %parallel_loop3A_835 = arith.mulf %parallel_loop3A_831, %parallel_loop3A_834 : vector<16xf32>
        %parallel_loop3A_836 = arith.addf %parallel_loop3A_828, %parallel_loop3A_835 : vector<16xf32>
        %parallel_loop3A_837 = arith.index_cast %parallel_loop3A_821 : i32 to index
        %parallel_loop3A_838 = arith.constant 32 : index
        %parallel_loop3A_839 = tpu.vector_load %arg4[%parallel_loop3A_837, %parallel_loop3A_838] {strides = array<i32>} : memref<64x128xf32, #tpu.memory_space<vmem>>, vector<16xf32>,
        %parallel_loop3A_840 = arith.index_cast %parallel_loop3A_821 : i32 to index
        %parallel_loop3A_841 = arith.constant 32 : index
        %parallel_loop3A_842 = tpu.vector_load %arg6[%parallel_loop3A_840, %parallel_loop3A_841] {strides = array<i32>} : memref<64x128xf32, #tpu.memory_space<vmem>>, vector<16xf32>,
        %parallel_loop3A_843 = arith.mulf %parallel_loop3A_839, %parallel_loop3A_842 : vector<16xf32>
        %parallel_loop3A_844 = arith.addf %parallel_loop3A_836, %parallel_loop3A_843 : vector<16xf32>
        %parallel_loop3A_845 = arith.index_cast %parallel_loop3A_821 : i32 to index
        %parallel_loop3A_846 = arith.constant 48 : index
        %parallel_loop3A_847 = tpu.vector_load %arg4[%parallel_loop3A_845, %parallel_loop3A_846] {strides = array<i32>} : memref<64x128xf32, #tpu.memory_space<vmem>>, vector<16xf32>,
        %parallel_loop3A_848 = arith.index_cast %parallel_loop3A_821 : i32 to index
        %parallel_loop3A_849 = arith.constant 48 : index
        %parallel_loop3A_850 = tpu.vector_load %arg6[%parallel_loop3A_848, %parallel_loop3A_849] {strides = array<i32>} : memref<64x128xf32, #tpu.memory_space<vmem>>, vector<16xf32>,
        %parallel_loop3A_851 = arith.mulf %parallel_loop3A_847, %parallel_loop3A_850 : vector<16xf32>
        %parallel_loop3A_852 = arith.addf %parallel_loop3A_844, %parallel_loop3A_851 : vector<16xf32>
        %parallel_loop3A_853 = arith.index_cast %parallel_loop3A_821 : i32 to index
        %parallel_loop3A_854 = arith.constant 64 : index
        %parallel_loop3A_855 = tpu.vector_load %arg4[%parallel_loop3A_853, %parallel_loop3A_854] {strides = array<i32>} : memref<64x128xf32, #tpu.memory_space<vmem>>, vector<16xf32>,
        %parallel_loop3A_856 = arith.index_cast %parallel_loop3A_821 : i32 to index
        %parallel_loop3A_857 = arith.constant 64 : index
        %parallel_loop3A_858 = tpu.vector_load %arg6[%parallel_loop3A_856, %parallel_loop3A_857] {strides = array<i32>} : memref<64x128xf32, #tpu.memory_space<vmem>>, vector<16xf32>,
        %parallel_loop3A_859 = arith.mulf %parallel_loop3A_855, %parallel_loop3A_858 : vector<16xf32>
        %parallel_loop3A_860 = arith.addf %parallel_loop3A_852, %parallel_loop3A_859 : vector<16xf32>
        %parallel_loop3A_861 = arith.index_cast %parallel_loop3A_821 : i32 to index
        %parallel_loop3A_862 = arith.constant 80 : index
        %parallel_loop3A_863 = tpu.vector_load %arg4[%parallel_loop3A_861, %parallel_loop3A_862] {strides = array<i32>} : memref<64x128xf32, #tpu.memory_space<vmem>>, vector<16xf32>,
        %parallel_loop3A_864 = arith.index_cast %parallel_loop3A_821 : i32 to index
        %parallel_loop3A_865 = arith.constant 80 : index
        %parallel_loop3A_866 = tpu.vector_load %arg6[%parallel_loop3A_864, %parallel_loop3A_865] {strides = array<i32>} : memref<64x128xf32, #tpu.memory_space<vmem>>, vector<16xf32>,
        %parallel_loop3A_867 = arith.mulf %parallel_loop3A_863, %parallel_loop3A_866 : vector<16xf32>
        %parallel_loop3A_868 = arith.addf %parallel_loop3A_860, %parallel_loop3A_867 : vector<16xf32>
        %parallel_loop3A_869 = arith.index_cast %parallel_loop3A_821 : i32 to index
        %parallel_loop3A_870 = arith.constant 96 : index
        %parallel_loop3A_871 = tpu.vector_load %arg4[%parallel_loop3A_869, %parallel_loop3A_870] {strides = array<i32>} : memref<64x128xf32, #tpu.memory_space<vmem>>, vector<16xf32>,
        %parallel_loop3A_872 = arith.index_cast %parallel_loop3A_821 : i32 to index
        %parallel_loop3A_873 = arith.constant 96 : index
        %parallel_loop3A_874 = tpu.vector_load %arg6[%parallel_loop3A_872, %parallel_loop3A_873] {strides = array<i32>} : memref<64x128xf32, #tpu.memory_space<vmem>>, vector<16xf32>,
        %parallel_loop3A_875 = arith.mulf %parallel_loop3A_871, %parallel_loop3A_874 : vector<16xf32>
        %parallel_loop3A_876 = arith.addf %parallel_loop3A_868, %parallel_loop3A_875 : vector<16xf32>
        %parallel_loop3A_877 = arith.index_cast %parallel_loop3A_821 : i32 to index
        %parallel_loop3A_878 = arith.constant 112 : index
        %parallel_loop3A_879 = tpu.vector_load %arg4[%parallel_loop3A_877, %parallel_loop3A_878] {strides = array<i32>} : memref<64x128xf32, #tpu.memory_space<vmem>>, vector<16xf32>,
        %parallel_loop3A_880 = arith.index_cast %parallel_loop3A_821 : i32 to index
        %parallel_loop3A_881 = arith.constant 112 : index
        %parallel_loop3A_882 = tpu.vector_load %arg6[%parallel_loop3A_880, %parallel_loop3A_881] {strides = array<i32>} : memref<64x128xf32, #tpu.memory_space<vmem>>, vector<16xf32>,
        %parallel_loop3A_883 = arith.mulf %parallel_loop3A_879, %parallel_loop3A_882 : vector<16xf32>
        %parallel_loop3A_884 = arith.addf %parallel_loop3A_876, %parallel_loop3A_883 : vector<16xf32>
        %parallel_loop3A_885 = arith.constant 10 : i32
        %parallel_loop3A_886 = arith.addi %parallel_loop3A_107, %parallel_loop3A_885 : i32
        %parallel_loop3A_887 = vector.broadcast %parallel_loop3A_886 : i32 to vector<16xi32>
        %parallel_loop3A_888 = arith.addi %mul3A_5, %parallel_loop3A_887 : vector<16xi32>
        tpu.vector_store_idx %arg9[%parallel_loop3A_888], %parallel_loop3A_884 : memref<1088xf32, #tpu.memory_space<vmem>>[vector<16xi32>], vector<16xf32>,
        %parallel_loop3A_889 = arith.constant 16 : i32
        %parallel_loop3A_890 = arith.muli %parallel_loop3A_105, %parallel_loop3A_889 : i32
        %parallel_loop3A_891 = arith.constant 11 : i32
        %parallel_loop3A_892 = arith.addi %parallel_loop3A_890, %parallel_loop3A_891 : i32
        %parallel_loop3A_893 = arith.index_cast %parallel_loop3A_892 : i32 to index
        %parallel_loop3A_894 = arith.constant 0 : index
        %parallel_loop3A_895 = tpu.vector_load %arg4[%parallel_loop3A_893, %parallel_loop3A_894] {strides = array<i32>} : memref<64x128xf32, #tpu.memory_space<vmem>>, vector<16xf32>,
        %parallel_loop3A_896 = arith.index_cast %parallel_loop3A_892 : i32 to index
        %parallel_loop3A_897 = arith.constant 0 : index
        %parallel_loop3A_898 = tpu.vector_load %arg6[%parallel_loop3A_896, %parallel_loop3A_897] {strides = array<i32>} : memref<64x128xf32, #tpu.memory_space<vmem>>, vector<16xf32>,
        %parallel_loop3A_899 = arith.mulf %parallel_loop3A_895, %parallel_loop3A_898 : vector<16xf32>
        %parallel_loop3A_900 = arith.index_cast %parallel_loop3A_892 : i32 to index
        %parallel_loop3A_901 = arith.constant 16 : index
        %parallel_loop3A_902 = tpu.vector_load %arg4[%parallel_loop3A_900, %parallel_loop3A_901] {strides = array<i32>} : memref<64x128xf32, #tpu.memory_space<vmem>>, vector<16xf32>,
        %parallel_loop3A_903 = arith.index_cast %parallel_loop3A_892 : i32 to index
        %parallel_loop3A_904 = arith.constant 16 : index
        %parallel_loop3A_905 = tpu.vector_load %arg6[%parallel_loop3A_903, %parallel_loop3A_904] {strides = array<i32>} : memref<64x128xf32, #tpu.memory_space<vmem>>, vector<16xf32>,
        %parallel_loop3A_906 = arith.mulf %parallel_loop3A_902, %parallel_loop3A_905 : vector<16xf32>
        %parallel_loop3A_907 = arith.addf %parallel_loop3A_899, %parallel_loop3A_906 : vector<16xf32>
        %parallel_loop3A_908 = arith.index_cast %parallel_loop3A_892 : i32 to index
        %parallel_loop3A_909 = arith.constant 32 : index
        %parallel_loop3A_910 = tpu.vector_load %arg4[%parallel_loop3A_908, %parallel_loop3A_909] {strides = array<i32>} : memref<64x128xf32, #tpu.memory_space<vmem>>, vector<16xf32>,
        %parallel_loop3A_911 = arith.index_cast %parallel_loop3A_892 : i32 to index
        %parallel_loop3A_912 = arith.constant 32 : index
        %parallel_loop3A_913 = tpu.vector_load %arg6[%parallel_loop3A_911, %parallel_loop3A_912] {strides = array<i32>} : memref<64x128xf32, #tpu.memory_space<vmem>>, vector<16xf32>,
        %parallel_loop3A_914 = arith.mulf %parallel_loop3A_910, %parallel_loop3A_913 : vector<16xf32>
        %parallel_loop3A_915 = arith.addf %parallel_loop3A_907, %parallel_loop3A_914 : vector<16xf32>
        %parallel_loop3A_916 = arith.index_cast %parallel_loop3A_892 : i32 to index
        %parallel_loop3A_917 = arith.constant 48 : index
        %parallel_loop3A_918 = tpu.vector_load %arg4[%parallel_loop3A_916, %parallel_loop3A_917] {strides = array<i32>} : memref<64x128xf32, #tpu.memory_space<vmem>>, vector<16xf32>,
        %parallel_loop3A_919 = arith.index_cast %parallel_loop3A_892 : i32 to index
        %parallel_loop3A_920 = arith.constant 48 : index
        %parallel_loop3A_921 = tpu.vector_load %arg6[%parallel_loop3A_919, %parallel_loop3A_920] {strides = array<i32>} : memref<64x128xf32, #tpu.memory_space<vmem>>, vector<16xf32>,
        %parallel_loop3A_922 = arith.mulf %parallel_loop3A_918, %parallel_loop3A_921 : vector<16xf32>
        %parallel_loop3A_923 = arith.addf %parallel_loop3A_915, %parallel_loop3A_922 : vector<16xf32>
        %parallel_loop3A_924 = arith.index_cast %parallel_loop3A_892 : i32 to index
        %parallel_loop3A_925 = arith.constant 64 : index
        %parallel_loop3A_926 = tpu.vector_load %arg4[%parallel_loop3A_924, %parallel_loop3A_925] {strides = array<i32>} : memref<64x128xf32, #tpu.memory_space<vmem>>, vector<16xf32>,
        %parallel_loop3A_927 = arith.index_cast %parallel_loop3A_892 : i32 to index
        %parallel_loop3A_928 = arith.constant 64 : index
        %parallel_loop3A_929 = tpu.vector_load %arg6[%parallel_loop3A_927, %parallel_loop3A_928] {strides = array<i32>} : memref<64x128xf32, #tpu.memory_space<vmem>>, vector<16xf32>,
        %parallel_loop3A_930 = arith.mulf %parallel_loop3A_926, %parallel_loop3A_929 : vector<16xf32>
        %parallel_loop3A_931 = arith.addf %parallel_loop3A_923, %parallel_loop3A_930 : vector<16xf32>
        %parallel_loop3A_932 = arith.index_cast %parallel_loop3A_892 : i32 to index
        %parallel_loop3A_933 = arith.constant 80 : index
        %parallel_loop3A_934 = tpu.vector_load %arg4[%parallel_loop3A_932, %parallel_loop3A_933] {strides = array<i32>} : memref<64x128xf32, #tpu.memory_space<vmem>>, vector<16xf32>,
        %parallel_loop3A_935 = arith.index_cast %parallel_loop3A_892 : i32 to index
        %parallel_loop3A_936 = arith.constant 80 : index
        %parallel_loop3A_937 = tpu.vector_load %arg6[%parallel_loop3A_935, %parallel_loop3A_936] {strides = array<i32>} : memref<64x128xf32, #tpu.memory_space<vmem>>, vector<16xf32>,
        %parallel_loop3A_938 = arith.mulf %parallel_loop3A_934, %parallel_loop3A_937 : vector<16xf32>
        %parallel_loop3A_939 = arith.addf %parallel_loop3A_931, %parallel_loop3A_938 : vector<16xf32>
        %parallel_loop3A_940 = arith.index_cast %parallel_loop3A_892 : i32 to index
        %parallel_loop3A_941 = arith.constant 96 : index
        %parallel_loop3A_942 = tpu.vector_load %arg4[%parallel_loop3A_940, %parallel_loop3A_941] {strides = array<i32>} : memref<64x128xf32, #tpu.memory_space<vmem>>, vector<16xf32>,
        %parallel_loop3A_943 = arith.index_cast %parallel_loop3A_892 : i32 to index
        %parallel_loop3A_944 = arith.constant 96 : index
        %parallel_loop3A_945 = tpu.vector_load %arg6[%parallel_loop3A_943, %parallel_loop3A_944] {strides = array<i32>} : memref<64x128xf32, #tpu.memory_space<vmem>>, vector<16xf32>,
        %parallel_loop3A_946 = arith.mulf %parallel_loop3A_942, %parallel_loop3A_945 : vector<16xf32>
        %parallel_loop3A_947 = arith.addf %parallel_loop3A_939, %parallel_loop3A_946 : vector<16xf32>
        %parallel_loop3A_948 = arith.index_cast %parallel_loop3A_892 : i32 to index
        %parallel_loop3A_949 = arith.constant 112 : index
        %parallel_loop3A_950 = tpu.vector_load %arg4[%parallel_loop3A_948, %parallel_loop3A_949] {strides = array<i32>} : memref<64x128xf32, #tpu.memory_space<vmem>>, vector<16xf32>,
        %parallel_loop3A_951 = arith.index_cast %parallel_loop3A_892 : i32 to index
        %parallel_loop3A_952 = arith.constant 112 : index
        %parallel_loop3A_953 = tpu.vector_load %arg6[%parallel_loop3A_951, %parallel_loop3A_952] {strides = array<i32>} : memref<64x128xf32, #tpu.memory_space<vmem>>, vector<16xf32>,
        %parallel_loop3A_954 = arith.mulf %parallel_loop3A_950, %parallel_loop3A_953 : vector<16xf32>
        %parallel_loop3A_955 = arith.addf %parallel_loop3A_947, %parallel_loop3A_954 : vector<16xf32>
        %parallel_loop3A_956 = arith.constant 11 : i32
        %parallel_loop3A_957 = arith.addi %parallel_loop3A_107, %parallel_loop3A_956 : i32
        %parallel_loop3A_958 = vector.broadcast %parallel_loop3A_957 : i32 to vector<16xi32>
        %parallel_loop3A_959 = arith.addi %mul3A_5, %parallel_loop3A_958 : vector<16xi32>
        tpu.vector_store_idx %arg9[%parallel_loop3A_959], %parallel_loop3A_955 : memref<1088xf32, #tpu.memory_space<vmem>>[vector<16xi32>], vector<16xf32>,
        %parallel_loop3A_960 = arith.constant 16 : i32
        %parallel_loop3A_961 = arith.muli %parallel_loop3A_105, %parallel_loop3A_960 : i32
        %parallel_loop3A_962 = arith.constant 12 : i32
        %parallel_loop3A_963 = arith.addi %parallel_loop3A_961, %parallel_loop3A_962 : i32
        %parallel_loop3A_964 = arith.index_cast %parallel_loop3A_963 : i32 to index
        %parallel_loop3A_965 = arith.constant 0 : index
        %parallel_loop3A_966 = tpu.vector_load %arg4[%parallel_loop3A_964, %parallel_loop3A_965] {strides = array<i32>} : memref<64x128xf32, #tpu.memory_space<vmem>>, vector<16xf32>,
        %parallel_loop3A_967 = arith.index_cast %parallel_loop3A_963 : i32 to index
        %parallel_loop3A_968 = arith.constant 0 : index
        %parallel_loop3A_969 = tpu.vector_load %arg6[%parallel_loop3A_967, %parallel_loop3A_968] {strides = array<i32>} : memref<64x128xf32, #tpu.memory_space<vmem>>, vector<16xf32>,
        %parallel_loop3A_970 = arith.mulf %parallel_loop3A_966, %parallel_loop3A_969 : vector<16xf32>
        %parallel_loop3A_971 = arith.index_cast %parallel_loop3A_963 : i32 to index
        %parallel_loop3A_972 = arith.constant 16 : index
        %parallel_loop3A_973 = tpu.vector_load %arg4[%parallel_loop3A_971, %parallel_loop3A_972] {strides = array<i32>} : memref<64x128xf32, #tpu.memory_space<vmem>>, vector<16xf32>,
        %parallel_loop3A_974 = arith.index_cast %parallel_loop3A_963 : i32 to index
        %parallel_loop3A_975 = arith.constant 16 : index
        %parallel_loop3A_976 = tpu.vector_load %arg6[%parallel_loop3A_974, %parallel_loop3A_975] {strides = array<i32>} : memref<64x128xf32, #tpu.memory_space<vmem>>, vector<16xf32>,
        %parallel_loop3A_977 = arith.mulf %parallel_loop3A_973, %parallel_loop3A_976 : vector<16xf32>
        %parallel_loop3A_978 = arith.addf %parallel_loop3A_970, %parallel_loop3A_977 : vector<16xf32>
        %parallel_loop3A_979 = arith.index_cast %parallel_loop3A_963 : i32 to index
        %parallel_loop3A_980 = arith.constant 32 : index
        %parallel_loop3A_981 = tpu.vector_load %arg4[%parallel_loop3A_979, %parallel_loop3A_980] {strides = array<i32>} : memref<64x128xf32, #tpu.memory_space<vmem>>, vector<16xf32>,
        %parallel_loop3A_982 = arith.index_cast %parallel_loop3A_963 : i32 to index
        %parallel_loop3A_983 = arith.constant 32 : index
        %parallel_loop3A_984 = tpu.vector_load %arg6[%parallel_loop3A_982, %parallel_loop3A_983] {strides = array<i32>} : memref<64x128xf32, #tpu.memory_space<vmem>>, vector<16xf32>,
        %parallel_loop3A_985 = arith.mulf %parallel_loop3A_981, %parallel_loop3A_984 : vector<16xf32>
        %parallel_loop3A_986 = arith.addf %parallel_loop3A_978, %parallel_loop3A_985 : vector<16xf32>
        %parallel_loop3A_987 = arith.index_cast %parallel_loop3A_963 : i32 to index
        %parallel_loop3A_988 = arith.constant 48 : index
        %parallel_loop3A_989 = tpu.vector_load %arg4[%parallel_loop3A_987, %parallel_loop3A_988] {strides = array<i32>} : memref<64x128xf32, #tpu.memory_space<vmem>>, vector<16xf32>,
        %parallel_loop3A_990 = arith.index_cast %parallel_loop3A_963 : i32 to index
        %parallel_loop3A_991 = arith.constant 48 : index
        %parallel_loop3A_992 = tpu.vector_load %arg6[%parallel_loop3A_990, %parallel_loop3A_991] {strides = array<i32>} : memref<64x128xf32, #tpu.memory_space<vmem>>, vector<16xf32>,
        %parallel_loop3A_993 = arith.mulf %parallel_loop3A_989, %parallel_loop3A_992 : vector<16xf32>
        %parallel_loop3A_994 = arith.addf %parallel_loop3A_986, %parallel_loop3A_993 : vector<16xf32>
        %parallel_loop3A_995 = arith.index_cast %parallel_loop3A_963 : i32 to index
        %parallel_loop3A_996 = arith.constant 64 : index
        %parallel_loop3A_997 = tpu.vector_load %arg4[%parallel_loop3A_995, %parallel_loop3A_996] {strides = array<i32>} : memref<64x128xf32, #tpu.memory_space<vmem>>, vector<16xf32>,
        %parallel_loop3A_998 = arith.index_cast %parallel_loop3A_963 : i32 to index
        %parallel_loop3A_999 = arith.constant 64 : index
        %parallel_loop3A_1000 = tpu.vector_load %arg6[%parallel_loop3A_998, %parallel_loop3A_999] {strides = array<i32>} : memref<64x128xf32, #tpu.memory_space<vmem>>, vector<16xf32>,
        %parallel_loop3A_1001 = arith.mulf %parallel_loop3A_997, %parallel_loop3A_1000 : vector<16xf32>
        %parallel_loop3A_1002 = arith.addf %parallel_loop3A_994, %parallel_loop3A_1001 : vector<16xf32>
        %parallel_loop3A_1003 = arith.index_cast %parallel_loop3A_963 : i32 to index
        %parallel_loop3A_1004 = arith.constant 80 : index
        %parallel_loop3A_1005 = tpu.vector_load %arg4[%parallel_loop3A_1003, %parallel_loop3A_1004] {strides = array<i32>} : memref<64x128xf32, #tpu.memory_space<vmem>>, vector<16xf32>,
        %parallel_loop3A_1006 = arith.index_cast %parallel_loop3A_963 : i32 to index
        %parallel_loop3A_1007 = arith.constant 80 : index
        %parallel_loop3A_1008 = tpu.vector_load %arg6[%parallel_loop3A_1006, %parallel_loop3A_1007] {strides = array<i32>} : memref<64x128xf32, #tpu.memory_space<vmem>>, vector<16xf32>,
        %parallel_loop3A_1009 = arith.mulf %parallel_loop3A_1005, %parallel_loop3A_1008 : vector<16xf32>
        %parallel_loop3A_1010 = arith.addf %parallel_loop3A_1002, %parallel_loop3A_1009 : vector<16xf32>
        %parallel_loop3A_1011 = arith.index_cast %parallel_loop3A_963 : i32 to index
        %parallel_loop3A_1012 = arith.constant 96 : index
        %parallel_loop3A_1013 = tpu.vector_load %arg4[%parallel_loop3A_1011, %parallel_loop3A_1012] {strides = array<i32>} : memref<64x128xf32, #tpu.memory_space<vmem>>, vector<16xf32>,
        %parallel_loop3A_1014 = arith.index_cast %parallel_loop3A_963 : i32 to index
        %parallel_loop3A_1015 = arith.constant 96 : index
        %parallel_loop3A_1016 = tpu.vector_load %arg6[%parallel_loop3A_1014, %parallel_loop3A_1015] {strides = array<i32>} : memref<64x128xf32, #tpu.memory_space<vmem>>, vector<16xf32>,
        %parallel_loop3A_1017 = arith.mulf %parallel_loop3A_1013, %parallel_loop3A_1016 : vector<16xf32>
        %parallel_loop3A_1018 = arith.addf %parallel_loop3A_1010, %parallel_loop3A_1017 : vector<16xf32>
        %parallel_loop3A_1019 = arith.index_cast %parallel_loop3A_963 : i32 to index
        %parallel_loop3A_1020 = arith.constant 112 : index
        %parallel_loop3A_1021 = tpu.vector_load %arg4[%parallel_loop3A_1019, %parallel_loop3A_1020] {strides = array<i32>} : memref<64x128xf32, #tpu.memory_space<vmem>>, vector<16xf32>,
        %parallel_loop3A_1022 = arith.index_cast %parallel_loop3A_963 : i32 to index
        %parallel_loop3A_1023 = arith.constant 112 : index
        %parallel_loop3A_1024 = tpu.vector_load %arg6[%parallel_loop3A_1022, %parallel_loop3A_1023] {strides = array<i32>} : memref<64x128xf32, #tpu.memory_space<vmem>>, vector<16xf32>,
        %parallel_loop3A_1025 = arith.mulf %parallel_loop3A_1021, %parallel_loop3A_1024 : vector<16xf32>
        %parallel_loop3A_1026 = arith.addf %parallel_loop3A_1018, %parallel_loop3A_1025 : vector<16xf32>
        %parallel_loop3A_1027 = arith.constant 12 : i32
        %parallel_loop3A_1028 = arith.addi %parallel_loop3A_107, %parallel_loop3A_1027 : i32
        %parallel_loop3A_1029 = vector.broadcast %parallel_loop3A_1028 : i32 to vector<16xi32>
        %parallel_loop3A_1030 = arith.addi %mul3A_5, %parallel_loop3A_1029 : vector<16xi32>
        tpu.vector_store_idx %arg9[%parallel_loop3A_1030], %parallel_loop3A_1026 : memref<1088xf32, #tpu.memory_space<vmem>>[vector<16xi32>], vector<16xf32>,
        %parallel_loop3A_1031 = arith.constant 16 : i32
        %parallel_loop3A_1032 = arith.muli %parallel_loop3A_105, %parallel_loop3A_1031 : i32
        %parallel_loop3A_1033 = arith.constant 13 : i32
        %parallel_loop3A_1034 = arith.addi %parallel_loop3A_1032, %parallel_loop3A_1033 : i32
        %parallel_loop3A_1035 = arith.index_cast %parallel_loop3A_1034 : i32 to index
        %parallel_loop3A_1036 = arith.constant 0 : index
        %parallel_loop3A_1037 = tpu.vector_load %arg4[%parallel_loop3A_1035, %parallel_loop3A_1036] {strides = array<i32>} : memref<64x128xf32, #tpu.memory_space<vmem>>, vector<16xf32>,
        %parallel_loop3A_1038 = arith.index_cast %parallel_loop3A_1034 : i32 to index
        %parallel_loop3A_1039 = arith.constant 0 : index
        %parallel_loop3A_1040 = tpu.vector_load %arg6[%parallel_loop3A_1038, %parallel_loop3A_1039] {strides = array<i32>} : memref<64x128xf32, #tpu.memory_space<vmem>>, vector<16xf32>,
        %parallel_loop3A_1041 = arith.mulf %parallel_loop3A_1037, %parallel_loop3A_1040 : vector<16xf32>
        %parallel_loop3A_1042 = arith.index_cast %parallel_loop3A_1034 : i32 to index
        %parallel_loop3A_1043 = arith.constant 16 : index
        %parallel_loop3A_1044 = tpu.vector_load %arg4[%parallel_loop3A_1042, %parallel_loop3A_1043] {strides = array<i32>} : memref<64x128xf32, #tpu.memory_space<vmem>>, vector<16xf32>,
        %parallel_loop3A_1045 = arith.index_cast %parallel_loop3A_1034 : i32 to index
        %parallel_loop3A_1046 = arith.constant 16 : index
        %parallel_loop3A_1047 = tpu.vector_load %arg6[%parallel_loop3A_1045, %parallel_loop3A_1046] {strides = array<i32>} : memref<64x128xf32, #tpu.memory_space<vmem>>, vector<16xf32>,
        %parallel_loop3A_1048 = arith.mulf %parallel_loop3A_1044, %parallel_loop3A_1047 : vector<16xf32>
        %parallel_loop3A_1049 = arith.addf %parallel_loop3A_1041, %parallel_loop3A_1048 : vector<16xf32>
        %parallel_loop3A_1050 = arith.index_cast %parallel_loop3A_1034 : i32 to index
        %parallel_loop3A_1051 = arith.constant 32 : index
        %parallel_loop3A_1052 = tpu.vector_load %arg4[%parallel_loop3A_1050, %parallel_loop3A_1051] {strides = array<i32>} : memref<64x128xf32, #tpu.memory_space<vmem>>, vector<16xf32>,
        %parallel_loop3A_1053 = arith.index_cast %parallel_loop3A_1034 : i32 to index
        %parallel_loop3A_1054 = arith.constant 32 : index
        %parallel_loop3A_1055 = tpu.vector_load %arg6[%parallel_loop3A_1053, %parallel_loop3A_1054] {strides = array<i32>} : memref<64x128xf32, #tpu.memory_space<vmem>>, vector<16xf32>,
        %parallel_loop3A_1056 = arith.mulf %parallel_loop3A_1052, %parallel_loop3A_1055 : vector<16xf32>
        %parallel_loop3A_1057 = arith.addf %parallel_loop3A_1049, %parallel_loop3A_1056 : vector<16xf32>
        %parallel_loop3A_1058 = arith.index_cast %parallel_loop3A_1034 : i32 to index
        %parallel_loop3A_1059 = arith.constant 48 : index
        %parallel_loop3A_1060 = tpu.vector_load %arg4[%parallel_loop3A_1058, %parallel_loop3A_1059] {strides = array<i32>} : memref<64x128xf32, #tpu.memory_space<vmem>>, vector<16xf32>,
        %parallel_loop3A_1061 = arith.index_cast %parallel_loop3A_1034 : i32 to index
        %parallel_loop3A_1062 = arith.constant 48 : index
        %parallel_loop3A_1063 = tpu.vector_load %arg6[%parallel_loop3A_1061, %parallel_loop3A_1062] {strides = array<i32>} : memref<64x128xf32, #tpu.memory_space<vmem>>, vector<16xf32>,
        %parallel_loop3A_1064 = arith.mulf %parallel_loop3A_1060, %parallel_loop3A_1063 : vector<16xf32>
        %parallel_loop3A_1065 = arith.addf %parallel_loop3A_1057, %parallel_loop3A_1064 : vector<16xf32>
        %parallel_loop3A_1066 = arith.index_cast %parallel_loop3A_1034 : i32 to index
        %parallel_loop3A_1067 = arith.constant 64 : index
        %parallel_loop3A_1068 = tpu.vector_load %arg4[%parallel_loop3A_1066, %parallel_loop3A_1067] {strides = array<i32>} : memref<64x128xf32, #tpu.memory_space<vmem>>, vector<16xf32>,
        %parallel_loop3A_1069 = arith.index_cast %parallel_loop3A_1034 : i32 to index
        %parallel_loop3A_1070 = arith.constant 64 : index
        %parallel_loop3A_1071 = tpu.vector_load %arg6[%parallel_loop3A_1069, %parallel_loop3A_1070] {strides = array<i32>} : memref<64x128xf32, #tpu.memory_space<vmem>>, vector<16xf32>,
        %parallel_loop3A_1072 = arith.mulf %parallel_loop3A_1068, %parallel_loop3A_1071 : vector<16xf32>
        %parallel_loop3A_1073 = arith.addf %parallel_loop3A_1065, %parallel_loop3A_1072 : vector<16xf32>
        %parallel_loop3A_1074 = arith.index_cast %parallel_loop3A_1034 : i32 to index
        %parallel_loop3A_1075 = arith.constant 80 : index
        %parallel_loop3A_1076 = tpu.vector_load %arg4[%parallel_loop3A_1074, %parallel_loop3A_1075] {strides = array<i32>} : memref<64x128xf32, #tpu.memory_space<vmem>>, vector<16xf32>,
        %parallel_loop3A_1077 = arith.index_cast %parallel_loop3A_1034 : i32 to index
        %parallel_loop3A_1078 = arith.constant 80 : index
        %parallel_loop3A_1079 = tpu.vector_load %arg6[%parallel_loop3A_1077, %parallel_loop3A_1078] {strides = array<i32>} : memref<64x128xf32, #tpu.memory_space<vmem>>, vector<16xf32>,
        %parallel_loop3A_1080 = arith.mulf %parallel_loop3A_1076, %parallel_loop3A_1079 : vector<16xf32>
        %parallel_loop3A_1081 = arith.addf %parallel_loop3A_1073, %parallel_loop3A_1080 : vector<16xf32>
        %parallel_loop3A_1082 = arith.index_cast %parallel_loop3A_1034 : i32 to index
        %parallel_loop3A_1083 = arith.constant 96 : index
        %parallel_loop3A_1084 = tpu.vector_load %arg4[%parallel_loop3A_1082, %parallel_loop3A_1083] {strides = array<i32>} : memref<64x128xf32, #tpu.memory_space<vmem>>, vector<16xf32>,
        %parallel_loop3A_1085 = arith.index_cast %parallel_loop3A_1034 : i32 to index
        %parallel_loop3A_1086 = arith.constant 96 : index
        %parallel_loop3A_1087 = tpu.vector_load %arg6[%parallel_loop3A_1085, %parallel_loop3A_1086] {strides = array<i32>} : memref<64x128xf32, #tpu.memory_space<vmem>>, vector<16xf32>,
        %parallel_loop3A_1088 = arith.mulf %parallel_loop3A_1084, %parallel_loop3A_1087 : vector<16xf32>
        %parallel_loop3A_1089 = arith.addf %parallel_loop3A_1081, %parallel_loop3A_1088 : vector<16xf32>
        %parallel_loop3A_1090 = arith.index_cast %parallel_loop3A_1034 : i32 to index
        %parallel_loop3A_1091 = arith.constant 112 : index
        %parallel_loop3A_1092 = tpu.vector_load %arg4[%parallel_loop3A_1090, %parallel_loop3A_1091] {strides = array<i32>} : memref<64x128xf32, #tpu.memory_space<vmem>>, vector<16xf32>,
        %parallel_loop3A_1093 = arith.index_cast %parallel_loop3A_1034 : i32 to index
        %parallel_loop3A_1094 = arith.constant 112 : index
        %parallel_loop3A_1095 = tpu.vector_load %arg6[%parallel_loop3A_1093, %parallel_loop3A_1094] {strides = array<i32>} : memref<64x128xf32, #tpu.memory_space<vmem>>, vector<16xf32>,
        %parallel_loop3A_1096 = arith.mulf %parallel_loop3A_1092, %parallel_loop3A_1095 : vector<16xf32>
        %parallel_loop3A_1097 = arith.addf %parallel_loop3A_1089, %parallel_loop3A_1096 : vector<16xf32>
        %parallel_loop3A_1098 = arith.constant 13 : i32
        %parallel_loop3A_1099 = arith.addi %parallel_loop3A_107, %parallel_loop3A_1098 : i32
        %parallel_loop3A_1100 = vector.broadcast %parallel_loop3A_1099 : i32 to vector<16xi32>
        %parallel_loop3A_1101 = arith.addi %mul3A_5, %parallel_loop3A_1100 : vector<16xi32>
        tpu.vector_store_idx %arg9[%parallel_loop3A_1101], %parallel_loop3A_1097 : memref<1088xf32, #tpu.memory_space<vmem>>[vector<16xi32>], vector<16xf32>,
        %parallel_loop3A_1102 = arith.constant 16 : i32
        %parallel_loop3A_1103 = arith.muli %parallel_loop3A_105, %parallel_loop3A_1102 : i32
        %parallel_loop3A_1104 = arith.constant 14 : i32
        %parallel_loop3A_1105 = arith.addi %parallel_loop3A_1103, %parallel_loop3A_1104 : i32
        %parallel_loop3A_1106 = arith.index_cast %parallel_loop3A_1105 : i32 to index
        %parallel_loop3A_1107 = arith.constant 0 : index
        %parallel_loop3A_1108 = tpu.vector_load %arg4[%parallel_loop3A_1106, %parallel_loop3A_1107] {strides = array<i32>} : memref<64x128xf32, #tpu.memory_space<vmem>>, vector<16xf32>,
        %parallel_loop3A_1109 = arith.index_cast %parallel_loop3A_1105 : i32 to index
        %parallel_loop3A_1110 = arith.constant 0 : index
        %parallel_loop3A_1111 = tpu.vector_load %arg6[%parallel_loop3A_1109, %parallel_loop3A_1110] {strides = array<i32>} : memref<64x128xf32, #tpu.memory_space<vmem>>, vector<16xf32>,
        %parallel_loop3A_1112 = arith.mulf %parallel_loop3A_1108, %parallel_loop3A_1111 : vector<16xf32>
        %parallel_loop3A_1113 = arith.index_cast %parallel_loop3A_1105 : i32 to index
        %parallel_loop3A_1114 = arith.constant 16 : index
        %parallel_loop3A_1115 = tpu.vector_load %arg4[%parallel_loop3A_1113, %parallel_loop3A_1114] {strides = array<i32>} : memref<64x128xf32, #tpu.memory_space<vmem>>, vector<16xf32>,
        %parallel_loop3A_1116 = arith.index_cast %parallel_loop3A_1105 : i32 to index
        %parallel_loop3A_1117 = arith.constant 16 : index
        %parallel_loop3A_1118 = tpu.vector_load %arg6[%parallel_loop3A_1116, %parallel_loop3A_1117] {strides = array<i32>} : memref<64x128xf32, #tpu.memory_space<vmem>>, vector<16xf32>,
        %parallel_loop3A_1119 = arith.mulf %parallel_loop3A_1115, %parallel_loop3A_1118 : vector<16xf32>
        %parallel_loop3A_1120 = arith.addf %parallel_loop3A_1112, %parallel_loop3A_1119 : vector<16xf32>
        %parallel_loop3A_1121 = arith.index_cast %parallel_loop3A_1105 : i32 to index
        %parallel_loop3A_1122 = arith.constant 32 : index
        %parallel_loop3A_1123 = tpu.vector_load %arg4[%parallel_loop3A_1121, %parallel_loop3A_1122] {strides = array<i32>} : memref<64x128xf32, #tpu.memory_space<vmem>>, vector<16xf32>,
        %parallel_loop3A_1124 = arith.index_cast %parallel_loop3A_1105 : i32 to index
        %parallel_loop3A_1125 = arith.constant 32 : index
        %parallel_loop3A_1126 = tpu.vector_load %arg6[%parallel_loop3A_1124, %parallel_loop3A_1125] {strides = array<i32>} : memref<64x128xf32, #tpu.memory_space<vmem>>, vector<16xf32>,
        %parallel_loop3A_1127 = arith.mulf %parallel_loop3A_1123, %parallel_loop3A_1126 : vector<16xf32>
        %parallel_loop3A_1128 = arith.addf %parallel_loop3A_1120, %parallel_loop3A_1127 : vector<16xf32>
        %parallel_loop3A_1129 = arith.index_cast %parallel_loop3A_1105 : i32 to index
        %parallel_loop3A_1130 = arith.constant 48 : index
        %parallel_loop3A_1131 = tpu.vector_load %arg4[%parallel_loop3A_1129, %parallel_loop3A_1130] {strides = array<i32>} : memref<64x128xf32, #tpu.memory_space<vmem>>, vector<16xf32>,
        %parallel_loop3A_1132 = arith.index_cast %parallel_loop3A_1105 : i32 to index
        %parallel_loop3A_1133 = arith.constant 48 : index
        %parallel_loop3A_1134 = tpu.vector_load %arg6[%parallel_loop3A_1132, %parallel_loop3A_1133] {strides = array<i32>} : memref<64x128xf32, #tpu.memory_space<vmem>>, vector<16xf32>,
        %parallel_loop3A_1135 = arith.mulf %parallel_loop3A_1131, %parallel_loop3A_1134 : vector<16xf32>
        %parallel_loop3A_1136 = arith.addf %parallel_loop3A_1128, %parallel_loop3A_1135 : vector<16xf32>
        %parallel_loop3A_1137 = arith.index_cast %parallel_loop3A_1105 : i32 to index
        %parallel_loop3A_1138 = arith.constant 64 : index
        %parallel_loop3A_1139 = tpu.vector_load %arg4[%parallel_loop3A_1137, %parallel_loop3A_1138] {strides = array<i32>} : memref<64x128xf32, #tpu.memory_space<vmem>>, vector<16xf32>,
        %parallel_loop3A_1140 = arith.index_cast %parallel_loop3A_1105 : i32 to index
        %parallel_loop3A_1141 = arith.constant 64 : index
        %parallel_loop3A_1142 = tpu.vector_load %arg6[%parallel_loop3A_1140, %parallel_loop3A_1141] {strides = array<i32>} : memref<64x128xf32, #tpu.memory_space<vmem>>, vector<16xf32>,
        %parallel_loop3A_1143 = arith.mulf %parallel_loop3A_1139, %parallel_loop3A_1142 : vector<16xf32>
        %parallel_loop3A_1144 = arith.addf %parallel_loop3A_1136, %parallel_loop3A_1143 : vector<16xf32>
        %parallel_loop3A_1145 = arith.index_cast %parallel_loop3A_1105 : i32 to index
        %parallel_loop3A_1146 = arith.constant 80 : index
        %parallel_loop3A_1147 = tpu.vector_load %arg4[%parallel_loop3A_1145, %parallel_loop3A_1146] {strides = array<i32>} : memref<64x128xf32, #tpu.memory_space<vmem>>, vector<16xf32>,
        %parallel_loop3A_1148 = arith.index_cast %parallel_loop3A_1105 : i32 to index
        %parallel_loop3A_1149 = arith.constant 80 : index
        %parallel_loop3A_1150 = tpu.vector_load %arg6[%parallel_loop3A_1148, %parallel_loop3A_1149] {strides = array<i32>} : memref<64x128xf32, #tpu.memory_space<vmem>>, vector<16xf32>,
        %parallel_loop3A_1151 = arith.mulf %parallel_loop3A_1147, %parallel_loop3A_1150 : vector<16xf32>
        %parallel_loop3A_1152 = arith.addf %parallel_loop3A_1144, %parallel_loop3A_1151 : vector<16xf32>
        %parallel_loop3A_1153 = arith.index_cast %parallel_loop3A_1105 : i32 to index
        %parallel_loop3A_1154 = arith.constant 96 : index
        %parallel_loop3A_1155 = tpu.vector_load %arg4[%parallel_loop3A_1153, %parallel_loop3A_1154] {strides = array<i32>} : memref<64x128xf32, #tpu.memory_space<vmem>>, vector<16xf32>,
        %parallel_loop3A_1156 = arith.index_cast %parallel_loop3A_1105 : i32 to index
        %parallel_loop3A_1157 = arith.constant 96 : index
        %parallel_loop3A_1158 = tpu.vector_load %arg6[%parallel_loop3A_1156, %parallel_loop3A_1157] {strides = array<i32>} : memref<64x128xf32, #tpu.memory_space<vmem>>, vector<16xf32>,
        %parallel_loop3A_1159 = arith.mulf %parallel_loop3A_1155, %parallel_loop3A_1158 : vector<16xf32>
        %parallel_loop3A_1160 = arith.addf %parallel_loop3A_1152, %parallel_loop3A_1159 : vector<16xf32>
        %parallel_loop3A_1161 = arith.index_cast %parallel_loop3A_1105 : i32 to index
        %parallel_loop3A_1162 = arith.constant 112 : index
        %parallel_loop3A_1163 = tpu.vector_load %arg4[%parallel_loop3A_1161, %parallel_loop3A_1162] {strides = array<i32>} : memref<64x128xf32, #tpu.memory_space<vmem>>, vector<16xf32>,
        %parallel_loop3A_1164 = arith.index_cast %parallel_loop3A_1105 : i32 to index
        %parallel_loop3A_1165 = arith.constant 112 : index
        %parallel_loop3A_1166 = tpu.vector_load %arg6[%parallel_loop3A_1164, %parallel_loop3A_1165] {strides = array<i32>} : memref<64x128xf32, #tpu.memory_space<vmem>>, vector<16xf32>,
        %parallel_loop3A_1167 = arith.mulf %parallel_loop3A_1163, %parallel_loop3A_1166 : vector<16xf32>
        %parallel_loop3A_1168 = arith.addf %parallel_loop3A_1160, %parallel_loop3A_1167 : vector<16xf32>
        %parallel_loop3A_1169 = arith.constant 14 : i32
        %parallel_loop3A_1170 = arith.addi %parallel_loop3A_107, %parallel_loop3A_1169 : i32
        %parallel_loop3A_1171 = vector.broadcast %parallel_loop3A_1170 : i32 to vector<16xi32>
        %parallel_loop3A_1172 = arith.addi %mul3A_5, %parallel_loop3A_1171 : vector<16xi32>
        tpu.vector_store_idx %arg9[%parallel_loop3A_1172], %parallel_loop3A_1168 : memref<1088xf32, #tpu.memory_space<vmem>>[vector<16xi32>], vector<16xf32>,
        %parallel_loop3A_1173 = arith.constant 16 : i32
        %parallel_loop3A_1174 = arith.muli %parallel_loop3A_105, %parallel_loop3A_1173 : i32
        %parallel_loop3A_1175 = arith.constant 15 : i32
        %parallel_loop3A_1176 = arith.addi %parallel_loop3A_1174, %parallel_loop3A_1175 : i32
        %parallel_loop3A_1177 = arith.index_cast %parallel_loop3A_1176 : i32 to index
        %parallel_loop3A_1178 = arith.constant 0 : index
        %parallel_loop3A_1179 = tpu.vector_load %arg4[%parallel_loop3A_1177, %parallel_loop3A_1178] {strides = array<i32>} : memref<64x128xf32, #tpu.memory_space<vmem>>, vector<16xf32>,
        %parallel_loop3A_1180 = arith.index_cast %parallel_loop3A_1176 : i32 to index
        %parallel_loop3A_1181 = arith.constant 0 : index
        %parallel_loop3A_1182 = tpu.vector_load %arg6[%parallel_loop3A_1180, %parallel_loop3A_1181] {strides = array<i32>} : memref<64x128xf32, #tpu.memory_space<vmem>>, vector<16xf32>,
        %parallel_loop3A_1183 = arith.mulf %parallel_loop3A_1179, %parallel_loop3A_1182 : vector<16xf32>
        %parallel_loop3A_1184 = arith.index_cast %parallel_loop3A_1176 : i32 to index
        %parallel_loop3A_1185 = arith.constant 16 : index
        %parallel_loop3A_1186 = tpu.vector_load %arg4[%parallel_loop3A_1184, %parallel_loop3A_1185] {strides = array<i32>} : memref<64x128xf32, #tpu.memory_space<vmem>>, vector<16xf32>,
        %parallel_loop3A_1187 = arith.index_cast %parallel_loop3A_1176 : i32 to index
        %parallel_loop3A_1188 = arith.constant 16 : index
        %parallel_loop3A_1189 = tpu.vector_load %arg6[%parallel_loop3A_1187, %parallel_loop3A_1188] {strides = array<i32>} : memref<64x128xf32, #tpu.memory_space<vmem>>, vector<16xf32>,
        %parallel_loop3A_1190 = arith.mulf %parallel_loop3A_1186, %parallel_loop3A_1189 : vector<16xf32>
        %parallel_loop3A_1191 = arith.addf %parallel_loop3A_1183, %parallel_loop3A_1190 : vector<16xf32>
        %parallel_loop3A_1192 = arith.index_cast %parallel_loop3A_1176 : i32 to index
        %parallel_loop3A_1193 = arith.constant 32 : index
        %parallel_loop3A_1194 = tpu.vector_load %arg4[%parallel_loop3A_1192, %parallel_loop3A_1193] {strides = array<i32>} : memref<64x128xf32, #tpu.memory_space<vmem>>, vector<16xf32>,
        %parallel_loop3A_1195 = arith.index_cast %parallel_loop3A_1176 : i32 to index
        %parallel_loop3A_1196 = arith.constant 32 : index
        %parallel_loop3A_1197 = tpu.vector_load %arg6[%parallel_loop3A_1195, %parallel_loop3A_1196] {strides = array<i32>} : memref<64x128xf32, #tpu.memory_space<vmem>>, vector<16xf32>,
        %parallel_loop3A_1198 = arith.mulf %parallel_loop3A_1194, %parallel_loop3A_1197 : vector<16xf32>
        %parallel_loop3A_1199 = arith.addf %parallel_loop3A_1191, %parallel_loop3A_1198 : vector<16xf32>
        %parallel_loop3A_1200 = arith.index_cast %parallel_loop3A_1176 : i32 to index
        %parallel_loop3A_1201 = arith.constant 48 : index
        %parallel_loop3A_1202 = tpu.vector_load %arg4[%parallel_loop3A_1200, %parallel_loop3A_1201] {strides = array<i32>} : memref<64x128xf32, #tpu.memory_space<vmem>>, vector<16xf32>,
        %parallel_loop3A_1203 = arith.index_cast %parallel_loop3A_1176 : i32 to index
        %parallel_loop3A_1204 = arith.constant 48 : index
        %parallel_loop3A_1205 = tpu.vector_load %arg6[%parallel_loop3A_1203, %parallel_loop3A_1204] {strides = array<i32>} : memref<64x128xf32, #tpu.memory_space<vmem>>, vector<16xf32>,
        %parallel_loop3A_1206 = arith.mulf %parallel_loop3A_1202, %parallel_loop3A_1205 : vector<16xf32>
        %parallel_loop3A_1207 = arith.addf %parallel_loop3A_1199, %parallel_loop3A_1206 : vector<16xf32>
        %parallel_loop3A_1208 = arith.index_cast %parallel_loop3A_1176 : i32 to index
        %parallel_loop3A_1209 = arith.constant 64 : index
        %parallel_loop3A_1210 = tpu.vector_load %arg4[%parallel_loop3A_1208, %parallel_loop3A_1209] {strides = array<i32>} : memref<64x128xf32, #tpu.memory_space<vmem>>, vector<16xf32>,
        %parallel_loop3A_1211 = arith.index_cast %parallel_loop3A_1176 : i32 to index
        %parallel_loop3A_1212 = arith.constant 64 : index
        %parallel_loop3A_1213 = tpu.vector_load %arg6[%parallel_loop3A_1211, %parallel_loop3A_1212] {strides = array<i32>} : memref<64x128xf32, #tpu.memory_space<vmem>>, vector<16xf32>,
        %parallel_loop3A_1214 = arith.mulf %parallel_loop3A_1210, %parallel_loop3A_1213 : vector<16xf32>
        %parallel_loop3A_1215 = arith.addf %parallel_loop3A_1207, %parallel_loop3A_1214 : vector<16xf32>
        %parallel_loop3A_1216 = arith.index_cast %parallel_loop3A_1176 : i32 to index
        %parallel_loop3A_1217 = arith.constant 80 : index
        %parallel_loop3A_1218 = tpu.vector_load %arg4[%parallel_loop3A_1216, %parallel_loop3A_1217] {strides = array<i32>} : memref<64x128xf32, #tpu.memory_space<vmem>>, vector<16xf32>,
        %parallel_loop3A_1219 = arith.index_cast %parallel_loop3A_1176 : i32 to index
        %parallel_loop3A_1220 = arith.constant 80 : index
        %parallel_loop3A_1221 = tpu.vector_load %arg6[%parallel_loop3A_1219, %parallel_loop3A_1220] {strides = array<i32>} : memref<64x128xf32, #tpu.memory_space<vmem>>, vector<16xf32>,
        %parallel_loop3A_1222 = arith.mulf %parallel_loop3A_1218, %parallel_loop3A_1221 : vector<16xf32>
        %parallel_loop3A_1223 = arith.addf %parallel_loop3A_1215, %parallel_loop3A_1222 : vector<16xf32>
        %parallel_loop3A_1224 = arith.index_cast %parallel_loop3A_1176 : i32 to index
        %parallel_loop3A_1225 = arith.constant 96 : index
        %parallel_loop3A_1226 = tpu.vector_load %arg4[%parallel_loop3A_1224, %parallel_loop3A_1225] {strides = array<i32>} : memref<64x128xf32, #tpu.memory_space<vmem>>, vector<16xf32>,
        %parallel_loop3A_1227 = arith.index_cast %parallel_loop3A_1176 : i32 to index
        %parallel_loop3A_1228 = arith.constant 96 : index
        %parallel_loop3A_1229 = tpu.vector_load %arg6[%parallel_loop3A_1227, %parallel_loop3A_1228] {strides = array<i32>} : memref<64x128xf32, #tpu.memory_space<vmem>>, vector<16xf32>,
        %parallel_loop3A_1230 = arith.mulf %parallel_loop3A_1226, %parallel_loop3A_1229 : vector<16xf32>
        %parallel_loop3A_1231 = arith.addf %parallel_loop3A_1223, %parallel_loop3A_1230 : vector<16xf32>
        %parallel_loop3A_1232 = arith.index_cast %parallel_loop3A_1176 : i32 to index
        %parallel_loop3A_1233 = arith.constant 112 : index
        %parallel_loop3A_1234 = tpu.vector_load %arg4[%parallel_loop3A_1232, %parallel_loop3A_1233] {strides = array<i32>} : memref<64x128xf32, #tpu.memory_space<vmem>>, vector<16xf32>,
        %parallel_loop3A_1235 = arith.index_cast %parallel_loop3A_1176 : i32 to index
        %parallel_loop3A_1236 = arith.constant 112 : index
        %parallel_loop3A_1237 = tpu.vector_load %arg6[%parallel_loop3A_1235, %parallel_loop3A_1236] {strides = array<i32>} : memref<64x128xf32, #tpu.memory_space<vmem>>, vector<16xf32>,
        %parallel_loop3A_1238 = arith.mulf %parallel_loop3A_1234, %parallel_loop3A_1237 : vector<16xf32>
        %parallel_loop3A_1239 = arith.addf %parallel_loop3A_1231, %parallel_loop3A_1238 : vector<16xf32>
        %parallel_loop3A_1240 = arith.constant 15 : i32
        %parallel_loop3A_1241 = arith.addi %parallel_loop3A_107, %parallel_loop3A_1240 : i32
        %parallel_loop3A_1242 = vector.broadcast %parallel_loop3A_1241 : i32 to vector<16xi32>
        %parallel_loop3A_1243 = arith.addi %mul3A_5, %parallel_loop3A_1242 : vector<16xi32>
        tpu.vector_store_idx %arg9[%parallel_loop3A_1243], %parallel_loop3A_1239 : memref<1088xf32, #tpu.memory_space<vmem>>[vector<16xi32>], vector<16xf32>,
        %parallel_loop3A_1244 = arith.constant 0 : i32
        %parallel_loop3A_1245 = arith.addi %parallel_loop3A_107, %parallel_loop3A_1244 : i32
        %parallel_loop3A_1246 = vector.broadcast %parallel_loop3A_1245 : i32 to vector<16xi32>
        %parallel_loop3A_1247 = arith.addi %iota3A, %parallel_loop3A_1246 : vector<16xi32>
        %parallel_loop3A_1248 = tpu.vector_load_idx %arg9[%parallel_loop3A_1247] : memref<1088xf32, #tpu.memory_space<vmem>>[vector<16xi32>], vector<16xf32>,
        %parallel_loop3A_1249 = arith.constant 17 : i32
        %parallel_loop3A_1250 = arith.addi %parallel_loop3A_107, %parallel_loop3A_1249 : i32
        %parallel_loop3A_1251 = vector.broadcast %parallel_loop3A_1250 : i32 to vector<16xi32>
        %parallel_loop3A_1252 = arith.addi %iota3A, %parallel_loop3A_1251 : vector<16xi32>
        %parallel_loop3A_1253 = tpu.vector_load_idx %arg9[%parallel_loop3A_1252] : memref<1088xf32, #tpu.memory_space<vmem>>[vector<16xi32>], vector<16xf32>,
        %parallel_loop3A_1254 = arith.constant 34 : i32
        %parallel_loop3A_1255 = arith.addi %parallel_loop3A_107, %parallel_loop3A_1254 : i32
        %parallel_loop3A_1256 = vector.broadcast %parallel_loop3A_1255 : i32 to vector<16xi32>
        %parallel_loop3A_1257 = arith.addi %iota3A, %parallel_loop3A_1256 : vector<16xi32>
        %parallel_loop3A_1258 = tpu.vector_load_idx %arg9[%parallel_loop3A_1257] : memref<1088xf32, #tpu.memory_space<vmem>>[vector<16xi32>], vector<16xf32>,
        %parallel_loop3A_1259 = arith.constant 51 : i32
        %parallel_loop3A_1260 = arith.addi %parallel_loop3A_107, %parallel_loop3A_1259 : i32
        %parallel_loop3A_1261 = vector.broadcast %parallel_loop3A_1260 : i32 to vector<16xi32>
        %parallel_loop3A_1262 = arith.addi %iota3A, %parallel_loop3A_1261 : vector<16xi32>
        %parallel_loop3A_1263 = tpu.vector_load_idx %arg9[%parallel_loop3A_1262] : memref<1088xf32, #tpu.memory_space<vmem>>[vector<16xi32>], vector<16xf32>,
        %parallel_loop3A_1264 = arith.constant 68 : i32
        %parallel_loop3A_1265 = arith.addi %parallel_loop3A_107, %parallel_loop3A_1264 : i32
        %parallel_loop3A_1266 = vector.broadcast %parallel_loop3A_1265 : i32 to vector<16xi32>
        %parallel_loop3A_1267 = arith.addi %iota3A, %parallel_loop3A_1266 : vector<16xi32>
        %parallel_loop3A_1268 = tpu.vector_load_idx %arg9[%parallel_loop3A_1267] : memref<1088xf32, #tpu.memory_space<vmem>>[vector<16xi32>], vector<16xf32>,
        %parallel_loop3A_1269 = arith.constant 85 : i32
        %parallel_loop3A_1270 = arith.addi %parallel_loop3A_107, %parallel_loop3A_1269 : i32
        %parallel_loop3A_1271 = vector.broadcast %parallel_loop3A_1270 : i32 to vector<16xi32>
        %parallel_loop3A_1272 = arith.addi %iota3A, %parallel_loop3A_1271 : vector<16xi32>
        %parallel_loop3A_1273 = tpu.vector_load_idx %arg9[%parallel_loop3A_1272] : memref<1088xf32, #tpu.memory_space<vmem>>[vector<16xi32>], vector<16xf32>,
        %parallel_loop3A_1274 = arith.constant 102 : i32
        %parallel_loop3A_1275 = arith.addi %parallel_loop3A_107, %parallel_loop3A_1274 : i32
        %parallel_loop3A_1276 = vector.broadcast %parallel_loop3A_1275 : i32 to vector<16xi32>
        %parallel_loop3A_1277 = arith.addi %iota3A, %parallel_loop3A_1276 : vector<16xi32>
        %parallel_loop3A_1278 = tpu.vector_load_idx %arg9[%parallel_loop3A_1277] : memref<1088xf32, #tpu.memory_space<vmem>>[vector<16xi32>], vector<16xf32>,
        %parallel_loop3A_1279 = arith.constant 119 : i32
        %parallel_loop3A_1280 = arith.addi %parallel_loop3A_107, %parallel_loop3A_1279 : i32
        %parallel_loop3A_1281 = vector.broadcast %parallel_loop3A_1280 : i32 to vector<16xi32>
        %parallel_loop3A_1282 = arith.addi %iota3A, %parallel_loop3A_1281 : vector<16xi32>
        %parallel_loop3A_1283 = tpu.vector_load_idx %arg9[%parallel_loop3A_1282] : memref<1088xf32, #tpu.memory_space<vmem>>[vector<16xi32>], vector<16xf32>,
        %parallel_loop3A_1284 = arith.constant 136 : i32
        %parallel_loop3A_1285 = arith.addi %parallel_loop3A_107, %parallel_loop3A_1284 : i32
        %parallel_loop3A_1286 = vector.broadcast %parallel_loop3A_1285 : i32 to vector<16xi32>
        %parallel_loop3A_1287 = arith.addi %iota3A, %parallel_loop3A_1286 : vector<16xi32>
        %parallel_loop3A_1288 = tpu.vector_load_idx %arg9[%parallel_loop3A_1287] : memref<1088xf32, #tpu.memory_space<vmem>>[vector<16xi32>], vector<16xf32>,
        %parallel_loop3A_1289 = arith.constant 153 : i32
        %parallel_loop3A_1290 = arith.addi %parallel_loop3A_107, %parallel_loop3A_1289 : i32
        %parallel_loop3A_1291 = vector.broadcast %parallel_loop3A_1290 : i32 to vector<16xi32>
        %parallel_loop3A_1292 = arith.addi %iota3A, %parallel_loop3A_1291 : vector<16xi32>
        %parallel_loop3A_1293 = tpu.vector_load_idx %arg9[%parallel_loop3A_1292] : memref<1088xf32, #tpu.memory_space<vmem>>[vector<16xi32>], vector<16xf32>,
        %parallel_loop3A_1294 = arith.constant 170 : i32
        %parallel_loop3A_1295 = arith.addi %parallel_loop3A_107, %parallel_loop3A_1294 : i32
        %parallel_loop3A_1296 = vector.broadcast %parallel_loop3A_1295 : i32 to vector<16xi32>
        %parallel_loop3A_1297 = arith.addi %iota3A, %parallel_loop3A_1296 : vector<16xi32>
        %parallel_loop3A_1298 = tpu.vector_load_idx %arg9[%parallel_loop3A_1297] : memref<1088xf32, #tpu.memory_space<vmem>>[vector<16xi32>], vector<16xf32>,
        %parallel_loop3A_1299 = arith.constant 187 : i32
        %parallel_loop3A_1300 = arith.addi %parallel_loop3A_107, %parallel_loop3A_1299 : i32
        %parallel_loop3A_1301 = vector.broadcast %parallel_loop3A_1300 : i32 to vector<16xi32>
        %parallel_loop3A_1302 = arith.addi %iota3A, %parallel_loop3A_1301 : vector<16xi32>
        %parallel_loop3A_1303 = tpu.vector_load_idx %arg9[%parallel_loop3A_1302] : memref<1088xf32, #tpu.memory_space<vmem>>[vector<16xi32>], vector<16xf32>,
        %parallel_loop3A_1304 = arith.constant 204 : i32
        %parallel_loop3A_1305 = arith.addi %parallel_loop3A_107, %parallel_loop3A_1304 : i32
        %parallel_loop3A_1306 = vector.broadcast %parallel_loop3A_1305 : i32 to vector<16xi32>
        %parallel_loop3A_1307 = arith.addi %iota3A, %parallel_loop3A_1306 : vector<16xi32>
        %parallel_loop3A_1308 = tpu.vector_load_idx %arg9[%parallel_loop3A_1307] : memref<1088xf32, #tpu.memory_space<vmem>>[vector<16xi32>], vector<16xf32>,
        %parallel_loop3A_1309 = arith.constant 221 : i32
        %parallel_loop3A_1310 = arith.addi %parallel_loop3A_107, %parallel_loop3A_1309 : i32
        %parallel_loop3A_1311 = vector.broadcast %parallel_loop3A_1310 : i32 to vector<16xi32>
        %parallel_loop3A_1312 = arith.addi %iota3A, %parallel_loop3A_1311 : vector<16xi32>
        %parallel_loop3A_1313 = tpu.vector_load_idx %arg9[%parallel_loop3A_1312] : memref<1088xf32, #tpu.memory_space<vmem>>[vector<16xi32>], vector<16xf32>,
        %parallel_loop3A_1314 = arith.constant 238 : i32
        %parallel_loop3A_1315 = arith.addi %parallel_loop3A_107, %parallel_loop3A_1314 : i32
        %parallel_loop3A_1316 = vector.broadcast %parallel_loop3A_1315 : i32 to vector<16xi32>
        %parallel_loop3A_1317 = arith.addi %iota3A, %parallel_loop3A_1316 : vector<16xi32>
        %parallel_loop3A_1318 = tpu.vector_load_idx %arg9[%parallel_loop3A_1317] : memref<1088xf32, #tpu.memory_space<vmem>>[vector<16xi32>], vector<16xf32>,
        %parallel_loop3A_1319 = arith.constant 255 : i32
        %parallel_loop3A_1320 = arith.addi %parallel_loop3A_107, %parallel_loop3A_1319 : i32
        %parallel_loop3A_1321 = vector.broadcast %parallel_loop3A_1320 : i32 to vector<16xi32>
        %parallel_loop3A_1322 = arith.addi %iota3A, %parallel_loop3A_1321 : vector<16xi32>
        %parallel_loop3A_1323 = tpu.vector_load_idx %arg9[%parallel_loop3A_1322] : memref<1088xf32, #tpu.memory_space<vmem>>[vector<16xi32>], vector<16xf32>,
        %parallel_loop3A_1324 = arith.addf %parallel_loop3A_1248, %parallel_loop3A_1253 : vector<16xf32>
        %parallel_loop3A_1325 = arith.addf %parallel_loop3A_1258, %parallel_loop3A_1263 : vector<16xf32>
        %parallel_loop3A_1326 = arith.addf %parallel_loop3A_1268, %parallel_loop3A_1273 : vector<16xf32>
        %parallel_loop3A_1327 = arith.addf %parallel_loop3A_1278, %parallel_loop3A_1283 : vector<16xf32>
        %parallel_loop3A_1328 = arith.addf %parallel_loop3A_1288, %parallel_loop3A_1293 : vector<16xf32>
        %parallel_loop3A_1329 = arith.addf %parallel_loop3A_1298, %parallel_loop3A_1303 : vector<16xf32>
        %parallel_loop3A_1330 = arith.addf %parallel_loop3A_1308, %parallel_loop3A_1313 : vector<16xf32>
        %parallel_loop3A_1331 = arith.addf %parallel_loop3A_1318, %parallel_loop3A_1323 : vector<16xf32>
        %parallel_loop3A_1332 = arith.addf %parallel_loop3A_1324, %parallel_loop3A_1325 : vector<16xf32>
        %parallel_loop3A_1333 = arith.addf %parallel_loop3A_1326, %parallel_loop3A_1327 : vector<16xf32>
        %parallel_loop3A_1334 = arith.addf %parallel_loop3A_1328, %parallel_loop3A_1329 : vector<16xf32>
        %parallel_loop3A_1335 = arith.addf %parallel_loop3A_1330, %parallel_loop3A_1331 : vector<16xf32>
        %parallel_loop3A_1336 = arith.addf %parallel_loop3A_1332, %parallel_loop3A_1333 : vector<16xf32>
        %parallel_loop3A_1337 = arith.addf %parallel_loop3A_1334, %parallel_loop3A_1335 : vector<16xf32>
        %parallel_loop3A_1338 = arith.addf %parallel_loop3A_1336, %parallel_loop3A_1337 : vector<16xf32>
        %parallel_loop3A_1339 = arith.constant 16 : i32
        %parallel_loop3A_1340 = arith.muli %parallel_loop3A_105, %parallel_loop3A_1339 : i32
        %parallel_loop3A_1341 = arith.addi %mul3A_66, %parallel_loop3A_1340 : i32
        %parallel_loop3A_1342 = arith.index_cast %parallel_loop3A_1341 : i32 to index
        %parallel_loop3A_1343 = tpu.vector_load %arg8[%parallel_loop3A_1342] {strides = array<i32>} : memref<512xf32, #tpu.memory_space<vmem>>, vector<16xf32>,
        tpu.vector_store %arg8[%parallel_loop3A_1342], %parallel_loop3A_1338 {strides = array<i32>} : memref<512xf32, #tpu.memory_space<vmem>>, vector<16xf32>,
      } {sc.loop_unroll_factor = 1 : i64, sc.parallel_access}
      %add3A_69 = arith.constant 2 : i32
      %add3A_70 = arith.addi %add3A_47, %add3A_69 : i32
      %lt3A = arith.constant 8 : i32
      %lt3A_71 = arith.cmpi slt, %add3A_70, %lt3A : i32
      %convert_element_type3A = arith.extui %lt3A_71 : i1 to i32
      %cond3A = arith.constant 0 : i32
      %cond3A_72 = arith.cmpi ne, %convert_element_type3A, %cond3A : i32
      scf.if %cond3A_72 {
        %mul3A_105 = arith.constant 64 : i32
        %mul3A_106 = arith.muli %add3A_70, %mul3A_105 : i32
        %add3A_107 = arith.addi %mul3A_2, %mul3A_106 : i32
        %dma_start3A_108 = arith.constant 0 : i32
        %dma_start3A_109 = arith.constant 0 : i32
        %dma_start3A_110 = tpu.memref_slice %arg2[%dma_start3A_108, %add3A_107, %dma_start3A_109] : memref<2x16384x128xf32, #tpu.memory_space<hbm>> -> memref<1x64x128xf32, #tpu.memory_space<hbm>>
        %dma_start3A_111 = tpu.memref_squeeze %dma_start3A_110 : memref<1x64x128xf32, #tpu.memory_space<hbm>> -> memref<64x128xf32, #tpu.memory_space<hbm>>
        %dma_start3A_112 = arith.constant 0 : i32
        %dma_start3A_113 = tpu.memref_slice %arg2[%dma_start3A_108, %add3A_107, %dma_start3A_112] : memref<2x16384x128xf32, #tpu.memory_space<hbm>> -> memref<1x64x128xf32, #tpu.memory_space<hbm>>
        %dma_start3A_114 = tpu.memref_squeeze %dma_start3A_113 : memref<1x64x128xf32, #tpu.memory_space<hbm>> -> memref<64x128xf32, #tpu.memory_space<hbm>>
        tpu.enqueue_dma source(%dma_start3A_114 : memref<64x128xf32, #tpu.memory_space<hbm>>) target(%arg4 : memref<64x128xf32, #tpu.memory_space<vmem>>) target_semaphore(%arg10 : memref<!tpu.dma_semaphore, #tpu.memory_space<semaphore_mem>>)
        %dma_start3A_115 = arith.constant 1 : i32
        %dma_start3A_116 = arith.constant 0 : i32
        %dma_start3A_117 = tpu.memref_slice %arg2[%dma_start3A_115, %add3A_107, %dma_start3A_116] : memref<2x16384x128xf32, #tpu.memory_space<hbm>> -> memref<1x64x128xf32, #tpu.memory_space<hbm>>
        %dma_start3A_118 = tpu.memref_squeeze %dma_start3A_117 : memref<1x64x128xf32, #tpu.memory_space<hbm>> -> memref<64x128xf32, #tpu.memory_space<hbm>>
        %dma_start3A_119 = arith.constant 0 : i32
        %dma_start3A_120 = tpu.memref_slice %arg2[%dma_start3A_115, %add3A_107, %dma_start3A_119] : memref<2x16384x128xf32, #tpu.memory_space<hbm>> -> memref<1x64x128xf32, #tpu.memory_space<hbm>>
        %dma_start3A_121 = tpu.memref_squeeze %dma_start3A_120 : memref<1x64x128xf32, #tpu.memory_space<hbm>> -> memref<64x128xf32, #tpu.memory_space<hbm>>
        tpu.enqueue_dma source(%dma_start3A_121 : memref<64x128xf32, #tpu.memory_space<hbm>>) target(%arg6 : memref<64x128xf32, #tpu.memory_space<vmem>>) target_semaphore(%arg12 : memref<!tpu.dma_semaphore, #tpu.memory_space<semaphore_mem>>)
      } else {
      }
      %add3A_73 = arith.constant 1 : i32
      %add3A_74 = arith.addi %add3A_45, %add3A_73 : i32
      %dma_wait3A_75 = arith.constant 0 : i32
      %dma_wait3A_76 = arith.constant 0 : i32
      %dma_wait3A_77 = arith.constant 0 : i32
      %dma_wait3A_78 = tpu.memref_slice %arg2[%dma_wait3A_75, %dma_wait3A_76, %dma_wait3A_77] : memref<2x16384x128xf32, #tpu.memory_space<hbm>> -> memref<1x64x128xf32, #tpu.memory_space<hbm>>
      %dma_wait3A_79 = tpu.memref_squeeze %dma_wait3A_78 : memref<1x64x128xf32, #tpu.memory_space<hbm>> -> memref<64x128xf32, #tpu.memory_space<hbm>>
      %dma_wait3A_80 = arith.constant 0 : i32
      %dma_wait3A_81 = arith.constant 0 : i32
      %dma_wait3A_82 = tpu.memref_slice %arg2[%dma_wait3A_75, %dma_wait3A_80, %dma_wait3A_81] : memref<2x16384x128xf32, #tpu.memory_space<hbm>> -> memref<1x64x128xf32, #tpu.memory_space<hbm>>
      %dma_wait3A_83 = tpu.memref_squeeze %dma_wait3A_82 : memref<1x64x128xf32, #tpu.memory_space<hbm>> -> memref<64x128xf32, #tpu.memory_space<hbm>>
      tpu.wait_dma2 semaphore(%arg11 : memref<!tpu.dma_semaphore, #tpu.memory_space<semaphore_mem>>) src(%dma_wait3A_83 : memref<64x128xf32, #tpu.memory_space<hbm>>) dst(%arg5 : memref<64x128xf32, #tpu.memory_space<vmem>>)
      %dma_wait3A_84 = arith.constant 1 : i32
      %dma_wait3A_85 = arith.constant 0 : i32
      %dma_wait3A_86 = arith.constant 0 : i32
      %dma_wait3A_87 = tpu.memref_slice %arg2[%dma_wait3A_84, %dma_wait3A_85, %dma_wait3A_86] : memref<2x16384x128xf32, #tpu.memory_space<hbm>> -> memref<1x64x128xf32, #tpu.memory_space<hbm>>
      %dma_wait3A_88 = tpu.memref_squeeze %dma_wait3A_87 : memref<1x64x128xf32, #tpu.memory_space<hbm>> -> memref<64x128xf32, #tpu.memory_space<hbm>>
      %dma_wait3A_89 = arith.constant 0 : i32
      %dma_wait3A_90 = arith.constant 0 : i32
      %dma_wait3A_91 = tpu.memref_slice %arg2[%dma_wait3A_84, %dma_wait3A_89, %dma_wait3A_90] : memref<2x16384x128xf32, #tpu.memory_space<hbm>> -> memref<1x64x128xf32, #tpu.memory_space<hbm>>
      %dma_wait3A_92 = tpu.memref_squeeze %dma_wait3A_91 : memref<1x64x128xf32, #tpu.memory_space<hbm>> -> memref<64x128xf32, #tpu.memory_space<hbm>>
      tpu.wait_dma2 semaphore(%arg13 : memref<!tpu.dma_semaphore, #tpu.memory_space<semaphore_mem>>) src(%dma_wait3A_92 : memref<64x128xf32, #tpu.memory_space<hbm>>) dst(%arg7 : memref<64x128xf32, #tpu.memory_space<vmem>>)
      %mul3A_93 = arith.constant 64 : i32
      %mul3A_94 = arith.muli %add3A_74, %mul3A_93 : i32
      %parallel_loop3A_95 = arith.constant 0 : i32
      %parallel_loop3A_96 = arith.constant 4 : i32
      %parallel_loop3A_97 = arith.constant 1 : i32
      scf.for %parallel_loop3A_105 = %parallel_loop3A_95 to %parallel_loop3A_96 step %parallel_loop3A_97  : i32 {
        %parallel_loop3A_106 = arith.constant 272 : i32
        %parallel_loop3A_107 = arith.muli %parallel_loop3A_105, %parallel_loop3A_106 : i32
        %parallel_loop3A_108 = arith.constant 16 : i32
        %parallel_loop3A_109 = arith.muli %parallel_loop3A_105, %parallel_loop3A_108 : i32
        %parallel_loop3A_110 = arith.constant 0 : i32
        %parallel_loop3A_111 = arith.addi %parallel_loop3A_109, %parallel_loop3A_110 : i32
        %parallel_loop3A_112 = arith.index_cast %parallel_loop3A_111 : i32 to index
        %parallel_loop3A_113 = arith.constant 0 : index
        %parallel_loop3A_114 = tpu.vector_load %arg5[%parallel_loop3A_112, %parallel_loop3A_113] {strides = array<i32>} : memref<64x128xf32, #tpu.memory_space<vmem>>, vector<16xf32>,
        %parallel_loop3A_115 = arith.index_cast %parallel_loop3A_111 : i32 to index
        %parallel_loop3A_116 = arith.constant 0 : index
        %parallel_loop3A_117 = tpu.vector_load %arg7[%parallel_loop3A_115, %parallel_loop3A_116] {strides = array<i32>} : memref<64x128xf32, #tpu.memory_space<vmem>>, vector<16xf32>,
        %parallel_loop3A_118 = arith.mulf %parallel_loop3A_114, %parallel_loop3A_117 : vector<16xf32>
        %parallel_loop3A_119 = arith.index_cast %parallel_loop3A_111 : i32 to index
        %parallel_loop3A_120 = arith.constant 16 : index
        %parallel_loop3A_121 = tpu.vector_load %arg5[%parallel_loop3A_119, %parallel_loop3A_120] {strides = array<i32>} : memref<64x128xf32, #tpu.memory_space<vmem>>, vector<16xf32>,
        %parallel_loop3A_122 = arith.index_cast %parallel_loop3A_111 : i32 to index
        %parallel_loop3A_123 = arith.constant 16 : index
        %parallel_loop3A_124 = tpu.vector_load %arg7[%parallel_loop3A_122, %parallel_loop3A_123] {strides = array<i32>} : memref<64x128xf32, #tpu.memory_space<vmem>>, vector<16xf32>,
        %parallel_loop3A_125 = arith.mulf %parallel_loop3A_121, %parallel_loop3A_124 : vector<16xf32>
        %parallel_loop3A_126 = arith.addf %parallel_loop3A_118, %parallel_loop3A_125 : vector<16xf32>
        %parallel_loop3A_127 = arith.index_cast %parallel_loop3A_111 : i32 to index
        %parallel_loop3A_128 = arith.constant 32 : index
        %parallel_loop3A_129 = tpu.vector_load %arg5[%parallel_loop3A_127, %parallel_loop3A_128] {strides = array<i32>} : memref<64x128xf32, #tpu.memory_space<vmem>>, vector<16xf32>,
        %parallel_loop3A_130 = arith.index_cast %parallel_loop3A_111 : i32 to index
        %parallel_loop3A_131 = arith.constant 32 : index
        %parallel_loop3A_132 = tpu.vector_load %arg7[%parallel_loop3A_130, %parallel_loop3A_131] {strides = array<i32>} : memref<64x128xf32, #tpu.memory_space<vmem>>, vector<16xf32>,
        %parallel_loop3A_133 = arith.mulf %parallel_loop3A_129, %parallel_loop3A_132 : vector<16xf32>
        %parallel_loop3A_134 = arith.addf %parallel_loop3A_126, %parallel_loop3A_133 : vector<16xf32>
        %parallel_loop3A_135 = arith.index_cast %parallel_loop3A_111 : i32 to index
        %parallel_loop3A_136 = arith.constant 48 : index
        %parallel_loop3A_137 = tpu.vector_load %arg5[%parallel_loop3A_135, %parallel_loop3A_136] {strides = array<i32>} : memref<64x128xf32, #tpu.memory_space<vmem>>, vector<16xf32>,
        %parallel_loop3A_138 = arith.index_cast %parallel_loop3A_111 : i32 to index
        %parallel_loop3A_139 = arith.constant 48 : index
        %parallel_loop3A_140 = tpu.vector_load %arg7[%parallel_loop3A_138, %parallel_loop3A_139] {strides = array<i32>} : memref<64x128xf32, #tpu.memory_space<vmem>>, vector<16xf32>,
        %parallel_loop3A_141 = arith.mulf %parallel_loop3A_137, %parallel_loop3A_140 : vector<16xf32>
        %parallel_loop3A_142 = arith.addf %parallel_loop3A_134, %parallel_loop3A_141 : vector<16xf32>
        %parallel_loop3A_143 = arith.index_cast %parallel_loop3A_111 : i32 to index
        %parallel_loop3A_144 = arith.constant 64 : index
        %parallel_loop3A_145 = tpu.vector_load %arg5[%parallel_loop3A_143, %parallel_loop3A_144] {strides = array<i32>} : memref<64x128xf32, #tpu.memory_space<vmem>>, vector<16xf32>,
        %parallel_loop3A_146 = arith.index_cast %parallel_loop3A_111 : i32 to index
        %parallel_loop3A_147 = arith.constant 64 : index
        %parallel_loop3A_148 = tpu.vector_load %arg7[%parallel_loop3A_146, %parallel_loop3A_147] {strides = array<i32>} : memref<64x128xf32, #tpu.memory_space<vmem>>, vector<16xf32>,
        %parallel_loop3A_149 = arith.mulf %parallel_loop3A_145, %parallel_loop3A_148 : vector<16xf32>
        %parallel_loop3A_150 = arith.addf %parallel_loop3A_142, %parallel_loop3A_149 : vector<16xf32>
        %parallel_loop3A_151 = arith.index_cast %parallel_loop3A_111 : i32 to index
        %parallel_loop3A_152 = arith.constant 80 : index
        %parallel_loop3A_153 = tpu.vector_load %arg5[%parallel_loop3A_151, %parallel_loop3A_152] {strides = array<i32>} : memref<64x128xf32, #tpu.memory_space<vmem>>, vector<16xf32>,
        %parallel_loop3A_154 = arith.index_cast %parallel_loop3A_111 : i32 to index
        %parallel_loop3A_155 = arith.constant 80 : index
        %parallel_loop3A_156 = tpu.vector_load %arg7[%parallel_loop3A_154, %parallel_loop3A_155] {strides = array<i32>} : memref<64x128xf32, #tpu.memory_space<vmem>>, vector<16xf32>,
        %parallel_loop3A_157 = arith.mulf %parallel_loop3A_153, %parallel_loop3A_156 : vector<16xf32>
        %parallel_loop3A_158 = arith.addf %parallel_loop3A_150, %parallel_loop3A_157 : vector<16xf32>
        %parallel_loop3A_159 = arith.index_cast %parallel_loop3A_111 : i32 to index
        %parallel_loop3A_160 = arith.constant 96 : index
        %parallel_loop3A_161 = tpu.vector_load %arg5[%parallel_loop3A_159, %parallel_loop3A_160] {strides = array<i32>} : memref<64x128xf32, #tpu.memory_space<vmem>>, vector<16xf32>,
        %parallel_loop3A_162 = arith.index_cast %parallel_loop3A_111 : i32 to index
        %parallel_loop3A_163 = arith.constant 96 : index
        %parallel_loop3A_164 = tpu.vector_load %arg7[%parallel_loop3A_162, %parallel_loop3A_163] {strides = array<i32>} : memref<64x128xf32, #tpu.memory_space<vmem>>, vector<16xf32>,
        %parallel_loop3A_165 = arith.mulf %parallel_loop3A_161, %parallel_loop3A_164 : vector<16xf32>
        %parallel_loop3A_166 = arith.addf %parallel_loop3A_158, %parallel_loop3A_165 : vector<16xf32>
        %parallel_loop3A_167 = arith.index_cast %parallel_loop3A_111 : i32 to index
        %parallel_loop3A_168 = arith.constant 112 : index
        %parallel_loop3A_169 = tpu.vector_load %arg5[%parallel_loop3A_167, %parallel_loop3A_168] {strides = array<i32>} : memref<64x128xf32, #tpu.memory_space<vmem>>, vector<16xf32>,
        %parallel_loop3A_170 = arith.index_cast %parallel_loop3A_111 : i32 to index
        %parallel_loop3A_171 = arith.constant 112 : index
        %parallel_loop3A_172 = tpu.vector_load %arg7[%parallel_loop3A_170, %parallel_loop3A_171] {strides = array<i32>} : memref<64x128xf32, #tpu.memory_space<vmem>>, vector<16xf32>,
        %parallel_loop3A_173 = arith.mulf %parallel_loop3A_169, %parallel_loop3A_172 : vector<16xf32>
        %parallel_loop3A_174 = arith.addf %parallel_loop3A_166, %parallel_loop3A_173 : vector<16xf32>
        %parallel_loop3A_175 = arith.constant 0 : i32
        %parallel_loop3A_176 = arith.addi %parallel_loop3A_107, %parallel_loop3A_175 : i32
        %parallel_loop3A_177 = vector.broadcast %parallel_loop3A_176 : i32 to vector<16xi32>
        %parallel_loop3A_178 = arith.addi %mul3A_5, %parallel_loop3A_177 : vector<16xi32>
        tpu.vector_store_idx %arg9[%parallel_loop3A_178], %parallel_loop3A_174 : memref<1088xf32, #tpu.memory_space<vmem>>[vector<16xi32>], vector<16xf32>,
        %parallel_loop3A_179 = arith.constant 16 : i32
        %parallel_loop3A_180 = arith.muli %parallel_loop3A_105, %parallel_loop3A_179 : i32
        %parallel_loop3A_181 = arith.constant 1 : i32
        %parallel_loop3A_182 = arith.addi %parallel_loop3A_180, %parallel_loop3A_181 : i32
        %parallel_loop3A_183 = arith.index_cast %parallel_loop3A_182 : i32 to index
        %parallel_loop3A_184 = arith.constant 0 : index
        %parallel_loop3A_185 = tpu.vector_load %arg5[%parallel_loop3A_183, %parallel_loop3A_184] {strides = array<i32>} : memref<64x128xf32, #tpu.memory_space<vmem>>, vector<16xf32>,
        %parallel_loop3A_186 = arith.index_cast %parallel_loop3A_182 : i32 to index
        %parallel_loop3A_187 = arith.constant 0 : index
        %parallel_loop3A_188 = tpu.vector_load %arg7[%parallel_loop3A_186, %parallel_loop3A_187] {strides = array<i32>} : memref<64x128xf32, #tpu.memory_space<vmem>>, vector<16xf32>,
        %parallel_loop3A_189 = arith.mulf %parallel_loop3A_185, %parallel_loop3A_188 : vector<16xf32>
        %parallel_loop3A_190 = arith.index_cast %parallel_loop3A_182 : i32 to index
        %parallel_loop3A_191 = arith.constant 16 : index
        %parallel_loop3A_192 = tpu.vector_load %arg5[%parallel_loop3A_190, %parallel_loop3A_191] {strides = array<i32>} : memref<64x128xf32, #tpu.memory_space<vmem>>, vector<16xf32>,
        %parallel_loop3A_193 = arith.index_cast %parallel_loop3A_182 : i32 to index
        %parallel_loop3A_194 = arith.constant 16 : index
        %parallel_loop3A_195 = tpu.vector_load %arg7[%parallel_loop3A_193, %parallel_loop3A_194] {strides = array<i32>} : memref<64x128xf32, #tpu.memory_space<vmem>>, vector<16xf32>,
        %parallel_loop3A_196 = arith.mulf %parallel_loop3A_192, %parallel_loop3A_195 : vector<16xf32>
        %parallel_loop3A_197 = arith.addf %parallel_loop3A_189, %parallel_loop3A_196 : vector<16xf32>
        %parallel_loop3A_198 = arith.index_cast %parallel_loop3A_182 : i32 to index
        %parallel_loop3A_199 = arith.constant 32 : index
        %parallel_loop3A_200 = tpu.vector_load %arg5[%parallel_loop3A_198, %parallel_loop3A_199] {strides = array<i32>} : memref<64x128xf32, #tpu.memory_space<vmem>>, vector<16xf32>,
        %parallel_loop3A_201 = arith.index_cast %parallel_loop3A_182 : i32 to index
        %parallel_loop3A_202 = arith.constant 32 : index
        %parallel_loop3A_203 = tpu.vector_load %arg7[%parallel_loop3A_201, %parallel_loop3A_202] {strides = array<i32>} : memref<64x128xf32, #tpu.memory_space<vmem>>, vector<16xf32>,
        %parallel_loop3A_204 = arith.mulf %parallel_loop3A_200, %parallel_loop3A_203 : vector<16xf32>
        %parallel_loop3A_205 = arith.addf %parallel_loop3A_197, %parallel_loop3A_204 : vector<16xf32>
        %parallel_loop3A_206 = arith.index_cast %parallel_loop3A_182 : i32 to index
        %parallel_loop3A_207 = arith.constant 48 : index
        %parallel_loop3A_208 = tpu.vector_load %arg5[%parallel_loop3A_206, %parallel_loop3A_207] {strides = array<i32>} : memref<64x128xf32, #tpu.memory_space<vmem>>, vector<16xf32>,
        %parallel_loop3A_209 = arith.index_cast %parallel_loop3A_182 : i32 to index
        %parallel_loop3A_210 = arith.constant 48 : index
        %parallel_loop3A_211 = tpu.vector_load %arg7[%parallel_loop3A_209, %parallel_loop3A_210] {strides = array<i32>} : memref<64x128xf32, #tpu.memory_space<vmem>>, vector<16xf32>,
        %parallel_loop3A_212 = arith.mulf %parallel_loop3A_208, %parallel_loop3A_211 : vector<16xf32>
        %parallel_loop3A_213 = arith.addf %parallel_loop3A_205, %parallel_loop3A_212 : vector<16xf32>
        %parallel_loop3A_214 = arith.index_cast %parallel_loop3A_182 : i32 to index
        %parallel_loop3A_215 = arith.constant 64 : index
        %parallel_loop3A_216 = tpu.vector_load %arg5[%parallel_loop3A_214, %parallel_loop3A_215] {strides = array<i32>} : memref<64x128xf32, #tpu.memory_space<vmem>>, vector<16xf32>,
        %parallel_loop3A_217 = arith.index_cast %parallel_loop3A_182 : i32 to index
        %parallel_loop3A_218 = arith.constant 64 : index
        %parallel_loop3A_219 = tpu.vector_load %arg7[%parallel_loop3A_217, %parallel_loop3A_218] {strides = array<i32>} : memref<64x128xf32, #tpu.memory_space<vmem>>, vector<16xf32>,
        %parallel_loop3A_220 = arith.mulf %parallel_loop3A_216, %parallel_loop3A_219 : vector<16xf32>
        %parallel_loop3A_221 = arith.addf %parallel_loop3A_213, %parallel_loop3A_220 : vector<16xf32>
        %parallel_loop3A_222 = arith.index_cast %parallel_loop3A_182 : i32 to index
        %parallel_loop3A_223 = arith.constant 80 : index
        %parallel_loop3A_224 = tpu.vector_load %arg5[%parallel_loop3A_222, %parallel_loop3A_223] {strides = array<i32>} : memref<64x128xf32, #tpu.memory_space<vmem>>, vector<16xf32>,
        %parallel_loop3A_225 = arith.index_cast %parallel_loop3A_182 : i32 to index
        %parallel_loop3A_226 = arith.constant 80 : index
        %parallel_loop3A_227 = tpu.vector_load %arg7[%parallel_loop3A_225, %parallel_loop3A_226] {strides = array<i32>} : memref<64x128xf32, #tpu.memory_space<vmem>>, vector<16xf32>,
        %parallel_loop3A_228 = arith.mulf %parallel_loop3A_224, %parallel_loop3A_227 : vector<16xf32>
        %parallel_loop3A_229 = arith.addf %parallel_loop3A_221, %parallel_loop3A_228 : vector<16xf32>
        %parallel_loop3A_230 = arith.index_cast %parallel_loop3A_182 : i32 to index
        %parallel_loop3A_231 = arith.constant 96 : index
        %parallel_loop3A_232 = tpu.vector_load %arg5[%parallel_loop3A_230, %parallel_loop3A_231] {strides = array<i32>} : memref<64x128xf32, #tpu.memory_space<vmem>>, vector<16xf32>,
        %parallel_loop3A_233 = arith.index_cast %parallel_loop3A_182 : i32 to index
        %parallel_loop3A_234 = arith.constant 96 : index
        %parallel_loop3A_235 = tpu.vector_load %arg7[%parallel_loop3A_233, %parallel_loop3A_234] {strides = array<i32>} : memref<64x128xf32, #tpu.memory_space<vmem>>, vector<16xf32>,
        %parallel_loop3A_236 = arith.mulf %parallel_loop3A_232, %parallel_loop3A_235 : vector<16xf32>
        %parallel_loop3A_237 = arith.addf %parallel_loop3A_229, %parallel_loop3A_236 : vector<16xf32>
        %parallel_loop3A_238 = arith.index_cast %parallel_loop3A_182 : i32 to index
        %parallel_loop3A_239 = arith.constant 112 : index
        %parallel_loop3A_240 = tpu.vector_load %arg5[%parallel_loop3A_238, %parallel_loop3A_239] {strides = array<i32>} : memref<64x128xf32, #tpu.memory_space<vmem>>, vector<16xf32>,
        %parallel_loop3A_241 = arith.index_cast %parallel_loop3A_182 : i32 to index
        %parallel_loop3A_242 = arith.constant 112 : index
        %parallel_loop3A_243 = tpu.vector_load %arg7[%parallel_loop3A_241, %parallel_loop3A_242] {strides = array<i32>} : memref<64x128xf32, #tpu.memory_space<vmem>>, vector<16xf32>,
        %parallel_loop3A_244 = arith.mulf %parallel_loop3A_240, %parallel_loop3A_243 : vector<16xf32>
        %parallel_loop3A_245 = arith.addf %parallel_loop3A_237, %parallel_loop3A_244 : vector<16xf32>
        %parallel_loop3A_246 = arith.constant 1 : i32
        %parallel_loop3A_247 = arith.addi %parallel_loop3A_107, %parallel_loop3A_246 : i32
        %parallel_loop3A_248 = vector.broadcast %parallel_loop3A_247 : i32 to vector<16xi32>
        %parallel_loop3A_249 = arith.addi %mul3A_5, %parallel_loop3A_248 : vector<16xi32>
        tpu.vector_store_idx %arg9[%parallel_loop3A_249], %parallel_loop3A_245 : memref<1088xf32, #tpu.memory_space<vmem>>[vector<16xi32>], vector<16xf32>,
        %parallel_loop3A_250 = arith.constant 16 : i32
        %parallel_loop3A_251 = arith.muli %parallel_loop3A_105, %parallel_loop3A_250 : i32
        %parallel_loop3A_252 = arith.constant 2 : i32
        %parallel_loop3A_253 = arith.addi %parallel_loop3A_251, %parallel_loop3A_252 : i32
        %parallel_loop3A_254 = arith.index_cast %parallel_loop3A_253 : i32 to index
        %parallel_loop3A_255 = arith.constant 0 : index
        %parallel_loop3A_256 = tpu.vector_load %arg5[%parallel_loop3A_254, %parallel_loop3A_255] {strides = array<i32>} : memref<64x128xf32, #tpu.memory_space<vmem>>, vector<16xf32>,
        %parallel_loop3A_257 = arith.index_cast %parallel_loop3A_253 : i32 to index
        %parallel_loop3A_258 = arith.constant 0 : index
        %parallel_loop3A_259 = tpu.vector_load %arg7[%parallel_loop3A_257, %parallel_loop3A_258] {strides = array<i32>} : memref<64x128xf32, #tpu.memory_space<vmem>>, vector<16xf32>,
        %parallel_loop3A_260 = arith.mulf %parallel_loop3A_256, %parallel_loop3A_259 : vector<16xf32>
        %parallel_loop3A_261 = arith.index_cast %parallel_loop3A_253 : i32 to index
        %parallel_loop3A_262 = arith.constant 16 : index
        %parallel_loop3A_263 = tpu.vector_load %arg5[%parallel_loop3A_261, %parallel_loop3A_262] {strides = array<i32>} : memref<64x128xf32, #tpu.memory_space<vmem>>, vector<16xf32>,
        %parallel_loop3A_264 = arith.index_cast %parallel_loop3A_253 : i32 to index
        %parallel_loop3A_265 = arith.constant 16 : index
        %parallel_loop3A_266 = tpu.vector_load %arg7[%parallel_loop3A_264, %parallel_loop3A_265] {strides = array<i32>} : memref<64x128xf32, #tpu.memory_space<vmem>>, vector<16xf32>,
        %parallel_loop3A_267 = arith.mulf %parallel_loop3A_263, %parallel_loop3A_266 : vector<16xf32>
        %parallel_loop3A_268 = arith.addf %parallel_loop3A_260, %parallel_loop3A_267 : vector<16xf32>
        %parallel_loop3A_269 = arith.index_cast %parallel_loop3A_253 : i32 to index
        %parallel_loop3A_270 = arith.constant 32 : index
        %parallel_loop3A_271 = tpu.vector_load %arg5[%parallel_loop3A_269, %parallel_loop3A_270] {strides = array<i32>} : memref<64x128xf32, #tpu.memory_space<vmem>>, vector<16xf32>,
        %parallel_loop3A_272 = arith.index_cast %parallel_loop3A_253 : i32 to index
        %parallel_loop3A_273 = arith.constant 32 : index
        %parallel_loop3A_274 = tpu.vector_load %arg7[%parallel_loop3A_272, %parallel_loop3A_273] {strides = array<i32>} : memref<64x128xf32, #tpu.memory_space<vmem>>, vector<16xf32>,
        %parallel_loop3A_275 = arith.mulf %parallel_loop3A_271, %parallel_loop3A_274 : vector<16xf32>
        %parallel_loop3A_276 = arith.addf %parallel_loop3A_268, %parallel_loop3A_275 : vector<16xf32>
        %parallel_loop3A_277 = arith.index_cast %parallel_loop3A_253 : i32 to index
        %parallel_loop3A_278 = arith.constant 48 : index
        %parallel_loop3A_279 = tpu.vector_load %arg5[%parallel_loop3A_277, %parallel_loop3A_278] {strides = array<i32>} : memref<64x128xf32, #tpu.memory_space<vmem>>, vector<16xf32>,
        %parallel_loop3A_280 = arith.index_cast %parallel_loop3A_253 : i32 to index
        %parallel_loop3A_281 = arith.constant 48 : index
        %parallel_loop3A_282 = tpu.vector_load %arg7[%parallel_loop3A_280, %parallel_loop3A_281] {strides = array<i32>} : memref<64x128xf32, #tpu.memory_space<vmem>>, vector<16xf32>,
        %parallel_loop3A_283 = arith.mulf %parallel_loop3A_279, %parallel_loop3A_282 : vector<16xf32>
        %parallel_loop3A_284 = arith.addf %parallel_loop3A_276, %parallel_loop3A_283 : vector<16xf32>
        %parallel_loop3A_285 = arith.index_cast %parallel_loop3A_253 : i32 to index
        %parallel_loop3A_286 = arith.constant 64 : index
        %parallel_loop3A_287 = tpu.vector_load %arg5[%parallel_loop3A_285, %parallel_loop3A_286] {strides = array<i32>} : memref<64x128xf32, #tpu.memory_space<vmem>>, vector<16xf32>,
        %parallel_loop3A_288 = arith.index_cast %parallel_loop3A_253 : i32 to index
        %parallel_loop3A_289 = arith.constant 64 : index
        %parallel_loop3A_290 = tpu.vector_load %arg7[%parallel_loop3A_288, %parallel_loop3A_289] {strides = array<i32>} : memref<64x128xf32, #tpu.memory_space<vmem>>, vector<16xf32>,
        %parallel_loop3A_291 = arith.mulf %parallel_loop3A_287, %parallel_loop3A_290 : vector<16xf32>
        %parallel_loop3A_292 = arith.addf %parallel_loop3A_284, %parallel_loop3A_291 : vector<16xf32>
        %parallel_loop3A_293 = arith.index_cast %parallel_loop3A_253 : i32 to index
        %parallel_loop3A_294 = arith.constant 80 : index
        %parallel_loop3A_295 = tpu.vector_load %arg5[%parallel_loop3A_293, %parallel_loop3A_294] {strides = array<i32>} : memref<64x128xf32, #tpu.memory_space<vmem>>, vector<16xf32>,
        %parallel_loop3A_296 = arith.index_cast %parallel_loop3A_253 : i32 to index
        %parallel_loop3A_297 = arith.constant 80 : index
        %parallel_loop3A_298 = tpu.vector_load %arg7[%parallel_loop3A_296, %parallel_loop3A_297] {strides = array<i32>} : memref<64x128xf32, #tpu.memory_space<vmem>>, vector<16xf32>,
        %parallel_loop3A_299 = arith.mulf %parallel_loop3A_295, %parallel_loop3A_298 : vector<16xf32>
        %parallel_loop3A_300 = arith.addf %parallel_loop3A_292, %parallel_loop3A_299 : vector<16xf32>
        %parallel_loop3A_301 = arith.index_cast %parallel_loop3A_253 : i32 to index
        %parallel_loop3A_302 = arith.constant 96 : index
        %parallel_loop3A_303 = tpu.vector_load %arg5[%parallel_loop3A_301, %parallel_loop3A_302] {strides = array<i32>} : memref<64x128xf32, #tpu.memory_space<vmem>>, vector<16xf32>,
        %parallel_loop3A_304 = arith.index_cast %parallel_loop3A_253 : i32 to index
        %parallel_loop3A_305 = arith.constant 96 : index
        %parallel_loop3A_306 = tpu.vector_load %arg7[%parallel_loop3A_304, %parallel_loop3A_305] {strides = array<i32>} : memref<64x128xf32, #tpu.memory_space<vmem>>, vector<16xf32>,
        %parallel_loop3A_307 = arith.mulf %parallel_loop3A_303, %parallel_loop3A_306 : vector<16xf32>
        %parallel_loop3A_308 = arith.addf %parallel_loop3A_300, %parallel_loop3A_307 : vector<16xf32>
        %parallel_loop3A_309 = arith.index_cast %parallel_loop3A_253 : i32 to index
        %parallel_loop3A_310 = arith.constant 112 : index
        %parallel_loop3A_311 = tpu.vector_load %arg5[%parallel_loop3A_309, %parallel_loop3A_310] {strides = array<i32>} : memref<64x128xf32, #tpu.memory_space<vmem>>, vector<16xf32>,
        %parallel_loop3A_312 = arith.index_cast %parallel_loop3A_253 : i32 to index
        %parallel_loop3A_313 = arith.constant 112 : index
        %parallel_loop3A_314 = tpu.vector_load %arg7[%parallel_loop3A_312, %parallel_loop3A_313] {strides = array<i32>} : memref<64x128xf32, #tpu.memory_space<vmem>>, vector<16xf32>,
        %parallel_loop3A_315 = arith.mulf %parallel_loop3A_311, %parallel_loop3A_314 : vector<16xf32>
        %parallel_loop3A_316 = arith.addf %parallel_loop3A_308, %parallel_loop3A_315 : vector<16xf32>
        %parallel_loop3A_317 = arith.constant 2 : i32
        %parallel_loop3A_318 = arith.addi %parallel_loop3A_107, %parallel_loop3A_317 : i32
        %parallel_loop3A_319 = vector.broadcast %parallel_loop3A_318 : i32 to vector<16xi32>
        %parallel_loop3A_320 = arith.addi %mul3A_5, %parallel_loop3A_319 : vector<16xi32>
        tpu.vector_store_idx %arg9[%parallel_loop3A_320], %parallel_loop3A_316 : memref<1088xf32, #tpu.memory_space<vmem>>[vector<16xi32>], vector<16xf32>,
        %parallel_loop3A_321 = arith.constant 16 : i32
        %parallel_loop3A_322 = arith.muli %parallel_loop3A_105, %parallel_loop3A_321 : i32
        %parallel_loop3A_323 = arith.constant 3 : i32
        %parallel_loop3A_324 = arith.addi %parallel_loop3A_322, %parallel_loop3A_323 : i32
        %parallel_loop3A_325 = arith.index_cast %parallel_loop3A_324 : i32 to index
        %parallel_loop3A_326 = arith.constant 0 : index
        %parallel_loop3A_327 = tpu.vector_load %arg5[%parallel_loop3A_325, %parallel_loop3A_326] {strides = array<i32>} : memref<64x128xf32, #tpu.memory_space<vmem>>, vector<16xf32>,
        %parallel_loop3A_328 = arith.index_cast %parallel_loop3A_324 : i32 to index
        %parallel_loop3A_329 = arith.constant 0 : index
        %parallel_loop3A_330 = tpu.vector_load %arg7[%parallel_loop3A_328, %parallel_loop3A_329] {strides = array<i32>} : memref<64x128xf32, #tpu.memory_space<vmem>>, vector<16xf32>,
        %parallel_loop3A_331 = arith.mulf %parallel_loop3A_327, %parallel_loop3A_330 : vector<16xf32>
        %parallel_loop3A_332 = arith.index_cast %parallel_loop3A_324 : i32 to index
        %parallel_loop3A_333 = arith.constant 16 : index
        %parallel_loop3A_334 = tpu.vector_load %arg5[%parallel_loop3A_332, %parallel_loop3A_333] {strides = array<i32>} : memref<64x128xf32, #tpu.memory_space<vmem>>, vector<16xf32>,
        %parallel_loop3A_335 = arith.index_cast %parallel_loop3A_324 : i32 to index
        %parallel_loop3A_336 = arith.constant 16 : index
        %parallel_loop3A_337 = tpu.vector_load %arg7[%parallel_loop3A_335, %parallel_loop3A_336] {strides = array<i32>} : memref<64x128xf32, #tpu.memory_space<vmem>>, vector<16xf32>,
        %parallel_loop3A_338 = arith.mulf %parallel_loop3A_334, %parallel_loop3A_337 : vector<16xf32>
        %parallel_loop3A_339 = arith.addf %parallel_loop3A_331, %parallel_loop3A_338 : vector<16xf32>
        %parallel_loop3A_340 = arith.index_cast %parallel_loop3A_324 : i32 to index
        %parallel_loop3A_341 = arith.constant 32 : index
        %parallel_loop3A_342 = tpu.vector_load %arg5[%parallel_loop3A_340, %parallel_loop3A_341] {strides = array<i32>} : memref<64x128xf32, #tpu.memory_space<vmem>>, vector<16xf32>,
        %parallel_loop3A_343 = arith.index_cast %parallel_loop3A_324 : i32 to index
        %parallel_loop3A_344 = arith.constant 32 : index
        %parallel_loop3A_345 = tpu.vector_load %arg7[%parallel_loop3A_343, %parallel_loop3A_344] {strides = array<i32>} : memref<64x128xf32, #tpu.memory_space<vmem>>, vector<16xf32>,
        %parallel_loop3A_346 = arith.mulf %parallel_loop3A_342, %parallel_loop3A_345 : vector<16xf32>
        %parallel_loop3A_347 = arith.addf %parallel_loop3A_339, %parallel_loop3A_346 : vector<16xf32>
        %parallel_loop3A_348 = arith.index_cast %parallel_loop3A_324 : i32 to index
        %parallel_loop3A_349 = arith.constant 48 : index
        %parallel_loop3A_350 = tpu.vector_load %arg5[%parallel_loop3A_348, %parallel_loop3A_349] {strides = array<i32>} : memref<64x128xf32, #tpu.memory_space<vmem>>, vector<16xf32>,
        %parallel_loop3A_351 = arith.index_cast %parallel_loop3A_324 : i32 to index
        %parallel_loop3A_352 = arith.constant 48 : index
        %parallel_loop3A_353 = tpu.vector_load %arg7[%parallel_loop3A_351, %parallel_loop3A_352] {strides = array<i32>} : memref<64x128xf32, #tpu.memory_space<vmem>>, vector<16xf32>,
        %parallel_loop3A_354 = arith.mulf %parallel_loop3A_350, %parallel_loop3A_353 : vector<16xf32>
        %parallel_loop3A_355 = arith.addf %parallel_loop3A_347, %parallel_loop3A_354 : vector<16xf32>
        %parallel_loop3A_356 = arith.index_cast %parallel_loop3A_324 : i32 to index
        %parallel_loop3A_357 = arith.constant 64 : index
        %parallel_loop3A_358 = tpu.vector_load %arg5[%parallel_loop3A_356, %parallel_loop3A_357] {strides = array<i32>} : memref<64x128xf32, #tpu.memory_space<vmem>>, vector<16xf32>,
        %parallel_loop3A_359 = arith.index_cast %parallel_loop3A_324 : i32 to index
        %parallel_loop3A_360 = arith.constant 64 : index
        %parallel_loop3A_361 = tpu.vector_load %arg7[%parallel_loop3A_359, %parallel_loop3A_360] {strides = array<i32>} : memref<64x128xf32, #tpu.memory_space<vmem>>, vector<16xf32>,
        %parallel_loop3A_362 = arith.mulf %parallel_loop3A_358, %parallel_loop3A_361 : vector<16xf32>
        %parallel_loop3A_363 = arith.addf %parallel_loop3A_355, %parallel_loop3A_362 : vector<16xf32>
        %parallel_loop3A_364 = arith.index_cast %parallel_loop3A_324 : i32 to index
        %parallel_loop3A_365 = arith.constant 80 : index
        %parallel_loop3A_366 = tpu.vector_load %arg5[%parallel_loop3A_364, %parallel_loop3A_365] {strides = array<i32>} : memref<64x128xf32, #tpu.memory_space<vmem>>, vector<16xf32>,
        %parallel_loop3A_367 = arith.index_cast %parallel_loop3A_324 : i32 to index
        %parallel_loop3A_368 = arith.constant 80 : index
        %parallel_loop3A_369 = tpu.vector_load %arg7[%parallel_loop3A_367, %parallel_loop3A_368] {strides = array<i32>} : memref<64x128xf32, #tpu.memory_space<vmem>>, vector<16xf32>,
        %parallel_loop3A_370 = arith.mulf %parallel_loop3A_366, %parallel_loop3A_369 : vector<16xf32>
        %parallel_loop3A_371 = arith.addf %parallel_loop3A_363, %parallel_loop3A_370 : vector<16xf32>
        %parallel_loop3A_372 = arith.index_cast %parallel_loop3A_324 : i32 to index
        %parallel_loop3A_373 = arith.constant 96 : index
        %parallel_loop3A_374 = tpu.vector_load %arg5[%parallel_loop3A_372, %parallel_loop3A_373] {strides = array<i32>} : memref<64x128xf32, #tpu.memory_space<vmem>>, vector<16xf32>,
        %parallel_loop3A_375 = arith.index_cast %parallel_loop3A_324 : i32 to index
        %parallel_loop3A_376 = arith.constant 96 : index
        %parallel_loop3A_377 = tpu.vector_load %arg7[%parallel_loop3A_375, %parallel_loop3A_376] {strides = array<i32>} : memref<64x128xf32, #tpu.memory_space<vmem>>, vector<16xf32>,
        %parallel_loop3A_378 = arith.mulf %parallel_loop3A_374, %parallel_loop3A_377 : vector<16xf32>
        %parallel_loop3A_379 = arith.addf %parallel_loop3A_371, %parallel_loop3A_378 : vector<16xf32>
        %parallel_loop3A_380 = arith.index_cast %parallel_loop3A_324 : i32 to index
        %parallel_loop3A_381 = arith.constant 112 : index
        %parallel_loop3A_382 = tpu.vector_load %arg5[%parallel_loop3A_380, %parallel_loop3A_381] {strides = array<i32>} : memref<64x128xf32, #tpu.memory_space<vmem>>, vector<16xf32>,
        %parallel_loop3A_383 = arith.index_cast %parallel_loop3A_324 : i32 to index
        %parallel_loop3A_384 = arith.constant 112 : index
        %parallel_loop3A_385 = tpu.vector_load %arg7[%parallel_loop3A_383, %parallel_loop3A_384] {strides = array<i32>} : memref<64x128xf32, #tpu.memory_space<vmem>>, vector<16xf32>,
        %parallel_loop3A_386 = arith.mulf %parallel_loop3A_382, %parallel_loop3A_385 : vector<16xf32>
        %parallel_loop3A_387 = arith.addf %parallel_loop3A_379, %parallel_loop3A_386 : vector<16xf32>
        %parallel_loop3A_388 = arith.constant 3 : i32
        %parallel_loop3A_389 = arith.addi %parallel_loop3A_107, %parallel_loop3A_388 : i32
        %parallel_loop3A_390 = vector.broadcast %parallel_loop3A_389 : i32 to vector<16xi32>
        %parallel_loop3A_391 = arith.addi %mul3A_5, %parallel_loop3A_390 : vector<16xi32>
        tpu.vector_store_idx %arg9[%parallel_loop3A_391], %parallel_loop3A_387 : memref<1088xf32, #tpu.memory_space<vmem>>[vector<16xi32>], vector<16xf32>,
        %parallel_loop3A_392 = arith.constant 16 : i32
        %parallel_loop3A_393 = arith.muli %parallel_loop3A_105, %parallel_loop3A_392 : i32
        %parallel_loop3A_394 = arith.constant 4 : i32
        %parallel_loop3A_395 = arith.addi %parallel_loop3A_393, %parallel_loop3A_394 : i32
        %parallel_loop3A_396 = arith.index_cast %parallel_loop3A_395 : i32 to index
        %parallel_loop3A_397 = arith.constant 0 : index
        %parallel_loop3A_398 = tpu.vector_load %arg5[%parallel_loop3A_396, %parallel_loop3A_397] {strides = array<i32>} : memref<64x128xf32, #tpu.memory_space<vmem>>, vector<16xf32>,
        %parallel_loop3A_399 = arith.index_cast %parallel_loop3A_395 : i32 to index
        %parallel_loop3A_400 = arith.constant 0 : index
        %parallel_loop3A_401 = tpu.vector_load %arg7[%parallel_loop3A_399, %parallel_loop3A_400] {strides = array<i32>} : memref<64x128xf32, #tpu.memory_space<vmem>>, vector<16xf32>,
        %parallel_loop3A_402 = arith.mulf %parallel_loop3A_398, %parallel_loop3A_401 : vector<16xf32>
        %parallel_loop3A_403 = arith.index_cast %parallel_loop3A_395 : i32 to index
        %parallel_loop3A_404 = arith.constant 16 : index
        %parallel_loop3A_405 = tpu.vector_load %arg5[%parallel_loop3A_403, %parallel_loop3A_404] {strides = array<i32>} : memref<64x128xf32, #tpu.memory_space<vmem>>, vector<16xf32>,
        %parallel_loop3A_406 = arith.index_cast %parallel_loop3A_395 : i32 to index
        %parallel_loop3A_407 = arith.constant 16 : index
        %parallel_loop3A_408 = tpu.vector_load %arg7[%parallel_loop3A_406, %parallel_loop3A_407] {strides = array<i32>} : memref<64x128xf32, #tpu.memory_space<vmem>>, vector<16xf32>,
        %parallel_loop3A_409 = arith.mulf %parallel_loop3A_405, %parallel_loop3A_408 : vector<16xf32>
        %parallel_loop3A_410 = arith.addf %parallel_loop3A_402, %parallel_loop3A_409 : vector<16xf32>
        %parallel_loop3A_411 = arith.index_cast %parallel_loop3A_395 : i32 to index
        %parallel_loop3A_412 = arith.constant 32 : index
        %parallel_loop3A_413 = tpu.vector_load %arg5[%parallel_loop3A_411, %parallel_loop3A_412] {strides = array<i32>} : memref<64x128xf32, #tpu.memory_space<vmem>>, vector<16xf32>,
        %parallel_loop3A_414 = arith.index_cast %parallel_loop3A_395 : i32 to index
        %parallel_loop3A_415 = arith.constant 32 : index
        %parallel_loop3A_416 = tpu.vector_load %arg7[%parallel_loop3A_414, %parallel_loop3A_415] {strides = array<i32>} : memref<64x128xf32, #tpu.memory_space<vmem>>, vector<16xf32>,
        %parallel_loop3A_417 = arith.mulf %parallel_loop3A_413, %parallel_loop3A_416 : vector<16xf32>
        %parallel_loop3A_418 = arith.addf %parallel_loop3A_410, %parallel_loop3A_417 : vector<16xf32>
        %parallel_loop3A_419 = arith.index_cast %parallel_loop3A_395 : i32 to index
        %parallel_loop3A_420 = arith.constant 48 : index
        %parallel_loop3A_421 = tpu.vector_load %arg5[%parallel_loop3A_419, %parallel_loop3A_420] {strides = array<i32>} : memref<64x128xf32, #tpu.memory_space<vmem>>, vector<16xf32>,
        %parallel_loop3A_422 = arith.index_cast %parallel_loop3A_395 : i32 to index
        %parallel_loop3A_423 = arith.constant 48 : index
        %parallel_loop3A_424 = tpu.vector_load %arg7[%parallel_loop3A_422, %parallel_loop3A_423] {strides = array<i32>} : memref<64x128xf32, #tpu.memory_space<vmem>>, vector<16xf32>,
        %parallel_loop3A_425 = arith.mulf %parallel_loop3A_421, %parallel_loop3A_424 : vector<16xf32>
        %parallel_loop3A_426 = arith.addf %parallel_loop3A_418, %parallel_loop3A_425 : vector<16xf32>
        %parallel_loop3A_427 = arith.index_cast %parallel_loop3A_395 : i32 to index
        %parallel_loop3A_428 = arith.constant 64 : index
        %parallel_loop3A_429 = tpu.vector_load %arg5[%parallel_loop3A_427, %parallel_loop3A_428] {strides = array<i32>} : memref<64x128xf32, #tpu.memory_space<vmem>>, vector<16xf32>,
        %parallel_loop3A_430 = arith.index_cast %parallel_loop3A_395 : i32 to index
        %parallel_loop3A_431 = arith.constant 64 : index
        %parallel_loop3A_432 = tpu.vector_load %arg7[%parallel_loop3A_430, %parallel_loop3A_431] {strides = array<i32>} : memref<64x128xf32, #tpu.memory_space<vmem>>, vector<16xf32>,
        %parallel_loop3A_433 = arith.mulf %parallel_loop3A_429, %parallel_loop3A_432 : vector<16xf32>
        %parallel_loop3A_434 = arith.addf %parallel_loop3A_426, %parallel_loop3A_433 : vector<16xf32>
        %parallel_loop3A_435 = arith.index_cast %parallel_loop3A_395 : i32 to index
        %parallel_loop3A_436 = arith.constant 80 : index
        %parallel_loop3A_437 = tpu.vector_load %arg5[%parallel_loop3A_435, %parallel_loop3A_436] {strides = array<i32>} : memref<64x128xf32, #tpu.memory_space<vmem>>, vector<16xf32>,
        %parallel_loop3A_438 = arith.index_cast %parallel_loop3A_395 : i32 to index
        %parallel_loop3A_439 = arith.constant 80 : index
        %parallel_loop3A_440 = tpu.vector_load %arg7[%parallel_loop3A_438, %parallel_loop3A_439] {strides = array<i32>} : memref<64x128xf32, #tpu.memory_space<vmem>>, vector<16xf32>,
        %parallel_loop3A_441 = arith.mulf %parallel_loop3A_437, %parallel_loop3A_440 : vector<16xf32>
        %parallel_loop3A_442 = arith.addf %parallel_loop3A_434, %parallel_loop3A_441 : vector<16xf32>
        %parallel_loop3A_443 = arith.index_cast %parallel_loop3A_395 : i32 to index
        %parallel_loop3A_444 = arith.constant 96 : index
        %parallel_loop3A_445 = tpu.vector_load %arg5[%parallel_loop3A_443, %parallel_loop3A_444] {strides = array<i32>} : memref<64x128xf32, #tpu.memory_space<vmem>>, vector<16xf32>,
        %parallel_loop3A_446 = arith.index_cast %parallel_loop3A_395 : i32 to index
        %parallel_loop3A_447 = arith.constant 96 : index
        %parallel_loop3A_448 = tpu.vector_load %arg7[%parallel_loop3A_446, %parallel_loop3A_447] {strides = array<i32>} : memref<64x128xf32, #tpu.memory_space<vmem>>, vector<16xf32>,
        %parallel_loop3A_449 = arith.mulf %parallel_loop3A_445, %parallel_loop3A_448 : vector<16xf32>
        %parallel_loop3A_450 = arith.addf %parallel_loop3A_442, %parallel_loop3A_449 : vector<16xf32>
        %parallel_loop3A_451 = arith.index_cast %parallel_loop3A_395 : i32 to index
        %parallel_loop3A_452 = arith.constant 112 : index
        %parallel_loop3A_453 = tpu.vector_load %arg5[%parallel_loop3A_451, %parallel_loop3A_452] {strides = array<i32>} : memref<64x128xf32, #tpu.memory_space<vmem>>, vector<16xf32>,
        %parallel_loop3A_454 = arith.index_cast %parallel_loop3A_395 : i32 to index
        %parallel_loop3A_455 = arith.constant 112 : index
        %parallel_loop3A_456 = tpu.vector_load %arg7[%parallel_loop3A_454, %parallel_loop3A_455] {strides = array<i32>} : memref<64x128xf32, #tpu.memory_space<vmem>>, vector<16xf32>,
        %parallel_loop3A_457 = arith.mulf %parallel_loop3A_453, %parallel_loop3A_456 : vector<16xf32>
        %parallel_loop3A_458 = arith.addf %parallel_loop3A_450, %parallel_loop3A_457 : vector<16xf32>
        %parallel_loop3A_459 = arith.constant 4 : i32
        %parallel_loop3A_460 = arith.addi %parallel_loop3A_107, %parallel_loop3A_459 : i32
        %parallel_loop3A_461 = vector.broadcast %parallel_loop3A_460 : i32 to vector<16xi32>
        %parallel_loop3A_462 = arith.addi %mul3A_5, %parallel_loop3A_461 : vector<16xi32>
        tpu.vector_store_idx %arg9[%parallel_loop3A_462], %parallel_loop3A_458 : memref<1088xf32, #tpu.memory_space<vmem>>[vector<16xi32>], vector<16xf32>,
        %parallel_loop3A_463 = arith.constant 16 : i32
        %parallel_loop3A_464 = arith.muli %parallel_loop3A_105, %parallel_loop3A_463 : i32
        %parallel_loop3A_465 = arith.constant 5 : i32
        %parallel_loop3A_466 = arith.addi %parallel_loop3A_464, %parallel_loop3A_465 : i32
        %parallel_loop3A_467 = arith.index_cast %parallel_loop3A_466 : i32 to index
        %parallel_loop3A_468 = arith.constant 0 : index
        %parallel_loop3A_469 = tpu.vector_load %arg5[%parallel_loop3A_467, %parallel_loop3A_468] {strides = array<i32>} : memref<64x128xf32, #tpu.memory_space<vmem>>, vector<16xf32>,
        %parallel_loop3A_470 = arith.index_cast %parallel_loop3A_466 : i32 to index
        %parallel_loop3A_471 = arith.constant 0 : index
        %parallel_loop3A_472 = tpu.vector_load %arg7[%parallel_loop3A_470, %parallel_loop3A_471] {strides = array<i32>} : memref<64x128xf32, #tpu.memory_space<vmem>>, vector<16xf32>,
        %parallel_loop3A_473 = arith.mulf %parallel_loop3A_469, %parallel_loop3A_472 : vector<16xf32>
        %parallel_loop3A_474 = arith.index_cast %parallel_loop3A_466 : i32 to index
        %parallel_loop3A_475 = arith.constant 16 : index
        %parallel_loop3A_476 = tpu.vector_load %arg5[%parallel_loop3A_474, %parallel_loop3A_475] {strides = array<i32>} : memref<64x128xf32, #tpu.memory_space<vmem>>, vector<16xf32>,
        %parallel_loop3A_477 = arith.index_cast %parallel_loop3A_466 : i32 to index
        %parallel_loop3A_478 = arith.constant 16 : index
        %parallel_loop3A_479 = tpu.vector_load %arg7[%parallel_loop3A_477, %parallel_loop3A_478] {strides = array<i32>} : memref<64x128xf32, #tpu.memory_space<vmem>>, vector<16xf32>,
        %parallel_loop3A_480 = arith.mulf %parallel_loop3A_476, %parallel_loop3A_479 : vector<16xf32>
        %parallel_loop3A_481 = arith.addf %parallel_loop3A_473, %parallel_loop3A_480 : vector<16xf32>
        %parallel_loop3A_482 = arith.index_cast %parallel_loop3A_466 : i32 to index
        %parallel_loop3A_483 = arith.constant 32 : index
        %parallel_loop3A_484 = tpu.vector_load %arg5[%parallel_loop3A_482, %parallel_loop3A_483] {strides = array<i32>} : memref<64x128xf32, #tpu.memory_space<vmem>>, vector<16xf32>,
        %parallel_loop3A_485 = arith.index_cast %parallel_loop3A_466 : i32 to index
        %parallel_loop3A_486 = arith.constant 32 : index
        %parallel_loop3A_487 = tpu.vector_load %arg7[%parallel_loop3A_485, %parallel_loop3A_486] {strides = array<i32>} : memref<64x128xf32, #tpu.memory_space<vmem>>, vector<16xf32>,
        %parallel_loop3A_488 = arith.mulf %parallel_loop3A_484, %parallel_loop3A_487 : vector<16xf32>
        %parallel_loop3A_489 = arith.addf %parallel_loop3A_481, %parallel_loop3A_488 : vector<16xf32>
        %parallel_loop3A_490 = arith.index_cast %parallel_loop3A_466 : i32 to index
        %parallel_loop3A_491 = arith.constant 48 : index
        %parallel_loop3A_492 = tpu.vector_load %arg5[%parallel_loop3A_490, %parallel_loop3A_491] {strides = array<i32>} : memref<64x128xf32, #tpu.memory_space<vmem>>, vector<16xf32>,
        %parallel_loop3A_493 = arith.index_cast %parallel_loop3A_466 : i32 to index
        %parallel_loop3A_494 = arith.constant 48 : index
        %parallel_loop3A_495 = tpu.vector_load %arg7[%parallel_loop3A_493, %parallel_loop3A_494] {strides = array<i32>} : memref<64x128xf32, #tpu.memory_space<vmem>>, vector<16xf32>,
        %parallel_loop3A_496 = arith.mulf %parallel_loop3A_492, %parallel_loop3A_495 : vector<16xf32>
        %parallel_loop3A_497 = arith.addf %parallel_loop3A_489, %parallel_loop3A_496 : vector<16xf32>
        %parallel_loop3A_498 = arith.index_cast %parallel_loop3A_466 : i32 to index
        %parallel_loop3A_499 = arith.constant 64 : index
        %parallel_loop3A_500 = tpu.vector_load %arg5[%parallel_loop3A_498, %parallel_loop3A_499] {strides = array<i32>} : memref<64x128xf32, #tpu.memory_space<vmem>>, vector<16xf32>,
        %parallel_loop3A_501 = arith.index_cast %parallel_loop3A_466 : i32 to index
        %parallel_loop3A_502 = arith.constant 64 : index
        %parallel_loop3A_503 = tpu.vector_load %arg7[%parallel_loop3A_501, %parallel_loop3A_502] {strides = array<i32>} : memref<64x128xf32, #tpu.memory_space<vmem>>, vector<16xf32>,
        %parallel_loop3A_504 = arith.mulf %parallel_loop3A_500, %parallel_loop3A_503 : vector<16xf32>
        %parallel_loop3A_505 = arith.addf %parallel_loop3A_497, %parallel_loop3A_504 : vector<16xf32>
        %parallel_loop3A_506 = arith.index_cast %parallel_loop3A_466 : i32 to index
        %parallel_loop3A_507 = arith.constant 80 : index
        %parallel_loop3A_508 = tpu.vector_load %arg5[%parallel_loop3A_506, %parallel_loop3A_507] {strides = array<i32>} : memref<64x128xf32, #tpu.memory_space<vmem>>, vector<16xf32>,
        %parallel_loop3A_509 = arith.index_cast %parallel_loop3A_466 : i32 to index
        %parallel_loop3A_510 = arith.constant 80 : index
        %parallel_loop3A_511 = tpu.vector_load %arg7[%parallel_loop3A_509, %parallel_loop3A_510] {strides = array<i32>} : memref<64x128xf32, #tpu.memory_space<vmem>>, vector<16xf32>,
        %parallel_loop3A_512 = arith.mulf %parallel_loop3A_508, %parallel_loop3A_511 : vector<16xf32>
        %parallel_loop3A_513 = arith.addf %parallel_loop3A_505, %parallel_loop3A_512 : vector<16xf32>
        %parallel_loop3A_514 = arith.index_cast %parallel_loop3A_466 : i32 to index
        %parallel_loop3A_515 = arith.constant 96 : index
        %parallel_loop3A_516 = tpu.vector_load %arg5[%parallel_loop3A_514, %parallel_loop3A_515] {strides = array<i32>} : memref<64x128xf32, #tpu.memory_space<vmem>>, vector<16xf32>,
        %parallel_loop3A_517 = arith.index_cast %parallel_loop3A_466 : i32 to index
        %parallel_loop3A_518 = arith.constant 96 : index
        %parallel_loop3A_519 = tpu.vector_load %arg7[%parallel_loop3A_517, %parallel_loop3A_518] {strides = array<i32>} : memref<64x128xf32, #tpu.memory_space<vmem>>, vector<16xf32>,
        %parallel_loop3A_520 = arith.mulf %parallel_loop3A_516, %parallel_loop3A_519 : vector<16xf32>
        %parallel_loop3A_521 = arith.addf %parallel_loop3A_513, %parallel_loop3A_520 : vector<16xf32>
        %parallel_loop3A_522 = arith.index_cast %parallel_loop3A_466 : i32 to index
        %parallel_loop3A_523 = arith.constant 112 : index
        %parallel_loop3A_524 = tpu.vector_load %arg5[%parallel_loop3A_522, %parallel_loop3A_523] {strides = array<i32>} : memref<64x128xf32, #tpu.memory_space<vmem>>, vector<16xf32>,
        %parallel_loop3A_525 = arith.index_cast %parallel_loop3A_466 : i32 to index
        %parallel_loop3A_526 = arith.constant 112 : index
        %parallel_loop3A_527 = tpu.vector_load %arg7[%parallel_loop3A_525, %parallel_loop3A_526] {strides = array<i32>} : memref<64x128xf32, #tpu.memory_space<vmem>>, vector<16xf32>,
        %parallel_loop3A_528 = arith.mulf %parallel_loop3A_524, %parallel_loop3A_527 : vector<16xf32>
        %parallel_loop3A_529 = arith.addf %parallel_loop3A_521, %parallel_loop3A_528 : vector<16xf32>
        %parallel_loop3A_530 = arith.constant 5 : i32
        %parallel_loop3A_531 = arith.addi %parallel_loop3A_107, %parallel_loop3A_530 : i32
        %parallel_loop3A_532 = vector.broadcast %parallel_loop3A_531 : i32 to vector<16xi32>
        %parallel_loop3A_533 = arith.addi %mul3A_5, %parallel_loop3A_532 : vector<16xi32>
        tpu.vector_store_idx %arg9[%parallel_loop3A_533], %parallel_loop3A_529 : memref<1088xf32, #tpu.memory_space<vmem>>[vector<16xi32>], vector<16xf32>,
        %parallel_loop3A_534 = arith.constant 16 : i32
        %parallel_loop3A_535 = arith.muli %parallel_loop3A_105, %parallel_loop3A_534 : i32
        %parallel_loop3A_536 = arith.constant 6 : i32
        %parallel_loop3A_537 = arith.addi %parallel_loop3A_535, %parallel_loop3A_536 : i32
        %parallel_loop3A_538 = arith.index_cast %parallel_loop3A_537 : i32 to index
        %parallel_loop3A_539 = arith.constant 0 : index
        %parallel_loop3A_540 = tpu.vector_load %arg5[%parallel_loop3A_538, %parallel_loop3A_539] {strides = array<i32>} : memref<64x128xf32, #tpu.memory_space<vmem>>, vector<16xf32>,
        %parallel_loop3A_541 = arith.index_cast %parallel_loop3A_537 : i32 to index
        %parallel_loop3A_542 = arith.constant 0 : index
        %parallel_loop3A_543 = tpu.vector_load %arg7[%parallel_loop3A_541, %parallel_loop3A_542] {strides = array<i32>} : memref<64x128xf32, #tpu.memory_space<vmem>>, vector<16xf32>,
        %parallel_loop3A_544 = arith.mulf %parallel_loop3A_540, %parallel_loop3A_543 : vector<16xf32>
        %parallel_loop3A_545 = arith.index_cast %parallel_loop3A_537 : i32 to index
        %parallel_loop3A_546 = arith.constant 16 : index
        %parallel_loop3A_547 = tpu.vector_load %arg5[%parallel_loop3A_545, %parallel_loop3A_546] {strides = array<i32>} : memref<64x128xf32, #tpu.memory_space<vmem>>, vector<16xf32>,
        %parallel_loop3A_548 = arith.index_cast %parallel_loop3A_537 : i32 to index
        %parallel_loop3A_549 = arith.constant 16 : index
        %parallel_loop3A_550 = tpu.vector_load %arg7[%parallel_loop3A_548, %parallel_loop3A_549] {strides = array<i32>} : memref<64x128xf32, #tpu.memory_space<vmem>>, vector<16xf32>,
        %parallel_loop3A_551 = arith.mulf %parallel_loop3A_547, %parallel_loop3A_550 : vector<16xf32>
        %parallel_loop3A_552 = arith.addf %parallel_loop3A_544, %parallel_loop3A_551 : vector<16xf32>
        %parallel_loop3A_553 = arith.index_cast %parallel_loop3A_537 : i32 to index
        %parallel_loop3A_554 = arith.constant 32 : index
        %parallel_loop3A_555 = tpu.vector_load %arg5[%parallel_loop3A_553, %parallel_loop3A_554] {strides = array<i32>} : memref<64x128xf32, #tpu.memory_space<vmem>>, vector<16xf32>,
        %parallel_loop3A_556 = arith.index_cast %parallel_loop3A_537 : i32 to index
        %parallel_loop3A_557 = arith.constant 32 : index
        %parallel_loop3A_558 = tpu.vector_load %arg7[%parallel_loop3A_556, %parallel_loop3A_557] {strides = array<i32>} : memref<64x128xf32, #tpu.memory_space<vmem>>, vector<16xf32>,
        %parallel_loop3A_559 = arith.mulf %parallel_loop3A_555, %parallel_loop3A_558 : vector<16xf32>
        %parallel_loop3A_560 = arith.addf %parallel_loop3A_552, %parallel_loop3A_559 : vector<16xf32>
        %parallel_loop3A_561 = arith.index_cast %parallel_loop3A_537 : i32 to index
        %parallel_loop3A_562 = arith.constant 48 : index
        %parallel_loop3A_563 = tpu.vector_load %arg5[%parallel_loop3A_561, %parallel_loop3A_562] {strides = array<i32>} : memref<64x128xf32, #tpu.memory_space<vmem>>, vector<16xf32>,
        %parallel_loop3A_564 = arith.index_cast %parallel_loop3A_537 : i32 to index
        %parallel_loop3A_565 = arith.constant 48 : index
        %parallel_loop3A_566 = tpu.vector_load %arg7[%parallel_loop3A_564, %parallel_loop3A_565] {strides = array<i32>} : memref<64x128xf32, #tpu.memory_space<vmem>>, vector<16xf32>,
        %parallel_loop3A_567 = arith.mulf %parallel_loop3A_563, %parallel_loop3A_566 : vector<16xf32>
        %parallel_loop3A_568 = arith.addf %parallel_loop3A_560, %parallel_loop3A_567 : vector<16xf32>
        %parallel_loop3A_569 = arith.index_cast %parallel_loop3A_537 : i32 to index
        %parallel_loop3A_570 = arith.constant 64 : index
        %parallel_loop3A_571 = tpu.vector_load %arg5[%parallel_loop3A_569, %parallel_loop3A_570] {strides = array<i32>} : memref<64x128xf32, #tpu.memory_space<vmem>>, vector<16xf32>,
        %parallel_loop3A_572 = arith.index_cast %parallel_loop3A_537 : i32 to index
        %parallel_loop3A_573 = arith.constant 64 : index
        %parallel_loop3A_574 = tpu.vector_load %arg7[%parallel_loop3A_572, %parallel_loop3A_573] {strides = array<i32>} : memref<64x128xf32, #tpu.memory_space<vmem>>, vector<16xf32>,
        %parallel_loop3A_575 = arith.mulf %parallel_loop3A_571, %parallel_loop3A_574 : vector<16xf32>
        %parallel_loop3A_576 = arith.addf %parallel_loop3A_568, %parallel_loop3A_575 : vector<16xf32>
        %parallel_loop3A_577 = arith.index_cast %parallel_loop3A_537 : i32 to index
        %parallel_loop3A_578 = arith.constant 80 : index
        %parallel_loop3A_579 = tpu.vector_load %arg5[%parallel_loop3A_577, %parallel_loop3A_578] {strides = array<i32>} : memref<64x128xf32, #tpu.memory_space<vmem>>, vector<16xf32>,
        %parallel_loop3A_580 = arith.index_cast %parallel_loop3A_537 : i32 to index
        %parallel_loop3A_581 = arith.constant 80 : index
        %parallel_loop3A_582 = tpu.vector_load %arg7[%parallel_loop3A_580, %parallel_loop3A_581] {strides = array<i32>} : memref<64x128xf32, #tpu.memory_space<vmem>>, vector<16xf32>,
        %parallel_loop3A_583 = arith.mulf %parallel_loop3A_579, %parallel_loop3A_582 : vector<16xf32>
        %parallel_loop3A_584 = arith.addf %parallel_loop3A_576, %parallel_loop3A_583 : vector<16xf32>
        %parallel_loop3A_585 = arith.index_cast %parallel_loop3A_537 : i32 to index
        %parallel_loop3A_586 = arith.constant 96 : index
        %parallel_loop3A_587 = tpu.vector_load %arg5[%parallel_loop3A_585, %parallel_loop3A_586] {strides = array<i32>} : memref<64x128xf32, #tpu.memory_space<vmem>>, vector<16xf32>,
        %parallel_loop3A_588 = arith.index_cast %parallel_loop3A_537 : i32 to index
        %parallel_loop3A_589 = arith.constant 96 : index
        %parallel_loop3A_590 = tpu.vector_load %arg7[%parallel_loop3A_588, %parallel_loop3A_589] {strides = array<i32>} : memref<64x128xf32, #tpu.memory_space<vmem>>, vector<16xf32>,
        %parallel_loop3A_591 = arith.mulf %parallel_loop3A_587, %parallel_loop3A_590 : vector<16xf32>
        %parallel_loop3A_592 = arith.addf %parallel_loop3A_584, %parallel_loop3A_591 : vector<16xf32>
        %parallel_loop3A_593 = arith.index_cast %parallel_loop3A_537 : i32 to index
        %parallel_loop3A_594 = arith.constant 112 : index
        %parallel_loop3A_595 = tpu.vector_load %arg5[%parallel_loop3A_593, %parallel_loop3A_594] {strides = array<i32>} : memref<64x128xf32, #tpu.memory_space<vmem>>, vector<16xf32>,
        %parallel_loop3A_596 = arith.index_cast %parallel_loop3A_537 : i32 to index
        %parallel_loop3A_597 = arith.constant 112 : index
        %parallel_loop3A_598 = tpu.vector_load %arg7[%parallel_loop3A_596, %parallel_loop3A_597] {strides = array<i32>} : memref<64x128xf32, #tpu.memory_space<vmem>>, vector<16xf32>,
        %parallel_loop3A_599 = arith.mulf %parallel_loop3A_595, %parallel_loop3A_598 : vector<16xf32>
        %parallel_loop3A_600 = arith.addf %parallel_loop3A_592, %parallel_loop3A_599 : vector<16xf32>
        %parallel_loop3A_601 = arith.constant 6 : i32
        %parallel_loop3A_602 = arith.addi %parallel_loop3A_107, %parallel_loop3A_601 : i32
        %parallel_loop3A_603 = vector.broadcast %parallel_loop3A_602 : i32 to vector<16xi32>
        %parallel_loop3A_604 = arith.addi %mul3A_5, %parallel_loop3A_603 : vector<16xi32>
        tpu.vector_store_idx %arg9[%parallel_loop3A_604], %parallel_loop3A_600 : memref<1088xf32, #tpu.memory_space<vmem>>[vector<16xi32>], vector<16xf32>,
        %parallel_loop3A_605 = arith.constant 16 : i32
        %parallel_loop3A_606 = arith.muli %parallel_loop3A_105, %parallel_loop3A_605 : i32
        %parallel_loop3A_607 = arith.constant 7 : i32
        %parallel_loop3A_608 = arith.addi %parallel_loop3A_606, %parallel_loop3A_607 : i32
        %parallel_loop3A_609 = arith.index_cast %parallel_loop3A_608 : i32 to index
        %parallel_loop3A_610 = arith.constant 0 : index
        %parallel_loop3A_611 = tpu.vector_load %arg5[%parallel_loop3A_609, %parallel_loop3A_610] {strides = array<i32>} : memref<64x128xf32, #tpu.memory_space<vmem>>, vector<16xf32>,
        %parallel_loop3A_612 = arith.index_cast %parallel_loop3A_608 : i32 to index
        %parallel_loop3A_613 = arith.constant 0 : index
        %parallel_loop3A_614 = tpu.vector_load %arg7[%parallel_loop3A_612, %parallel_loop3A_613] {strides = array<i32>} : memref<64x128xf32, #tpu.memory_space<vmem>>, vector<16xf32>,
        %parallel_loop3A_615 = arith.mulf %parallel_loop3A_611, %parallel_loop3A_614 : vector<16xf32>
        %parallel_loop3A_616 = arith.index_cast %parallel_loop3A_608 : i32 to index
        %parallel_loop3A_617 = arith.constant 16 : index
        %parallel_loop3A_618 = tpu.vector_load %arg5[%parallel_loop3A_616, %parallel_loop3A_617] {strides = array<i32>} : memref<64x128xf32, #tpu.memory_space<vmem>>, vector<16xf32>,
        %parallel_loop3A_619 = arith.index_cast %parallel_loop3A_608 : i32 to index
        %parallel_loop3A_620 = arith.constant 16 : index
        %parallel_loop3A_621 = tpu.vector_load %arg7[%parallel_loop3A_619, %parallel_loop3A_620] {strides = array<i32>} : memref<64x128xf32, #tpu.memory_space<vmem>>, vector<16xf32>,
        %parallel_loop3A_622 = arith.mulf %parallel_loop3A_618, %parallel_loop3A_621 : vector<16xf32>
        %parallel_loop3A_623 = arith.addf %parallel_loop3A_615, %parallel_loop3A_622 : vector<16xf32>
        %parallel_loop3A_624 = arith.index_cast %parallel_loop3A_608 : i32 to index
        %parallel_loop3A_625 = arith.constant 32 : index
        %parallel_loop3A_626 = tpu.vector_load %arg5[%parallel_loop3A_624, %parallel_loop3A_625] {strides = array<i32>} : memref<64x128xf32, #tpu.memory_space<vmem>>, vector<16xf32>,
        %parallel_loop3A_627 = arith.index_cast %parallel_loop3A_608 : i32 to index
        %parallel_loop3A_628 = arith.constant 32 : index
        %parallel_loop3A_629 = tpu.vector_load %arg7[%parallel_loop3A_627, %parallel_loop3A_628] {strides = array<i32>} : memref<64x128xf32, #tpu.memory_space<vmem>>, vector<16xf32>,
        %parallel_loop3A_630 = arith.mulf %parallel_loop3A_626, %parallel_loop3A_629 : vector<16xf32>
        %parallel_loop3A_631 = arith.addf %parallel_loop3A_623, %parallel_loop3A_630 : vector<16xf32>
        %parallel_loop3A_632 = arith.index_cast %parallel_loop3A_608 : i32 to index
        %parallel_loop3A_633 = arith.constant 48 : index
        %parallel_loop3A_634 = tpu.vector_load %arg5[%parallel_loop3A_632, %parallel_loop3A_633] {strides = array<i32>} : memref<64x128xf32, #tpu.memory_space<vmem>>, vector<16xf32>,
        %parallel_loop3A_635 = arith.index_cast %parallel_loop3A_608 : i32 to index
        %parallel_loop3A_636 = arith.constant 48 : index
        %parallel_loop3A_637 = tpu.vector_load %arg7[%parallel_loop3A_635, %parallel_loop3A_636] {strides = array<i32>} : memref<64x128xf32, #tpu.memory_space<vmem>>, vector<16xf32>,
        %parallel_loop3A_638 = arith.mulf %parallel_loop3A_634, %parallel_loop3A_637 : vector<16xf32>
        %parallel_loop3A_639 = arith.addf %parallel_loop3A_631, %parallel_loop3A_638 : vector<16xf32>
        %parallel_loop3A_640 = arith.index_cast %parallel_loop3A_608 : i32 to index
        %parallel_loop3A_641 = arith.constant 64 : index
        %parallel_loop3A_642 = tpu.vector_load %arg5[%parallel_loop3A_640, %parallel_loop3A_641] {strides = array<i32>} : memref<64x128xf32, #tpu.memory_space<vmem>>, vector<16xf32>,
        %parallel_loop3A_643 = arith.index_cast %parallel_loop3A_608 : i32 to index
        %parallel_loop3A_644 = arith.constant 64 : index
        %parallel_loop3A_645 = tpu.vector_load %arg7[%parallel_loop3A_643, %parallel_loop3A_644] {strides = array<i32>} : memref<64x128xf32, #tpu.memory_space<vmem>>, vector<16xf32>,
        %parallel_loop3A_646 = arith.mulf %parallel_loop3A_642, %parallel_loop3A_645 : vector<16xf32>
        %parallel_loop3A_647 = arith.addf %parallel_loop3A_639, %parallel_loop3A_646 : vector<16xf32>
        %parallel_loop3A_648 = arith.index_cast %parallel_loop3A_608 : i32 to index
        %parallel_loop3A_649 = arith.constant 80 : index
        %parallel_loop3A_650 = tpu.vector_load %arg5[%parallel_loop3A_648, %parallel_loop3A_649] {strides = array<i32>} : memref<64x128xf32, #tpu.memory_space<vmem>>, vector<16xf32>,
        %parallel_loop3A_651 = arith.index_cast %parallel_loop3A_608 : i32 to index
        %parallel_loop3A_652 = arith.constant 80 : index
        %parallel_loop3A_653 = tpu.vector_load %arg7[%parallel_loop3A_651, %parallel_loop3A_652] {strides = array<i32>} : memref<64x128xf32, #tpu.memory_space<vmem>>, vector<16xf32>,
        %parallel_loop3A_654 = arith.mulf %parallel_loop3A_650, %parallel_loop3A_653 : vector<16xf32>
        %parallel_loop3A_655 = arith.addf %parallel_loop3A_647, %parallel_loop3A_654 : vector<16xf32>
        %parallel_loop3A_656 = arith.index_cast %parallel_loop3A_608 : i32 to index
        %parallel_loop3A_657 = arith.constant 96 : index
        %parallel_loop3A_658 = tpu.vector_load %arg5[%parallel_loop3A_656, %parallel_loop3A_657] {strides = array<i32>} : memref<64x128xf32, #tpu.memory_space<vmem>>, vector<16xf32>,
        %parallel_loop3A_659 = arith.index_cast %parallel_loop3A_608 : i32 to index
        %parallel_loop3A_660 = arith.constant 96 : index
        %parallel_loop3A_661 = tpu.vector_load %arg7[%parallel_loop3A_659, %parallel_loop3A_660] {strides = array<i32>} : memref<64x128xf32, #tpu.memory_space<vmem>>, vector<16xf32>,
        %parallel_loop3A_662 = arith.mulf %parallel_loop3A_658, %parallel_loop3A_661 : vector<16xf32>
        %parallel_loop3A_663 = arith.addf %parallel_loop3A_655, %parallel_loop3A_662 : vector<16xf32>
        %parallel_loop3A_664 = arith.index_cast %parallel_loop3A_608 : i32 to index
        %parallel_loop3A_665 = arith.constant 112 : index
        %parallel_loop3A_666 = tpu.vector_load %arg5[%parallel_loop3A_664, %parallel_loop3A_665] {strides = array<i32>} : memref<64x128xf32, #tpu.memory_space<vmem>>, vector<16xf32>,
        %parallel_loop3A_667 = arith.index_cast %parallel_loop3A_608 : i32 to index
        %parallel_loop3A_668 = arith.constant 112 : index
        %parallel_loop3A_669 = tpu.vector_load %arg7[%parallel_loop3A_667, %parallel_loop3A_668] {strides = array<i32>} : memref<64x128xf32, #tpu.memory_space<vmem>>, vector<16xf32>,
        %parallel_loop3A_670 = arith.mulf %parallel_loop3A_666, %parallel_loop3A_669 : vector<16xf32>
        %parallel_loop3A_671 = arith.addf %parallel_loop3A_663, %parallel_loop3A_670 : vector<16xf32>
        %parallel_loop3A_672 = arith.constant 7 : i32
        %parallel_loop3A_673 = arith.addi %parallel_loop3A_107, %parallel_loop3A_672 : i32
        %parallel_loop3A_674 = vector.broadcast %parallel_loop3A_673 : i32 to vector<16xi32>
        %parallel_loop3A_675 = arith.addi %mul3A_5, %parallel_loop3A_674 : vector<16xi32>
        tpu.vector_store_idx %arg9[%parallel_loop3A_675], %parallel_loop3A_671 : memref<1088xf32, #tpu.memory_space<vmem>>[vector<16xi32>], vector<16xf32>,
        %parallel_loop3A_676 = arith.constant 16 : i32
        %parallel_loop3A_677 = arith.muli %parallel_loop3A_105, %parallel_loop3A_676 : i32
        %parallel_loop3A_678 = arith.constant 8 : i32
        %parallel_loop3A_679 = arith.addi %parallel_loop3A_677, %parallel_loop3A_678 : i32
        %parallel_loop3A_680 = arith.index_cast %parallel_loop3A_679 : i32 to index
        %parallel_loop3A_681 = arith.constant 0 : index
        %parallel_loop3A_682 = tpu.vector_load %arg5[%parallel_loop3A_680, %parallel_loop3A_681] {strides = array<i32>} : memref<64x128xf32, #tpu.memory_space<vmem>>, vector<16xf32>,
        %parallel_loop3A_683 = arith.index_cast %parallel_loop3A_679 : i32 to index
        %parallel_loop3A_684 = arith.constant 0 : index
        %parallel_loop3A_685 = tpu.vector_load %arg7[%parallel_loop3A_683, %parallel_loop3A_684] {strides = array<i32>} : memref<64x128xf32, #tpu.memory_space<vmem>>, vector<16xf32>,
        %parallel_loop3A_686 = arith.mulf %parallel_loop3A_682, %parallel_loop3A_685 : vector<16xf32>
        %parallel_loop3A_687 = arith.index_cast %parallel_loop3A_679 : i32 to index
        %parallel_loop3A_688 = arith.constant 16 : index
        %parallel_loop3A_689 = tpu.vector_load %arg5[%parallel_loop3A_687, %parallel_loop3A_688] {strides = array<i32>} : memref<64x128xf32, #tpu.memory_space<vmem>>, vector<16xf32>,
        %parallel_loop3A_690 = arith.index_cast %parallel_loop3A_679 : i32 to index
        %parallel_loop3A_691 = arith.constant 16 : index
        %parallel_loop3A_692 = tpu.vector_load %arg7[%parallel_loop3A_690, %parallel_loop3A_691] {strides = array<i32>} : memref<64x128xf32, #tpu.memory_space<vmem>>, vector<16xf32>,
        %parallel_loop3A_693 = arith.mulf %parallel_loop3A_689, %parallel_loop3A_692 : vector<16xf32>
        %parallel_loop3A_694 = arith.addf %parallel_loop3A_686, %parallel_loop3A_693 : vector<16xf32>
        %parallel_loop3A_695 = arith.index_cast %parallel_loop3A_679 : i32 to index
        %parallel_loop3A_696 = arith.constant 32 : index
        %parallel_loop3A_697 = tpu.vector_load %arg5[%parallel_loop3A_695, %parallel_loop3A_696] {strides = array<i32>} : memref<64x128xf32, #tpu.memory_space<vmem>>, vector<16xf32>,
        %parallel_loop3A_698 = arith.index_cast %parallel_loop3A_679 : i32 to index
        %parallel_loop3A_699 = arith.constant 32 : index
        %parallel_loop3A_700 = tpu.vector_load %arg7[%parallel_loop3A_698, %parallel_loop3A_699] {strides = array<i32>} : memref<64x128xf32, #tpu.memory_space<vmem>>, vector<16xf32>,
        %parallel_loop3A_701 = arith.mulf %parallel_loop3A_697, %parallel_loop3A_700 : vector<16xf32>
        %parallel_loop3A_702 = arith.addf %parallel_loop3A_694, %parallel_loop3A_701 : vector<16xf32>
        %parallel_loop3A_703 = arith.index_cast %parallel_loop3A_679 : i32 to index
        %parallel_loop3A_704 = arith.constant 48 : index
        %parallel_loop3A_705 = tpu.vector_load %arg5[%parallel_loop3A_703, %parallel_loop3A_704] {strides = array<i32>} : memref<64x128xf32, #tpu.memory_space<vmem>>, vector<16xf32>,
        %parallel_loop3A_706 = arith.index_cast %parallel_loop3A_679 : i32 to index
        %parallel_loop3A_707 = arith.constant 48 : index
        %parallel_loop3A_708 = tpu.vector_load %arg7[%parallel_loop3A_706, %parallel_loop3A_707] {strides = array<i32>} : memref<64x128xf32, #tpu.memory_space<vmem>>, vector<16xf32>,
        %parallel_loop3A_709 = arith.mulf %parallel_loop3A_705, %parallel_loop3A_708 : vector<16xf32>
        %parallel_loop3A_710 = arith.addf %parallel_loop3A_702, %parallel_loop3A_709 : vector<16xf32>
        %parallel_loop3A_711 = arith.index_cast %parallel_loop3A_679 : i32 to index
        %parallel_loop3A_712 = arith.constant 64 : index
        %parallel_loop3A_713 = tpu.vector_load %arg5[%parallel_loop3A_711, %parallel_loop3A_712] {strides = array<i32>} : memref<64x128xf32, #tpu.memory_space<vmem>>, vector<16xf32>,
        %parallel_loop3A_714 = arith.index_cast %parallel_loop3A_679 : i32 to index
        %parallel_loop3A_715 = arith.constant 64 : index
        %parallel_loop3A_716 = tpu.vector_load %arg7[%parallel_loop3A_714, %parallel_loop3A_715] {strides = array<i32>} : memref<64x128xf32, #tpu.memory_space<vmem>>, vector<16xf32>,
        %parallel_loop3A_717 = arith.mulf %parallel_loop3A_713, %parallel_loop3A_716 : vector<16xf32>
        %parallel_loop3A_718 = arith.addf %parallel_loop3A_710, %parallel_loop3A_717 : vector<16xf32>
        %parallel_loop3A_719 = arith.index_cast %parallel_loop3A_679 : i32 to index
        %parallel_loop3A_720 = arith.constant 80 : index
        %parallel_loop3A_721 = tpu.vector_load %arg5[%parallel_loop3A_719, %parallel_loop3A_720] {strides = array<i32>} : memref<64x128xf32, #tpu.memory_space<vmem>>, vector<16xf32>,
        %parallel_loop3A_722 = arith.index_cast %parallel_loop3A_679 : i32 to index
        %parallel_loop3A_723 = arith.constant 80 : index
        %parallel_loop3A_724 = tpu.vector_load %arg7[%parallel_loop3A_722, %parallel_loop3A_723] {strides = array<i32>} : memref<64x128xf32, #tpu.memory_space<vmem>>, vector<16xf32>,
        %parallel_loop3A_725 = arith.mulf %parallel_loop3A_721, %parallel_loop3A_724 : vector<16xf32>
        %parallel_loop3A_726 = arith.addf %parallel_loop3A_718, %parallel_loop3A_725 : vector<16xf32>
        %parallel_loop3A_727 = arith.index_cast %parallel_loop3A_679 : i32 to index
        %parallel_loop3A_728 = arith.constant 96 : index
        %parallel_loop3A_729 = tpu.vector_load %arg5[%parallel_loop3A_727, %parallel_loop3A_728] {strides = array<i32>} : memref<64x128xf32, #tpu.memory_space<vmem>>, vector<16xf32>,
        %parallel_loop3A_730 = arith.index_cast %parallel_loop3A_679 : i32 to index
        %parallel_loop3A_731 = arith.constant 96 : index
        %parallel_loop3A_732 = tpu.vector_load %arg7[%parallel_loop3A_730, %parallel_loop3A_731] {strides = array<i32>} : memref<64x128xf32, #tpu.memory_space<vmem>>, vector<16xf32>,
        %parallel_loop3A_733 = arith.mulf %parallel_loop3A_729, %parallel_loop3A_732 : vector<16xf32>
        %parallel_loop3A_734 = arith.addf %parallel_loop3A_726, %parallel_loop3A_733 : vector<16xf32>
        %parallel_loop3A_735 = arith.index_cast %parallel_loop3A_679 : i32 to index
        %parallel_loop3A_736 = arith.constant 112 : index
        %parallel_loop3A_737 = tpu.vector_load %arg5[%parallel_loop3A_735, %parallel_loop3A_736] {strides = array<i32>} : memref<64x128xf32, #tpu.memory_space<vmem>>, vector<16xf32>,
        %parallel_loop3A_738 = arith.index_cast %parallel_loop3A_679 : i32 to index
        %parallel_loop3A_739 = arith.constant 112 : index
        %parallel_loop3A_740 = tpu.vector_load %arg7[%parallel_loop3A_738, %parallel_loop3A_739] {strides = array<i32>} : memref<64x128xf32, #tpu.memory_space<vmem>>, vector<16xf32>,
        %parallel_loop3A_741 = arith.mulf %parallel_loop3A_737, %parallel_loop3A_740 : vector<16xf32>
        %parallel_loop3A_742 = arith.addf %parallel_loop3A_734, %parallel_loop3A_741 : vector<16xf32>
        %parallel_loop3A_743 = arith.constant 8 : i32
        %parallel_loop3A_744 = arith.addi %parallel_loop3A_107, %parallel_loop3A_743 : i32
        %parallel_loop3A_745 = vector.broadcast %parallel_loop3A_744 : i32 to vector<16xi32>
        %parallel_loop3A_746 = arith.addi %mul3A_5, %parallel_loop3A_745 : vector<16xi32>
        tpu.vector_store_idx %arg9[%parallel_loop3A_746], %parallel_loop3A_742 : memref<1088xf32, #tpu.memory_space<vmem>>[vector<16xi32>], vector<16xf32>,
        %parallel_loop3A_747 = arith.constant 16 : i32
        %parallel_loop3A_748 = arith.muli %parallel_loop3A_105, %parallel_loop3A_747 : i32
        %parallel_loop3A_749 = arith.constant 9 : i32
        %parallel_loop3A_750 = arith.addi %parallel_loop3A_748, %parallel_loop3A_749 : i32
        %parallel_loop3A_751 = arith.index_cast %parallel_loop3A_750 : i32 to index
        %parallel_loop3A_752 = arith.constant 0 : index
        %parallel_loop3A_753 = tpu.vector_load %arg5[%parallel_loop3A_751, %parallel_loop3A_752] {strides = array<i32>} : memref<64x128xf32, #tpu.memory_space<vmem>>, vector<16xf32>,
        %parallel_loop3A_754 = arith.index_cast %parallel_loop3A_750 : i32 to index
        %parallel_loop3A_755 = arith.constant 0 : index
        %parallel_loop3A_756 = tpu.vector_load %arg7[%parallel_loop3A_754, %parallel_loop3A_755] {strides = array<i32>} : memref<64x128xf32, #tpu.memory_space<vmem>>, vector<16xf32>,
        %parallel_loop3A_757 = arith.mulf %parallel_loop3A_753, %parallel_loop3A_756 : vector<16xf32>
        %parallel_loop3A_758 = arith.index_cast %parallel_loop3A_750 : i32 to index
        %parallel_loop3A_759 = arith.constant 16 : index
        %parallel_loop3A_760 = tpu.vector_load %arg5[%parallel_loop3A_758, %parallel_loop3A_759] {strides = array<i32>} : memref<64x128xf32, #tpu.memory_space<vmem>>, vector<16xf32>,
        %parallel_loop3A_761 = arith.index_cast %parallel_loop3A_750 : i32 to index
        %parallel_loop3A_762 = arith.constant 16 : index
        %parallel_loop3A_763 = tpu.vector_load %arg7[%parallel_loop3A_761, %parallel_loop3A_762] {strides = array<i32>} : memref<64x128xf32, #tpu.memory_space<vmem>>, vector<16xf32>,
        %parallel_loop3A_764 = arith.mulf %parallel_loop3A_760, %parallel_loop3A_763 : vector<16xf32>
        %parallel_loop3A_765 = arith.addf %parallel_loop3A_757, %parallel_loop3A_764 : vector<16xf32>
        %parallel_loop3A_766 = arith.index_cast %parallel_loop3A_750 : i32 to index
        %parallel_loop3A_767 = arith.constant 32 : index
        %parallel_loop3A_768 = tpu.vector_load %arg5[%parallel_loop3A_766, %parallel_loop3A_767] {strides = array<i32>} : memref<64x128xf32, #tpu.memory_space<vmem>>, vector<16xf32>,
        %parallel_loop3A_769 = arith.index_cast %parallel_loop3A_750 : i32 to index
        %parallel_loop3A_770 = arith.constant 32 : index
        %parallel_loop3A_771 = tpu.vector_load %arg7[%parallel_loop3A_769, %parallel_loop3A_770] {strides = array<i32>} : memref<64x128xf32, #tpu.memory_space<vmem>>, vector<16xf32>,
        %parallel_loop3A_772 = arith.mulf %parallel_loop3A_768, %parallel_loop3A_771 : vector<16xf32>
        %parallel_loop3A_773 = arith.addf %parallel_loop3A_765, %parallel_loop3A_772 : vector<16xf32>
        %parallel_loop3A_774 = arith.index_cast %parallel_loop3A_750 : i32 to index
        %parallel_loop3A_775 = arith.constant 48 : index
        %parallel_loop3A_776 = tpu.vector_load %arg5[%parallel_loop3A_774, %parallel_loop3A_775] {strides = array<i32>} : memref<64x128xf32, #tpu.memory_space<vmem>>, vector<16xf32>,
        %parallel_loop3A_777 = arith.index_cast %parallel_loop3A_750 : i32 to index
        %parallel_loop3A_778 = arith.constant 48 : index
        %parallel_loop3A_779 = tpu.vector_load %arg7[%parallel_loop3A_777, %parallel_loop3A_778] {strides = array<i32>} : memref<64x128xf32, #tpu.memory_space<vmem>>, vector<16xf32>,
        %parallel_loop3A_780 = arith.mulf %parallel_loop3A_776, %parallel_loop3A_779 : vector<16xf32>
        %parallel_loop3A_781 = arith.addf %parallel_loop3A_773, %parallel_loop3A_780 : vector<16xf32>
        %parallel_loop3A_782 = arith.index_cast %parallel_loop3A_750 : i32 to index
        %parallel_loop3A_783 = arith.constant 64 : index
        %parallel_loop3A_784 = tpu.vector_load %arg5[%parallel_loop3A_782, %parallel_loop3A_783] {strides = array<i32>} : memref<64x128xf32, #tpu.memory_space<vmem>>, vector<16xf32>,
        %parallel_loop3A_785 = arith.index_cast %parallel_loop3A_750 : i32 to index
        %parallel_loop3A_786 = arith.constant 64 : index
        %parallel_loop3A_787 = tpu.vector_load %arg7[%parallel_loop3A_785, %parallel_loop3A_786] {strides = array<i32>} : memref<64x128xf32, #tpu.memory_space<vmem>>, vector<16xf32>,
        %parallel_loop3A_788 = arith.mulf %parallel_loop3A_784, %parallel_loop3A_787 : vector<16xf32>
        %parallel_loop3A_789 = arith.addf %parallel_loop3A_781, %parallel_loop3A_788 : vector<16xf32>
        %parallel_loop3A_790 = arith.index_cast %parallel_loop3A_750 : i32 to index
        %parallel_loop3A_791 = arith.constant 80 : index
        %parallel_loop3A_792 = tpu.vector_load %arg5[%parallel_loop3A_790, %parallel_loop3A_791] {strides = array<i32>} : memref<64x128xf32, #tpu.memory_space<vmem>>, vector<16xf32>,
        %parallel_loop3A_793 = arith.index_cast %parallel_loop3A_750 : i32 to index
        %parallel_loop3A_794 = arith.constant 80 : index
        %parallel_loop3A_795 = tpu.vector_load %arg7[%parallel_loop3A_793, %parallel_loop3A_794] {strides = array<i32>} : memref<64x128xf32, #tpu.memory_space<vmem>>, vector<16xf32>,
        %parallel_loop3A_796 = arith.mulf %parallel_loop3A_792, %parallel_loop3A_795 : vector<16xf32>
        %parallel_loop3A_797 = arith.addf %parallel_loop3A_789, %parallel_loop3A_796 : vector<16xf32>
        %parallel_loop3A_798 = arith.index_cast %parallel_loop3A_750 : i32 to index
        %parallel_loop3A_799 = arith.constant 96 : index
        %parallel_loop3A_800 = tpu.vector_load %arg5[%parallel_loop3A_798, %parallel_loop3A_799] {strides = array<i32>} : memref<64x128xf32, #tpu.memory_space<vmem>>, vector<16xf32>,
        %parallel_loop3A_801 = arith.index_cast %parallel_loop3A_750 : i32 to index
        %parallel_loop3A_802 = arith.constant 96 : index
        %parallel_loop3A_803 = tpu.vector_load %arg7[%parallel_loop3A_801, %parallel_loop3A_802] {strides = array<i32>} : memref<64x128xf32, #tpu.memory_space<vmem>>, vector<16xf32>,
        %parallel_loop3A_804 = arith.mulf %parallel_loop3A_800, %parallel_loop3A_803 : vector<16xf32>
        %parallel_loop3A_805 = arith.addf %parallel_loop3A_797, %parallel_loop3A_804 : vector<16xf32>
        %parallel_loop3A_806 = arith.index_cast %parallel_loop3A_750 : i32 to index
        %parallel_loop3A_807 = arith.constant 112 : index
        %parallel_loop3A_808 = tpu.vector_load %arg5[%parallel_loop3A_806, %parallel_loop3A_807] {strides = array<i32>} : memref<64x128xf32, #tpu.memory_space<vmem>>, vector<16xf32>,
        %parallel_loop3A_809 = arith.index_cast %parallel_loop3A_750 : i32 to index
        %parallel_loop3A_810 = arith.constant 112 : index
        %parallel_loop3A_811 = tpu.vector_load %arg7[%parallel_loop3A_809, %parallel_loop3A_810] {strides = array<i32>} : memref<64x128xf32, #tpu.memory_space<vmem>>, vector<16xf32>,
        %parallel_loop3A_812 = arith.mulf %parallel_loop3A_808, %parallel_loop3A_811 : vector<16xf32>
        %parallel_loop3A_813 = arith.addf %parallel_loop3A_805, %parallel_loop3A_812 : vector<16xf32>
        %parallel_loop3A_814 = arith.constant 9 : i32
        %parallel_loop3A_815 = arith.addi %parallel_loop3A_107, %parallel_loop3A_814 : i32
        %parallel_loop3A_816 = vector.broadcast %parallel_loop3A_815 : i32 to vector<16xi32>
        %parallel_loop3A_817 = arith.addi %mul3A_5, %parallel_loop3A_816 : vector<16xi32>
        tpu.vector_store_idx %arg9[%parallel_loop3A_817], %parallel_loop3A_813 : memref<1088xf32, #tpu.memory_space<vmem>>[vector<16xi32>], vector<16xf32>,
        %parallel_loop3A_818 = arith.constant 16 : i32
        %parallel_loop3A_819 = arith.muli %parallel_loop3A_105, %parallel_loop3A_818 : i32
        %parallel_loop3A_820 = arith.constant 10 : i32
        %parallel_loop3A_821 = arith.addi %parallel_loop3A_819, %parallel_loop3A_820 : i32
        %parallel_loop3A_822 = arith.index_cast %parallel_loop3A_821 : i32 to index
        %parallel_loop3A_823 = arith.constant 0 : index
        %parallel_loop3A_824 = tpu.vector_load %arg5[%parallel_loop3A_822, %parallel_loop3A_823] {strides = array<i32>} : memref<64x128xf32, #tpu.memory_space<vmem>>, vector<16xf32>,
        %parallel_loop3A_825 = arith.index_cast %parallel_loop3A_821 : i32 to index
        %parallel_loop3A_826 = arith.constant 0 : index
        %parallel_loop3A_827 = tpu.vector_load %arg7[%parallel_loop3A_825, %parallel_loop3A_826] {strides = array<i32>} : memref<64x128xf32, #tpu.memory_space<vmem>>, vector<16xf32>,
        %parallel_loop3A_828 = arith.mulf %parallel_loop3A_824, %parallel_loop3A_827 : vector<16xf32>
        %parallel_loop3A_829 = arith.index_cast %parallel_loop3A_821 : i32 to index
        %parallel_loop3A_830 = arith.constant 16 : index
        %parallel_loop3A_831 = tpu.vector_load %arg5[%parallel_loop3A_829, %parallel_loop3A_830] {strides = array<i32>} : memref<64x128xf32, #tpu.memory_space<vmem>>, vector<16xf32>,
        %parallel_loop3A_832 = arith.index_cast %parallel_loop3A_821 : i32 to index
        %parallel_loop3A_833 = arith.constant 16 : index
        %parallel_loop3A_834 = tpu.vector_load %arg7[%parallel_loop3A_832, %parallel_loop3A_833] {strides = array<i32>} : memref<64x128xf32, #tpu.memory_space<vmem>>, vector<16xf32>,
        %parallel_loop3A_835 = arith.mulf %parallel_loop3A_831, %parallel_loop3A_834 : vector<16xf32>
        %parallel_loop3A_836 = arith.addf %parallel_loop3A_828, %parallel_loop3A_835 : vector<16xf32>
        %parallel_loop3A_837 = arith.index_cast %parallel_loop3A_821 : i32 to index
        %parallel_loop3A_838 = arith.constant 32 : index
        %parallel_loop3A_839 = tpu.vector_load %arg5[%parallel_loop3A_837, %parallel_loop3A_838] {strides = array<i32>} : memref<64x128xf32, #tpu.memory_space<vmem>>, vector<16xf32>,
        %parallel_loop3A_840 = arith.index_cast %parallel_loop3A_821 : i32 to index
        %parallel_loop3A_841 = arith.constant 32 : index
        %parallel_loop3A_842 = tpu.vector_load %arg7[%parallel_loop3A_840, %parallel_loop3A_841] {strides = array<i32>} : memref<64x128xf32, #tpu.memory_space<vmem>>, vector<16xf32>,
        %parallel_loop3A_843 = arith.mulf %parallel_loop3A_839, %parallel_loop3A_842 : vector<16xf32>
        %parallel_loop3A_844 = arith.addf %parallel_loop3A_836, %parallel_loop3A_843 : vector<16xf32>
        %parallel_loop3A_845 = arith.index_cast %parallel_loop3A_821 : i32 to index
        %parallel_loop3A_846 = arith.constant 48 : index
        %parallel_loop3A_847 = tpu.vector_load %arg5[%parallel_loop3A_845, %parallel_loop3A_846] {strides = array<i32>} : memref<64x128xf32, #tpu.memory_space<vmem>>, vector<16xf32>,
        %parallel_loop3A_848 = arith.index_cast %parallel_loop3A_821 : i32 to index
        %parallel_loop3A_849 = arith.constant 48 : index
        %parallel_loop3A_850 = tpu.vector_load %arg7[%parallel_loop3A_848, %parallel_loop3A_849] {strides = array<i32>} : memref<64x128xf32, #tpu.memory_space<vmem>>, vector<16xf32>,
        %parallel_loop3A_851 = arith.mulf %parallel_loop3A_847, %parallel_loop3A_850 : vector<16xf32>
        %parallel_loop3A_852 = arith.addf %parallel_loop3A_844, %parallel_loop3A_851 : vector<16xf32>
        %parallel_loop3A_853 = arith.index_cast %parallel_loop3A_821 : i32 to index
        %parallel_loop3A_854 = arith.constant 64 : index
        %parallel_loop3A_855 = tpu.vector_load %arg5[%parallel_loop3A_853, %parallel_loop3A_854] {strides = array<i32>} : memref<64x128xf32, #tpu.memory_space<vmem>>, vector<16xf32>,
        %parallel_loop3A_856 = arith.index_cast %parallel_loop3A_821 : i32 to index
        %parallel_loop3A_857 = arith.constant 64 : index
        %parallel_loop3A_858 = tpu.vector_load %arg7[%parallel_loop3A_856, %parallel_loop3A_857] {strides = array<i32>} : memref<64x128xf32, #tpu.memory_space<vmem>>, vector<16xf32>,
        %parallel_loop3A_859 = arith.mulf %parallel_loop3A_855, %parallel_loop3A_858 : vector<16xf32>
        %parallel_loop3A_860 = arith.addf %parallel_loop3A_852, %parallel_loop3A_859 : vector<16xf32>
        %parallel_loop3A_861 = arith.index_cast %parallel_loop3A_821 : i32 to index
        %parallel_loop3A_862 = arith.constant 80 : index
        %parallel_loop3A_863 = tpu.vector_load %arg5[%parallel_loop3A_861, %parallel_loop3A_862] {strides = array<i32>} : memref<64x128xf32, #tpu.memory_space<vmem>>, vector<16xf32>,
        %parallel_loop3A_864 = arith.index_cast %parallel_loop3A_821 : i32 to index
        %parallel_loop3A_865 = arith.constant 80 : index
        %parallel_loop3A_866 = tpu.vector_load %arg7[%parallel_loop3A_864, %parallel_loop3A_865] {strides = array<i32>} : memref<64x128xf32, #tpu.memory_space<vmem>>, vector<16xf32>,
        %parallel_loop3A_867 = arith.mulf %parallel_loop3A_863, %parallel_loop3A_866 : vector<16xf32>
        %parallel_loop3A_868 = arith.addf %parallel_loop3A_860, %parallel_loop3A_867 : vector<16xf32>
        %parallel_loop3A_869 = arith.index_cast %parallel_loop3A_821 : i32 to index
        %parallel_loop3A_870 = arith.constant 96 : index
        %parallel_loop3A_871 = tpu.vector_load %arg5[%parallel_loop3A_869, %parallel_loop3A_870] {strides = array<i32>} : memref<64x128xf32, #tpu.memory_space<vmem>>, vector<16xf32>,
        %parallel_loop3A_872 = arith.index_cast %parallel_loop3A_821 : i32 to index
        %parallel_loop3A_873 = arith.constant 96 : index
        %parallel_loop3A_874 = tpu.vector_load %arg7[%parallel_loop3A_872, %parallel_loop3A_873] {strides = array<i32>} : memref<64x128xf32, #tpu.memory_space<vmem>>, vector<16xf32>,
        %parallel_loop3A_875 = arith.mulf %parallel_loop3A_871, %parallel_loop3A_874 : vector<16xf32>
        %parallel_loop3A_876 = arith.addf %parallel_loop3A_868, %parallel_loop3A_875 : vector<16xf32>
        %parallel_loop3A_877 = arith.index_cast %parallel_loop3A_821 : i32 to index
        %parallel_loop3A_878 = arith.constant 112 : index
        %parallel_loop3A_879 = tpu.vector_load %arg5[%parallel_loop3A_877, %parallel_loop3A_878] {strides = array<i32>} : memref<64x128xf32, #tpu.memory_space<vmem>>, vector<16xf32>,
        %parallel_loop3A_880 = arith.index_cast %parallel_loop3A_821 : i32 to index
        %parallel_loop3A_881 = arith.constant 112 : index
        %parallel_loop3A_882 = tpu.vector_load %arg7[%parallel_loop3A_880, %parallel_loop3A_881] {strides = array<i32>} : memref<64x128xf32, #tpu.memory_space<vmem>>, vector<16xf32>,
        %parallel_loop3A_883 = arith.mulf %parallel_loop3A_879, %parallel_loop3A_882 : vector<16xf32>
        %parallel_loop3A_884 = arith.addf %parallel_loop3A_876, %parallel_loop3A_883 : vector<16xf32>
        %parallel_loop3A_885 = arith.constant 10 : i32
        %parallel_loop3A_886 = arith.addi %parallel_loop3A_107, %parallel_loop3A_885 : i32
        %parallel_loop3A_887 = vector.broadcast %parallel_loop3A_886 : i32 to vector<16xi32>
        %parallel_loop3A_888 = arith.addi %mul3A_5, %parallel_loop3A_887 : vector<16xi32>
        tpu.vector_store_idx %arg9[%parallel_loop3A_888], %parallel_loop3A_884 : memref<1088xf32, #tpu.memory_space<vmem>>[vector<16xi32>], vector<16xf32>,
        %parallel_loop3A_889 = arith.constant 16 : i32
        %parallel_loop3A_890 = arith.muli %parallel_loop3A_105, %parallel_loop3A_889 : i32
        %parallel_loop3A_891 = arith.constant 11 : i32
        %parallel_loop3A_892 = arith.addi %parallel_loop3A_890, %parallel_loop3A_891 : i32
        %parallel_loop3A_893 = arith.index_cast %parallel_loop3A_892 : i32 to index
        %parallel_loop3A_894 = arith.constant 0 : index
        %parallel_loop3A_895 = tpu.vector_load %arg5[%parallel_loop3A_893, %parallel_loop3A_894] {strides = array<i32>} : memref<64x128xf32, #tpu.memory_space<vmem>>, vector<16xf32>,
        %parallel_loop3A_896 = arith.index_cast %parallel_loop3A_892 : i32 to index
        %parallel_loop3A_897 = arith.constant 0 : index
        %parallel_loop3A_898 = tpu.vector_load %arg7[%parallel_loop3A_896, %parallel_loop3A_897] {strides = array<i32>} : memref<64x128xf32, #tpu.memory_space<vmem>>, vector<16xf32>,
        %parallel_loop3A_899 = arith.mulf %parallel_loop3A_895, %parallel_loop3A_898 : vector<16xf32>
        %parallel_loop3A_900 = arith.index_cast %parallel_loop3A_892 : i32 to index
        %parallel_loop3A_901 = arith.constant 16 : index
        %parallel_loop3A_902 = tpu.vector_load %arg5[%parallel_loop3A_900, %parallel_loop3A_901] {strides = array<i32>} : memref<64x128xf32, #tpu.memory_space<vmem>>, vector<16xf32>,
        %parallel_loop3A_903 = arith.index_cast %parallel_loop3A_892 : i32 to index
        %parallel_loop3A_904 = arith.constant 16 : index
        %parallel_loop3A_905 = tpu.vector_load %arg7[%parallel_loop3A_903, %parallel_loop3A_904] {strides = array<i32>} : memref<64x128xf32, #tpu.memory_space<vmem>>, vector<16xf32>,
        %parallel_loop3A_906 = arith.mulf %parallel_loop3A_902, %parallel_loop3A_905 : vector<16xf32>
        %parallel_loop3A_907 = arith.addf %parallel_loop3A_899, %parallel_loop3A_906 : vector<16xf32>
        %parallel_loop3A_908 = arith.index_cast %parallel_loop3A_892 : i32 to index
        %parallel_loop3A_909 = arith.constant 32 : index
        %parallel_loop3A_910 = tpu.vector_load %arg5[%parallel_loop3A_908, %parallel_loop3A_909] {strides = array<i32>} : memref<64x128xf32, #tpu.memory_space<vmem>>, vector<16xf32>,
        %parallel_loop3A_911 = arith.index_cast %parallel_loop3A_892 : i32 to index
        %parallel_loop3A_912 = arith.constant 32 : index
        %parallel_loop3A_913 = tpu.vector_load %arg7[%parallel_loop3A_911, %parallel_loop3A_912] {strides = array<i32>} : memref<64x128xf32, #tpu.memory_space<vmem>>, vector<16xf32>,
        %parallel_loop3A_914 = arith.mulf %parallel_loop3A_910, %parallel_loop3A_913 : vector<16xf32>
        %parallel_loop3A_915 = arith.addf %parallel_loop3A_907, %parallel_loop3A_914 : vector<16xf32>
        %parallel_loop3A_916 = arith.index_cast %parallel_loop3A_892 : i32 to index
        %parallel_loop3A_917 = arith.constant 48 : index
        %parallel_loop3A_918 = tpu.vector_load %arg5[%parallel_loop3A_916, %parallel_loop3A_917] {strides = array<i32>} : memref<64x128xf32, #tpu.memory_space<vmem>>, vector<16xf32>,
        %parallel_loop3A_919 = arith.index_cast %parallel_loop3A_892 : i32 to index
        %parallel_loop3A_920 = arith.constant 48 : index
        %parallel_loop3A_921 = tpu.vector_load %arg7[%parallel_loop3A_919, %parallel_loop3A_920] {strides = array<i32>} : memref<64x128xf32, #tpu.memory_space<vmem>>, vector<16xf32>,
        %parallel_loop3A_922 = arith.mulf %parallel_loop3A_918, %parallel_loop3A_921 : vector<16xf32>
        %parallel_loop3A_923 = arith.addf %parallel_loop3A_915, %parallel_loop3A_922 : vector<16xf32>
        %parallel_loop3A_924 = arith.index_cast %parallel_loop3A_892 : i32 to index
        %parallel_loop3A_925 = arith.constant 64 : index
        %parallel_loop3A_926 = tpu.vector_load %arg5[%parallel_loop3A_924, %parallel_loop3A_925] {strides = array<i32>} : memref<64x128xf32, #tpu.memory_space<vmem>>, vector<16xf32>,
        %parallel_loop3A_927 = arith.index_cast %parallel_loop3A_892 : i32 to index
        %parallel_loop3A_928 = arith.constant 64 : index
        %parallel_loop3A_929 = tpu.vector_load %arg7[%parallel_loop3A_927, %parallel_loop3A_928] {strides = array<i32>} : memref<64x128xf32, #tpu.memory_space<vmem>>, vector<16xf32>,
        %parallel_loop3A_930 = arith.mulf %parallel_loop3A_926, %parallel_loop3A_929 : vector<16xf32>
        %parallel_loop3A_931 = arith.addf %parallel_loop3A_923, %parallel_loop3A_930 : vector<16xf32>
        %parallel_loop3A_932 = arith.index_cast %parallel_loop3A_892 : i32 to index
        %parallel_loop3A_933 = arith.constant 80 : index
        %parallel_loop3A_934 = tpu.vector_load %arg5[%parallel_loop3A_932, %parallel_loop3A_933] {strides = array<i32>} : memref<64x128xf32, #tpu.memory_space<vmem>>, vector<16xf32>,
        %parallel_loop3A_935 = arith.index_cast %parallel_loop3A_892 : i32 to index
        %parallel_loop3A_936 = arith.constant 80 : index
        %parallel_loop3A_937 = tpu.vector_load %arg7[%parallel_loop3A_935, %parallel_loop3A_936] {strides = array<i32>} : memref<64x128xf32, #tpu.memory_space<vmem>>, vector<16xf32>,
        %parallel_loop3A_938 = arith.mulf %parallel_loop3A_934, %parallel_loop3A_937 : vector<16xf32>
        %parallel_loop3A_939 = arith.addf %parallel_loop3A_931, %parallel_loop3A_938 : vector<16xf32>
        %parallel_loop3A_940 = arith.index_cast %parallel_loop3A_892 : i32 to index
        %parallel_loop3A_941 = arith.constant 96 : index
        %parallel_loop3A_942 = tpu.vector_load %arg5[%parallel_loop3A_940, %parallel_loop3A_941] {strides = array<i32>} : memref<64x128xf32, #tpu.memory_space<vmem>>, vector<16xf32>,
        %parallel_loop3A_943 = arith.index_cast %parallel_loop3A_892 : i32 to index
        %parallel_loop3A_944 = arith.constant 96 : index
        %parallel_loop3A_945 = tpu.vector_load %arg7[%parallel_loop3A_943, %parallel_loop3A_944] {strides = array<i32>} : memref<64x128xf32, #tpu.memory_space<vmem>>, vector<16xf32>,
        %parallel_loop3A_946 = arith.mulf %parallel_loop3A_942, %parallel_loop3A_945 : vector<16xf32>
        %parallel_loop3A_947 = arith.addf %parallel_loop3A_939, %parallel_loop3A_946 : vector<16xf32>
        %parallel_loop3A_948 = arith.index_cast %parallel_loop3A_892 : i32 to index
        %parallel_loop3A_949 = arith.constant 112 : index
        %parallel_loop3A_950 = tpu.vector_load %arg5[%parallel_loop3A_948, %parallel_loop3A_949] {strides = array<i32>} : memref<64x128xf32, #tpu.memory_space<vmem>>, vector<16xf32>,
        %parallel_loop3A_951 = arith.index_cast %parallel_loop3A_892 : i32 to index
        %parallel_loop3A_952 = arith.constant 112 : index
        %parallel_loop3A_953 = tpu.vector_load %arg7[%parallel_loop3A_951, %parallel_loop3A_952] {strides = array<i32>} : memref<64x128xf32, #tpu.memory_space<vmem>>, vector<16xf32>,
        %parallel_loop3A_954 = arith.mulf %parallel_loop3A_950, %parallel_loop3A_953 : vector<16xf32>
        %parallel_loop3A_955 = arith.addf %parallel_loop3A_947, %parallel_loop3A_954 : vector<16xf32>
        %parallel_loop3A_956 = arith.constant 11 : i32
        %parallel_loop3A_957 = arith.addi %parallel_loop3A_107, %parallel_loop3A_956 : i32
        %parallel_loop3A_958 = vector.broadcast %parallel_loop3A_957 : i32 to vector<16xi32>
        %parallel_loop3A_959 = arith.addi %mul3A_5, %parallel_loop3A_958 : vector<16xi32>
        tpu.vector_store_idx %arg9[%parallel_loop3A_959], %parallel_loop3A_955 : memref<1088xf32, #tpu.memory_space<vmem>>[vector<16xi32>], vector<16xf32>,
        %parallel_loop3A_960 = arith.constant 16 : i32
        %parallel_loop3A_961 = arith.muli %parallel_loop3A_105, %parallel_loop3A_960 : i32
        %parallel_loop3A_962 = arith.constant 12 : i32
        %parallel_loop3A_963 = arith.addi %parallel_loop3A_961, %parallel_loop3A_962 : i32
        %parallel_loop3A_964 = arith.index_cast %parallel_loop3A_963 : i32 to index
        %parallel_loop3A_965 = arith.constant 0 : index
        %parallel_loop3A_966 = tpu.vector_load %arg5[%parallel_loop3A_964, %parallel_loop3A_965] {strides = array<i32>} : memref<64x128xf32, #tpu.memory_space<vmem>>, vector<16xf32>,
        %parallel_loop3A_967 = arith.index_cast %parallel_loop3A_963 : i32 to index
        %parallel_loop3A_968 = arith.constant 0 : index
        %parallel_loop3A_969 = tpu.vector_load %arg7[%parallel_loop3A_967, %parallel_loop3A_968] {strides = array<i32>} : memref<64x128xf32, #tpu.memory_space<vmem>>, vector<16xf32>,
        %parallel_loop3A_970 = arith.mulf %parallel_loop3A_966, %parallel_loop3A_969 : vector<16xf32>
        %parallel_loop3A_971 = arith.index_cast %parallel_loop3A_963 : i32 to index
        %parallel_loop3A_972 = arith.constant 16 : index
        %parallel_loop3A_973 = tpu.vector_load %arg5[%parallel_loop3A_971, %parallel_loop3A_972] {strides = array<i32>} : memref<64x128xf32, #tpu.memory_space<vmem>>, vector<16xf32>,
        %parallel_loop3A_974 = arith.index_cast %parallel_loop3A_963 : i32 to index
        %parallel_loop3A_975 = arith.constant 16 : index
        %parallel_loop3A_976 = tpu.vector_load %arg7[%parallel_loop3A_974, %parallel_loop3A_975] {strides = array<i32>} : memref<64x128xf32, #tpu.memory_space<vmem>>, vector<16xf32>,
        %parallel_loop3A_977 = arith.mulf %parallel_loop3A_973, %parallel_loop3A_976 : vector<16xf32>
        %parallel_loop3A_978 = arith.addf %parallel_loop3A_970, %parallel_loop3A_977 : vector<16xf32>
        %parallel_loop3A_979 = arith.index_cast %parallel_loop3A_963 : i32 to index
        %parallel_loop3A_980 = arith.constant 32 : index
        %parallel_loop3A_981 = tpu.vector_load %arg5[%parallel_loop3A_979, %parallel_loop3A_980] {strides = array<i32>} : memref<64x128xf32, #tpu.memory_space<vmem>>, vector<16xf32>,
        %parallel_loop3A_982 = arith.index_cast %parallel_loop3A_963 : i32 to index
        %parallel_loop3A_983 = arith.constant 32 : index
        %parallel_loop3A_984 = tpu.vector_load %arg7[%parallel_loop3A_982, %parallel_loop3A_983] {strides = array<i32>} : memref<64x128xf32, #tpu.memory_space<vmem>>, vector<16xf32>,
        %parallel_loop3A_985 = arith.mulf %parallel_loop3A_981, %parallel_loop3A_984 : vector<16xf32>
        %parallel_loop3A_986 = arith.addf %parallel_loop3A_978, %parallel_loop3A_985 : vector<16xf32>
        %parallel_loop3A_987 = arith.index_cast %parallel_loop3A_963 : i32 to index
        %parallel_loop3A_988 = arith.constant 48 : index
        %parallel_loop3A_989 = tpu.vector_load %arg5[%parallel_loop3A_987, %parallel_loop3A_988] {strides = array<i32>} : memref<64x128xf32, #tpu.memory_space<vmem>>, vector<16xf32>,
        %parallel_loop3A_990 = arith.index_cast %parallel_loop3A_963 : i32 to index
        %parallel_loop3A_991 = arith.constant 48 : index
        %parallel_loop3A_992 = tpu.vector_load %arg7[%parallel_loop3A_990, %parallel_loop3A_991] {strides = array<i32>} : memref<64x128xf32, #tpu.memory_space<vmem>>, vector<16xf32>,
        %parallel_loop3A_993 = arith.mulf %parallel_loop3A_989, %parallel_loop3A_992 : vector<16xf32>
        %parallel_loop3A_994 = arith.addf %parallel_loop3A_986, %parallel_loop3A_993 : vector<16xf32>
        %parallel_loop3A_995 = arith.index_cast %parallel_loop3A_963 : i32 to index
        %parallel_loop3A_996 = arith.constant 64 : index
        %parallel_loop3A_997 = tpu.vector_load %arg5[%parallel_loop3A_995, %parallel_loop3A_996] {strides = array<i32>} : memref<64x128xf32, #tpu.memory_space<vmem>>, vector<16xf32>,
        %parallel_loop3A_998 = arith.index_cast %parallel_loop3A_963 : i32 to index
        %parallel_loop3A_999 = arith.constant 64 : index
        %parallel_loop3A_1000 = tpu.vector_load %arg7[%parallel_loop3A_998, %parallel_loop3A_999] {strides = array<i32>} : memref<64x128xf32, #tpu.memory_space<vmem>>, vector<16xf32>,
        %parallel_loop3A_1001 = arith.mulf %parallel_loop3A_997, %parallel_loop3A_1000 : vector<16xf32>
        %parallel_loop3A_1002 = arith.addf %parallel_loop3A_994, %parallel_loop3A_1001 : vector<16xf32>
        %parallel_loop3A_1003 = arith.index_cast %parallel_loop3A_963 : i32 to index
        %parallel_loop3A_1004 = arith.constant 80 : index
        %parallel_loop3A_1005 = tpu.vector_load %arg5[%parallel_loop3A_1003, %parallel_loop3A_1004] {strides = array<i32>} : memref<64x128xf32, #tpu.memory_space<vmem>>, vector<16xf32>,
        %parallel_loop3A_1006 = arith.index_cast %parallel_loop3A_963 : i32 to index
        %parallel_loop3A_1007 = arith.constant 80 : index
        %parallel_loop3A_1008 = tpu.vector_load %arg7[%parallel_loop3A_1006, %parallel_loop3A_1007] {strides = array<i32>} : memref<64x128xf32, #tpu.memory_space<vmem>>, vector<16xf32>,
        %parallel_loop3A_1009 = arith.mulf %parallel_loop3A_1005, %parallel_loop3A_1008 : vector<16xf32>
        %parallel_loop3A_1010 = arith.addf %parallel_loop3A_1002, %parallel_loop3A_1009 : vector<16xf32>
        %parallel_loop3A_1011 = arith.index_cast %parallel_loop3A_963 : i32 to index
        %parallel_loop3A_1012 = arith.constant 96 : index
        %parallel_loop3A_1013 = tpu.vector_load %arg5[%parallel_loop3A_1011, %parallel_loop3A_1012] {strides = array<i32>} : memref<64x128xf32, #tpu.memory_space<vmem>>, vector<16xf32>,
        %parallel_loop3A_1014 = arith.index_cast %parallel_loop3A_963 : i32 to index
        %parallel_loop3A_1015 = arith.constant 96 : index
        %parallel_loop3A_1016 = tpu.vector_load %arg7[%parallel_loop3A_1014, %parallel_loop3A_1015] {strides = array<i32>} : memref<64x128xf32, #tpu.memory_space<vmem>>, vector<16xf32>,
        %parallel_loop3A_1017 = arith.mulf %parallel_loop3A_1013, %parallel_loop3A_1016 : vector<16xf32>
        %parallel_loop3A_1018 = arith.addf %parallel_loop3A_1010, %parallel_loop3A_1017 : vector<16xf32>
        %parallel_loop3A_1019 = arith.index_cast %parallel_loop3A_963 : i32 to index
        %parallel_loop3A_1020 = arith.constant 112 : index
        %parallel_loop3A_1021 = tpu.vector_load %arg5[%parallel_loop3A_1019, %parallel_loop3A_1020] {strides = array<i32>} : memref<64x128xf32, #tpu.memory_space<vmem>>, vector<16xf32>,
        %parallel_loop3A_1022 = arith.index_cast %parallel_loop3A_963 : i32 to index
        %parallel_loop3A_1023 = arith.constant 112 : index
        %parallel_loop3A_1024 = tpu.vector_load %arg7[%parallel_loop3A_1022, %parallel_loop3A_1023] {strides = array<i32>} : memref<64x128xf32, #tpu.memory_space<vmem>>, vector<16xf32>,
        %parallel_loop3A_1025 = arith.mulf %parallel_loop3A_1021, %parallel_loop3A_1024 : vector<16xf32>
        %parallel_loop3A_1026 = arith.addf %parallel_loop3A_1018, %parallel_loop3A_1025 : vector<16xf32>
        %parallel_loop3A_1027 = arith.constant 12 : i32
        %parallel_loop3A_1028 = arith.addi %parallel_loop3A_107, %parallel_loop3A_1027 : i32
        %parallel_loop3A_1029 = vector.broadcast %parallel_loop3A_1028 : i32 to vector<16xi32>
        %parallel_loop3A_1030 = arith.addi %mul3A_5, %parallel_loop3A_1029 : vector<16xi32>
        tpu.vector_store_idx %arg9[%parallel_loop3A_1030], %parallel_loop3A_1026 : memref<1088xf32, #tpu.memory_space<vmem>>[vector<16xi32>], vector<16xf32>,
        %parallel_loop3A_1031 = arith.constant 16 : i32
        %parallel_loop3A_1032 = arith.muli %parallel_loop3A_105, %parallel_loop3A_1031 : i32
        %parallel_loop3A_1033 = arith.constant 13 : i32
        %parallel_loop3A_1034 = arith.addi %parallel_loop3A_1032, %parallel_loop3A_1033 : i32
        %parallel_loop3A_1035 = arith.index_cast %parallel_loop3A_1034 : i32 to index
        %parallel_loop3A_1036 = arith.constant 0 : index
        %parallel_loop3A_1037 = tpu.vector_load %arg5[%parallel_loop3A_1035, %parallel_loop3A_1036] {strides = array<i32>} : memref<64x128xf32, #tpu.memory_space<vmem>>, vector<16xf32>,
        %parallel_loop3A_1038 = arith.index_cast %parallel_loop3A_1034 : i32 to index
        %parallel_loop3A_1039 = arith.constant 0 : index
        %parallel_loop3A_1040 = tpu.vector_load %arg7[%parallel_loop3A_1038, %parallel_loop3A_1039] {strides = array<i32>} : memref<64x128xf32, #tpu.memory_space<vmem>>, vector<16xf32>,
        %parallel_loop3A_1041 = arith.mulf %parallel_loop3A_1037, %parallel_loop3A_1040 : vector<16xf32>
        %parallel_loop3A_1042 = arith.index_cast %parallel_loop3A_1034 : i32 to index
        %parallel_loop3A_1043 = arith.constant 16 : index
        %parallel_loop3A_1044 = tpu.vector_load %arg5[%parallel_loop3A_1042, %parallel_loop3A_1043] {strides = array<i32>} : memref<64x128xf32, #tpu.memory_space<vmem>>, vector<16xf32>,
        %parallel_loop3A_1045 = arith.index_cast %parallel_loop3A_1034 : i32 to index
        %parallel_loop3A_1046 = arith.constant 16 : index
        %parallel_loop3A_1047 = tpu.vector_load %arg7[%parallel_loop3A_1045, %parallel_loop3A_1046] {strides = array<i32>} : memref<64x128xf32, #tpu.memory_space<vmem>>, vector<16xf32>,
        %parallel_loop3A_1048 = arith.mulf %parallel_loop3A_1044, %parallel_loop3A_1047 : vector<16xf32>
        %parallel_loop3A_1049 = arith.addf %parallel_loop3A_1041, %parallel_loop3A_1048 : vector<16xf32>
        %parallel_loop3A_1050 = arith.index_cast %parallel_loop3A_1034 : i32 to index
        %parallel_loop3A_1051 = arith.constant 32 : index
        %parallel_loop3A_1052 = tpu.vector_load %arg5[%parallel_loop3A_1050, %parallel_loop3A_1051] {strides = array<i32>} : memref<64x128xf32, #tpu.memory_space<vmem>>, vector<16xf32>,
        %parallel_loop3A_1053 = arith.index_cast %parallel_loop3A_1034 : i32 to index
        %parallel_loop3A_1054 = arith.constant 32 : index
        %parallel_loop3A_1055 = tpu.vector_load %arg7[%parallel_loop3A_1053, %parallel_loop3A_1054] {strides = array<i32>} : memref<64x128xf32, #tpu.memory_space<vmem>>, vector<16xf32>,
        %parallel_loop3A_1056 = arith.mulf %parallel_loop3A_1052, %parallel_loop3A_1055 : vector<16xf32>
        %parallel_loop3A_1057 = arith.addf %parallel_loop3A_1049, %parallel_loop3A_1056 : vector<16xf32>
        %parallel_loop3A_1058 = arith.index_cast %parallel_loop3A_1034 : i32 to index
        %parallel_loop3A_1059 = arith.constant 48 : index
        %parallel_loop3A_1060 = tpu.vector_load %arg5[%parallel_loop3A_1058, %parallel_loop3A_1059] {strides = array<i32>} : memref<64x128xf32, #tpu.memory_space<vmem>>, vector<16xf32>,
        %parallel_loop3A_1061 = arith.index_cast %parallel_loop3A_1034 : i32 to index
        %parallel_loop3A_1062 = arith.constant 48 : index
        %parallel_loop3A_1063 = tpu.vector_load %arg7[%parallel_loop3A_1061, %parallel_loop3A_1062] {strides = array<i32>} : memref<64x128xf32, #tpu.memory_space<vmem>>, vector<16xf32>,
        %parallel_loop3A_1064 = arith.mulf %parallel_loop3A_1060, %parallel_loop3A_1063 : vector<16xf32>
        %parallel_loop3A_1065 = arith.addf %parallel_loop3A_1057, %parallel_loop3A_1064 : vector<16xf32>
        %parallel_loop3A_1066 = arith.index_cast %parallel_loop3A_1034 : i32 to index
        %parallel_loop3A_1067 = arith.constant 64 : index
        %parallel_loop3A_1068 = tpu.vector_load %arg5[%parallel_loop3A_1066, %parallel_loop3A_1067] {strides = array<i32>} : memref<64x128xf32, #tpu.memory_space<vmem>>, vector<16xf32>,
        %parallel_loop3A_1069 = arith.index_cast %parallel_loop3A_1034 : i32 to index
        %parallel_loop3A_1070 = arith.constant 64 : index
        %parallel_loop3A_1071 = tpu.vector_load %arg7[%parallel_loop3A_1069, %parallel_loop3A_1070] {strides = array<i32>} : memref<64x128xf32, #tpu.memory_space<vmem>>, vector<16xf32>,
        %parallel_loop3A_1072 = arith.mulf %parallel_loop3A_1068, %parallel_loop3A_1071 : vector<16xf32>
        %parallel_loop3A_1073 = arith.addf %parallel_loop3A_1065, %parallel_loop3A_1072 : vector<16xf32>
        %parallel_loop3A_1074 = arith.index_cast %parallel_loop3A_1034 : i32 to index
        %parallel_loop3A_1075 = arith.constant 80 : index
        %parallel_loop3A_1076 = tpu.vector_load %arg5[%parallel_loop3A_1074, %parallel_loop3A_1075] {strides = array<i32>} : memref<64x128xf32, #tpu.memory_space<vmem>>, vector<16xf32>,
        %parallel_loop3A_1077 = arith.index_cast %parallel_loop3A_1034 : i32 to index
        %parallel_loop3A_1078 = arith.constant 80 : index
        %parallel_loop3A_1079 = tpu.vector_load %arg7[%parallel_loop3A_1077, %parallel_loop3A_1078] {strides = array<i32>} : memref<64x128xf32, #tpu.memory_space<vmem>>, vector<16xf32>,
        %parallel_loop3A_1080 = arith.mulf %parallel_loop3A_1076, %parallel_loop3A_1079 : vector<16xf32>
        %parallel_loop3A_1081 = arith.addf %parallel_loop3A_1073, %parallel_loop3A_1080 : vector<16xf32>
        %parallel_loop3A_1082 = arith.index_cast %parallel_loop3A_1034 : i32 to index
        %parallel_loop3A_1083 = arith.constant 96 : index
        %parallel_loop3A_1084 = tpu.vector_load %arg5[%parallel_loop3A_1082, %parallel_loop3A_1083] {strides = array<i32>} : memref<64x128xf32, #tpu.memory_space<vmem>>, vector<16xf32>,
        %parallel_loop3A_1085 = arith.index_cast %parallel_loop3A_1034 : i32 to index
        %parallel_loop3A_1086 = arith.constant 96 : index
        %parallel_loop3A_1087 = tpu.vector_load %arg7[%parallel_loop3A_1085, %parallel_loop3A_1086] {strides = array<i32>} : memref<64x128xf32, #tpu.memory_space<vmem>>, vector<16xf32>,
        %parallel_loop3A_1088 = arith.mulf %parallel_loop3A_1084, %parallel_loop3A_1087 : vector<16xf32>
        %parallel_loop3A_1089 = arith.addf %parallel_loop3A_1081, %parallel_loop3A_1088 : vector<16xf32>
        %parallel_loop3A_1090 = arith.index_cast %parallel_loop3A_1034 : i32 to index
        %parallel_loop3A_1091 = arith.constant 112 : index
        %parallel_loop3A_1092 = tpu.vector_load %arg5[%parallel_loop3A_1090, %parallel_loop3A_1091] {strides = array<i32>} : memref<64x128xf32, #tpu.memory_space<vmem>>, vector<16xf32>,
        %parallel_loop3A_1093 = arith.index_cast %parallel_loop3A_1034 : i32 to index
        %parallel_loop3A_1094 = arith.constant 112 : index
        %parallel_loop3A_1095 = tpu.vector_load %arg7[%parallel_loop3A_1093, %parallel_loop3A_1094] {strides = array<i32>} : memref<64x128xf32, #tpu.memory_space<vmem>>, vector<16xf32>,
        %parallel_loop3A_1096 = arith.mulf %parallel_loop3A_1092, %parallel_loop3A_1095 : vector<16xf32>
        %parallel_loop3A_1097 = arith.addf %parallel_loop3A_1089, %parallel_loop3A_1096 : vector<16xf32>
        %parallel_loop3A_1098 = arith.constant 13 : i32
        %parallel_loop3A_1099 = arith.addi %parallel_loop3A_107, %parallel_loop3A_1098 : i32
        %parallel_loop3A_1100 = vector.broadcast %parallel_loop3A_1099 : i32 to vector<16xi32>
        %parallel_loop3A_1101 = arith.addi %mul3A_5, %parallel_loop3A_1100 : vector<16xi32>
        tpu.vector_store_idx %arg9[%parallel_loop3A_1101], %parallel_loop3A_1097 : memref<1088xf32, #tpu.memory_space<vmem>>[vector<16xi32>], vector<16xf32>,
        %parallel_loop3A_1102 = arith.constant 16 : i32
        %parallel_loop3A_1103 = arith.muli %parallel_loop3A_105, %parallel_loop3A_1102 : i32
        %parallel_loop3A_1104 = arith.constant 14 : i32
        %parallel_loop3A_1105 = arith.addi %parallel_loop3A_1103, %parallel_loop3A_1104 : i32
        %parallel_loop3A_1106 = arith.index_cast %parallel_loop3A_1105 : i32 to index
        %parallel_loop3A_1107 = arith.constant 0 : index
        %parallel_loop3A_1108 = tpu.vector_load %arg5[%parallel_loop3A_1106, %parallel_loop3A_1107] {strides = array<i32>} : memref<64x128xf32, #tpu.memory_space<vmem>>, vector<16xf32>,
        %parallel_loop3A_1109 = arith.index_cast %parallel_loop3A_1105 : i32 to index
        %parallel_loop3A_1110 = arith.constant 0 : index
        %parallel_loop3A_1111 = tpu.vector_load %arg7[%parallel_loop3A_1109, %parallel_loop3A_1110] {strides = array<i32>} : memref<64x128xf32, #tpu.memory_space<vmem>>, vector<16xf32>,
        %parallel_loop3A_1112 = arith.mulf %parallel_loop3A_1108, %parallel_loop3A_1111 : vector<16xf32>
        %parallel_loop3A_1113 = arith.index_cast %parallel_loop3A_1105 : i32 to index
        %parallel_loop3A_1114 = arith.constant 16 : index
        %parallel_loop3A_1115 = tpu.vector_load %arg5[%parallel_loop3A_1113, %parallel_loop3A_1114] {strides = array<i32>} : memref<64x128xf32, #tpu.memory_space<vmem>>, vector<16xf32>,
        %parallel_loop3A_1116 = arith.index_cast %parallel_loop3A_1105 : i32 to index
        %parallel_loop3A_1117 = arith.constant 16 : index
        %parallel_loop3A_1118 = tpu.vector_load %arg7[%parallel_loop3A_1116, %parallel_loop3A_1117] {strides = array<i32>} : memref<64x128xf32, #tpu.memory_space<vmem>>, vector<16xf32>,
        %parallel_loop3A_1119 = arith.mulf %parallel_loop3A_1115, %parallel_loop3A_1118 : vector<16xf32>
        %parallel_loop3A_1120 = arith.addf %parallel_loop3A_1112, %parallel_loop3A_1119 : vector<16xf32>
        %parallel_loop3A_1121 = arith.index_cast %parallel_loop3A_1105 : i32 to index
        %parallel_loop3A_1122 = arith.constant 32 : index
        %parallel_loop3A_1123 = tpu.vector_load %arg5[%parallel_loop3A_1121, %parallel_loop3A_1122] {strides = array<i32>} : memref<64x128xf32, #tpu.memory_space<vmem>>, vector<16xf32>,
        %parallel_loop3A_1124 = arith.index_cast %parallel_loop3A_1105 : i32 to index
        %parallel_loop3A_1125 = arith.constant 32 : index
        %parallel_loop3A_1126 = tpu.vector_load %arg7[%parallel_loop3A_1124, %parallel_loop3A_1125] {strides = array<i32>} : memref<64x128xf32, #tpu.memory_space<vmem>>, vector<16xf32>,
        %parallel_loop3A_1127 = arith.mulf %parallel_loop3A_1123, %parallel_loop3A_1126 : vector<16xf32>
        %parallel_loop3A_1128 = arith.addf %parallel_loop3A_1120, %parallel_loop3A_1127 : vector<16xf32>
        %parallel_loop3A_1129 = arith.index_cast %parallel_loop3A_1105 : i32 to index
        %parallel_loop3A_1130 = arith.constant 48 : index
        %parallel_loop3A_1131 = tpu.vector_load %arg5[%parallel_loop3A_1129, %parallel_loop3A_1130] {strides = array<i32>} : memref<64x128xf32, #tpu.memory_space<vmem>>, vector<16xf32>,
        %parallel_loop3A_1132 = arith.index_cast %parallel_loop3A_1105 : i32 to index
        %parallel_loop3A_1133 = arith.constant 48 : index
        %parallel_loop3A_1134 = tpu.vector_load %arg7[%parallel_loop3A_1132, %parallel_loop3A_1133] {strides = array<i32>} : memref<64x128xf32, #tpu.memory_space<vmem>>, vector<16xf32>,
        %parallel_loop3A_1135 = arith.mulf %parallel_loop3A_1131, %parallel_loop3A_1134 : vector<16xf32>
        %parallel_loop3A_1136 = arith.addf %parallel_loop3A_1128, %parallel_loop3A_1135 : vector<16xf32>
        %parallel_loop3A_1137 = arith.index_cast %parallel_loop3A_1105 : i32 to index
        %parallel_loop3A_1138 = arith.constant 64 : index
        %parallel_loop3A_1139 = tpu.vector_load %arg5[%parallel_loop3A_1137, %parallel_loop3A_1138] {strides = array<i32>} : memref<64x128xf32, #tpu.memory_space<vmem>>, vector<16xf32>,
        %parallel_loop3A_1140 = arith.index_cast %parallel_loop3A_1105 : i32 to index
        %parallel_loop3A_1141 = arith.constant 64 : index
        %parallel_loop3A_1142 = tpu.vector_load %arg7[%parallel_loop3A_1140, %parallel_loop3A_1141] {strides = array<i32>} : memref<64x128xf32, #tpu.memory_space<vmem>>, vector<16xf32>,
        %parallel_loop3A_1143 = arith.mulf %parallel_loop3A_1139, %parallel_loop3A_1142 : vector<16xf32>
        %parallel_loop3A_1144 = arith.addf %parallel_loop3A_1136, %parallel_loop3A_1143 : vector<16xf32>
        %parallel_loop3A_1145 = arith.index_cast %parallel_loop3A_1105 : i32 to index
        %parallel_loop3A_1146 = arith.constant 80 : index
        %parallel_loop3A_1147 = tpu.vector_load %arg5[%parallel_loop3A_1145, %parallel_loop3A_1146] {strides = array<i32>} : memref<64x128xf32, #tpu.memory_space<vmem>>, vector<16xf32>,
        %parallel_loop3A_1148 = arith.index_cast %parallel_loop3A_1105 : i32 to index
        %parallel_loop3A_1149 = arith.constant 80 : index
        %parallel_loop3A_1150 = tpu.vector_load %arg7[%parallel_loop3A_1148, %parallel_loop3A_1149] {strides = array<i32>} : memref<64x128xf32, #tpu.memory_space<vmem>>, vector<16xf32>,
        %parallel_loop3A_1151 = arith.mulf %parallel_loop3A_1147, %parallel_loop3A_1150 : vector<16xf32>
        %parallel_loop3A_1152 = arith.addf %parallel_loop3A_1144, %parallel_loop3A_1151 : vector<16xf32>
        %parallel_loop3A_1153 = arith.index_cast %parallel_loop3A_1105 : i32 to index
        %parallel_loop3A_1154 = arith.constant 96 : index
        %parallel_loop3A_1155 = tpu.vector_load %arg5[%parallel_loop3A_1153, %parallel_loop3A_1154] {strides = array<i32>} : memref<64x128xf32, #tpu.memory_space<vmem>>, vector<16xf32>,
        %parallel_loop3A_1156 = arith.index_cast %parallel_loop3A_1105 : i32 to index
        %parallel_loop3A_1157 = arith.constant 96 : index
        %parallel_loop3A_1158 = tpu.vector_load %arg7[%parallel_loop3A_1156, %parallel_loop3A_1157] {strides = array<i32>} : memref<64x128xf32, #tpu.memory_space<vmem>>, vector<16xf32>,
        %parallel_loop3A_1159 = arith.mulf %parallel_loop3A_1155, %parallel_loop3A_1158 : vector<16xf32>
        %parallel_loop3A_1160 = arith.addf %parallel_loop3A_1152, %parallel_loop3A_1159 : vector<16xf32>
        %parallel_loop3A_1161 = arith.index_cast %parallel_loop3A_1105 : i32 to index
        %parallel_loop3A_1162 = arith.constant 112 : index
        %parallel_loop3A_1163 = tpu.vector_load %arg5[%parallel_loop3A_1161, %parallel_loop3A_1162] {strides = array<i32>} : memref<64x128xf32, #tpu.memory_space<vmem>>, vector<16xf32>,
        %parallel_loop3A_1164 = arith.index_cast %parallel_loop3A_1105 : i32 to index
        %parallel_loop3A_1165 = arith.constant 112 : index
        %parallel_loop3A_1166 = tpu.vector_load %arg7[%parallel_loop3A_1164, %parallel_loop3A_1165] {strides = array<i32>} : memref<64x128xf32, #tpu.memory_space<vmem>>, vector<16xf32>,
        %parallel_loop3A_1167 = arith.mulf %parallel_loop3A_1163, %parallel_loop3A_1166 : vector<16xf32>
        %parallel_loop3A_1168 = arith.addf %parallel_loop3A_1160, %parallel_loop3A_1167 : vector<16xf32>
        %parallel_loop3A_1169 = arith.constant 14 : i32
        %parallel_loop3A_1170 = arith.addi %parallel_loop3A_107, %parallel_loop3A_1169 : i32
        %parallel_loop3A_1171 = vector.broadcast %parallel_loop3A_1170 : i32 to vector<16xi32>
        %parallel_loop3A_1172 = arith.addi %mul3A_5, %parallel_loop3A_1171 : vector<16xi32>
        tpu.vector_store_idx %arg9[%parallel_loop3A_1172], %parallel_loop3A_1168 : memref<1088xf32, #tpu.memory_space<vmem>>[vector<16xi32>], vector<16xf32>,
        %parallel_loop3A_1173 = arith.constant 16 : i32
        %parallel_loop3A_1174 = arith.muli %parallel_loop3A_105, %parallel_loop3A_1173 : i32
        %parallel_loop3A_1175 = arith.constant 15 : i32
        %parallel_loop3A_1176 = arith.addi %parallel_loop3A_1174, %parallel_loop3A_1175 : i32
        %parallel_loop3A_1177 = arith.index_cast %parallel_loop3A_1176 : i32 to index
        %parallel_loop3A_1178 = arith.constant 0 : index
        %parallel_loop3A_1179 = tpu.vector_load %arg5[%parallel_loop3A_1177, %parallel_loop3A_1178] {strides = array<i32>} : memref<64x128xf32, #tpu.memory_space<vmem>>, vector<16xf32>,
        %parallel_loop3A_1180 = arith.index_cast %parallel_loop3A_1176 : i32 to index
        %parallel_loop3A_1181 = arith.constant 0 : index
        %parallel_loop3A_1182 = tpu.vector_load %arg7[%parallel_loop3A_1180, %parallel_loop3A_1181] {strides = array<i32>} : memref<64x128xf32, #tpu.memory_space<vmem>>, vector<16xf32>,
        %parallel_loop3A_1183 = arith.mulf %parallel_loop3A_1179, %parallel_loop3A_1182 : vector<16xf32>
        %parallel_loop3A_1184 = arith.index_cast %parallel_loop3A_1176 : i32 to index
        %parallel_loop3A_1185 = arith.constant 16 : index
        %parallel_loop3A_1186 = tpu.vector_load %arg5[%parallel_loop3A_1184, %parallel_loop3A_1185] {strides = array<i32>} : memref<64x128xf32, #tpu.memory_space<vmem>>, vector<16xf32>,
        %parallel_loop3A_1187 = arith.index_cast %parallel_loop3A_1176 : i32 to index
        %parallel_loop3A_1188 = arith.constant 16 : index
        %parallel_loop3A_1189 = tpu.vector_load %arg7[%parallel_loop3A_1187, %parallel_loop3A_1188] {strides = array<i32>} : memref<64x128xf32, #tpu.memory_space<vmem>>, vector<16xf32>,
        %parallel_loop3A_1190 = arith.mulf %parallel_loop3A_1186, %parallel_loop3A_1189 : vector<16xf32>
        %parallel_loop3A_1191 = arith.addf %parallel_loop3A_1183, %parallel_loop3A_1190 : vector<16xf32>
        %parallel_loop3A_1192 = arith.index_cast %parallel_loop3A_1176 : i32 to index
        %parallel_loop3A_1193 = arith.constant 32 : index
        %parallel_loop3A_1194 = tpu.vector_load %arg5[%parallel_loop3A_1192, %parallel_loop3A_1193] {strides = array<i32>} : memref<64x128xf32, #tpu.memory_space<vmem>>, vector<16xf32>,
        %parallel_loop3A_1195 = arith.index_cast %parallel_loop3A_1176 : i32 to index
        %parallel_loop3A_1196 = arith.constant 32 : index
        %parallel_loop3A_1197 = tpu.vector_load %arg7[%parallel_loop3A_1195, %parallel_loop3A_1196] {strides = array<i32>} : memref<64x128xf32, #tpu.memory_space<vmem>>, vector<16xf32>,
        %parallel_loop3A_1198 = arith.mulf %parallel_loop3A_1194, %parallel_loop3A_1197 : vector<16xf32>
        %parallel_loop3A_1199 = arith.addf %parallel_loop3A_1191, %parallel_loop3A_1198 : vector<16xf32>
        %parallel_loop3A_1200 = arith.index_cast %parallel_loop3A_1176 : i32 to index
        %parallel_loop3A_1201 = arith.constant 48 : index
        %parallel_loop3A_1202 = tpu.vector_load %arg5[%parallel_loop3A_1200, %parallel_loop3A_1201] {strides = array<i32>} : memref<64x128xf32, #tpu.memory_space<vmem>>, vector<16xf32>,
        %parallel_loop3A_1203 = arith.index_cast %parallel_loop3A_1176 : i32 to index
        %parallel_loop3A_1204 = arith.constant 48 : index
        %parallel_loop3A_1205 = tpu.vector_load %arg7[%parallel_loop3A_1203, %parallel_loop3A_1204] {strides = array<i32>} : memref<64x128xf32, #tpu.memory_space<vmem>>, vector<16xf32>,
        %parallel_loop3A_1206 = arith.mulf %parallel_loop3A_1202, %parallel_loop3A_1205 : vector<16xf32>
        %parallel_loop3A_1207 = arith.addf %parallel_loop3A_1199, %parallel_loop3A_1206 : vector<16xf32>
        %parallel_loop3A_1208 = arith.index_cast %parallel_loop3A_1176 : i32 to index
        %parallel_loop3A_1209 = arith.constant 64 : index
        %parallel_loop3A_1210 = tpu.vector_load %arg5[%parallel_loop3A_1208, %parallel_loop3A_1209] {strides = array<i32>} : memref<64x128xf32, #tpu.memory_space<vmem>>, vector<16xf32>,
        %parallel_loop3A_1211 = arith.index_cast %parallel_loop3A_1176 : i32 to index
        %parallel_loop3A_1212 = arith.constant 64 : index
        %parallel_loop3A_1213 = tpu.vector_load %arg7[%parallel_loop3A_1211, %parallel_loop3A_1212] {strides = array<i32>} : memref<64x128xf32, #tpu.memory_space<vmem>>, vector<16xf32>,
        %parallel_loop3A_1214 = arith.mulf %parallel_loop3A_1210, %parallel_loop3A_1213 : vector<16xf32>
        %parallel_loop3A_1215 = arith.addf %parallel_loop3A_1207, %parallel_loop3A_1214 : vector<16xf32>
        %parallel_loop3A_1216 = arith.index_cast %parallel_loop3A_1176 : i32 to index
        %parallel_loop3A_1217 = arith.constant 80 : index
        %parallel_loop3A_1218 = tpu.vector_load %arg5[%parallel_loop3A_1216, %parallel_loop3A_1217] {strides = array<i32>} : memref<64x128xf32, #tpu.memory_space<vmem>>, vector<16xf32>,
        %parallel_loop3A_1219 = arith.index_cast %parallel_loop3A_1176 : i32 to index
        %parallel_loop3A_1220 = arith.constant 80 : index
        %parallel_loop3A_1221 = tpu.vector_load %arg7[%parallel_loop3A_1219, %parallel_loop3A_1220] {strides = array<i32>} : memref<64x128xf32, #tpu.memory_space<vmem>>, vector<16xf32>,
        %parallel_loop3A_1222 = arith.mulf %parallel_loop3A_1218, %parallel_loop3A_1221 : vector<16xf32>
        %parallel_loop3A_1223 = arith.addf %parallel_loop3A_1215, %parallel_loop3A_1222 : vector<16xf32>
        %parallel_loop3A_1224 = arith.index_cast %parallel_loop3A_1176 : i32 to index
        %parallel_loop3A_1225 = arith.constant 96 : index
        %parallel_loop3A_1226 = tpu.vector_load %arg5[%parallel_loop3A_1224, %parallel_loop3A_1225] {strides = array<i32>} : memref<64x128xf32, #tpu.memory_space<vmem>>, vector<16xf32>,
        %parallel_loop3A_1227 = arith.index_cast %parallel_loop3A_1176 : i32 to index
        %parallel_loop3A_1228 = arith.constant 96 : index
        %parallel_loop3A_1229 = tpu.vector_load %arg7[%parallel_loop3A_1227, %parallel_loop3A_1228] {strides = array<i32>} : memref<64x128xf32, #tpu.memory_space<vmem>>, vector<16xf32>,
        %parallel_loop3A_1230 = arith.mulf %parallel_loop3A_1226, %parallel_loop3A_1229 : vector<16xf32>
        %parallel_loop3A_1231 = arith.addf %parallel_loop3A_1223, %parallel_loop3A_1230 : vector<16xf32>
        %parallel_loop3A_1232 = arith.index_cast %parallel_loop3A_1176 : i32 to index
        %parallel_loop3A_1233 = arith.constant 112 : index
        %parallel_loop3A_1234 = tpu.vector_load %arg5[%parallel_loop3A_1232, %parallel_loop3A_1233] {strides = array<i32>} : memref<64x128xf32, #tpu.memory_space<vmem>>, vector<16xf32>,
        %parallel_loop3A_1235 = arith.index_cast %parallel_loop3A_1176 : i32 to index
        %parallel_loop3A_1236 = arith.constant 112 : index
        %parallel_loop3A_1237 = tpu.vector_load %arg7[%parallel_loop3A_1235, %parallel_loop3A_1236] {strides = array<i32>} : memref<64x128xf32, #tpu.memory_space<vmem>>, vector<16xf32>,
        %parallel_loop3A_1238 = arith.mulf %parallel_loop3A_1234, %parallel_loop3A_1237 : vector<16xf32>
        %parallel_loop3A_1239 = arith.addf %parallel_loop3A_1231, %parallel_loop3A_1238 : vector<16xf32>
        %parallel_loop3A_1240 = arith.constant 15 : i32
        %parallel_loop3A_1241 = arith.addi %parallel_loop3A_107, %parallel_loop3A_1240 : i32
        %parallel_loop3A_1242 = vector.broadcast %parallel_loop3A_1241 : i32 to vector<16xi32>
        %parallel_loop3A_1243 = arith.addi %mul3A_5, %parallel_loop3A_1242 : vector<16xi32>
        tpu.vector_store_idx %arg9[%parallel_loop3A_1243], %parallel_loop3A_1239 : memref<1088xf32, #tpu.memory_space<vmem>>[vector<16xi32>], vector<16xf32>,
        %parallel_loop3A_1244 = arith.constant 0 : i32
        %parallel_loop3A_1245 = arith.addi %parallel_loop3A_107, %parallel_loop3A_1244 : i32
        %parallel_loop3A_1246 = vector.broadcast %parallel_loop3A_1245 : i32 to vector<16xi32>
        %parallel_loop3A_1247 = arith.addi %iota3A, %parallel_loop3A_1246 : vector<16xi32>
        %parallel_loop3A_1248 = tpu.vector_load_idx %arg9[%parallel_loop3A_1247] : memref<1088xf32, #tpu.memory_space<vmem>>[vector<16xi32>], vector<16xf32>,
        %parallel_loop3A_1249 = arith.constant 17 : i32
        %parallel_loop3A_1250 = arith.addi %parallel_loop3A_107, %parallel_loop3A_1249 : i32
        %parallel_loop3A_1251 = vector.broadcast %parallel_loop3A_1250 : i32 to vector<16xi32>
        %parallel_loop3A_1252 = arith.addi %iota3A, %parallel_loop3A_1251 : vector<16xi32>
        %parallel_loop3A_1253 = tpu.vector_load_idx %arg9[%parallel_loop3A_1252] : memref<1088xf32, #tpu.memory_space<vmem>>[vector<16xi32>], vector<16xf32>,
        %parallel_loop3A_1254 = arith.constant 34 : i32
        %parallel_loop3A_1255 = arith.addi %parallel_loop3A_107, %parallel_loop3A_1254 : i32
        %parallel_loop3A_1256 = vector.broadcast %parallel_loop3A_1255 : i32 to vector<16xi32>
        %parallel_loop3A_1257 = arith.addi %iota3A, %parallel_loop3A_1256 : vector<16xi32>
        %parallel_loop3A_1258 = tpu.vector_load_idx %arg9[%parallel_loop3A_1257] : memref<1088xf32, #tpu.memory_space<vmem>>[vector<16xi32>], vector<16xf32>,
        %parallel_loop3A_1259 = arith.constant 51 : i32
        %parallel_loop3A_1260 = arith.addi %parallel_loop3A_107, %parallel_loop3A_1259 : i32
        %parallel_loop3A_1261 = vector.broadcast %parallel_loop3A_1260 : i32 to vector<16xi32>
        %parallel_loop3A_1262 = arith.addi %iota3A, %parallel_loop3A_1261 : vector<16xi32>
        %parallel_loop3A_1263 = tpu.vector_load_idx %arg9[%parallel_loop3A_1262] : memref<1088xf32, #tpu.memory_space<vmem>>[vector<16xi32>], vector<16xf32>,
        %parallel_loop3A_1264 = arith.constant 68 : i32
        %parallel_loop3A_1265 = arith.addi %parallel_loop3A_107, %parallel_loop3A_1264 : i32
        %parallel_loop3A_1266 = vector.broadcast %parallel_loop3A_1265 : i32 to vector<16xi32>
        %parallel_loop3A_1267 = arith.addi %iota3A, %parallel_loop3A_1266 : vector<16xi32>
        %parallel_loop3A_1268 = tpu.vector_load_idx %arg9[%parallel_loop3A_1267] : memref<1088xf32, #tpu.memory_space<vmem>>[vector<16xi32>], vector<16xf32>,
        %parallel_loop3A_1269 = arith.constant 85 : i32
        %parallel_loop3A_1270 = arith.addi %parallel_loop3A_107, %parallel_loop3A_1269 : i32
        %parallel_loop3A_1271 = vector.broadcast %parallel_loop3A_1270 : i32 to vector<16xi32>
        %parallel_loop3A_1272 = arith.addi %iota3A, %parallel_loop3A_1271 : vector<16xi32>
        %parallel_loop3A_1273 = tpu.vector_load_idx %arg9[%parallel_loop3A_1272] : memref<1088xf32, #tpu.memory_space<vmem>>[vector<16xi32>], vector<16xf32>,
        %parallel_loop3A_1274 = arith.constant 102 : i32
        %parallel_loop3A_1275 = arith.addi %parallel_loop3A_107, %parallel_loop3A_1274 : i32
        %parallel_loop3A_1276 = vector.broadcast %parallel_loop3A_1275 : i32 to vector<16xi32>
        %parallel_loop3A_1277 = arith.addi %iota3A, %parallel_loop3A_1276 : vector<16xi32>
        %parallel_loop3A_1278 = tpu.vector_load_idx %arg9[%parallel_loop3A_1277] : memref<1088xf32, #tpu.memory_space<vmem>>[vector<16xi32>], vector<16xf32>,
        %parallel_loop3A_1279 = arith.constant 119 : i32
        %parallel_loop3A_1280 = arith.addi %parallel_loop3A_107, %parallel_loop3A_1279 : i32
        %parallel_loop3A_1281 = vector.broadcast %parallel_loop3A_1280 : i32 to vector<16xi32>
        %parallel_loop3A_1282 = arith.addi %iota3A, %parallel_loop3A_1281 : vector<16xi32>
        %parallel_loop3A_1283 = tpu.vector_load_idx %arg9[%parallel_loop3A_1282] : memref<1088xf32, #tpu.memory_space<vmem>>[vector<16xi32>], vector<16xf32>,
        %parallel_loop3A_1284 = arith.constant 136 : i32
        %parallel_loop3A_1285 = arith.addi %parallel_loop3A_107, %parallel_loop3A_1284 : i32
        %parallel_loop3A_1286 = vector.broadcast %parallel_loop3A_1285 : i32 to vector<16xi32>
        %parallel_loop3A_1287 = arith.addi %iota3A, %parallel_loop3A_1286 : vector<16xi32>
        %parallel_loop3A_1288 = tpu.vector_load_idx %arg9[%parallel_loop3A_1287] : memref<1088xf32, #tpu.memory_space<vmem>>[vector<16xi32>], vector<16xf32>,
        %parallel_loop3A_1289 = arith.constant 153 : i32
        %parallel_loop3A_1290 = arith.addi %parallel_loop3A_107, %parallel_loop3A_1289 : i32
        %parallel_loop3A_1291 = vector.broadcast %parallel_loop3A_1290 : i32 to vector<16xi32>
        %parallel_loop3A_1292 = arith.addi %iota3A, %parallel_loop3A_1291 : vector<16xi32>
        %parallel_loop3A_1293 = tpu.vector_load_idx %arg9[%parallel_loop3A_1292] : memref<1088xf32, #tpu.memory_space<vmem>>[vector<16xi32>], vector<16xf32>,
        %parallel_loop3A_1294 = arith.constant 170 : i32
        %parallel_loop3A_1295 = arith.addi %parallel_loop3A_107, %parallel_loop3A_1294 : i32
        %parallel_loop3A_1296 = vector.broadcast %parallel_loop3A_1295 : i32 to vector<16xi32>
        %parallel_loop3A_1297 = arith.addi %iota3A, %parallel_loop3A_1296 : vector<16xi32>
        %parallel_loop3A_1298 = tpu.vector_load_idx %arg9[%parallel_loop3A_1297] : memref<1088xf32, #tpu.memory_space<vmem>>[vector<16xi32>], vector<16xf32>,
        %parallel_loop3A_1299 = arith.constant 187 : i32
        %parallel_loop3A_1300 = arith.addi %parallel_loop3A_107, %parallel_loop3A_1299 : i32
        %parallel_loop3A_1301 = vector.broadcast %parallel_loop3A_1300 : i32 to vector<16xi32>
        %parallel_loop3A_1302 = arith.addi %iota3A, %parallel_loop3A_1301 : vector<16xi32>
        %parallel_loop3A_1303 = tpu.vector_load_idx %arg9[%parallel_loop3A_1302] : memref<1088xf32, #tpu.memory_space<vmem>>[vector<16xi32>], vector<16xf32>,
        %parallel_loop3A_1304 = arith.constant 204 : i32
        %parallel_loop3A_1305 = arith.addi %parallel_loop3A_107, %parallel_loop3A_1304 : i32
        %parallel_loop3A_1306 = vector.broadcast %parallel_loop3A_1305 : i32 to vector<16xi32>
        %parallel_loop3A_1307 = arith.addi %iota3A, %parallel_loop3A_1306 : vector<16xi32>
        %parallel_loop3A_1308 = tpu.vector_load_idx %arg9[%parallel_loop3A_1307] : memref<1088xf32, #tpu.memory_space<vmem>>[vector<16xi32>], vector<16xf32>,
        %parallel_loop3A_1309 = arith.constant 221 : i32
        %parallel_loop3A_1310 = arith.addi %parallel_loop3A_107, %parallel_loop3A_1309 : i32
        %parallel_loop3A_1311 = vector.broadcast %parallel_loop3A_1310 : i32 to vector<16xi32>
        %parallel_loop3A_1312 = arith.addi %iota3A, %parallel_loop3A_1311 : vector<16xi32>
        %parallel_loop3A_1313 = tpu.vector_load_idx %arg9[%parallel_loop3A_1312] : memref<1088xf32, #tpu.memory_space<vmem>>[vector<16xi32>], vector<16xf32>,
        %parallel_loop3A_1314 = arith.constant 238 : i32
        %parallel_loop3A_1315 = arith.addi %parallel_loop3A_107, %parallel_loop3A_1314 : i32
        %parallel_loop3A_1316 = vector.broadcast %parallel_loop3A_1315 : i32 to vector<16xi32>
        %parallel_loop3A_1317 = arith.addi %iota3A, %parallel_loop3A_1316 : vector<16xi32>
        %parallel_loop3A_1318 = tpu.vector_load_idx %arg9[%parallel_loop3A_1317] : memref<1088xf32, #tpu.memory_space<vmem>>[vector<16xi32>], vector<16xf32>,
        %parallel_loop3A_1319 = arith.constant 255 : i32
        %parallel_loop3A_1320 = arith.addi %parallel_loop3A_107, %parallel_loop3A_1319 : i32
        %parallel_loop3A_1321 = vector.broadcast %parallel_loop3A_1320 : i32 to vector<16xi32>
        %parallel_loop3A_1322 = arith.addi %iota3A, %parallel_loop3A_1321 : vector<16xi32>
        %parallel_loop3A_1323 = tpu.vector_load_idx %arg9[%parallel_loop3A_1322] : memref<1088xf32, #tpu.memory_space<vmem>>[vector<16xi32>], vector<16xf32>,
        %parallel_loop3A_1324 = arith.addf %parallel_loop3A_1248, %parallel_loop3A_1253 : vector<16xf32>
        %parallel_loop3A_1325 = arith.addf %parallel_loop3A_1258, %parallel_loop3A_1263 : vector<16xf32>
        %parallel_loop3A_1326 = arith.addf %parallel_loop3A_1268, %parallel_loop3A_1273 : vector<16xf32>
        %parallel_loop3A_1327 = arith.addf %parallel_loop3A_1278, %parallel_loop3A_1283 : vector<16xf32>
        %parallel_loop3A_1328 = arith.addf %parallel_loop3A_1288, %parallel_loop3A_1293 : vector<16xf32>
        %parallel_loop3A_1329 = arith.addf %parallel_loop3A_1298, %parallel_loop3A_1303 : vector<16xf32>
        %parallel_loop3A_1330 = arith.addf %parallel_loop3A_1308, %parallel_loop3A_1313 : vector<16xf32>
        %parallel_loop3A_1331 = arith.addf %parallel_loop3A_1318, %parallel_loop3A_1323 : vector<16xf32>
        %parallel_loop3A_1332 = arith.addf %parallel_loop3A_1324, %parallel_loop3A_1325 : vector<16xf32>
        %parallel_loop3A_1333 = arith.addf %parallel_loop3A_1326, %parallel_loop3A_1327 : vector<16xf32>
        %parallel_loop3A_1334 = arith.addf %parallel_loop3A_1328, %parallel_loop3A_1329 : vector<16xf32>
        %parallel_loop3A_1335 = arith.addf %parallel_loop3A_1330, %parallel_loop3A_1331 : vector<16xf32>
        %parallel_loop3A_1336 = arith.addf %parallel_loop3A_1332, %parallel_loop3A_1333 : vector<16xf32>
        %parallel_loop3A_1337 = arith.addf %parallel_loop3A_1334, %parallel_loop3A_1335 : vector<16xf32>
        %parallel_loop3A_1338 = arith.addf %parallel_loop3A_1336, %parallel_loop3A_1337 : vector<16xf32>
        %parallel_loop3A_1339 = arith.constant 16 : i32
        %parallel_loop3A_1340 = arith.muli %parallel_loop3A_105, %parallel_loop3A_1339 : i32
        %parallel_loop3A_1341 = arith.addi %mul3A_94, %parallel_loop3A_1340 : i32
        %parallel_loop3A_1342 = arith.index_cast %parallel_loop3A_1341 : i32 to index
        %parallel_loop3A_1343 = tpu.vector_load %arg8[%parallel_loop3A_1342] {strides = array<i32>} : memref<512xf32, #tpu.memory_space<vmem>>, vector<16xf32>,
        tpu.vector_store %arg8[%parallel_loop3A_1342], %parallel_loop3A_1338 {strides = array<i32>} : memref<512xf32, #tpu.memory_space<vmem>>, vector<16xf32>,
      } {sc.loop_unroll_factor = 1 : i64, sc.parallel_access}
      %add3A_98 = arith.constant 2 : i32
      %add3A_99 = arith.addi %add3A_74, %add3A_98 : i32
      %lt3A_100 = arith.constant 8 : i32
      %lt3A_101 = arith.cmpi slt, %add3A_99, %lt3A_100 : i32
      %convert_element_type3A_102 = arith.extui %lt3A_101 : i1 to i32
      %cond3A_103 = arith.constant 0 : i32
      %cond3A_104 = arith.cmpi ne, %convert_element_type3A_102, %cond3A_103 : i32
      scf.if %cond3A_104 {
        %mul3A_105 = arith.constant 64 : i32
        %mul3A_106 = arith.muli %add3A_99, %mul3A_105 : i32
        %add3A_107 = arith.addi %mul3A_2, %mul3A_106 : i32
        %dma_start3A_108 = arith.constant 0 : i32
        %dma_start3A_109 = arith.constant 0 : i32
        %dma_start3A_110 = tpu.memref_slice %arg2[%dma_start3A_108, %add3A_107, %dma_start3A_109] : memref<2x16384x128xf32, #tpu.memory_space<hbm>> -> memref<1x64x128xf32, #tpu.memory_space<hbm>>
        %dma_start3A_111 = tpu.memref_squeeze %dma_start3A_110 : memref<1x64x128xf32, #tpu.memory_space<hbm>> -> memref<64x128xf32, #tpu.memory_space<hbm>>
        %dma_start3A_112 = arith.constant 0 : i32
        %dma_start3A_113 = tpu.memref_slice %arg2[%dma_start3A_108, %add3A_107, %dma_start3A_112] : memref<2x16384x128xf32, #tpu.memory_space<hbm>> -> memref<1x64x128xf32, #tpu.memory_space<hbm>>
        %dma_start3A_114 = tpu.memref_squeeze %dma_start3A_113 : memref<1x64x128xf32, #tpu.memory_space<hbm>> -> memref<64x128xf32, #tpu.memory_space<hbm>>
        tpu.enqueue_dma source(%dma_start3A_114 : memref<64x128xf32, #tpu.memory_space<hbm>>) target(%arg5 : memref<64x128xf32, #tpu.memory_space<vmem>>) target_semaphore(%arg11 : memref<!tpu.dma_semaphore, #tpu.memory_space<semaphore_mem>>)
        %dma_start3A_115 = arith.constant 1 : i32
        %dma_start3A_116 = arith.constant 0 : i32
        %dma_start3A_117 = tpu.memref_slice %arg2[%dma_start3A_115, %add3A_107, %dma_start3A_116] : memref<2x16384x128xf32, #tpu.memory_space<hbm>> -> memref<1x64x128xf32, #tpu.memory_space<hbm>>
        %dma_start3A_118 = tpu.memref_squeeze %dma_start3A_117 : memref<1x64x128xf32, #tpu.memory_space<hbm>> -> memref<64x128xf32, #tpu.memory_space<hbm>>
        %dma_start3A_119 = arith.constant 0 : i32
        %dma_start3A_120 = tpu.memref_slice %arg2[%dma_start3A_115, %add3A_107, %dma_start3A_119] : memref<2x16384x128xf32, #tpu.memory_space<hbm>> -> memref<1x64x128xf32, #tpu.memory_space<hbm>>
        %dma_start3A_121 = tpu.memref_squeeze %dma_start3A_120 : memref<1x64x128xf32, #tpu.memory_space<hbm>> -> memref<64x128xf32, #tpu.memory_space<hbm>>
        tpu.enqueue_dma source(%dma_start3A_121 : memref<64x128xf32, #tpu.memory_space<hbm>>) target(%arg7 : memref<64x128xf32, #tpu.memory_space<vmem>>) target_semaphore(%arg13 : memref<!tpu.dma_semaphore, #tpu.memory_space<semaphore_mem>>)
      } else {
      }
    }
    %scan3A_40 = arith.constant 4 : i32
    "tpu.region"() ({
      %run_scoped3A = tpu.sem_alloc : memref<!tpu.dma_semaphore, #tpu.memory_space<semaphore_mem>>
      %dma_start3A_41 = tpu.memref_slice %arg3[%mul3A_2] : memref<16384xf32, #tpu.memory_space<hbm>> -> memref<512xf32, #tpu.memory_space<hbm>>
      %dma_start3A_42 = tpu.memref_slice %arg3[%mul3A_2] : memref<16384xf32, #tpu.memory_space<hbm>> -> memref<512xf32, #tpu.memory_space<hbm>>
      tpu.enqueue_dma source(%arg8 : memref<512xf32, #tpu.memory_space<vmem>>) target(%dma_start3A_42 : memref<512xf32, #tpu.memory_space<hbm>>) target_semaphore(%run_scoped3A : memref<!tpu.dma_semaphore, #tpu.memory_space<semaphore_mem>>)
      %dma_wait3A = tpu.memref_slice %arg3[%mul3A_2] : memref<16384xf32, #tpu.memory_space<hbm>> -> memref<512xf32, #tpu.memory_space<hbm>>
      %dma_wait3A_43 = tpu.memref_slice %arg3[%mul3A_2] : memref<16384xf32, #tpu.memory_space<hbm>> -> memref<512xf32, #tpu.memory_space<hbm>>
      tpu.wait_dma2 semaphore(%run_scoped3A : memref<!tpu.dma_semaphore, #tpu.memory_space<semaphore_mem>>) src(%arg8 : memref<512xf32, #tpu.memory_space<vmem>>) dst(%dma_wait3A_43 : memref<512xf32, #tpu.memory_space<hbm>>)
      tpu.yield
    }) : () -> ()
    return
  }
}

</mosaic_0001>

<sc_bundles>
// kernel: kernel.3.cloned.1.call-start
scs
__scs_entry_jumppad:
0x0: {  	(pc) =	sbr.rel $0x88, $3  }
0x1: {  	(tag) =	ssettag $0x0;
	lr =	simm.s32 $0x1  }
0x2: {  	[smem:$0x3FA0] =	sst lr;
	_ =	strace $0xD0000000  }
0x3: {  	_ = 	snop  }
0x4: {  	_ = 	snop  }
0x5: {  	_ = 	snop  }
0x6: {  	_ = 	snop  }
0x7: {  	_ = 	snop  }
__scs_overlays_trampoline_lowered:
0x8: {  	[smem:$0x3FAF] =	sst s0  }
0x9: {  	[smem:$0x3FB0] =	sst s1  }
0xa: {  	[smem:$0x3FB1] =	sst s2  }
0xb: {  	[smem:$0x3FB2] =	sst s3  }
0xc: {  	[smem:$0x3FB3] =	sst s4  }
0xd: {  	[smem:$0x3FB4] =	sst s5  }
0xe: {  	[smem:$0x3FB5] =	sst s6  }
0xf: {  	[smem:$0x3FB6] =	sst s7  }
0x10: {  	[smem:$0x3FB7] =	sst s8  }
0x11: {  	[smem:$0x3FB8] =	sst s9;
	s0 =	simm.s32 @!p0 $0x0  }
0x12: {  	s1 =	sld [smem:$0x3F9E];
	s0 =	simm.s32 @p0 $0x1  }
0x13: {  	[smem:$0x3FB9] =	sst s0;
	s0 =	simm.s32 @!p1 $0x0  }
0x14: {  	s2 =	sld [smem:$0x3F9D];
	s0 =	simm.s32 @p1 $0x1  }
0x15: {  	[smem:$0x3FBA] =	sst s0;
	s0 =	simm.s32 @!p2 $0x0  }
0x16: {  	s3 =	sld [smem:$0x3FDB];
	s0 =	simm.s32 @p2 $0x1  }
0x17: {  	s4 =	simm.s32 $0x1BF5;
	[smem:$0x3FBC] =	sst s0  }
0x18: {  	s0 =	sld [smem:$0x3F9F];
	_ =	swait.ge [sflag:s4], $0x0  }
0x19: {  	s7 =	sld [smem:$0x3FA0]  }
0x1a: {  	s8 =	sadd.s32 $0xFFFFE003, lr  }
0x1b: {  	s9 =	sadd.s32 $0xFFFFFEF7, lr;
	s5 =	simm.s32 $0xFFFFFFFF;
	p2 =	slt.u32 s8, $0xFFFFF086  }
0x1c: {  	p1 =	slt.u32 s9, $0xF7A;
	s5 =	simm.s32 @!p2 $0x0  }
0x1d: {  	s5 =	simm.s32 @p1 $0x1;
	p0 =	seq.s32 s7, s2  }
0x1e: {  	s7 =	smul.u32 @!p0 $0xF7A, s2;
	p2 =	seq.s32 @!p0 s5, $0x0  }
0x1f: {  	s9 =	smul.u32 $0xF7A, s1;
	s8 =	simm.s32 @!p0 $0x1BF5;
	p2 =	por !p2, p0  }
0x20: {  	[sflag:s8] =	ssyncset.s32 @!p0 $0xFFFFF086;
	s6 =	sadd.s32 @!p0 s3, s7;
	s7 =	simm.s32 @!p0 $0x108  }
0x21: {  	s3 =	sadd.s32 s3, s9;
	s6 =	sadd.s32 @!p0 $0x88, s6;
	s7 =	simm.s32 @p2 $0x1082  }
0x22: {  	[simem:s7], [sflag:s8] =	dma.local @!p0 [hbm:s6], $0xF7A  }
0x23: {  	s9 =	sor.u32 $0xD0000000, s2;
	s6 =	simm.s32 $0x108;
	_ =	swait.ge @!p0 [sflag:s8], $0x0  }
0x24: {  	s3 =	sadd.s32 $0x88, s3;
	s6 =	simm.s32 @!p1 $0x1082;
	[sflag:s4] =	ssyncset.s32 $0xFFFFF086  }
0x25: {  	[simem:s6], [sflag:s4] =	dma.local [hbm:s3], $0xF7A  }
0x26: {  	[smem:$0x3FA0] =	sst s1;
	(tag) =	ssettag s2;
	_ =	strace s9  }
0x27: {  	s1 =	sld [smem:$0x3FB0]  }
0x28: {  	s2 =	sld [smem:$0x3FB1]  }
0x29: {  	s4 =	sld [smem:$0x3FB3]  }
0x2a: {  	p0 =	seq.s32 s5, $0x0;
	s5 =	sld [smem:$0x3FB4]  }
0x2b: {  	s6 =	sld [smem:$0x3FB5]  }
0x2c: {  	s7 =	sld [smem:$0x3FB6]  }
0x2d: {  	s3 =	simm.s32 $0x108;
	s8 =	sld [smem:$0x3FB7]  }
0x2e: {  	s3 =	simm.s32 @!p0 $0x1082;
	s9 =	sld [smem:$0x3FB8]  }
0x2f: {  	lr =	sadd.s32 s0, s3;
	s0 =	sld [smem:$0x3FAF]  }
0x30: {  	s3 =	sld [smem:$0x3FB2]  }
0x31: {  	[smem:$0x3FBB] =	sst s10  }
0x32: {  	s10 =	sld [smem:$0x3FB9];
	_ =	sdelay $0x3  }
0x33: {  	p0 =	seq.s32 s10, $0x1;
	s10 =	sld [smem:$0x3FBB];
	_ =	sdelay $0x3  }
0x34: {  	[smem:$0x3FBB] =	sst s10  }
0x35: {  	s10 =	sld [smem:$0x3FBA];
	_ =	sdelay $0x3  }
0x36: {  	p1 =	seq.s32 s10, $0x1;
	s10 =	sld [smem:$0x3FBB];
	_ =	sdelay $0x3  }
0x37: {  	[smem:$0x3FBB] =	sst s10  }
0x38: {  	s10 =	sld [smem:$0x3FBC]  }
0x39: {  	_ = 	snop;
	(pc) =	sbr.ind lr, $3  }
0x3a: {  	_ = 	snop  }
0x3b: {  	_ = 	snop  }
0x3c: {  	p2 =	seq.s32 s10, $0x1;
	s10 =	sld [smem:$0x3FBB]  }
0x3d: {  	_ =	shalt  }
0x3e: {  	_ =	shalt  }
0x3f: {  	_ =	shalt  }
0x40: {  	_ =	shalt  }
0x41: {  	_ =	shalt  }
0x42: {  	_ =	shalt  }
0x43: {  	_ =	shalt  }
0x44: {  	_ =	shalt  }
0x45: {  	_ =	shalt  }
0x46: {  	_ =	shalt  }
0x47: {  	_ =	shalt  }
0x48: {  	_ =	shalt  }
0x49: {  	_ =	shalt  }
0x4a: {  	_ =	shalt  }
0x4b: {  	_ =	shalt  }
0x4c: {  	_ =	shalt  }
0x4d: {  	_ =	shalt  }
0x4e: {  	_ =	shalt  }
0x4f: {  	_ =	shalt  }
0x50: {  	_ =	shalt  }
0x51: {  	_ =	shalt  }
0x52: {  	_ =	shalt  }
0x53: {  	_ =	shalt  }
0x54: {  	_ =	shalt  }
0x55: {  	_ =	shalt  }
0x56: {  	_ =	shalt  }
0x57: {  	_ =	shalt  }
0x58: {  	_ =	shalt  }
0x59: {  	_ =	shalt  }
0x5a: {  	_ =	shalt  }
0x5b: {  	_ =	shalt  }
0x5c: {  	_ =	shalt  }
0x5d: {  	_ =	shalt  }
0x5e: {  	_ =	shalt  }
0x5f: {  	_ =	shalt  }
0x60: {  	_ =	shalt  }
0x61: {  	_ =	shalt  }
0x62: {  	_ =	shalt  }
0x63: {  	_ =	shalt  }
0x64: {  	_ =	shalt  }
0x65: {  	_ =	shalt  }
0x66: {  	_ =	shalt  }
0x67: {  	_ =	shalt  }
0x68: {  	_ =	shalt  }
0x69: {  	_ =	shalt  }
0x6a: {  	_ =	shalt  }
0x6b: {  	_ =	shalt  }
0x6c: {  	_ =	shalt  }
0x6d: {  	_ =	shalt  }
0x6e: {  	_ =	shalt  }
0x6f: {  	_ =	shalt  }
0x70: {  	_ =	shalt  }
0x71: {  	_ =	shalt  }
0x72: {  	_ =	shalt  }
0x73: {  	_ =	shalt  }
0x74: {  	_ =	shalt  }
0x75: {  	_ =	shalt  }
0x76: {  	_ =	shalt  }
0x77: {  	_ =	shalt  }
0x78: {  	_ =	shalt  }
0x79: {  	_ =	shalt  }
0x7a: {  	_ =	shalt  }
0x7b: {  	_ =	shalt  }
0x7c: {  	_ =	shalt  }
0x7d: {  	_ =	shalt  }
0x7e: {  	_ =	shalt  }
0x7f: {  	_ =	shalt  }
0x80: {  	_ =	shalt  }
0x81: {  	_ =	shalt  }
0x82: {  	_ =	shalt  }
0x83: {  	_ =	shalt  }
0x84: {  	_ =	shalt  }
0x85: {  	_ =	shalt  }
0x86: {  	_ =	shalt  }
0x87: {  	_ =	shalt  }
.Lfunc_end0:
.L_simem_size_0:
called_computation_lowered:
.L_overlay_start_0:
0x88: {  	s2 =	sld [smem:$0x3FD9]  }
0x89: {  	s3 =	sld [smem:$0x3FFE];
	_ =	sdelay $0x1  }
0x8a: {  	s1 =	srdreg.scid  }
0x8b: {  	s0 =	sand.u32 $0x1, s1  }
0x8c: {  	s18 =	sshll.u32 s0, $0xA;
	s2 =	sadd.s32 s3, s2  }
0x8d: {  	s2 =	sadd.s32 s2, s18  }
0x8e: {  	[smem:$0x3FC7] =	sst s2  }
0x8f: {  	_ = 	snop  }
0x90: {  	s2 =	sld [smem:$0x3FC9]  }
0x91: {  	s19 =	sld [smem:$0x3FD0];
	(tm) =	ssettm $0x1  }
0x92: {  	s4 =	sld [smem:$0x3FFB];
	_ =	sdelay $0x3  }
0x93: {  	_ =	strace s4  }
0x94: {  	s4 =	sld [smem:$0x3FFC];
	_ =	sdelay $0x3  }
0x95: {  	_ =	strace s4  }
0x96: {  	s4 =	sld [smem:$0x3FFD];
	_ =	sdelay $0x3  }
0x97: {  	_ =	strace s4  }
0x98: {  	_ =	strace $0x8FFFFFFF  }
0x99: {  	s20 =	sld [smem:$0x3FDB];
	_ =	sdelay $0x1  }
0x9a: {  	s5 =	simm.s32 $_scs_section_size  }
0x9b: {  	s6 =	simm.s32 $_size__tile_overlayer_lowered;
	s7 =	simm.s32 $_tile_overlayer_lowered  }
0x9c: {  	s23 =	simm.s32 $0x1BFF;
	s22 =	sshll.u32 s7, $0x1;
	s4 =	sadd.s32 s5, s20  }
0x9d: {  	s8 =	simm.s32 $0x0;
	s21 =	sshll.u32 s6, $0x1;
	s6 =	sadd.s32 s22, s4  }
0x9e: {  	[timem:s8], [sflag:s23] =	dma.local [hbm:s6], s21  }
0x9f: {  	_ =	swait.ge [sflag:s23], s21  }
0xa0: {  	s5 =	ssub.s32 $0x0, s21;
	[sflag:s23] =	ssyncset.done $0x0  }
0xa1: {  	[sflag:s23] =	ssyncadd.s32 s5;
	_ =	sdelay $0x1  }
0xa2: {  	s24 =	simm.s32 $0x1B8B  }
0xa3: {  	_ =	swait.ge [sflag:s24], $0x1  }
0xa4: {  	[sflag:s24] =	ssyncset.done $0x0  }
0xa5: {  	s25 =	simm.s32 $0x1B8E;
	[sflag:s24] =	ssyncadd.s32 $0xFFFFFFFF  }
0xa6: {  	s26 =	simm.s32 $execute0_lowered;
	[smem:$0x3FD2] =	sst s25  }
0xa7: {  	s5 =	sshll.u32 s26, $0x1;
	_ =	strace $0x80000046;
	[dreg:$0x1] =	wrdreg $0xFFFFFFFF  }
0xa8: {  	s28 =	simm.s32 $_size_execute0_lowered;
	s4 =	sadd.s32 s4, s5;
	[dreg:$0x0] =	wrdreg $0x0  }
0xa9: {  	s5 =	sshll.u32 s28, $0x1;
	[dreg:$0x2] =	wrdreg s4  }
0xaa: {  	[dreg:$0x3] =	wrdreg s5  }
0xab: {  	[dreg:$0x4] =	wrdreg $0xC0  }
0xac: {  	_ =	task [dreg:s8], $0x5FFFF  }
0xad: {  	[dreg:$0x1] =	wrdreg $0xFFFFFFFF  }
0xae: {  	[dreg:$0x0] =	wrdreg $0x60  }
0xaf: {  	[dreg:$0x2] =	wrdreg s2  }
0xb0: {  	[dreg:$0x3] =	wrdreg s19  }
0xb1: {  	[dreg:$0x4] =	wrdreg $0x9  }
0xb2: {  	_ =	task.clear_ibuf [dreg:s8], $0x5FFFF;
	_ =	strace $0x90000046  }
0xb3: {  	s29 =	simm.s32 $0x9;
	_ =	strace $0x80000048  }
0xb4: {  	_ =	swait.ge [sflag:s29], $0x1  }
0xb5: {  	[sflag:s29] =	ssyncadd.s32 $0xFFFFFFFF  }
0xb6: {  	_ =	strace $0x90000048  }
0xb7: {  	_ =	sfence  }
0xb8: {  	s30 =	sld [smem:$0x0];
	_ =	sdelay $0x2  }
0xb9: {  	s31 =	sshll.u32 s1, $0xD;
	s1 =	sshrl.u32 s1, $0x2  }
0xba: {  	s3 =	sand.u32 $0x4000, s31;
	s1 =	sadd.s32 s1, s30  }
0xbb: {  	s0 =	sor.u32 s3, s0;
	s1 =	sshll.u32 s1, $0x11  }
0xbc: {  	s0 =	sor.u32 s1, s0  }
0xbd: {  	s0 =	sadd.s32 $0x8F2B, s0  }
0xbe: {  	[sflag:s0] =	ssyncadd.remote.s32 $0x1  }
0xbf: {  	_ =	sfence.sel $0xFFFF  }
0xc0: {  	[dreg:$0x0] =	wrdreg $0xFFFFFFFF;
	(pc) =	sbr.abs _section_cstart, $3  }
0xc1: {  	[dreg:$0x1] =	wrdreg $0xFFFFFFFF  }
0xc2: {  	_ =	task.clear_ibuf [dreg:s8], $0x2FFFF;
	_ =	strace $0x9FFFFFFF  }
0xc3: {  	(tm) =	ssettm $0x7FFFFFFF  }
tec
execute0_lowered:
.L_overlay_start_1:
0x0: {  	(tag) =	ssettag $0x1  }
0x1: {  	s0 =	srdreg.scid  }
0x2: {  	s2 =	rddreg [dreg:$0x0];
	s3 =	stileid.u32  }
0x3: {  	s1 =	rddreg [dreg:$0x1];
	s13 =	simm.s32 $0x2000;
	s14 =	simm.s32 $0x6000  }
0x4: {  	s15 =	simm.s32 $0x1;
	s16 =	simm.s32 $0x3;
	s17 =	simm.s32 $0x8200  }
0x5: {  	s18 =	simm.s32 $0x2;
	s19 =	simm.s32 $0x4;
	s20 =	simm.s32 $0x8000  }
0x6: {  	s21 =	simm.s32 $0x5;
	s22 =	simm.s32 $0x0;
	s0 =	sand.u32 $0x1, s0  }
0x7: {  	s4 =	sshll.u32 s3, $0xA;
	s3 =	simm.s32 $0x0;
	s5 =	sshll.u32 s0, $0x9  }
0x8: {  	[smem:$0x7FF] =	sst s3;
	s0 =	ssub.s32 $0x2, s0;
	s8 =	sor.u32 s5, s4  }
.Ltmp0:
0x9: {  	_ =	strace $0x80000047;
	s31 =	sshrl.u32 s0, $0x1;
	(pc) =	sbr.rel .LBB2_1-.Ltmp0, $4  }
0xa: {  	s4 =	sshll.u32 s8, $0x4;
	s0 =	ssub.s32 s0, s31;
	s9 =	sshll.u32 s8, $0x7  }
0xb: {  	s10 =	sshrl.u32 s8, $0x3;
	s4 =	sadd.s32 s2, s4;
	s8 =	sor.u32 $0x4000, s9  }
0xc: {  	v0 =	vlaneseq.u32;
	s9 =	sor.u32 $0x6000, s9;
	s10 =	sadd.s32 s1, s10;
	s11 =	smax.u32 s0, $0x1  }
0xd: {  	v1 =	vmul.u32 $0x11, v0;
	s5 =	sadd.s32 $0x40000, s4;
	s6 =	sadd.s32 $0x400, s4;
	s7 =	sadd.s32 $0x40400, s4  }
.LBB2_8:
0xe: {  	s22 =	sadd.s32 $0x1, s22  }
0xf: {  	p0 =	sne.s32 s22, s11  }
.Ltmp1:
0x10: {  	_ = 	snop;
	(pc) =	sbr.rel @!p0 .LBB2_9-.Ltmp1, $4  }
0x11: {  	[hbm4b:s10+s3] =	stream.linear.scatter [tilespmem:s20], [sflag:$0x5], $0x200, $0x38;
	[tilespmem:$0x8680] =	vst v63  }
0x12: {  	_ =	swait.ge [sflag:s21], $0x200  }
0x13: {  	[sflag:s21] =	ssyncset.done $0x0  }
0x14: {  	[sflag:s21] =	ssyncadd.s32 $0xFFFFFE00  }
.LBB2_1:
0x15: {  	[tilespmem:s3], [sflag:$0x1] =	stream.linear.gather [hbm4b:s4+s3], $0x2000, $0x38;
	[tilespmem:$0x8680] =	vst v63  }
0x16: {  	s0 =	simm.s32 $0x4000  }
0x17: {  	[tilespmem:s0], [sflag:$0x3] =	stream.linear.gather [hbm4b:s5+s3], $0x2000, $0x38;
	[tilespmem:$0x8680] =	vst v63  }
0x18: {  	_ = 	snop  }
0x19: {  	[tilespmem:s13], [sflag:$0x2] =	stream.linear.gather [hbm4b:s6+s3], $0x2000, $0x38;
	[tilespmem:$0x8680] =	vst v63  }
0x1a: {  	s23 =	simm.s32 $0x0  }
0x1b: {  	[tilespmem:s14], [sflag:$0x4] =	stream.linear.gather [hbm4b:s7+s3], $0x2000, $0x38;
	[tilespmem:$0x8680] =	vst v63  }
.LBB2_2:
0x1c: {  	_ =	swait.ge [sflag:s15], $0x2000  }
0x1d: {  	[sflag:s15] =	ssyncset.done $0x0  }
0x1e: {  	[sflag:s15] =	ssyncadd.s32 $0xFFFFE000  }
0x1f: {  	_ =	swait.ge [sflag:s16], $0x2000  }
0x20: {  	[sflag:s16] =	ssyncset.done $0x0  }
0x21: {  	s30 =	simm.s32 $0x0;
	[sflag:s16] =	ssyncadd.s32 $0xFFFFE000  }
0x22: {  	v2 =	vld [tilespmem:s30+$0x0]  }
0x23: {  	v3 =	vld [tilespmem:s30+$0x4000]  }
0x24: {  	v4 =	vld [tilespmem:s30+$0x10]  }
0x25: {  	v5 =	vld [tilespmem:s30+$0x4010]  }
0x26: {  	v6 =	vld [tilespmem:s30+$0x20]  }
0x27: {  	v7 =	vld [tilespmem:s30+$0x4020]  }
0x28: {  	v8 =	vld [tilespmem:s30+$0x30]  }
0x29: {  	v9 =	vld [tilespmem:s30+$0x4030]  }
0x2a: {  	v10 =	vld [tilespmem:s30+$0x40];
	v2 =	vmul.f32 v3, v2;
	v3 =	vmul.f32 v5, v4  }
0x2b: {  	v4 =	vld [tilespmem:s30+$0x4040]  }
0x2c: {  	v5 =	vld [tilespmem:s30+$0x50];
	v2 =	vadd.f32 v3, v2;
	v3 =	vmul.f32 v7, v6  }
0x2d: {  	v6 =	vld [tilespmem:s30+$0x4050]  }
0x2e: {  	v7 =	vld [tilespmem:s30+$0x60];
	v2 =	vadd.f32 v3, v2;
	v3 =	vmul.f32 v9, v8  }
0x2f: {  	v8 =	vld [tilespmem:s30+$0x4060]  }
0x30: {  	v9 =	vld [tilespmem:s30+$0x70];
	v2 =	vadd.f32 v3, v2;
	v3 =	vmul.f32 v4, v10  }
0x31: {  	v4 =	vld [tilespmem:s30+$0x4070]  }
0x32: {  	s1 =	simm.s32 $0x0;
	v2 =	vadd.f32 v3, v2;
	v3 =	vmul.f32 v6, v5  }
0x33: {  	s29 =	smul.u32 $0x110, s1  }
0x34: {  	v2 =	vadd.f32 v3, v2;
	v3 =	vmul.f32 v8, v7  }
0x35: {  	v5 =	vadd.s32 s29, v1  }
0x36: {  	v2 =	vadd.f32 v3, v2;
	v3 =	vmul.f32 v4, v9;
	_ =	sdelay $0x1  }
0x37: {  	v2 =	vadd.f32 v3, v2;
	_ =	sdelay $0x1  }
0x38: {  	[tilespmem:v5+s17+$0x0] =	vst.idx.msk $0xffff, v2  }
0x39: {  	v2 =	vld [tilespmem:s30+$0x80]  }
0x3a: {  	v3 =	vld [tilespmem:s30+$0x4080]  }
0x3b: {  	v4 =	vld [tilespmem:s30+$0x90]  }
0x3c: {  	v5 =	vld [tilespmem:s30+$0x4090]  }
0x3d: {  	v6 =	vld [tilespmem:s30+$0xA0]  }
0x3e: {  	v7 =	vld [tilespmem:s30+$0x40A0]  }
0x3f: {  	v8 =	vld [tilespmem:s30+$0xB0]  }
0x40: {  	v9 =	vld [tilespmem:s30+$0x40B0]  }
0x41: {  	v10 =	vld [tilespmem:s30+$0xC0];
	v2 =	vmul.f32 v3, v2;
	v3 =	vmul.f32 v5, v4  }
0x42: {  	v4 =	vld [tilespmem:s30+$0x40C0]  }
0x43: {  	v5 =	vld [tilespmem:s30+$0xD0];
	v2 =	vadd.f32 v3, v2;
	v3 =	vmul.f32 v7, v6  }
0x44: {  	v6 =	vld [tilespmem:s30+$0x40D0]  }
0x45: {  	v7 =	vld [tilespmem:s30+$0xE0];
	v2 =	vadd.f32 v3, v2;
	v3 =	vmul.f32 v9, v8  }
0x46: {  	v8 =	vld [tilespmem:s30+$0x40E0]  }
0x47: {  	v9 =	vld [tilespmem:s30+$0xF0];
	v2 =	vadd.f32 v3, v2;
	v3 =	vmul.f32 v4, v10  }
0x48: {  	v4 =	vld [tilespmem:s30+$0x40F0]  }
0x49: {  	v2 =	vadd.f32 v3, v2;
	v3 =	vmul.f32 v6, v5;
	_ =	sdelay $0x1  }
0x4a: {  	s0 =	sor.u32 $0x1, s29;
	v2 =	vadd.f32 v3, v2;
	v3 =	vmul.f32 v8, v7  }
0x4b: {  	v5 =	vadd.s32 s0, v1  }
0x4c: {  	v2 =	vadd.f32 v3, v2;
	v3 =	vmul.f32 v4, v9;
	_ =	sdelay $0x1  }
0x4d: {  	v2 =	vadd.f32 v3, v2;
	_ =	sdelay $0x1  }
0x4e: {  	[tilespmem:v5+s17+$0x0] =	vst.idx.msk $0xffff, v2  }
0x4f: {  	v2 =	vld [tilespmem:s30+$0x100]  }
0x50: {  	v3 =	vld [tilespmem:s30+$0x4100]  }
0x51: {  	v4 =	vld [tilespmem:s30+$0x110]  }
0x52: {  	v5 =	vld [tilespmem:s30+$0x4110]  }
0x53: {  	v6 =	vld [tilespmem:s30+$0x120]  }
0x54: {  	v7 =	vld [tilespmem:s30+$0x4120]  }
0x55: {  	v8 =	vld [tilespmem:s30+$0x130]  }
0x56: {  	v9 =	vld [tilespmem:s30+$0x4130]  }
0x57: {  	v10 =	vld [tilespmem:s30+$0x140];
	v2 =	vmul.f32 v3, v2;
	v3 =	vmul.f32 v5, v4  }
0x58: {  	v4 =	vld [tilespmem:s30+$0x4140]  }
0x59: {  	v5 =	vld [tilespmem:s30+$0x150];
	v2 =	vadd.f32 v3, v2;
	v3 =	vmul.f32 v7, v6  }
0x5a: {  	v6 =	vld [tilespmem:s30+$0x4150]  }
0x5b: {  	v7 =	vld [tilespmem:s30+$0x160];
	v2 =	vadd.f32 v3, v2;
	v3 =	vmul.f32 v9, v8  }
0x5c: {  	v8 =	vld [tilespmem:s30+$0x4160]  }
0x5d: {  	v9 =	vld [tilespmem:s30+$0x170];
	v2 =	vadd.f32 v3, v2;
	v3 =	vmul.f32 v4, v10  }
0x5e: {  	v4 =	vld [tilespmem:s30+$0x4170]  }
0x5f: {  	v2 =	vadd.f32 v3, v2;
	v3 =	vmul.f32 v6, v5;
	_ =	sdelay $0x1  }
0x60: {  	s24 =	sor.u32 $0x2, s29;
	v2 =	vadd.f32 v3, v2;
	v3 =	vmul.f32 v8, v7  }
0x61: {  	v5 =	vadd.s32 s24, v1  }
0x62: {  	v2 =	vadd.f32 v3, v2;
	v3 =	vmul.f32 v4, v9;
	_ =	sdelay $0x1  }
0x63: {  	v2 =	vadd.f32 v3, v2;
	_ =	sdelay $0x1  }
0x64: {  	[tilespmem:v5+s17+$0x0] =	vst.idx.msk $0xffff, v2  }
0x65: {  	v2 =	vld [tilespmem:s30+$0x180]  }
0x66: {  	v3 =	vld [tilespmem:s30+$0x4180]  }
0x67: {  	v4 =	vld [tilespmem:s30+$0x190]  }
0x68: {  	v5 =	vld [tilespmem:s30+$0x4190]  }
0x69: {  	v6 =	vld [tilespmem:s30+$0x1A0]  }
0x6a: {  	v7 =	vld [tilespmem:s30+$0x41A0]  }
0x6b: {  	v8 =	vld [tilespmem:s30+$0x1B0]  }
0x6c: {  	v9 =	vld [tilespmem:s30+$0x41B0]  }
0x6d: {  	v10 =	vld [tilespmem:s30+$0x1C0];
	v2 =	vmul.f32 v3, v2;
	v3 =	vmul.f32 v5, v4  }
0x6e: {  	v4 =	vld [tilespmem:s30+$0x41C0]  }
0x6f: {  	v5 =	vld [tilespmem:s30+$0x1D0];
	v2 =	vadd.f32 v3, v2;
	v3 =	vmul.f32 v7, v6  }
0x70: {  	v6 =	vld [tilespmem:s30+$0x41D0]  }
0x71: {  	v7 =	vld [tilespmem:s30+$0x1E0];
	v2 =	vadd.f32 v3, v2;
	v3 =	vmul.f32 v9, v8  }
0x72: {  	v8 =	vld [tilespmem:s30+$0x41E0]  }
0x73: {  	v9 =	vld [tilespmem:s30+$0x1F0];
	v2 =	vadd.f32 v3, v2;
	v3 =	vmul.f32 v4, v10  }
0x74: {  	v4 =	vld [tilespmem:s30+$0x41F0]  }
0x75: {  	v2 =	vadd.f32 v3, v2;
	v3 =	vmul.f32 v6, v5;
	_ =	sdelay $0x1  }
0x76: {  	s25 =	sor.u32 $0x3, s29;
	v2 =	vadd.f32 v3, v2;
	v3 =	vmul.f32 v8, v7  }
0x77: {  	v5 =	vadd.s32 s25, v1  }
0x78: {  	v2 =	vadd.f32 v3, v2;
	v3 =	vmul.f32 v4, v9;
	_ =	sdelay $0x1  }
0x79: {  	v2 =	vadd.f32 v3, v2;
	_ =	sdelay $0x1  }
0x7a: {  	[tilespmem:v5+s17+$0x0] =	vst.idx.msk $0xffff, v2  }
0x7b: {  	v2 =	vld [tilespmem:s30+$0x200]  }
0x7c: {  	v3 =	vld [tilespmem:s30+$0x4200]  }
0x7d: {  	v4 =	vld [tilespmem:s30+$0x210]  }
0x7e: {  	v5 =	vld [tilespmem:s30+$0x4210]  }
0x7f: {  	v6 =	vld [tilespmem:s30+$0x220]  }
0x80: {  	v7 =	vld [tilespmem:s30+$0x4220]  }
0x81: {  	v8 =	vld [tilespmem:s30+$0x230]  }
0x82: {  	v9 =	vld [tilespmem:s30+$0x4230]  }
0x83: {  	v10 =	vld [tilespmem:s30+$0x240];
	v2 =	vmul.f32 v3, v2;
	v3 =	vmul.f32 v5, v4  }
0x84: {  	v4 =	vld [tilespmem:s30+$0x4240]  }
0x85: {  	v5 =	vld [tilespmem:s30+$0x250];
	v2 =	vadd.f32 v3, v2;
	v3 =	vmul.f32 v7, v6  }
0x86: {  	v6 =	vld [tilespmem:s30+$0x4250]  }
0x87: {  	v7 =	vld [tilespmem:s30+$0x260];
	v2 =	vadd.f32 v3, v2;
	v3 =	vmul.f32 v9, v8  }
0x88: {  	v8 =	vld [tilespmem:s30+$0x4260]  }
0x89: {  	v9 =	vld [tilespmem:s30+$0x270];
	v2 =	vadd.f32 v3, v2;
	v3 =	vmul.f32 v4, v10  }
0x8a: {  	v4 =	vld [tilespmem:s30+$0x4270]  }
0x8b: {  	v2 =	vadd.f32 v3, v2;
	v3 =	vmul.f32 v6, v5  }
0x8c: {  	s24 =	simm.s32 $0x800  }
0x8d: {  	s26 =	sor.u32 $0x4, s29;
	v18 =	vld [tilespmem:s24+$0x4020];
	v2 =	vadd.f32 v3, v2;
	v3 =	vmul.f32 v8, v7  }
0x8e: {  	v5 =	vld [tilespmem:s24+$0x70];
	v6 =	vadd.s32 s26, v1  }
0x8f: {  	v7 =	vld [tilespmem:s24+$0x4070];
	v2 =	vadd.f32 v3, v2;
	v3 =	vmul.f32 v4, v9  }
0x90: {  	v8 =	vld [tilespmem:s24+$0x4060]  }
0x91: {  	v4 =	vld [tilespmem:s24+$0x60];
	v2 =	vadd.f32 v3, v2  }
0x92: {  	v9 =	vld [tilespmem:s24+$0x4050]  }
0x93: {  	v3 =	vld [tilespmem:s24+$0x50];
	[tilespmem:v6+s17+$0x0] =	vst.idx.msk $0xffff, v2  }
0x94: {  	v6 =	vld [tilespmem:s30+$0x280]  }
0x95: {  	v10 =	vld [tilespmem:s30+$0x4280]  }
0x96: {  	v11 =	vld [tilespmem:s30+$0x290]  }
0x97: {  	v12 =	vld [tilespmem:s30+$0x4290]  }
0x98: {  	v13 =	vld [tilespmem:s30+$0x2A0]  }
0x99: {  	v14 =	vld [tilespmem:s30+$0x42A0]  }
0x9a: {  	v15 =	vld [tilespmem:s30+$0x2B0]  }
0x9b: {  	v16 =	vld [tilespmem:s30+$0x42B0]  }
0x9c: {  	v17 =	vld [tilespmem:s30+$0x2C0];
	v6 =	vmul.f32 v10, v6;
	v10 =	vmul.f32 v12, v11  }
0x9d: {  	v11 =	vld [tilespmem:s30+$0x42C0]  }
0x9e: {  	v2 =	vld [tilespmem:s30+$0x2D0];
	v6 =	vadd.f32 v10, v6;
	v10 =	vmul.f32 v14, v13  }
0x9f: {  	v12 =	vld [tilespmem:s30+$0x42D0]  }
0xa0: {  	v13 =	vld [tilespmem:s30+$0x2E0];
	v6 =	vadd.f32 v10, v6;
	v10 =	vmul.f32 v16, v15  }
0xa1: {  	v14 =	vld [tilespmem:s30+$0x42E0]  }
0xa2: {  	v15 =	vld [tilespmem:s30+$0x2F0];
	v6 =	vadd.f32 v10, v6;
	v10 =	vmul.f32 v11, v17  }
0xa3: {  	v11 =	vld [tilespmem:s30+$0x42F0]  }
0xa4: {  	v16 =	vld [tilespmem:s24+$0x40];
	v2 =	vmul.f32 v12, v2;
	v6 =	vadd.f32 v10, v6  }
0xa5: {  	v12 =	vld [tilespmem:s24+$0x30]  }
0xa6: {  	s12 =	sor.u32 $0x5, s29;
	v17 =	vld [tilespmem:s24+$0x4000];
	v2 =	vadd.f32 v2, v6;
	v6 =	vmul.f32 v14, v13  }
0xa7: {  	v13 =	vld [tilespmem:s24+$0x0];
	v14 =	vadd.s32 s12, v1  }
0xa8: {  	v2 =	vadd.f32 v6, v2;
	v6 =	vmul.f32 v11, v15;
	v11 =	vld [tilespmem:s24+$0x10]  }
0xa9: {  	v15 =	vld [tilespmem:s24+$0x4010]  }
0xaa: {  	v10 =	vld [tilespmem:s24+$0x4040];
	v2 =	vadd.f32 v6, v2  }
0xab: {  	v6 =	vld [tilespmem:s24+$0x20]  }
0xac: {  	[tilespmem:v14+s17+$0x0] =	vst.idx.msk $0xffff, v2;
	v2 =	vld [tilespmem:s24+$0x4030]  }
0xad: {  	v14 =	vld [tilespmem:s30+$0x300]  }
0xae: {  	v13 =	vmul.f32 v17, v13;
	v11 =	vmul.f32 v15, v11;
	v15 =	vld [tilespmem:s30+$0x4300]  }
0xaf: {  	v17 =	vld [tilespmem:s30+$0x310]  }
0xb0: {  	v11 =	vadd.f32 v11, v13;
	v6 =	vmul.f32 v18, v6;
	v13 =	vld [tilespmem:s30+$0x4310]  }
0xb1: {  	v18 =	vld [tilespmem:s30+$0x320]  }
0xb2: {  	v6 =	vadd.f32 v6, v11;
	v2 =	vmul.f32 v2, v12;
	v11 =	vld [tilespmem:s30+$0x4320]  }
0xb3: {  	v12 =	vld [tilespmem:s30+$0x330]  }
0xb4: {  	v2 =	vadd.f32 v2, v6;
	v6 =	vmul.f32 v10, v16;
	v10 =	vld [tilespmem:s30+$0x4330]  }
0xb5: {  	v14 =	vmul.f32 v15, v14;
	v15 =	vld [tilespmem:s30+$0x340];
	v13 =	vmul.f32 v13, v17  }
0xb6: {  	s26 =	simm.s32 $0x1;
	v3 =	vmul.f32 v9, v3;
	v2 =	vadd.f32 v6, v2;
	v6 =	vld [tilespmem:s30+$0x4340]  }
0xb7: {  	s28 =	smul.u32 $0x110, s26;
	v9 =	vadd.f32 v13, v14;
	v11 =	vmul.f32 v11, v18;
	v13 =	vld [tilespmem:s30+$0x350]  }
0xb8: {  	v2 =	vadd.f32 v3, v2;
	v3 =	vmul.f32 v8, v4;
	v4 =	vld [tilespmem:s30+$0x4350]  }
0xb9: {  	v8 =	vadd.s32 s28, v1;
	v9 =	vadd.f32 v11, v9;
	v10 =	vmul.f32 v10, v12;
	v11 =	vld [tilespmem:s30+$0x360]  }
0xba: {  	v2 =	vadd.f32 v3, v2;
	v3 =	vmul.f32 v7, v5;
	v5 =	vld [tilespmem:s30+$0x4360]  }
0xbb: {  	v7 =	vadd.f32 v10, v9;
	v6 =	vmul.f32 v6, v15;
	v9 =	vld [tilespmem:s30+$0x370]  }
0xbc: {  	v2 =	vadd.f32 v3, v2;
	v3 =	vld [tilespmem:s30+$0x4370]  }
0xbd: {  	v6 =	vadd.f32 v6, v7;
	v4 =	vmul.f32 v4, v13  }
0xbe: {  	[tilespmem:v8+s17+$0x0] =	vst.idx.msk $0xffff, v2  }
0xbf: {  	s25 =	sor.u32 $0x6, s29;
	v2 =	vld [tilespmem:s24+$0xF0];
	v4 =	vadd.f32 v4, v6;
	v5 =	vmul.f32 v5, v11  }
0xc0: {  	v7 =	vadd.s32 s25, v1;
	v6 =	vld [tilespmem:s24+$0x40F0]  }
0xc1: {  	v8 =	vld [tilespmem:s24+$0xE0];
	v4 =	vadd.f32 v5, v4;
	v3 =	vmul.f32 v3, v9  }
0xc2: {  	v10 =	vld [tilespmem:s24+$0xC0]  }
0xc3: {  	v17 =	vld [tilespmem:s24+$0x40C0];
	v3 =	vadd.f32 v3, v4  }
0xc4: {  	v18 =	vld [tilespmem:s24+$0x90]  }
0xc5: {  	v19 =	vld [tilespmem:s24+$0x40B0];
	[tilespmem:v7+s17+$0x0] =	vst.idx.msk $0xffff, v3  }
0xc6: {  	v3 =	vld [tilespmem:s30+$0x380]  }
0xc7: {  	v7 =	vld [tilespmem:s30+$0x4380]  }
0xc8: {  	v11 =	vld [tilespmem:s30+$0x390]  }
0xc9: {  	v12 =	vld [tilespmem:s30+$0x4390]  }
0xca: {  	v13 =	vld [tilespmem:s30+$0x3A0]  }
0xcb: {  	v14 =	vld [tilespmem:s30+$0x43A0]  }
0xcc: {  	v15 =	vld [tilespmem:s30+$0x3B0]  }
0xcd: {  	v16 =	vld [tilespmem:s30+$0x43B0]  }
0xce: {  	v3 =	vmul.f32 v7, v3;
	v7 =	vmul.f32 v12, v11;
	v11 =	vld [tilespmem:s30+$0x3C0]  }
0xcf: {  	v12 =	vld [tilespmem:s30+$0x43C0]  }
0xd0: {  	v3 =	vadd.f32 v7, v3;
	v7 =	vmul.f32 v14, v13;
	v13 =	vld [tilespmem:s30+$0x3D0]  }
0xd1: {  	v14 =	vld [tilespmem:s30+$0x43D0]  }
0xd2: {  	v3 =	vadd.f32 v7, v3;
	v7 =	vmul.f32 v16, v15;
	v15 =	vld [tilespmem:s30+$0x3E0]  }
0xd3: {  	v16 =	vld [tilespmem:s30+$0x43E0]  }
0xd4: {  	v3 =	vadd.f32 v7, v3;
	v7 =	vmul.f32 v12, v11;
	v11 =	vld [tilespmem:s30+$0x3F0]  }
0xd5: {  	v12 =	vld [tilespmem:s30+$0x43F0]  }
0xd6: {  	v5 =	vld [tilespmem:s24+$0x40E0];
	v3 =	vadd.f32 v7, v3;
	v7 =	vmul.f32 v14, v13  }
0xd7: {  	v9 =	vld [tilespmem:s24+$0xD0]  }
0xd8: {  	s12 =	sor.u32 $0x7, s29;
	v4 =	vld [tilespmem:s24+$0x40D0];
	v3 =	vadd.f32 v7, v3;
	v7 =	vmul.f32 v16, v15  }
0xd9: {  	v14 =	vld [tilespmem:s24+$0x80];
	v16 =	vadd.s32 s12, v1  }
0xda: {  	v15 =	vld [tilespmem:s24+$0x4080];
	v3 =	vadd.f32 v7, v3;
	v7 =	vmul.f32 v12, v11  }
0xdb: {  	v11 =	vld [tilespmem:s24+$0x4090]  }
0xdc: {  	v12 =	vld [tilespmem:s24+$0xA0];
	v3 =	vadd.f32 v7, v3  }
0xdd: {  	v7 =	vld [tilespmem:s24+$0x40A0]  }
0xde: {  	v13 =	vld [tilespmem:s24+$0xB0];
	[tilespmem:v16+s17+$0x0] =	vst.idx.msk $0xffff, v3  }
0xdf: {  	v3 =	vld [tilespmem:s30+$0x400]  }
0xe0: {  	v14 =	vmul.f32 v15, v14;
	v11 =	vmul.f32 v11, v18;
	v15 =	vld [tilespmem:s30+$0x4400]  }
0xe1: {  	v16 =	vld [tilespmem:s30+$0x410]  }
0xe2: {  	v11 =	vadd.f32 v11, v14;
	v7 =	vmul.f32 v7, v12;
	v12 =	vld [tilespmem:s30+$0x4410]  }
0xe3: {  	v14 =	vld [tilespmem:s30+$0x420]  }
0xe4: {  	v7 =	vadd.f32 v7, v11;
	v11 =	vmul.f32 v19, v13;
	v13 =	vld [tilespmem:s30+$0x4420]  }
0xe5: {  	v18 =	vld [tilespmem:s30+$0x430]  }
0xe6: {  	v10 =	vmul.f32 v17, v10;
	v4 =	vmul.f32 v4, v9;
	v7 =	vadd.f32 v11, v7;
	v11 =	vld [tilespmem:s30+$0x4430]  }
0xe7: {  	v9 =	vld [tilespmem:s30+$0x4440];
	v3 =	vmul.f32 v15, v3;
	v12 =	vmul.f32 v12, v16  }
0xe8: {  	v15 =	vld [tilespmem:s30+$0x440];
	v7 =	vadd.f32 v10, v7  }
0xe9: {  	v3 =	vadd.f32 v12, v3;
	v10 =	vmul.f32 v13, v14;
	v12 =	vld [tilespmem:s30+$0x450]  }
0xea: {  	s25 =	sor.u32 $0x1, s28;
	v5 =	vmul.f32 v5, v8;
	v4 =	vadd.f32 v4, v7;
	v7 =	vld [tilespmem:s30+$0x4450]  }
0xeb: {  	v8 =	vadd.s32 s25, v1;
	v3 =	vadd.f32 v10, v3;
	v10 =	vmul.f32 v11, v18;
	v11 =	vld [tilespmem:s30+$0x460]  }
0xec: {  	v2 =	vmul.f32 v6, v2;
	v4 =	vadd.f32 v5, v4;
	v5 =	vld [tilespmem:s30+$0x4460]  }
0xed: {  	v6 =	vmul.f32 v9, v15;
	v9 =	vld [tilespmem:s30+$0x470];
	v3 =	vadd.f32 v10, v3  }
0xee: {  	v2 =	vadd.f32 v2, v4;
	v4 =	vld [tilespmem:s30+$0x4470]  }
0xef: {  	v3 =	vadd.f32 v6, v3;
	v6 =	vmul.f32 v7, v12  }
0xf0: {  	[tilespmem:v8+s17+$0x0] =	vst.idx.msk $0xffff, v2  }
0xf1: {  	s12 =	sor.u32 $0x8, s29;
	v2 =	vld [tilespmem:s24+$0x170];
	v3 =	vadd.f32 v6, v3;
	v5 =	vmul.f32 v5, v11  }
0xf2: {  	v7 =	vadd.s32 s12, v1;
	v6 =	vld [tilespmem:s24+$0x4170]  }
0xf3: {  	v8 =	vld [tilespmem:s24+$0x160];
	v3 =	vadd.f32 v5, v3;
	v4 =	vmul.f32 v4, v9  }
0xf4: {  	v10 =	vld [tilespmem:s24+$0x140]  }
0xf5: {  	v17 =	vld [tilespmem:s24+$0x4140];
	v3 =	vadd.f32 v4, v3  }
0xf6: {  	v18 =	vld [tilespmem:s24+$0x110]  }
0xf7: {  	v19 =	vld [tilespmem:s24+$0x4130];
	[tilespmem:v7+s17+$0x0] =	vst.idx.msk $0xffff, v3  }
0xf8: {  	v3 =	vld [tilespmem:s30+$0x480]  }
0xf9: {  	v7 =	vld [tilespmem:s30+$0x4480]  }
0xfa: {  	v11 =	vld [tilespmem:s30+$0x490]  }
0xfb: {  	v12 =	vld [tilespmem:s30+$0x4490]  }
0xfc: {  	v13 =	vld [tilespmem:s30+$0x4A0]  }
0xfd: {  	v14 =	vld [tilespmem:s30+$0x44A0]  }
0xfe: {  	v15 =	vld [tilespmem:s30+$0x4B0]  }
0xff: {  	v16 =	vld [tilespmem:s30+$0x44B0]  }
0x100: {  	v3 =	vmul.f32 v7, v3;
	v7 =	vmul.f32 v12, v11;
	v11 =	vld [tilespmem:s30+$0x4C0]  }
0x101: {  	v12 =	vld [tilespmem:s30+$0x44C0]  }
0x102: {  	v3 =	vadd.f32 v7, v3;
	v7 =	vmul.f32 v14, v13;
	v13 =	vld [tilespmem:s30+$0x4D0]  }
0x103: {  	v14 =	vld [tilespmem:s30+$0x44D0]  }
0x104: {  	v3 =	vadd.f32 v7, v3;
	v7 =	vmul.f32 v16, v15;
	v15 =	vld [tilespmem:s30+$0x4E0]  }
0x105: {  	v16 =	vld [tilespmem:s30+$0x44E0]  }
0x106: {  	v3 =	vadd.f32 v7, v3;
	v7 =	vmul.f32 v12, v11;
	v11 =	vld [tilespmem:s30+$0x4F0]  }
0x107: {  	v12 =	vld [tilespmem:s30+$0x44F0]  }
0x108: {  	v5 =	vld [tilespmem:s24+$0x4160];
	v3 =	vadd.f32 v7, v3;
	v7 =	vmul.f32 v14, v13  }
0x109: {  	v9 =	vld [tilespmem:s24+$0x150]  }
0x10a: {  	s25 =	sor.u32 $0x9, s29;
	v4 =	vld [tilespmem:s24+$0x4150];
	v3 =	vadd.f32 v7, v3;
	v7 =	vmul.f32 v16, v15  }
0x10b: {  	v14 =	vld [tilespmem:s24+$0x100];
	v16 =	vadd.s32 s25, v1  }
0x10c: {  	v15 =	vld [tilespmem:s24+$0x4100];
	v3 =	vadd.f32 v7, v3;
	v7 =	vmul.f32 v12, v11  }
0x10d: {  	v11 =	vld [tilespmem:s24+$0x4110]  }
0x10e: {  	v12 =	vld [tilespmem:s24+$0x120];
	v3 =	vadd.f32 v7, v3  }
0x10f: {  	v7 =	vld [tilespmem:s24+$0x4120]  }
0x110: {  	v13 =	vld [tilespmem:s24+$0x130];
	[tilespmem:v16+s17+$0x0] =	vst.idx.msk $0xffff, v3  }
0x111: {  	v3 =	vld [tilespmem:s30+$0x500]  }
0x112: {  	v14 =	vmul.f32 v15, v14;
	v11 =	vmul.f32 v11, v18;
	v15 =	vld [tilespmem:s30+$0x4500]  }
0x113: {  	v16 =	vld [tilespmem:s30+$0x510]  }
0x114: {  	v11 =	vadd.f32 v11, v14;
	v7 =	vmul.f32 v7, v12;
	v12 =	vld [tilespmem:s30+$0x4510]  }
0x115: {  	v14 =	vld [tilespmem:s30+$0x520]  }
0x116: {  	v7 =	vadd.f32 v7, v11;
	v11 =	vmul.f32 v19, v13;
	v13 =	vld [tilespmem:s30+$0x4520]  }
0x117: {  	v18 =	vld [tilespmem:s30+$0x530]  }
0x118: {  	v10 =	vmul.f32 v17, v10;
	v4 =	vmul.f32 v4, v9;
	v7 =	vadd.f32 v11, v7;
	v11 =	vld [tilespmem:s30+$0x4530]  }
0x119: {  	v9 =	vld [tilespmem:s30+$0x4540];
	v3 =	vmul.f32 v15, v3;
	v12 =	vmul.f32 v12, v16  }
0x11a: {  	v15 =	vld [tilespmem:s30+$0x540];
	v7 =	vadd.f32 v10, v7  }
0x11b: {  	v3 =	vadd.f32 v12, v3;
	v10 =	vmul.f32 v13, v14;
	v12 =	vld [tilespmem:s30+$0x550]  }
0x11c: {  	s12 =	sor.u32 $0x2, s28;
	v5 =	vmul.f32 v5, v8;
	v4 =	vadd.f32 v4, v7;
	v7 =	vld [tilespmem:s30+$0x4550]  }
0x11d: {  	v8 =	vadd.s32 s12, v1;
	v3 =	vadd.f32 v10, v3;
	v10 =	vmul.f32 v11, v18;
	v11 =	vld [tilespmem:s30+$0x560]  }
0x11e: {  	v2 =	vmul.f32 v6, v2;
	v4 =	vadd.f32 v5, v4;
	v5 =	vld [tilespmem:s30+$0x4560]  }
0x11f: {  	v6 =	vmul.f32 v9, v15;
	v9 =	vld [tilespmem:s30+$0x570];
	v3 =	vadd.f32 v10, v3  }
0x120: {  	v2 =	vadd.f32 v2, v4;
	v4 =	vld [tilespmem:s30+$0x4570]  }
0x121: {  	v3 =	vadd.f32 v6, v3;
	v6 =	vmul.f32 v7, v12  }
0x122: {  	[tilespmem:v8+s17+$0x0] =	vst.idx.msk $0xffff, v2  }
0x123: {  	s25 =	sor.u32 $0xA, s29;
	v2 =	vld [tilespmem:s24+$0x1F0];
	v3 =	vadd.f32 v6, v3;
	v5 =	vmul.f32 v5, v11  }
0x124: {  	v7 =	vadd.s32 s25, v1;
	v6 =	vld [tilespmem:s24+$0x41F0]  }
0x125: {  	v8 =	vld [tilespmem:s24+$0x1E0];
	v3 =	vadd.f32 v5, v3;
	v4 =	vmul.f32 v4, v9  }
0x126: {  	v10 =	vld [tilespmem:s24+$0x1C0]  }
0x127: {  	v17 =	vld [tilespmem:s24+$0x41C0];
	v3 =	vadd.f32 v4, v3  }
0x128: {  	v18 =	vld [tilespmem:s24+$0x190]  }
0x129: {  	v19 =	vld [tilespmem:s24+$0x41B0];
	[tilespmem:v7+s17+$0x0] =	vst.idx.msk $0xffff, v3  }
0x12a: {  	v3 =	vld [tilespmem:s30+$0x580]  }
0x12b: {  	v7 =	vld [tilespmem:s30+$0x4580]  }
0x12c: {  	v11 =	vld [tilespmem:s30+$0x590]  }
0x12d: {  	v12 =	vld [tilespmem:s30+$0x4590]  }
0x12e: {  	v13 =	vld [tilespmem:s30+$0x5A0]  }
0x12f: {  	v14 =	vld [tilespmem:s30+$0x45A0]  }
0x130: {  	v15 =	vld [tilespmem:s30+$0x5B0]  }
0x131: {  	v16 =	vld [tilespmem:s30+$0x45B0]  }
0x132: {  	v3 =	vmul.f32 v7, v3;
	v7 =	vmul.f32 v12, v11;
	v11 =	vld [tilespmem:s30+$0x5C0]  }
0x133: {  	v12 =	vld [tilespmem:s30+$0x45C0]  }
0x134: {  	v3 =	vadd.f32 v7, v3;
	v7 =	vmul.f32 v14, v13;
	v13 =	vld [tilespmem:s30+$0x5D0]  }
0x135: {  	v14 =	vld [tilespmem:s30+$0x45D0]  }
0x136: {  	v3 =	vadd.f32 v7, v3;
	v7 =	vmul.f32 v16, v15;
	v15 =	vld [tilespmem:s30+$0x5E0]  }
0x137: {  	v16 =	vld [tilespmem:s30+$0x45E0]  }
0x138: {  	v3 =	vadd.f32 v7, v3;
	v7 =	vmul.f32 v12, v11;
	v11 =	vld [tilespmem:s30+$0x5F0]  }
0x139: {  	v12 =	vld [tilespmem:s30+$0x45F0]  }
0x13a: {  	v5 =	vld [tilespmem:s24+$0x41E0];
	v3 =	vadd.f32 v7, v3;
	v7 =	vmul.f32 v14, v13  }
0x13b: {  	v9 =	vld [tilespmem:s24+$0x1D0]  }
0x13c: {  	s12 =	sor.u32 $0xB, s29;
	v4 =	vld [tilespmem:s24+$0x41D0];
	v3 =	vadd.f32 v7, v3;
	v7 =	vmul.f32 v16, v15  }
0x13d: {  	v14 =	vld [tilespmem:s24+$0x180];
	v16 =	vadd.s32 s12, v1  }
0x13e: {  	v15 =	vld [tilespmem:s24+$0x4180];
	v3 =	vadd.f32 v7, v3;
	v7 =	vmul.f32 v12, v11  }
0x13f: {  	v11 =	vld [tilespmem:s24+$0x4190]  }
0x140: {  	v12 =	vld [tilespmem:s24+$0x1A0];
	v3 =	vadd.f32 v7, v3  }
0x141: {  	v7 =	vld [tilespmem:s24+$0x41A0]  }
0x142: {  	v13 =	vld [tilespmem:s24+$0x1B0];
	[tilespmem:v16+s17+$0x0] =	vst.idx.msk $0xffff, v3  }
0x143: {  	v3 =	vld [tilespmem:s30+$0x600]  }
0x144: {  	v14 =	vmul.f32 v15, v14;
	v11 =	vmul.f32 v11, v18;
	v15 =	vld [tilespmem:s30+$0x4600]  }
0x145: {  	v16 =	vld [tilespmem:s30+$0x610]  }
0x146: {  	v11 =	vadd.f32 v11, v14;
	v7 =	vmul.f32 v7, v12;
	v12 =	vld [tilespmem:s30+$0x4610]  }
0x147: {  	v14 =	vld [tilespmem:s30+$0x620]  }
0x148: {  	v7 =	vadd.f32 v7, v11;
	v11 =	vmul.f32 v19, v13;
	v13 =	vld [tilespmem:s30+$0x4620]  }
0x149: {  	v18 =	vld [tilespmem:s30+$0x630]  }
0x14a: {  	v10 =	vmul.f32 v17, v10;
	v4 =	vmul.f32 v4, v9;
	v7 =	vadd.f32 v11, v7;
	v11 =	vld [tilespmem:s30+$0x4630]  }
0x14b: {  	v9 =	vld [tilespmem:s30+$0x4640];
	v3 =	vmul.f32 v15, v3;
	v12 =	vmul.f32 v12, v16  }
0x14c: {  	v15 =	vld [tilespmem:s30+$0x640];
	v7 =	vadd.f32 v10, v7  }
0x14d: {  	v3 =	vadd.f32 v12, v3;
	v10 =	vmul.f32 v13, v14;
	v12 =	vld [tilespmem:s30+$0x650]  }
0x14e: {  	s25 =	sor.u32 $0x3, s28;
	v2 =	vmul.f32 v6, v2;
	v5 =	vmul.f32 v5, v8;
	v4 =	vadd.f32 v4, v7;
	v7 =	vld [tilespmem:s30+$0x4650]  }
0x14f: {  	v8 =	vadd.s32 s25, v1;
	v6 =	vld [tilespmem:s30+$0x4660];
	v3 =	vadd.f32 v10, v3;
	v10 =	vmul.f32 v11, v18  }
0x150: {  	v11 =	vld [tilespmem:s30+$0x660];
	v4 =	vadd.f32 v5, v4  }
0x151: {  	v5 =	vmul.f32 v9, v15;
	v9 =	vld [tilespmem:s30+$0x670];
	v3 =	vadd.f32 v10, v3  }
0x152: {  	v2 =	vadd.f32 v2, v4;
	v4 =	vld [tilespmem:s30+$0x4670]  }
0x153: {  	v3 =	vadd.f32 v5, v3;
	v7 =	vmul.f32 v7, v12  }
0x154: {  	[tilespmem:v8+s17+$0x0] =	vst.idx.msk $0xffff, v2  }
0x155: {  	s12 =	sor.u32 $0xC, s29;
	v5 =	vld [tilespmem:s24+$0x270];
	v2 =	vadd.f32 v7, v3;
	v7 =	vmul.f32 v6, v11  }
0x156: {  	v10 =	vadd.s32 s12, v1;
	v6 =	vld [tilespmem:s24+$0x4270]  }
0x157: {  	v3 =	vld [tilespmem:s24+$0x260];
	v2 =	vadd.f32 v7, v2;
	v8 =	vmul.f32 v4, v9  }
0x158: {  	v4 =	vld [tilespmem:s24+$0x4260]  }
0x159: {  	v7 =	vld [tilespmem:s24+$0x250];
	v2 =	vadd.f32 v8, v2  }
0x15a: {  	v9 =	vld [tilespmem:s24+$0x240]  }
0x15b: {  	v8 =	vld [tilespmem:s24+$0x4250];
	[tilespmem:v10+s17+$0x0] =	vst.idx.msk $0xffff, v2  }
0x15c: {  	v2 =	vld [tilespmem:s30+$0x680]  }
0x15d: {  	v10 =	vld [tilespmem:s30+$0x4680]  }
0x15e: {  	v11 =	vld [tilespmem:s30+$0x690]  }
0x15f: {  	v12 =	vld [tilespmem:s30+$0x4690]  }
0x160: {  	v13 =	vld [tilespmem:s30+$0x6A0]  }
0x161: {  	v14 =	vld [tilespmem:s30+$0x46A0]  }
0x162: {  	v15 =	vld [tilespmem:s30+$0x6B0]  }
0x163: {  	v16 =	vld [tilespmem:s30+$0x46B0]  }
0x164: {  	v17 =	vld [tilespmem:s30+$0x6C0];
	v2 =	vmul.f32 v10, v2;
	v10 =	vmul.f32 v12, v11  }
0x165: {  	v11 =	vld [tilespmem:s30+$0x46C0]  }
0x166: {  	v18 =	vld [tilespmem:s30+$0x6D0];
	v2 =	vadd.f32 v10, v2;
	v10 =	vmul.f32 v14, v13  }
0x167: {  	v19 =	vld [tilespmem:s30+$0x46D0]  }
0x168: {  	v13 =	vld [tilespmem:s30+$0x6E0];
	v2 =	vadd.f32 v10, v2;
	v10 =	vmul.f32 v16, v15  }
0x169: {  	v15 =	vld [tilespmem:s30+$0x46E0]  }
0x16a: {  	s25 =	sshll.u32 s23, $0x7;
	v12 =	vld [tilespmem:s30+$0x6F0];
	v11 =	vmul.f32 v11, v17;
	v16 =	vadd.f32 v10, v2  }
0x16b: {  	s25 =	sand.u32 $0x3FFFFF80, s25;
	v14 =	vld [tilespmem:s30+$0x46F0]  }
0x16c: {  	s0 =	sadd.s32 $0x8000, s25;
	v17 =	vmul.f32 v19, v18;
	v10 =	vld [tilespmem:s24+$0x4240];
	v16 =	vadd.f32 v11, v16  }
0x16d: {  	s31 =	simm.s32 $0x2;
	v2 =	vmov s0;
	v11 =	vld [tilespmem:s24+$0x230]  }
.LBB2_3:
0x16e: {  	p0 =	sne.s32 s31, $0x3;
	v18 =	vld [tilespmem:s24+$0x4230];
	v16 =	vadd.f32 v17, v16;
	v13 =	vmul.f32 v15, v13;
	s0 =	sor.u32 $0xD, s29  }
0x16f: {  	v15 =	vld [tilespmem:s24+$0x220];
	v17 =	vadd.s32 s0, v1  }
0x170: {  	v19 =	vld [tilespmem:s24+$0x4220];
	v13 =	vadd.f32 v13, v16;
	v12 =	vmul.f32 v14, v12  }
0x171: {  	v14 =	vld [tilespmem:s24+$0x200]  }
0x172: {  	v16 =	vld [tilespmem:s24+$0x4200];
	v12 =	vadd.f32 v12, v13  }
0x173: {  	v13 =	vld [tilespmem:s24+$0x210]  }
0x174: {  	v20 =	vld [tilespmem:s24+$0x4210];
	[tilespmem:v17+s17+$0x0] =	vst.idx.msk $0xffff, v12  }
0x175: {  	v12 =	vld [tilespmem:s30+$0x700]  }
0x176: {  	v17 =	vld [tilespmem:s30+$0x4700]  }
0x177: {  	v21 =	vld [tilespmem:s30+$0x710]  }
0x178: {  	v22 =	vld [tilespmem:s30+$0x4710]  }
0x179: {  	v23 =	vld [tilespmem:s30+$0x720]  }
0x17a: {  	v14 =	vmul.f32 v16, v14;
	v13 =	vmul.f32 v20, v13;
	v16 =	vld [tilespmem:s30+$0x4720]  }
0x17b: {  	v20 =	vld [tilespmem:s30+$0x730]  }
0x17c: {  	v13 =	vadd.f32 v13, v14;
	v14 =	vmul.f32 v19, v15;
	v15 =	vld [tilespmem:s30+$0x4730]  }
0x17d: {  	v12 =	vmul.f32 v17, v12;
	v17 =	vmul.f32 v22, v21;
	v19 =	vld [tilespmem:s30+$0x740]  }
0x17e: {  	v11 =	vmul.f32 v18, v11;
	v13 =	vadd.f32 v14, v13;
	v14 =	vld [tilespmem:s30+$0x4740]  }
0x17f: {  	v12 =	vadd.f32 v17, v12;
	v16 =	vmul.f32 v16, v23;
	v17 =	vld [tilespmem:s30+$0x750]  }
0x180: {  	v9 =	vmul.f32 v10, v9;
	v11 =	vadd.f32 v11, v13;
	v10 =	vld [tilespmem:s30+$0x4750]  }
0x181: {  	v12 =	vadd.f32 v16, v12;
	v13 =	vmul.f32 v15, v20;
	v15 =	vld [tilespmem:s30+$0x760]  }
0x182: {  	v7 =	vmul.f32 v8, v7;
	v9 =	vadd.f32 v9, v11;
	v8 =	vld [tilespmem:s30+$0x4760]  }
0x183: {  	v11 =	vadd.f32 v13, v12;
	v12 =	vmul.f32 v14, v19;
	v13 =	vld [tilespmem:s30+$0x770]  }
0x184: {  	s12 =	sor.u32 $0x4, s28;
	s0 =	sshll.u32 s31, $0xB;
	v7 =	vadd.f32 v7, v9;
	v9 =	vmul.f32 v4, v3;
	v14 =	vld [tilespmem:s30+$0x4770]  }
0x185: {  	v16 =	vadd.s32 s12, v1;
	v3 =	vld [tilespmem:s0+$0x70];
	v11 =	vadd.f32 v12, v11;
	v10 =	vmul.f32 v10, v17  }
0x186: {  	v7 =	vadd.f32 v9, v7;
	v9 =	vmul.f32 v6, v5;
	v4 =	vld [tilespmem:s0+$0x4070]  }
0x187: {  	s12 =	sor.u32 $0xE, s29;
	v5 =	vld [tilespmem:s0+$0x60];
	v10 =	vadd.f32 v10, v11;
	v8 =	vmul.f32 v8, v15  }
0x188: {  	v12 =	vadd.s32 s12, v1;
	v9 =	vadd.f32 v9, v7;
	v6 =	vld [tilespmem:s0+$0x4060]  }
0x189: {  	v7 =	vld [tilespmem:s0+$0x50];
	v10 =	vadd.f32 v8, v10;
	v11 =	vmul.f32 v14, v13  }
0x18a: {  	v8 =	vld [tilespmem:s0+$0x4050];
	[tilespmem:v16+s17+$0x0] =	vst.idx.msk $0xffff, v9  }
0x18b: {  	v9 =	vld [tilespmem:s24+$0x2D0];
	v13 =	vadd.f32 v11, v10  }
0x18c: {  	v10 =	vld [tilespmem:s24+$0x42D0]  }
0x18d: {  	v11 =	vld [tilespmem:s24+$0x2C0];
	[tilespmem:v12+s17+$0x0] =	vst.idx.msk $0xffff, v13  }
0x18e: {  	v12 =	vld [tilespmem:s30+$0x780]  }
0x18f: {  	v13 =	vld [tilespmem:s30+$0x4780]  }
0x190: {  	v14 =	vld [tilespmem:s30+$0x790]  }
0x191: {  	v15 =	vld [tilespmem:s30+$0x4790]  }
0x192: {  	v16 =	vld [tilespmem:s30+$0x7A0]  }
0x193: {  	v17 =	vld [tilespmem:s30+$0x47A0]  }
0x194: {  	v18 =	vld [tilespmem:s30+$0x7B0]  }
0x195: {  	v19 =	vld [tilespmem:s30+$0x47B0]  }
0x196: {  	v12 =	vmul.f32 v13, v12;
	v13 =	vmul.f32 v15, v14;
	v14 =	vld [tilespmem:s30+$0x7C0]  }
0x197: {  	v15 =	vld [tilespmem:s30+$0x47C0]  }
0x198: {  	v12 =	vadd.f32 v13, v12;
	v13 =	vmul.f32 v17, v16;
	v16 =	vld [tilespmem:s30+$0x7D0]  }
0x199: {  	v17 =	vld [tilespmem:s30+$0x47D0]  }
0x19a: {  	v12 =	vadd.f32 v13, v12;
	v13 =	vmul.f32 v19, v18;
	v18 =	vld [tilespmem:s30+$0x7E0]  }
0x19b: {  	v19 =	vld [tilespmem:s30+$0x47E0]  }
0x19c: {  	v12 =	vadd.f32 v13, v12;
	v13 =	vmul.f32 v15, v14;
	v14 =	vld [tilespmem:s30+$0x7F0]  }
0x19d: {  	v15 =	vld [tilespmem:s30+$0x47F0];
	s30 =	smov.u32 s24;
	s24 =	smov.u32 s0  }
0x19e: {  	v20 =	vld [tilespmem:s30+$0x42C0];
	v12 =	vadd.f32 v13, v12;
	v13 =	vmul.f32 v17, v16  }
0x19f: {  	v16 =	vld [tilespmem:s30+$0x2B0]  }
0x1a0: {  	s0 =	sor.u32 $0xF, s29;
	v17 =	vld [tilespmem:s30+$0x42B0];
	v12 =	vadd.f32 v13, v12;
	v13 =	vmul.f32 v19, v18  }
0x1a1: {  	v19 =	vadd.s32 s0, v1;
	v18 =	vld [tilespmem:s30+$0x2A0]  }
0x1a2: {  	s0 =	sadd.s32 $0x11, s29;
	v21 =	vld [tilespmem:s30+$0x42A0];
	v12 =	vadd.f32 v13, v12;
	v13 =	vmul.f32 v15, v14;
	v14 =	vor.u32 s29, v0  }
0x1a3: {  	v22 =	vadd.s32 s0, v0;
	s0 =	sadd.s32 $0x22, s29;
	v15 =	vld [tilespmem:s30+$0x280]  }
0x1a4: {  	v23 =	vld [tilespmem:s30+$0x4280];
	v12 =	vadd.f32 v13, v12;
	v13 =	vadd.s32 s0, v0;
	s0 =	sadd.s32 $0x33, s29  }
0x1a5: {  	v24 =	vld [tilespmem:s30+$0x290];
	v25 =	vadd.s32 s0, v0;
	s0 =	sadd.s32 $0x44, s29  }
0x1a6: {  	v26 =	vld [tilespmem:s30+$0x4290];
	[tilespmem:v19+s17+$0x0] =	vst.idx.msk $0xffff, v12;
	v12 =	vadd.s32 s0, v0;
	s0 =	sadd.s32 $0x55, s29  }
0x1a7: {  	v14 =	vld.idx.msk [tilespmem:v14+s17+$0x0], $0xffff;
	v19 =	vadd.s32 s0, v0;
	s0 =	sadd.s32 $0x66, s29  }
0x1a8: {  	v22 =	vld.idx.msk [tilespmem:v22+s17+$0x0], $0xffff;
	v27 =	vadd.s32 s0, v0;
	s0 =	sadd.s32 $0x77, s29  }
0x1a9: {  	v13 =	vld.idx.msk [tilespmem:v13+s17+$0x0], $0xffff;
	v28 =	vadd.s32 s0, v0;
	s0 =	sadd.s32 $0x88, s29  }
0x1aa: {  	v25 =	vld.idx.msk [tilespmem:v25+s17+$0x0], $0xffff;
	v29 =	vadd.s32 s0, v0;
	s0 =	sadd.s32 $0x99, s29  }
0x1ab: {  	v12 =	vld.idx.msk [tilespmem:v12+s17+$0x0], $0xffff;
	v30 =	vadd.s32 s0, v0;
	s0 =	sadd.s32 $0xAA, s29  }
0x1ac: {  	v19 =	vld.idx.msk [tilespmem:v19+s17+$0x0], $0xffff;
	v31 =	vadd.s32 s0, v0;
	s0 =	sadd.s32 $0xBB, s29  }
0x1ad: {  	v27 =	vld.idx.msk [tilespmem:v27+s17+$0x0], $0xffff;
	v32 =	vadd.s32 s0, v0;
	s0 =	sadd.s32 $0xCC, s29  }
0x1ae: {  	v15 =	vmul.f32 v23, v15;
	v23 =	vmul.f32 v26, v24;
	v24 =	vld.idx.msk [tilespmem:v28+s17+$0x0], $0xffff;
	v26 =	vadd.s32 s0, v0;
	s0 =	sadd.s32 $0xDD, s29  }
0x1af: {  	v28 =	vld.idx.msk [tilespmem:v29+s17+$0x0], $0xffff;
	v29 =	vadd.s32 s0, v0;
	s0 =	sadd.s32 $0xEE, s29  }
0x1b0: {  	v18 =	vmul.f32 v21, v18;
	v15 =	vadd.f32 v23, v15;
	v21 =	vld.idx.msk [tilespmem:v30+s17+$0x0], $0xffff;
	v23 =	vadd.s32 s0, v0;
	s0 =	sadd.s32 $0xFF, s29;
	s29 =	smov.u32 s28  }
0x1b1: {  	v30 =	vld.idx.msk [tilespmem:v31+s17+$0x0], $0xffff;
	v31 =	vadd.s32 s0, v0  }
0x1b2: {  	v16 =	vmul.f32 v17, v16;
	v15 =	vadd.f32 v18, v15;
	v17 =	vld.idx.msk [tilespmem:v32+s17+$0x0], $0xffff  }
0x1b3: {  	v18 =	vld.idx.msk [tilespmem:v26+s17+$0x0], $0xffff  }
0x1b4: {  	v11 =	vmul.f32 v20, v11;
	v15 =	vadd.f32 v16, v15;
	v16 =	vld.idx.msk [tilespmem:v29+s17+$0x0], $0xffff  }
0x1b5: {  	v20 =	vld.idx.msk [tilespmem:v23+s17+$0x0], $0xffff  }
0x1b6: {  	v9 =	vmul.f32 v10, v9;
	v11 =	vadd.f32 v11, v15;
	v10 =	vld.idx.msk [tilespmem:v31+s17+$0x0], $0xffff  }
0x1b7: {  	v15 =	vld [tilespmem:s30+$0x2E0]  }
0x1b8: {  	v9 =	vadd.f32 v9, v11;
	v11 =	vld [tilespmem:s30+$0x42E0]  }
0x1b9: {  	v14 =	vadd.f32 v22, v14;
	v13 =	vadd.f32 v25, v13;
	v23 =	vld [tilespmem:s30+$0x2F0]  }
0x1ba: {  	v12 =	vadd.f32 v19, v12;
	v19 =	vadd.f32 v24, v27;
	v22 =	vld [tilespmem:s30+$0x42F0]  }
0x1bb: {  	v21 =	vadd.f32 v21, v28;
	v17 =	vadd.f32 v17, v30;
	v24 =	vld [tilespmem:s24+$0x40]  }
0x1bc: {  	v16 =	vadd.f32 v16, v18;
	v10 =	vadd.f32 v10, v20;
	v25 =	vld [tilespmem:s24+$0x4040]  }
0x1bd: {  	s0 =	sor.u32 $0x5, s29;
	v13 =	vadd.f32 v13, v14;
	v12 =	vadd.f32 v19, v12;
	v18 =	vld [tilespmem:s24+$0x30];
	v11 =	vmul.f32 v11, v15  }
0x1be: {  	v17 =	vadd.f32 v17, v21;
	v15 =	vadd.s32 s0, v1;
	v10 =	vadd.f32 v10, v16;
	v14 =	vld [tilespmem:s24+$0x0]  }
0x1bf: {  	v16 =	vld [tilespmem:s24+$0x4000];
	v9 =	vadd.f32 v11, v9;
	v11 =	vmul.f32 v22, v23  }
0x1c0: {  	v12 =	vadd.f32 v12, v13;
	v10 =	vadd.f32 v10, v17;
	v19 =	vld [tilespmem:s24+$0x10]  }
0x1c1: {  	v13 =	vld [tilespmem:s24+$0x4010];
	v9 =	vadd.f32 v11, v9  }
0x1c2: {  	s0 =	sshll.u32 s1, $0x4;
	s1 =	smov.u32 s26;
	s26 =	smov.u32 s31;
	v10 =	vadd.f32 v10, v12;
	v11 =	vld [tilespmem:s24+$0x20]  }
0x1c3: {  	s0 =	sand.u32 $0x3FFFFFF0, s0;
	v12 =	vld [tilespmem:s24+$0x4020];
	[tilespmem:v15+s17+$0x0] =	vst.idx.msk $0xffff, v9  }
0x1c4: {  	v9 =	vld [tilespmem:s24+$0x4030];
	[tilespmem:v2+s0+$0x0 ss:$0x1] =	vst.idx.msk $0xffff, v10  }
0x1c5: {  	v10 =	vld [tilespmem:s30+$0x300]  }
0x1c6: {  	v14 =	vmul.f32 v16, v14;
	v13 =	vmul.f32 v13, v19;
	v15 =	vld [tilespmem:s30+$0x4300]  }
0x1c7: {  	v16 =	vld [tilespmem:s30+$0x310]  }
0x1c8: {  	v13 =	vadd.f32 v13, v14;
	v11 =	vmul.f32 v12, v11;
	v12 =	vld [tilespmem:s30+$0x4310]  }
0x1c9: {  	v14 =	vld [tilespmem:s30+$0x320]  }
0x1ca: {  	v9 =	vmul.f32 v9, v18;
	v11 =	vadd.f32 v11, v13;
	v13 =	vld [tilespmem:s30+$0x4320]  }
0x1cb: {  	v17 =	vld [tilespmem:s30+$0x330]  }
0x1cc: {  	v9 =	vadd.f32 v9, v11;
	v11 =	vmul.f32 v25, v24;
	v18 =	vld [tilespmem:s30+$0x4330]  }
0x1cd: {  	v10 =	vmul.f32 v15, v10;
	v12 =	vmul.f32 v12, v16;
	v15 =	vld [tilespmem:s30+$0x340]  }
0x1ce: {  	v7 =	vmul.f32 v8, v7;
	v9 =	vadd.f32 v11, v9;
	v8 =	vld [tilespmem:s30+$0x4340]  }
0x1cf: {  	s28 =	smul.u32 $0x110, s31;
	v10 =	vadd.f32 v12, v10;
	v11 =	vmul.f32 v13, v14;
	v12 =	vld [tilespmem:s30+$0x350]  }
0x1d0: {  	v5 =	vmul.f32 v6, v5;
	v7 =	vadd.f32 v7, v9;
	v6 =	vld [tilespmem:s30+$0x4350]  }
0x1d1: {  	v9 =	vadd.s32 s28, v1;
	v10 =	vadd.f32 v11, v10;
	v11 =	vmul.f32 v18, v17;
	v13 =	vld [tilespmem:s30+$0x360]  }
0x1d2: {  	v3 =	vmul.f32 v4, v3;
	v5 =	vadd.f32 v5, v7;
	v4 =	vld [tilespmem:s30+$0x4360]  }
0x1d3: {  	v7 =	vadd.f32 v11, v10;
	v8 =	vmul.f32 v8, v15;
	v10 =	vld [tilespmem:s30+$0x370]  }
0x1d4: {  	v3 =	vadd.f32 v3, v5;
	v5 =	vld [tilespmem:s30+$0x4370]  }
0x1d5: {  	v7 =	vadd.f32 v8, v7;
	v6 =	vmul.f32 v6, v12  }
0x1d6: {  	[tilespmem:v9+s17+$0x0] =	vst.idx.msk $0xffff, v3  }
0x1d7: {  	s0 =	sor.u32 $0x6, s29;
	v3 =	vld [tilespmem:s24+$0xF0];
	v6 =	vadd.f32 v6, v7;
	v7 =	vmul.f32 v4, v13  }
0x1d8: {  	v8 =	vadd.s32 s0, v1;
	v4 =	vld [tilespmem:s24+$0x40F0]  }
0x1d9: {  	v9 =	vld [tilespmem:s24+$0xE0];
	v6 =	vadd.f32 v7, v6;
	v5 =	vmul.f32 v5, v10  }
0x1da: {  	v7 =	vld [tilespmem:s24+$0x40E0]  }
0x1db: {  	v10 =	vld [tilespmem:s24+$0xD0];
	v5 =	vadd.f32 v5, v6  }
0x1dc: {  	v6 =	vld [tilespmem:s24+$0x40D0]  }
0x1dd: {  	v11 =	vld [tilespmem:s24+$0xC0];
	[tilespmem:v8+s17+$0x0] =	vst.idx.msk $0xffff, v5  }
0x1de: {  	v5 =	vld [tilespmem:s30+$0x380]  }
0x1df: {  	v8 =	vld [tilespmem:s30+$0x4380]  }
0x1e0: {  	v12 =	vld [tilespmem:s30+$0x390]  }
0x1e1: {  	v13 =	vld [tilespmem:s30+$0x4390]  }
0x1e2: {  	v14 =	vld [tilespmem:s30+$0x3A0]  }
0x1e3: {  	v15 =	vld [tilespmem:s30+$0x43A0]  }
0x1e4: {  	v16 =	vld [tilespmem:s30+$0x3B0]  }
0x1e5: {  	v17 =	vld [tilespmem:s30+$0x43B0]  }
0x1e6: {  	v5 =	vmul.f32 v8, v5;
	v8 =	vmul.f32 v13, v12;
	v12 =	vld [tilespmem:s30+$0x3C0]  }
0x1e7: {  	v13 =	vld [tilespmem:s30+$0x43C0]  }
0x1e8: {  	v5 =	vadd.f32 v8, v5;
	v8 =	vmul.f32 v15, v14;
	v14 =	vld [tilespmem:s30+$0x3D0]  }
0x1e9: {  	v15 =	vld [tilespmem:s30+$0x43D0]  }
0x1ea: {  	v5 =	vadd.f32 v8, v5;
	v8 =	vmul.f32 v17, v16;
	v16 =	vld [tilespmem:s30+$0x3E0]  }
0x1eb: {  	v17 =	vld [tilespmem:s30+$0x43E0]  }
0x1ec: {  	v5 =	vadd.f32 v8, v5;
	v8 =	vmul.f32 v13, v12;
	v12 =	vld [tilespmem:s30+$0x3F0]  }
0x1ed: {  	v13 =	vld [tilespmem:s30+$0x43F0]  }
0x1ee: {  	v18 =	vld [tilespmem:s24+$0x40C0];
	v5 =	vadd.f32 v8, v5;
	v8 =	vmul.f32 v15, v14  }
0x1ef: {  	v14 =	vld [tilespmem:s24+$0xB0]  }
0x1f0: {  	s0 =	sor.u32 $0x7, s29;
	v15 =	vld [tilespmem:s24+$0x80];
	v5 =	vadd.f32 v8, v5;
	v8 =	vmul.f32 v17, v16  }
0x1f1: {  	v17 =	vadd.s32 s0, v1;
	v16 =	vld [tilespmem:s24+$0x4080]  }
0x1f2: {  	v19 =	vld [tilespmem:s24+$0x90];
	v5 =	vadd.f32 v8, v5;
	v8 =	vmul.f32 v13, v12  }
0x1f3: {  	v12 =	vld [tilespmem:s24+$0x4090]  }
0x1f4: {  	v13 =	vld [tilespmem:s24+$0xA0];
	v5 =	vadd.f32 v8, v5  }
0x1f5: {  	v8 =	vld [tilespmem:s24+$0x40A0]  }
0x1f6: {  	v20 =	vld [tilespmem:s24+$0x40B0];
	[tilespmem:v17+s17+$0x0] =	vst.idx.msk $0xffff, v5  }
0x1f7: {  	v5 =	vld [tilespmem:s30+$0x400]  }
0x1f8: {  	v15 =	vmul.f32 v16, v15;
	v12 =	vmul.f32 v12, v19;
	v16 =	vld [tilespmem:s30+$0x4400]  }
0x1f9: {  	v17 =	vld [tilespmem:s30+$0x410]  }
0x1fa: {  	v12 =	vadd.f32 v12, v15;
	v8 =	vmul.f32 v8, v13;
	v13 =	vld [tilespmem:s30+$0x4410]  }
0x1fb: {  	v15 =	vld [tilespmem:s30+$0x420]  }
0x1fc: {  	v8 =	vadd.f32 v8, v12;
	v12 =	vmul.f32 v20, v14;
	v14 =	vld [tilespmem:s30+$0x4420]  }
0x1fd: {  	v19 =	vld [tilespmem:s30+$0x430]  }
0x1fe: {  	v11 =	vmul.f32 v18, v11;
	v8 =	vadd.f32 v12, v8;
	v12 =	vld [tilespmem:s30+$0x4430]  }
0x1ff: {  	v5 =	vmul.f32 v16, v5;
	v13 =	vmul.f32 v13, v17;
	v16 =	vld [tilespmem:s30+$0x440]  }
0x200: {  	v6 =	vmul.f32 v6, v10;
	v8 =	vadd.f32 v11, v8;
	v10 =	vld [tilespmem:s30+$0x4440]  }
0x201: {  	v5 =	vadd.f32 v13, v5;
	v11 =	vmul.f32 v14, v15;
	v13 =	vld [tilespmem:s30+$0x450]  }
0x202: {  	v7 =	vmul.f32 v7, v9;
	s0 =	sor.u32 $0x1, s28;
	v6 =	vadd.f32 v6, v8;
	v8 =	vld [tilespmem:s30+$0x4450]  }
0x203: {  	v9 =	vadd.s32 s0, v1;
	v5 =	vadd.f32 v11, v5;
	v11 =	vmul.f32 v12, v19;
	v12 =	vld [tilespmem:s30+$0x460]  }
0x204: {  	v3 =	vmul.f32 v4, v3;
	v6 =	vadd.f32 v7, v6;
	v4 =	vld [tilespmem:s30+$0x4460]  }
0x205: {  	v5 =	vadd.f32 v11, v5;
	v7 =	vmul.f32 v10, v16;
	v10 =	vld [tilespmem:s30+$0x470]  }
0x206: {  	v3 =	vadd.f32 v3, v6;
	v6 =	vld [tilespmem:s30+$0x4470]  }
0x207: {  	v5 =	vadd.f32 v7, v5;
	v7 =	vmul.f32 v8, v13  }
0x208: {  	[tilespmem:v9+s17+$0x0] =	vst.idx.msk $0xffff, v3  }
0x209: {  	s0 =	sor.u32 $0x8, s29;
	v3 =	vld [tilespmem:s24+$0x170];
	v5 =	vadd.f32 v7, v5;
	v7 =	vmul.f32 v4, v12  }
0x20a: {  	v8 =	vadd.s32 s0, v1;
	v4 =	vld [tilespmem:s24+$0x4170]  }
0x20b: {  	v9 =	vld [tilespmem:s24+$0x160];
	v5 =	vadd.f32 v7, v5;
	v6 =	vmul.f32 v6, v10  }
0x20c: {  	v7 =	vld [tilespmem:s24+$0x4160]  }
0x20d: {  	v10 =	vld [tilespmem:s24+$0x150];
	v5 =	vadd.f32 v6, v5  }
0x20e: {  	v6 =	vld [tilespmem:s24+$0x4150]  }
0x20f: {  	v11 =	vld [tilespmem:s24+$0x140];
	[tilespmem:v8+s17+$0x0] =	vst.idx.msk $0xffff, v5  }
0x210: {  	v5 =	vld [tilespmem:s30+$0x480]  }
0x211: {  	v8 =	vld [tilespmem:s30+$0x4480]  }
0x212: {  	v12 =	vld [tilespmem:s30+$0x490]  }
0x213: {  	v13 =	vld [tilespmem:s30+$0x4490]  }
0x214: {  	v14 =	vld [tilespmem:s30+$0x4A0]  }
0x215: {  	v15 =	vld [tilespmem:s30+$0x44A0]  }
0x216: {  	v16 =	vld [tilespmem:s30+$0x4B0]  }
0x217: {  	v17 =	vld [tilespmem:s30+$0x44B0]  }
0x218: {  	v5 =	vmul.f32 v8, v5;
	v8 =	vmul.f32 v13, v12;
	v12 =	vld [tilespmem:s30+$0x4C0]  }
0x219: {  	v13 =	vld [tilespmem:s30+$0x44C0]  }
0x21a: {  	v5 =	vadd.f32 v8, v5;
	v8 =	vmul.f32 v15, v14;
	v14 =	vld [tilespmem:s30+$0x4D0]  }
0x21b: {  	v15 =	vld [tilespmem:s30+$0x44D0]  }
0x21c: {  	v5 =	vadd.f32 v8, v5;
	v8 =	vmul.f32 v17, v16;
	v16 =	vld [tilespmem:s30+$0x4E0]  }
0x21d: {  	v17 =	vld [tilespmem:s30+$0x44E0]  }
0x21e: {  	v5 =	vadd.f32 v8, v5;
	v8 =	vmul.f32 v13, v12;
	v12 =	vld [tilespmem:s30+$0x4F0]  }
0x21f: {  	v13 =	vld [tilespmem:s30+$0x44F0]  }
0x220: {  	v18 =	vld [tilespmem:s24+$0x4140];
	v5 =	vadd.f32 v8, v5;
	v8 =	vmul.f32 v15, v14  }
0x221: {  	v14 =	vld [tilespmem:s24+$0x130]  }
0x222: {  	s0 =	sor.u32 $0x9, s29;
	v15 =	vld [tilespmem:s24+$0x100];
	v5 =	vadd.f32 v8, v5;
	v8 =	vmul.f32 v17, v16  }
0x223: {  	v17 =	vadd.s32 s0, v1;
	v16 =	vld [tilespmem:s24+$0x4100]  }
0x224: {  	v19 =	vld [tilespmem:s24+$0x110];
	v5 =	vadd.f32 v8, v5;
	v8 =	vmul.f32 v13, v12  }
0x225: {  	v12 =	vld [tilespmem:s24+$0x4110]  }
0x226: {  	v13 =	vld [tilespmem:s24+$0x120];
	v5 =	vadd.f32 v8, v5  }
0x227: {  	v8 =	vld [tilespmem:s24+$0x4120]  }
0x228: {  	v20 =	vld [tilespmem:s24+$0x4130];
	[tilespmem:v17+s17+$0x0] =	vst.idx.msk $0xffff, v5  }
0x229: {  	v5 =	vld [tilespmem:s30+$0x500]  }
0x22a: {  	v15 =	vmul.f32 v16, v15;
	v12 =	vmul.f32 v12, v19;
	v16 =	vld [tilespmem:s30+$0x4500]  }
0x22b: {  	v17 =	vld [tilespmem:s30+$0x510]  }
0x22c: {  	v12 =	vadd.f32 v12, v15;
	v8 =	vmul.f32 v8, v13;
	v13 =	vld [tilespmem:s30+$0x4510]  }
0x22d: {  	v15 =	vld [tilespmem:s30+$0x520]  }
0x22e: {  	v8 =	vadd.f32 v8, v12;
	v12 =	vmul.f32 v20, v14;
	v14 =	vld [tilespmem:s30+$0x4520]  }
0x22f: {  	v19 =	vld [tilespmem:s30+$0x530]  }
0x230: {  	v11 =	vmul.f32 v18, v11;
	v8 =	vadd.f32 v12, v8;
	v12 =	vld [tilespmem:s30+$0x4530]  }
0x231: {  	v5 =	vmul.f32 v16, v5;
	v13 =	vmul.f32 v13, v17;
	v16 =	vld [tilespmem:s30+$0x540]  }
0x232: {  	v6 =	vmul.f32 v6, v10;
	v8 =	vadd.f32 v11, v8;
	v10 =	vld [tilespmem:s30+$0x4540]  }
0x233: {  	v5 =	vadd.f32 v13, v5;
	v11 =	vmul.f32 v14, v15;
	v13 =	vld [tilespmem:s30+$0x550]  }
0x234: {  	v7 =	vmul.f32 v7, v9;
	s0 =	sor.u32 $0x2, s28;
	v6 =	vadd.f32 v6, v8;
	v8 =	vld [tilespmem:s30+$0x4550]  }
0x235: {  	v9 =	vadd.s32 s0, v1;
	v5 =	vadd.f32 v11, v5;
	v11 =	vmul.f32 v12, v19;
	v12 =	vld [tilespmem:s30+$0x560]  }
0x236: {  	v3 =	vmul.f32 v4, v3;
	v6 =	vadd.f32 v7, v6;
	v4 =	vld [tilespmem:s30+$0x4560]  }
0x237: {  	v5 =	vadd.f32 v11, v5;
	v7 =	vmul.f32 v10, v16;
	v10 =	vld [tilespmem:s30+$0x570]  }
0x238: {  	v3 =	vadd.f32 v3, v6;
	v6 =	vld [tilespmem:s30+$0x4570]  }
0x239: {  	v5 =	vadd.f32 v7, v5;
	v7 =	vmul.f32 v8, v13  }
0x23a: {  	[tilespmem:v9+s17+$0x0] =	vst.idx.msk $0xffff, v3  }
0x23b: {  	s0 =	sor.u32 $0xA, s29;
	v3 =	vld [tilespmem:s24+$0x1F0];
	v5 =	vadd.f32 v7, v5;
	v7 =	vmul.f32 v4, v12  }
0x23c: {  	v8 =	vadd.s32 s0, v1;
	v4 =	vld [tilespmem:s24+$0x41F0]  }
0x23d: {  	v9 =	vld [tilespmem:s24+$0x1E0];
	v5 =	vadd.f32 v7, v5;
	v6 =	vmul.f32 v6, v10  }
0x23e: {  	v7 =	vld [tilespmem:s24+$0x41E0]  }
0x23f: {  	v10 =	vld [tilespmem:s24+$0x1D0];
	v5 =	vadd.f32 v6, v5  }
0x240: {  	v6 =	vld [tilespmem:s24+$0x41D0]  }
0x241: {  	v11 =	vld [tilespmem:s24+$0x1C0];
	[tilespmem:v8+s17+$0x0] =	vst.idx.msk $0xffff, v5  }
0x242: {  	v5 =	vld [tilespmem:s30+$0x580]  }
0x243: {  	v8 =	vld [tilespmem:s30+$0x4580]  }
0x244: {  	v12 =	vld [tilespmem:s30+$0x590]  }
0x245: {  	v13 =	vld [tilespmem:s30+$0x4590]  }
0x246: {  	v14 =	vld [tilespmem:s30+$0x5A0]  }
0x247: {  	v15 =	vld [tilespmem:s30+$0x45A0]  }
0x248: {  	v16 =	vld [tilespmem:s30+$0x5B0]  }
0x249: {  	v17 =	vld [tilespmem:s30+$0x45B0]  }
0x24a: {  	v5 =	vmul.f32 v8, v5;
	v8 =	vmul.f32 v13, v12;
	v12 =	vld [tilespmem:s30+$0x5C0]  }
0x24b: {  	v13 =	vld [tilespmem:s30+$0x45C0]  }
0x24c: {  	v5 =	vadd.f32 v8, v5;
	v8 =	vmul.f32 v15, v14;
	v14 =	vld [tilespmem:s30+$0x5D0]  }
0x24d: {  	v15 =	vld [tilespmem:s30+$0x45D0]  }
0x24e: {  	v5 =	vadd.f32 v8, v5;
	v8 =	vmul.f32 v17, v16;
	v16 =	vld [tilespmem:s30+$0x5E0]  }
0x24f: {  	v17 =	vld [tilespmem:s30+$0x45E0]  }
0x250: {  	v5 =	vadd.f32 v8, v5;
	v8 =	vmul.f32 v13, v12;
	v12 =	vld [tilespmem:s30+$0x5F0]  }
0x251: {  	v13 =	vld [tilespmem:s30+$0x45F0]  }
0x252: {  	v18 =	vld [tilespmem:s24+$0x41C0];
	v5 =	vadd.f32 v8, v5;
	v8 =	vmul.f32 v15, v14  }
0x253: {  	v14 =	vld [tilespmem:s24+$0x1B0]  }
0x254: {  	s0 =	sor.u32 $0xB, s29;
	v15 =	vld [tilespmem:s24+$0x180];
	v5 =	vadd.f32 v8, v5;
	v8 =	vmul.f32 v17, v16  }
0x255: {  	v17 =	vadd.s32 s0, v1;
	v16 =	vld [tilespmem:s24+$0x4180]  }
0x256: {  	v19 =	vld [tilespmem:s24+$0x190];
	v5 =	vadd.f32 v8, v5;
	v8 =	vmul.f32 v13, v12  }
0x257: {  	v12 =	vld [tilespmem:s24+$0x4190]  }
0x258: {  	v13 =	vld [tilespmem:s24+$0x1A0];
	v5 =	vadd.f32 v8, v5  }
0x259: {  	v8 =	vld [tilespmem:s24+$0x41A0]  }
0x25a: {  	v20 =	vld [tilespmem:s24+$0x41B0];
	[tilespmem:v17+s17+$0x0] =	vst.idx.msk $0xffff, v5  }
0x25b: {  	v5 =	vld [tilespmem:s30+$0x600]  }
0x25c: {  	v15 =	vmul.f32 v16, v15;
	v12 =	vmul.f32 v12, v19;
	v16 =	vld [tilespmem:s30+$0x4600]  }
0x25d: {  	v17 =	vld [tilespmem:s30+$0x610]  }
0x25e: {  	v12 =	vadd.f32 v12, v15;
	v8 =	vmul.f32 v8, v13;
	v13 =	vld [tilespmem:s30+$0x4610]  }
0x25f: {  	v15 =	vld [tilespmem:s30+$0x620]  }
0x260: {  	v8 =	vadd.f32 v8, v12;
	v12 =	vmul.f32 v20, v14;
	v14 =	vld [tilespmem:s30+$0x4620]  }
0x261: {  	v19 =	vld [tilespmem:s30+$0x630]  }
0x262: {  	v11 =	vmul.f32 v18, v11;
	v8 =	vadd.f32 v12, v8;
	v12 =	vld [tilespmem:s30+$0x4630]  }
0x263: {  	v5 =	vmul.f32 v16, v5;
	v13 =	vmul.f32 v13, v17;
	v16 =	vld [tilespmem:s30+$0x640]  }
0x264: {  	v6 =	vmul.f32 v6, v10;
	v8 =	vadd.f32 v11, v8;
	v10 =	vld [tilespmem:s30+$0x4640]  }
0x265: {  	v5 =	vadd.f32 v13, v5;
	v11 =	vmul.f32 v14, v15;
	v13 =	vld [tilespmem:s30+$0x650]  }
0x266: {  	v7 =	vmul.f32 v7, v9;
	s0 =	sor.u32 $0x3, s28;
	v6 =	vadd.f32 v6, v8;
	v8 =	vld [tilespmem:s30+$0x4650]  }
0x267: {  	v9 =	vadd.s32 s0, v1;
	v5 =	vadd.f32 v11, v5;
	v11 =	vmul.f32 v12, v19;
	v12 =	vld [tilespmem:s30+$0x660]  }
0x268: {  	v3 =	vmul.f32 v4, v3;
	v6 =	vadd.f32 v7, v6;
	v4 =	vld [tilespmem:s30+$0x4660]  }
0x269: {  	v5 =	vadd.f32 v11, v5;
	v7 =	vmul.f32 v10, v16;
	v10 =	vld [tilespmem:s30+$0x670]  }
0x26a: {  	v3 =	vadd.f32 v3, v6;
	v11 =	vld [tilespmem:s30+$0x4670]  }
0x26b: {  	v6 =	vadd.f32 v7, v5;
	v7 =	vmul.f32 v8, v13  }
0x26c: {  	[tilespmem:v9+s17+$0x0] =	vst.idx.msk $0xffff, v3  }
0x26d: {  	s0 =	sor.u32 $0xC, s29;
	v5 =	vld [tilespmem:s24+$0x270];
	v7 =	vadd.f32 v7, v6;
	v4 =	vmul.f32 v4, v12  }
0x26e: {  	v12 =	vadd.s32 s0, v1;
	v6 =	vld [tilespmem:s24+$0x4270]  }
0x26f: {  	v3 =	vld [tilespmem:s24+$0x260];
	v8 =	vadd.f32 v4, v7;
	v9 =	vmul.f32 v11, v10  }
0x270: {  	v4 =	vld [tilespmem:s24+$0x4260]  }
0x271: {  	v7 =	vld [tilespmem:s24+$0x250];
	v10 =	vadd.f32 v9, v8  }
0x272: {  	v8 =	vld [tilespmem:s24+$0x4250]  }
0x273: {  	v9 =	vld [tilespmem:s24+$0x240];
	[tilespmem:v12+s17+$0x0] =	vst.idx.msk $0xffff, v10  }
0x274: {  	v10 =	vld [tilespmem:s30+$0x680]  }
0x275: {  	v11 =	vld [tilespmem:s30+$0x4680]  }
0x276: {  	v12 =	vld [tilespmem:s30+$0x690]  }
0x277: {  	v13 =	vld [tilespmem:s30+$0x4690]  }
0x278: {  	v14 =	vld [tilespmem:s30+$0x6A0]  }
0x279: {  	v15 =	vld [tilespmem:s30+$0x46A0]  }
0x27a: {  	v16 =	vld [tilespmem:s30+$0x6B0]  }
0x27b: {  	v17 =	vld [tilespmem:s30+$0x46B0]  }
0x27c: {  	v10 =	vmul.f32 v11, v10;
	v11 =	vmul.f32 v13, v12;
	v12 =	vld [tilespmem:s30+$0x6C0]  }
0x27d: {  	v18 =	vld [tilespmem:s30+$0x46C0]  }
0x27e: {  	v10 =	vadd.f32 v11, v10;
	v11 =	vmul.f32 v15, v14;
	v19 =	vld [tilespmem:s30+$0x6D0]  }
0x27f: {  	v20 =	vld [tilespmem:s30+$0x46D0]  }
0x280: {  	v10 =	vadd.f32 v11, v10;
	v11 =	vmul.f32 v17, v16;
	v13 =	vld [tilespmem:s30+$0x6E0]  }
.Ltmp2:
0x281: {  	v15 =	vld [tilespmem:s30+$0x46E0];
	(pc) =	sbr.rel @p0 .LBB2_3-.Ltmp2, $4  }
0x282: {  	v11 =	vadd.f32 v11, v10;
	v16 =	vmul.f32 v18, v12;
	v12 =	vld [tilespmem:s30+$0x6F0]  }
0x283: {  	v14 =	vld [tilespmem:s30+$0x46F0]  }
0x284: {  	v10 =	vld [tilespmem:s24+$0x4240];
	v16 =	vadd.f32 v16, v11;
	v17 =	vmul.f32 v20, v19  }
0x285: {  	s31 =	sadd.s32 $0x1, s31;
	v11 =	vld [tilespmem:s24+$0x230]  }
0x286: {  	v18 =	vld [tilespmem:s24+$0x4230];
	v16 =	vadd.f32 v17, v16;
	v13 =	vmul.f32 v15, v13;
	s0 =	sor.u32 $0xD, s29  }
0x287: {  	v15 =	vld [tilespmem:s24+$0x220];
	v17 =	vadd.s32 s0, v1  }
0x288: {  	v19 =	vld [tilespmem:s24+$0x4220];
	v13 =	vadd.f32 v13, v16;
	v12 =	vmul.f32 v14, v12  }
0x289: {  	v20 =	vld [tilespmem:s24+$0x4210]  }
0x28a: {  	v14 =	vld [tilespmem:s24+$0x200];
	v12 =	vadd.f32 v12, v13  }
0x28b: {  	v16 =	vld [tilespmem:s24+$0x4200]  }
0x28c: {  	v13 =	vld [tilespmem:s24+$0x210];
	[tilespmem:v17+s17+$0x0] =	vst.idx.msk $0xffff, v12  }
0x28d: {  	v12 =	vld [tilespmem:s30+$0x700]  }
0x28e: {  	v17 =	vld [tilespmem:s30+$0x4700]  }
0x28f: {  	v21 =	vld [tilespmem:s30+$0x710]  }
0x290: {  	v22 =	vld [tilespmem:s30+$0x4710]  }
0x291: {  	v23 =	vld [tilespmem:s30+$0x720];
	v14 =	vmul.f32 v16, v14;
	v13 =	vmul.f32 v20, v13  }
0x292: {  	v16 =	vld [tilespmem:s30+$0x4720]  }
0x293: {  	v55 =	vld [tilespmem:s30+$0x730];
	v13 =	vadd.f32 v13, v14;
	v14 =	vmul.f32 v19, v15  }
0x294: {  	v11 =	vmul.f32 v18, v11;
	v15 =	vld [tilespmem:s30+$0x4730]  }
0x295: {  	v19 =	vld [tilespmem:s30+$0x740];
	v12 =	vmul.f32 v17, v12;
	v17 =	vmul.f32 v22, v21;
	v13 =	vadd.f32 v14, v13  }
0x296: {  	v9 =	vmul.f32 v10, v9;
	v14 =	vld [tilespmem:s30+$0x4740]  }
0x297: {  	v10 =	vld [tilespmem:s30+$0x4750];
	v16 =	vmul.f32 v16, v23;
	v12 =	vadd.f32 v17, v12;
	v11 =	vadd.f32 v11, v13  }
0x298: {  	v7 =	vmul.f32 v8, v7;
	v17 =	vld [tilespmem:s30+$0x750]  }
0x299: {  	v8 =	vld [tilespmem:s30+$0x4760];
	v12 =	vadd.f32 v16, v12;
	v13 =	vmul.f32 v15, v55;
	v9 =	vadd.f32 v9, v11  }
0x29a: {  	v3 =	vmul.f32 v4, v3;
	v15 =	vld [tilespmem:s30+$0x760]  }
0x29b: {  	s12 =	sor.u32 $0x4, s28;
	v4 =	vld [tilespmem:s30+$0x4770];
	v11 =	vadd.f32 v13, v12;
	v12 =	vmul.f32 v14, v19;
	v7 =	vadd.f32 v7, v9  }
0x29c: {  	v5 =	vmul.f32 v6, v5;
	v13 =	vld [tilespmem:s30+$0x770];
	v9 =	vadd.s32 s12, v1  }
0x29d: {  	v10 =	vmul.f32 v10, v17;
	v11 =	vadd.f32 v12, v11;
	v3 =	vadd.f32 v3, v7;
	_ =	sdelay $0x1  }
0x29e: {  	v7 =	vmul.f32 v8, v15;
	v6 =	vadd.f32 v10, v11;
	v3 =	vadd.f32 v5, v3;
	_ =	sdelay $0x1  }
0x29f: {  	s12 =	sor.u32 $0xE, s29;
	v4 =	vmul.f32 v4, v13;
	v6 =	vadd.f32 v7, v6;
	[tilespmem:v9+s17+$0x0] =	vst.idx.msk $0xffff, v3  }
0x2a0: {  	v5 =	vadd.s32 s12, v1;
	v3 =	vld [tilespmem:s24+$0x2D0]  }
0x2a1: {  	v4 =	vadd.f32 v4, v6;
	v6 =	vld [tilespmem:s24+$0x42D0]  }
0x2a2: {  	v7 =	vld [tilespmem:s24+$0x2C0]  }
0x2a3: {  	v14 =	vld [tilespmem:s24+$0x42C0]  }
0x2a4: {  	v15 =	vld [tilespmem:s24+$0x42A0]  }
0x2a5: {  	v17 =	vld [tilespmem:s24+$0x4280];
	[tilespmem:v5+s17+$0x0] =	vst.idx.msk $0xffff, v4  }
0x2a6: {  	v4 =	vld [tilespmem:s30+$0x780]  }
0x2a7: {  	v5 =	vld [tilespmem:s30+$0x4780]  }
0x2a8: {  	v8 =	vld [tilespmem:s30+$0x790]  }
0x2a9: {  	v9 =	vld [tilespmem:s30+$0x4790]  }
0x2aa: {  	v10 =	vld [tilespmem:s30+$0x7A0]  }
0x2ab: {  	v11 =	vld [tilespmem:s30+$0x47A0]  }
0x2ac: {  	v12 =	vld [tilespmem:s30+$0x7B0]  }
0x2ad: {  	v13 =	vld [tilespmem:s30+$0x47B0]  }
0x2ae: {  	v4 =	vmul.f32 v5, v4;
	v5 =	vmul.f32 v9, v8;
	v8 =	vld [tilespmem:s30+$0x7C0]  }
0x2af: {  	v9 =	vld [tilespmem:s30+$0x47C0]  }
0x2b0: {  	v4 =	vadd.f32 v5, v4;
	v5 =	vmul.f32 v11, v10;
	v10 =	vld [tilespmem:s30+$0x7D0]  }
0x2b1: {  	v11 =	vld [tilespmem:s30+$0x47D0]  }
0x2b2: {  	v4 =	vadd.f32 v5, v4;
	v5 =	vmul.f32 v13, v12;
	v12 =	vld [tilespmem:s30+$0x7E0]  }
0x2b3: {  	v13 =	vld [tilespmem:s30+$0x47E0]  }
0x2b4: {  	v4 =	vadd.f32 v5, v4;
	v5 =	vmul.f32 v9, v8;
	v8 =	vld [tilespmem:s30+$0x7F0]  }
0x2b5: {  	v9 =	vld [tilespmem:s30+$0x47F0]  }
0x2b6: {  	v18 =	vld [tilespmem:s24+$0x290];
	v4 =	vadd.f32 v5, v4;
	v5 =	vmul.f32 v11, v10  }
0x2b7: {  	v56 =	vld [tilespmem:s24+$0x4290]  }
0x2b8: {  	s12 =	sor.u32 $0xF, s29;
	v10 =	vld [tilespmem:s24+$0x2B0];
	v4 =	vadd.f32 v5, v4;
	v5 =	vmul.f32 v13, v12  }
0x2b9: {  	v11 =	vld [tilespmem:s24+$0x42B0];
	v13 =	vadd.s32 s12, v1  }
0x2ba: {  	v63 =	vld [tilespmem:s24+$0x42E0];
	s12 =	sadd.s32 $0x11, s29;
	v4 =	vadd.f32 v5, v4;
	v5 =	vmul.f32 v9, v8;
	v8 =	vor.u32 s29, v0  }
0x2bb: {  	v16 =	vadd.s32 s12, v0;
	s12 =	sadd.s32 $0x22, s29;
	v9 =	vld [tilespmem:s24+$0x280]  }
0x2bc: {  	v7 =	vmul.f32 v14, v7;
	v14 =	vld [tilespmem:s24+$0x42F0];
	v4 =	vadd.f32 v5, v4;
	v5 =	vadd.s32 s12, v0;
	s12 =	sadd.s32 $0x33, s29  }
0x2bd: {  	v12 =	vld [tilespmem:s24+$0x2A0];
	v19 =	vadd.s32 s12, v0;
	s12 =	sadd.s32 $0x44, s29  }
0x2be: {  	v10 =	vmul.f32 v11, v10;
	v11 =	vld [tilespmem:s24+$0x2E0];
	[tilespmem:v13+s17+$0x0] =	vst.idx.msk $0xffff, v4;
	v4 =	vadd.s32 s12, v0;
	s12 =	sadd.s32 $0x55, s29  }
0x2bf: {  	v8 =	vld.idx.msk [tilespmem:v8+s17+$0x0], $0xffff;
	v13 =	vadd.s32 s12, v0;
	s12 =	sadd.s32 $0x66, s29  }
0x2c0: {  	v16 =	vld.idx.msk [tilespmem:v16+s17+$0x0], $0xffff;
	v9 =	vmul.f32 v17, v9;
	v17 =	vmul.f32 v56, v18;
	v57 =	vadd.s32 s12, v0  }
0x2c1: {  	s12 =	sadd.s32 $0x77, s29;
	v5 =	vld.idx.msk [tilespmem:v5+s17+$0x0], $0xffff  }
0x2c2: {  	v12 =	vmul.f32 v15, v12;
	v58 =	vadd.s32 s12, v0;
	s12 =	sadd.s32 $0x88, s29;
	v9 =	vadd.f32 v17, v9;
	v19 =	vld.idx.msk [tilespmem:v19+s17+$0x0], $0xffff  }
0x2c3: {  	v59 =	vadd.s32 s12, v0;
	s12 =	sadd.s32 $0x99, s29;
	v4 =	vld.idx.msk [tilespmem:v4+s17+$0x0], $0xffff  }
0x2c4: {  	v24 =	vadd.s32 s12, v0;
	s12 =	sadd.s32 $0xAA, s29;
	v9 =	vadd.f32 v12, v9;
	v13 =	vld.idx.msk [tilespmem:v13+s17+$0x0], $0xffff  }
0x2c5: {  	v25 =	vadd.s32 s12, v0;
	s12 =	sadd.s32 $0xBB, s29;
	v21 =	vld.idx.msk [tilespmem:v57+s17+$0x0], $0xffff  }
0x2c6: {  	v26 =	vadd.s32 s12, v0;
	s12 =	sadd.s32 $0xCC, s29;
	v9 =	vadd.f32 v10, v9;
	v10 =	vld [tilespmem:s24+$0x2F0]  }
0x2c7: {  	v22 =	vld.idx.msk [tilespmem:v58+s17+$0x0], $0xffff;
	v27 =	vadd.s32 s12, v0;
	s12 =	sadd.s32 $0xDD, s29  }
0x2c8: {  	v23 =	vld.idx.msk [tilespmem:v59+s17+$0x0], $0xffff;
	v17 =	vadd.s32 s12, v0;
	s12 =	sadd.s32 $0xEE, s29  }
0x2c9: {  	v18 =	vld.idx.msk [tilespmem:v24+s17+$0x0], $0xffff;
	v62 =	vadd.s32 s12, v0;
	s12 =	sadd.s32 $0xFF, s29  }
0x2ca: {  	v60 =	vld.idx.msk [tilespmem:v25+s17+$0x0], $0xffff;
	v12 =	vadd.s32 s12, v0  }
0x2cb: {  	v15 =	vld.idx.msk [tilespmem:v26+s17+$0x0], $0xffff  }
0x2cc: {  	v3 =	vmul.f32 v6, v3;
	v7 =	vadd.f32 v7, v9;
	v61 =	vld.idx.msk [tilespmem:v27+s17+$0x0], $0xffff  }
0x2cd: {  	v17 =	vld.idx.msk [tilespmem:v17+s17+$0x0], $0xffff  }
0x2ce: {  	v3 =	vadd.f32 v3, v7;
	v7 =	vmul.f32 v63, v11;
	v6 =	vld.idx.msk [tilespmem:v62+s17+$0x0], $0xffff  }
0x2cf: {  	v8 =	vadd.f32 v16, v8;
	s12 =	sor.u32 $0x5, s28;
	v9 =	vld.idx.msk [tilespmem:v12+s17+$0x0], $0xffff  }
0x2d0: {  	v11 =	vadd.s32 s12, v1;
	v3 =	vadd.f32 v7, v3;
	v7 =	vmul.f32 v14, v10  }
0x2d1: {  	v5 =	vadd.f32 v19, v5;
	v4 =	vadd.f32 v13, v4  }
0x2d2: {  	v10 =	vadd.f32 v22, v21;
	v3 =	vadd.f32 v7, v3  }
0x2d3: {  	v12 =	vadd.f32 v18, v23;
	v13 =	vadd.f32 v15, v60  }
0x2d4: {  	v7 =	vadd.f32 v17, v61;
	v6 =	vadd.f32 v9, v6  }
0x2d5: {  	v5 =	vadd.f32 v5, v8;
	v4 =	vadd.f32 v10, v4;
	[tilespmem:v11+s17+$0x0] =	vst.idx.msk $0xffff, v3  }
0x2d6: {  	v8 =	vld [tilespmem:s24+$0x4300];
	v3 =	vadd.f32 v13, v12;
	v6 =	vadd.f32 v6, v7  }
0x2d7: {  	v4 =	vadd.f32 v4, v5;
	v5 =	vld [tilespmem:s24+$0x310]  }
0x2d8: {  	v7 =	vld [tilespmem:s24+$0x300];
	v3 =	vadd.f32 v6, v3  }
0x2d9: {  	v6 =	vld [tilespmem:s24+$0x4310]  }
0x2da: {  	s1 =	sshll.u32 s1, $0x4;
	v9 =	vld [tilespmem:s24+$0x4320];
	v3 =	vadd.f32 v3, v4  }
0x2db: {  	s0 =	sand.u32 $0x3FFFFFF0, s1;
	v4 =	vld [tilespmem:s24+$0x320]  }
0x2dc: {  	[tilespmem:v2+s0+$0x0 ss:$0x1] =	vst.idx.msk $0xffff, v3;
	v3 =	vld [tilespmem:s24+$0x330]  }
0x2dd: {  	v10 =	vld [tilespmem:s24+$0x4330]  }
0x2de: {  	v7 =	vmul.f32 v8, v7;
	v5 =	vmul.f32 v6, v5;
	v6 =	vld [tilespmem:s24+$0x340]  }
0x2df: {  	v8 =	vld [tilespmem:s24+$0x4340]  }
0x2e0: {  	v5 =	vadd.f32 v5, v7;
	v4 =	vmul.f32 v9, v4;
	v7 =	vld [tilespmem:s24+$0x350]  }
0x2e1: {  	v9 =	vld [tilespmem:s24+$0x4350]  }
0x2e2: {  	v4 =	vadd.f32 v4, v5;
	v5 =	vld [tilespmem:s24+$0x360];
	v3 =	vmul.f32 v10, v3  }
0x2e3: {  	v10 =	vld [tilespmem:s24+$0x4360]  }
0x2e4: {  	v3 =	vadd.f32 v3, v4;
	v4 =	vmul.f32 v8, v6;
	v6 =	vld [tilespmem:s24+$0x370]  }
0x2e5: {  	v8 =	vld [tilespmem:s24+$0x4370]  }
0x2e6: {  	v3 =	vadd.f32 v4, v3;
	v4 =	vmul.f32 v9, v7;
	_ =	sdelay $0x1  }
0x2e7: {  	s12 =	sor.u32 $0x6, s28;
	v3 =	vadd.f32 v4, v3;
	v4 =	vmul.f32 v10, v5  }
0x2e8: {  	v5 =	vadd.s32 s12, v1  }
0x2e9: {  	v3 =	vadd.f32 v4, v3;
	v4 =	vmul.f32 v8, v6;
	_ =	sdelay $0x1  }
0x2ea: {  	v3 =	vadd.f32 v4, v3;
	_ =	sdelay $0x1  }
0x2eb: {  	[tilespmem:v5+s17+$0x0] =	vst.idx.msk $0xffff, v3  }
0x2ec: {  	v3 =	vld [tilespmem:s24+$0x380]  }
0x2ed: {  	v4 =	vld [tilespmem:s24+$0x4380]  }
0x2ee: {  	v5 =	vld [tilespmem:s24+$0x390]  }
0x2ef: {  	v6 =	vld [tilespmem:s24+$0x4390]  }
0x2f0: {  	v7 =	vld [tilespmem:s24+$0x3A0]  }
0x2f1: {  	v8 =	vld [tilespmem:s24+$0x43A0]  }
0x2f2: {  	v9 =	vld [tilespmem:s24+$0x3B0]  }
0x2f3: {  	v10 =	vld [tilespmem:s24+$0x43B0]  }
0x2f4: {  	v3 =	vmul.f32 v4, v3;
	v4 =	vmul.f32 v6, v5;
	v5 =	vld [tilespmem:s24+$0x3C0]  }
0x2f5: {  	v6 =	vld [tilespmem:s24+$0x43C0]  }
0x2f6: {  	v3 =	vadd.f32 v4, v3;
	v4 =	vmul.f32 v8, v7;
	v7 =	vld [tilespmem:s24+$0x3D0]  }
0x2f7: {  	v8 =	vld [tilespmem:s24+$0x43D0]  }
0x2f8: {  	v3 =	vadd.f32 v4, v3;
	v4 =	vmul.f32 v10, v9;
	v9 =	vld [tilespmem:s24+$0x3E0]  }
0x2f9: {  	v10 =	vld [tilespmem:s24+$0x43E0]  }
0x2fa: {  	v3 =	vadd.f32 v4, v3;
	v4 =	vmul.f32 v6, v5;
	v5 =	vld [tilespmem:s24+$0x3F0]  }
0x2fb: {  	v6 =	vld [tilespmem:s24+$0x43F0]  }
0x2fc: {  	v3 =	vadd.f32 v4, v3;
	v4 =	vmul.f32 v8, v7;
	_ =	sdelay $0x1  }
0x2fd: {  	s1 =	sor.u32 $0x7, s28;
	v3 =	vadd.f32 v4, v3;
	v4 =	vmul.f32 v10, v9  }
0x2fe: {  	v7 =	vadd.s32 s1, v1  }
0x2ff: {  	v3 =	vadd.f32 v4, v3;
	v4 =	vmul.f32 v6, v5;
	_ =	sdelay $0x1  }
0x300: {  	v3 =	vadd.f32 v4, v3;
	_ =	sdelay $0x1  }
0x301: {  	[tilespmem:v7+s17+$0x0] =	vst.idx.msk $0xffff, v3  }
0x302: {  	v3 =	vld [tilespmem:s24+$0x400]  }
0x303: {  	v4 =	vld [tilespmem:s24+$0x4400]  }
0x304: {  	v5 =	vld [tilespmem:s24+$0x410]  }
0x305: {  	v6 =	vld [tilespmem:s24+$0x4410]  }
0x306: {  	v7 =	vld [tilespmem:s24+$0x420]  }
0x307: {  	v8 =	vld [tilespmem:s24+$0x4420]  }
0x308: {  	v9 =	vld [tilespmem:s24+$0x430]  }
0x309: {  	v10 =	vld [tilespmem:s24+$0x4430]  }
0x30a: {  	v3 =	vmul.f32 v4, v3;
	v4 =	vmul.f32 v6, v5;
	v5 =	vld [tilespmem:s24+$0x440]  }
0x30b: {  	v6 =	vld [tilespmem:s24+$0x4440]  }
0x30c: {  	v3 =	vadd.f32 v4, v3;
	v4 =	vmul.f32 v8, v7;
	v7 =	vld [tilespmem:s24+$0x450]  }
0x30d: {  	v8 =	vld [tilespmem:s24+$0x4450]  }
0x30e: {  	v3 =	vadd.f32 v4, v3;
	v4 =	vmul.f32 v10, v9;
	v9 =	vld [tilespmem:s24+$0x460]  }
0x30f: {  	v10 =	vld [tilespmem:s24+$0x4460]  }
0x310: {  	v3 =	vadd.f32 v4, v3;
	v4 =	vmul.f32 v6, v5;
	v5 =	vld [tilespmem:s24+$0x470]  }
0x311: {  	v6 =	vld [tilespmem:s24+$0x4470]  }
0x312: {  	v3 =	vadd.f32 v4, v3;
	v4 =	vmul.f32 v8, v7;
	_ =	sdelay $0x1  }
0x313: {  	s12 =	sor.u32 $0x8, s28;
	v3 =	vadd.f32 v4, v3;
	v4 =	vmul.f32 v10, v9  }
0x314: {  	v7 =	vadd.s32 s12, v1  }
0x315: {  	v3 =	vadd.f32 v4, v3;
	v4 =	vmul.f32 v6, v5;
	_ =	sdelay $0x1  }
0x316: {  	v3 =	vadd.f32 v4, v3;
	_ =	sdelay $0x1  }
0x317: {  	[tilespmem:v7+s17+$0x0] =	vst.idx.msk $0xffff, v3  }
0x318: {  	v3 =	vld [tilespmem:s24+$0x480]  }
0x319: {  	v4 =	vld [tilespmem:s24+$0x4480]  }
0x31a: {  	v5 =	vld [tilespmem:s24+$0x490]  }
0x31b: {  	v6 =	vld [tilespmem:s24+$0x4490]  }
0x31c: {  	v7 =	vld [tilespmem:s24+$0x4A0]  }
0x31d: {  	v8 =	vld [tilespmem:s24+$0x44A0]  }
0x31e: {  	v9 =	vld [tilespmem:s24+$0x4B0]  }
0x31f: {  	v10 =	vld [tilespmem:s24+$0x44B0]  }
0x320: {  	v3 =	vmul.f32 v4, v3;
	v4 =	vmul.f32 v6, v5;
	v5 =	vld [tilespmem:s24+$0x4C0]  }
0x321: {  	v6 =	vld [tilespmem:s24+$0x44C0]  }
0x322: {  	v3 =	vadd.f32 v4, v3;
	v4 =	vmul.f32 v8, v7;
	v7 =	vld [tilespmem:s24+$0x4D0]  }
0x323: {  	v8 =	vld [tilespmem:s24+$0x44D0]  }
0x324: {  	v3 =	vadd.f32 v4, v3;
	v4 =	vmul.f32 v10, v9;
	v9 =	vld [tilespmem:s24+$0x4E0]  }
0x325: {  	v10 =	vld [tilespmem:s24+$0x44E0]  }
0x326: {  	v3 =	vadd.f32 v4, v3;
	v4 =	vmul.f32 v6, v5;
	v5 =	vld [tilespmem:s24+$0x4F0]  }
0x327: {  	v6 =	vld [tilespmem:s24+$0x44F0]  }
0x328: {  	v3 =	vadd.f32 v4, v3;
	v4 =	vmul.f32 v8, v7;
	_ =	sdelay $0x1  }
0x329: {  	s1 =	sor.u32 $0x9, s28;
	v3 =	vadd.f32 v4, v3;
	v4 =	vmul.f32 v10, v9  }
0x32a: {  	v7 =	vadd.s32 s1, v1  }
0x32b: {  	v3 =	vadd.f32 v4, v3;
	v4 =	vmul.f32 v6, v5;
	_ =	sdelay $0x1  }
0x32c: {  	v3 =	vadd.f32 v4, v3;
	_ =	sdelay $0x1  }
0x32d: {  	[tilespmem:v7+s17+$0x0] =	vst.idx.msk $0xffff, v3  }
0x32e: {  	v3 =	vld [tilespmem:s24+$0x500]  }
0x32f: {  	v4 =	vld [tilespmem:s24+$0x4500]  }
0x330: {  	v5 =	vld [tilespmem:s24+$0x510]  }
0x331: {  	v6 =	vld [tilespmem:s24+$0x4510]  }
0x332: {  	v7 =	vld [tilespmem:s24+$0x520]  }
0x333: {  	v8 =	vld [tilespmem:s24+$0x4520]  }
0x334: {  	v9 =	vld [tilespmem:s24+$0x530]  }
0x335: {  	v10 =	vld [tilespmem:s24+$0x4530]  }
0x336: {  	v3 =	vmul.f32 v4, v3;
	v4 =	vmul.f32 v6, v5;
	v5 =	vld [tilespmem:s24+$0x540]  }
0x337: {  	v6 =	vld [tilespmem:s24+$0x4540]  }
0x338: {  	v3 =	vadd.f32 v4, v3;
	v4 =	vmul.f32 v8, v7;
	v7 =	vld [tilespmem:s24+$0x550]  }
0x339: {  	v8 =	vld [tilespmem:s24+$0x4550]  }
0x33a: {  	v3 =	vadd.f32 v4, v3;
	v4 =	vmul.f32 v10, v9;
	v9 =	vld [tilespmem:s24+$0x560]  }
0x33b: {  	v10 =	vld [tilespmem:s24+$0x4560]  }
0x33c: {  	v3 =	vadd.f32 v4, v3;
	v4 =	vmul.f32 v6, v5;
	v5 =	vld [tilespmem:s24+$0x570]  }
0x33d: {  	v6 =	vld [tilespmem:s24+$0x4570]  }
0x33e: {  	v3 =	vadd.f32 v4, v3;
	v4 =	vmul.f32 v8, v7;
	_ =	sdelay $0x1  }
0x33f: {  	s12 =	sor.u32 $0xA, s28;
	v3 =	vadd.f32 v4, v3;
	v4 =	vmul.f32 v10, v9  }
0x340: {  	v7 =	vadd.s32 s12, v1  }
0x341: {  	v3 =	vadd.f32 v4, v3;
	v4 =	vmul.f32 v6, v5;
	_ =	sdelay $0x1  }
0x342: {  	v3 =	vadd.f32 v4, v3;
	_ =	sdelay $0x1  }
0x343: {  	[tilespmem:v7+s17+$0x0] =	vst.idx.msk $0xffff, v3  }
0x344: {  	v3 =	vld [tilespmem:s24+$0x580]  }
0x345: {  	v4 =	vld [tilespmem:s24+$0x4580]  }
0x346: {  	v5 =	vld [tilespmem:s24+$0x590]  }
0x347: {  	v6 =	vld [tilespmem:s24+$0x4590]  }
0x348: {  	v7 =	vld [tilespmem:s24+$0x5A0]  }
0x349: {  	v8 =	vld [tilespmem:s24+$0x45A0]  }
0x34a: {  	v9 =	vld [tilespmem:s24+$0x5B0]  }
0x34b: {  	v10 =	vld [tilespmem:s24+$0x45B0]  }
0x34c: {  	v3 =	vmul.f32 v4, v3;
	v4 =	vmul.f32 v6, v5;
	v5 =	vld [tilespmem:s24+$0x5C0]  }
0x34d: {  	v6 =	vld [tilespmem:s24+$0x45C0]  }
0x34e: {  	v3 =	vadd.f32 v4, v3;
	v4 =	vmul.f32 v8, v7;
	v7 =	vld [tilespmem:s24+$0x5D0]  }
0x34f: {  	v8 =	vld [tilespmem:s24+$0x45D0]  }
0x350: {  	v3 =	vadd.f32 v4, v3;
	v4 =	vmul.f32 v10, v9;
	v9 =	vld [tilespmem:s24+$0x5E0]  }
0x351: {  	v10 =	vld [tilespmem:s24+$0x45E0]  }
0x352: {  	v3 =	vadd.f32 v4, v3;
	v4 =	vmul.f32 v6, v5;
	v5 =	vld [tilespmem:s24+$0x5F0]  }
0x353: {  	v6 =	vld [tilespmem:s24+$0x45F0]  }
0x354: {  	v3 =	vadd.f32 v4, v3;
	v4 =	vmul.f32 v8, v7;
	_ =	sdelay $0x1  }
0x355: {  	s1 =	sor.u32 $0xB, s28;
	v3 =	vadd.f32 v4, v3;
	v4 =	vmul.f32 v10, v9  }
0x356: {  	v7 =	vadd.s32 s1, v1  }
0x357: {  	v3 =	vadd.f32 v4, v3;
	v4 =	vmul.f32 v6, v5;
	_ =	sdelay $0x1  }
0x358: {  	v3 =	vadd.f32 v4, v3;
	_ =	sdelay $0x1  }
0x359: {  	[tilespmem:v7+s17+$0x0] =	vst.idx.msk $0xffff, v3  }
0x35a: {  	v3 =	vld [tilespmem:s24+$0x600]  }
0x35b: {  	v4 =	vld [tilespmem:s24+$0x4600]  }
0x35c: {  	v5 =	vld [tilespmem:s24+$0x610]  }
0x35d: {  	v6 =	vld [tilespmem:s24+$0x4610]  }
0x35e: {  	v7 =	vld [tilespmem:s24+$0x620]  }
0x35f: {  	v8 =	vld [tilespmem:s24+$0x4620]  }
0x360: {  	v9 =	vld [tilespmem:s24+$0x630]  }
0x361: {  	v10 =	vld [tilespmem:s24+$0x4630]  }
0x362: {  	v3 =	vmul.f32 v4, v3;
	v4 =	vmul.f32 v6, v5;
	v5 =	vld [tilespmem:s24+$0x640]  }
0x363: {  	v6 =	vld [tilespmem:s24+$0x4640]  }
0x364: {  	v3 =	vadd.f32 v4, v3;
	v4 =	vmul.f32 v8, v7;
	v7 =	vld [tilespmem:s24+$0x650]  }
0x365: {  	v8 =	vld [tilespmem:s24+$0x4650]  }
0x366: {  	v3 =	vadd.f32 v4, v3;
	v4 =	vmul.f32 v10, v9;
	v9 =	vld [tilespmem:s24+$0x660]  }
0x367: {  	v10 =	vld [tilespmem:s24+$0x4660]  }
0x368: {  	v3 =	vadd.f32 v4, v3;
	v4 =	vmul.f32 v6, v5;
	v5 =	vld [tilespmem:s24+$0x670]  }
0x369: {  	v6 =	vld [tilespmem:s24+$0x4670]  }
0x36a: {  	v3 =	vadd.f32 v4, v3;
	v4 =	vmul.f32 v8, v7;
	_ =	sdelay $0x1  }
0x36b: {  	s12 =	sor.u32 $0xC, s28;
	v3 =	vadd.f32 v4, v3;
	v4 =	vmul.f32 v10, v9  }
0x36c: {  	v7 =	vadd.s32 s12, v1  }
0x36d: {  	v3 =	vadd.f32 v4, v3;
	v4 =	vmul.f32 v6, v5;
	_ =	sdelay $0x1  }
0x36e: {  	v3 =	vadd.f32 v4, v3;
	_ =	sdelay $0x1  }
0x36f: {  	[tilespmem:v7+s17+$0x0] =	vst.idx.msk $0xffff, v3  }
0x370: {  	v3 =	vld [tilespmem:s24+$0x680]  }
0x371: {  	v4 =	vld [tilespmem:s24+$0x4680]  }
0x372: {  	v5 =	vld [tilespmem:s24+$0x690]  }
0x373: {  	v6 =	vld [tilespmem:s24+$0x4690]  }
0x374: {  	v7 =	vld [tilespmem:s24+$0x6A0]  }
0x375: {  	v8 =	vld [tilespmem:s24+$0x46A0]  }
0x376: {  	v9 =	vld [tilespmem:s24+$0x6B0]  }
0x377: {  	v10 =	vld [tilespmem:s24+$0x46B0]  }
0x378: {  	v3 =	vmul.f32 v4, v3;
	v4 =	vmul.f32 v6, v5;
	v5 =	vld [tilespmem:s24+$0x6C0]  }
0x379: {  	v6 =	vld [tilespmem:s24+$0x46C0]  }
0x37a: {  	v3 =	vadd.f32 v4, v3;
	v4 =	vmul.f32 v8, v7;
	v7 =	vld [tilespmem:s24+$0x6D0]  }
0x37b: {  	v8 =	vld [tilespmem:s24+$0x46D0]  }
0x37c: {  	v3 =	vadd.f32 v4, v3;
	v4 =	vmul.f32 v10, v9;
	v9 =	vld [tilespmem:s24+$0x6E0]  }
0x37d: {  	v10 =	vld [tilespmem:s24+$0x46E0]  }
0x37e: {  	v3 =	vadd.f32 v4, v3;
	v4 =	vmul.f32 v6, v5;
	v5 =	vld [tilespmem:s24+$0x6F0]  }
0x37f: {  	v6 =	vld [tilespmem:s24+$0x46F0]  }
0x380: {  	v3 =	vadd.f32 v4, v3;
	v4 =	vmul.f32 v8, v7;
	_ =	sdelay $0x1  }
0x381: {  	s1 =	sor.u32 $0xD, s28;
	v3 =	vadd.f32 v4, v3;
	v4 =	vmul.f32 v10, v9  }
0x382: {  	v7 =	vadd.s32 s1, v1  }
0x383: {  	v3 =	vadd.f32 v4, v3;
	v4 =	vmul.f32 v6, v5;
	_ =	sdelay $0x1  }
0x384: {  	v3 =	vadd.f32 v4, v3;
	_ =	sdelay $0x1  }
0x385: {  	[tilespmem:v7+s17+$0x0] =	vst.idx.msk $0xffff, v3  }
0x386: {  	v3 =	vld [tilespmem:s24+$0x700]  }
0x387: {  	v4 =	vld [tilespmem:s24+$0x4700]  }
0x388: {  	v5 =	vld [tilespmem:s24+$0x710]  }
0x389: {  	v6 =	vld [tilespmem:s24+$0x4710]  }
0x38a: {  	v7 =	vld [tilespmem:s24+$0x720]  }
0x38b: {  	v8 =	vld [tilespmem:s24+$0x4720]  }
0x38c: {  	v9 =	vld [tilespmem:s24+$0x730]  }
0x38d: {  	v10 =	vld [tilespmem:s24+$0x4730]  }
0x38e: {  	v3 =	vmul.f32 v4, v3;
	v4 =	vmul.f32 v6, v5;
	v5 =	vld [tilespmem:s24+$0x740]  }
0x38f: {  	v6 =	vld [tilespmem:s24+$0x4740]  }
0x390: {  	v3 =	vadd.f32 v4, v3;
	v4 =	vmul.f32 v8, v7;
	v7 =	vld [tilespmem:s24+$0x750]  }
0x391: {  	v8 =	vld [tilespmem:s24+$0x4750]  }
0x392: {  	v3 =	vadd.f32 v4, v3;
	v4 =	vmul.f32 v10, v9;
	v9 =	vld [tilespmem:s24+$0x760]  }
0x393: {  	v10 =	vld [tilespmem:s24+$0x4760]  }
0x394: {  	v3 =	vadd.f32 v4, v3;
	v4 =	vmul.f32 v6, v5;
	v5 =	vld [tilespmem:s24+$0x770]  }
0x395: {  	v6 =	vld [tilespmem:s24+$0x4770]  }
0x396: {  	v3 =	vadd.f32 v4, v3;
	v4 =	vmul.f32 v8, v7;
	_ =	sdelay $0x1  }
0x397: {  	s12 =	sor.u32 $0xE, s28;
	v3 =	vadd.f32 v4, v3;
	v4 =	vmul.f32 v10, v9  }
0x398: {  	v7 =	vadd.s32 s12, v1  }
0x399: {  	v3 =	vadd.f32 v4, v3;
	v4 =	vmul.f32 v6, v5;
	_ =	sdelay $0x1  }
0x39a: {  	v3 =	vadd.f32 v4, v3;
	_ =	sdelay $0x1  }
0x39b: {  	[tilespmem:v7+s17+$0x0] =	vst.idx.msk $0xffff, v3  }
0x39c: {  	v3 =	vld [tilespmem:s24+$0x780]  }
0x39d: {  	v4 =	vld [tilespmem:s24+$0x4780]  }
0x39e: {  	v5 =	vld [tilespmem:s24+$0x790]  }
0x39f: {  	v6 =	vld [tilespmem:s24+$0x4790]  }
0x3a0: {  	v7 =	vld [tilespmem:s24+$0x7A0]  }
0x3a1: {  	v8 =	vld [tilespmem:s24+$0x47A0]  }
0x3a2: {  	v9 =	vld [tilespmem:s24+$0x7B0]  }
0x3a3: {  	v10 =	vld [tilespmem:s24+$0x47B0]  }
0x3a4: {  	v3 =	vmul.f32 v4, v3;
	v4 =	vmul.f32 v6, v5;
	v5 =	vld [tilespmem:s24+$0x7C0]  }
0x3a5: {  	v6 =	vld [tilespmem:s24+$0x47C0]  }
0x3a6: {  	v3 =	vadd.f32 v4, v3;
	v4 =	vmul.f32 v8, v7;
	v7 =	vld [tilespmem:s24+$0x7D0]  }
0x3a7: {  	v8 =	vld [tilespmem:s24+$0x47D0]  }
0x3a8: {  	v3 =	vadd.f32 v4, v3;
	v4 =	vmul.f32 v10, v9;
	v9 =	vld [tilespmem:s24+$0x7E0]  }
0x3a9: {  	v10 =	vld [tilespmem:s24+$0x47E0]  }
0x3aa: {  	v3 =	vadd.f32 v4, v3;
	v4 =	vmul.f32 v6, v5;
	v5 =	vld [tilespmem:s24+$0x7F0]  }
0x3ab: {  	v6 =	vld [tilespmem:s24+$0x47F0]  }
0x3ac: {  	v3 =	vadd.f32 v4, v3;
	v4 =	vmul.f32 v8, v7;
	_ =	sdelay $0x1  }
0x3ad: {  	s24 =	sor.u32 $0xF, s28;
	v3 =	vadd.f32 v4, v3;
	v4 =	vmul.f32 v10, v9  }
0x3ae: {  	v7 =	vadd.s32 s24, v1  }
0x3af: {  	s1 =	sadd.s32 $0x11, s28;
	v3 =	vadd.f32 v4, v3;
	v4 =	vmul.f32 v6, v5;
	v5 =	vor.u32 s28, v0  }
0x3b0: {  	s24 =	sadd.s32 $0x33, s28;
	v6 =	vadd.s32 s1, v0  }
0x3b1: {  	v8 =	vadd.s32 s24, v0;
	s24 =	sadd.s32 $0x66, s28;
	v3 =	vadd.f32 v4, v3  }
0x3b2: {  	v9 =	vadd.s32 s24, v0;
	s24 =	sadd.s32 $0x99, s28  }
0x3b3: {  	v12 =	vadd.s32 s24, v0;
	s24 =	sadd.s32 $0xCC, s28;
	[tilespmem:v7+s17+$0x0] =	vst.idx.msk $0xffff, v3  }
0x3b4: {  	v15 =	vadd.s32 s24, v0;
	s24 =	sadd.s32 $0xFF, s28;
	v5 =	vld.idx.msk [tilespmem:v5+s17+$0x0], $0xffff  }
0x3b5: {  	s12 =	sadd.s32 $0x22, s28;
	v18 =	vadd.s32 s24, v0;
	v6 =	vld.idx.msk [tilespmem:v6+s17+$0x0], $0xffff  }
0x3b6: {  	s1 =	sadd.s32 $0x44, s28;
	v4 =	vadd.s32 s12, v0;
	v8 =	vld.idx.msk [tilespmem:v8+s17+$0x0], $0xffff  }
0x3b7: {  	s12 =	sadd.s32 $0x55, s28;
	v3 =	vadd.s32 s1, v0;
	v9 =	vld.idx.msk [tilespmem:v9+s17+$0x0], $0xffff  }
0x3b8: {  	v7 =	vadd.s32 s12, v0;
	s1 =	sadd.s32 $0x77, s28;
	v12 =	vld.idx.msk [tilespmem:v12+s17+$0x0], $0xffff  }
0x3b9: {  	s12 =	sadd.s32 $0x88, s28;
	v10 =	vadd.s32 s1, v0;
	v15 =	vld.idx.msk [tilespmem:v15+s17+$0x0], $0xffff  }
0x3ba: {  	v11 =	vadd.s32 s12, v0;
	s1 =	sadd.s32 $0xAA, s28;
	v18 =	vld.idx.msk [tilespmem:v18+s17+$0x0], $0xffff  }
0x3bb: {  	s12 =	sadd.s32 $0xBB, s28;
	v13 =	vadd.s32 s1, v0;
	v4 =	vld.idx.msk [tilespmem:v4+s17+$0x0], $0xffff  }
0x3bc: {  	v14 =	vadd.s32 s12, v0;
	s1 =	sadd.s32 $0xDD, s28;
	v3 =	vld.idx.msk [tilespmem:v3+s17+$0x0], $0xffff  }
0x3bd: {  	s12 =	sadd.s32 $0xEE, s28;
	v16 =	vadd.s32 s1, v0;
	v7 =	vld.idx.msk [tilespmem:v7+s17+$0x0], $0xffff  }
0x3be: {  	v17 =	vadd.s32 s12, v0;
	v10 =	vld.idx.msk [tilespmem:v10+s17+$0x0], $0xffff  }
0x3bf: {  	v11 =	vld.idx.msk [tilespmem:v11+s17+$0x0], $0xffff  }
0x3c0: {  	v13 =	vld.idx.msk [tilespmem:v13+s17+$0x0], $0xffff  }
0x3c1: {  	v14 =	vld.idx.msk [tilespmem:v14+s17+$0x0], $0xffff  }
0x3c2: {  	v16 =	vld.idx.msk [tilespmem:v16+s17+$0x0], $0xffff  }
0x3c3: {  	v17 =	vld.idx.msk [tilespmem:v17+s17+$0x0], $0xffff;
	_ =	sdelay $0x1  }
0x3c4: {  	v5 =	vadd.f32 v6, v5;
	v4 =	vadd.f32 v8, v4  }
0x3c5: {  	v3 =	vadd.f32 v7, v3;
	v6 =	vadd.f32 v10, v9  }
0x3c6: {  	v7 =	vadd.f32 v12, v11;
	v8 =	vadd.f32 v14, v13  }
0x3c7: {  	v9 =	vadd.f32 v16, v15;
	v10 =	vadd.f32 v18, v17  }
0x3c8: {  	v4 =	vadd.f32 v4, v5;
	v3 =	vadd.f32 v6, v3  }
0x3c9: {  	v5 =	vadd.f32 v8, v7;
	v6 =	vadd.f32 v10, v9;
	_ =	sdelay $0x1  }
0x3ca: {  	v3 =	vadd.f32 v3, v4;
	v4 =	vadd.f32 v6, v5  }
0x3cb: {  	p0 =	seq.s32 s23, $0x3;
	s24 =	sshll.u32 s23, $0xE  }
0x3cc: {  	s26 =	sshll.u32 s26, $0x4;
	s1 =	sadd.s32 @!p0 s24, s8;
	v3 =	vadd.f32 v4, v3  }
0x3cd: {  	s0 =	sand.u32 $0x3FFFFFF0, s26;
	s1 =	sshrl.u32 @!p0 s1, $0x3  }
0x3ce: {  	[tilespmem:v2+s0+$0x0 ss:$0x1] =	vst.idx.msk $0xffff, v3;
	s0 =	sadd.s32 @!p0 s2, s1;
	s1 =	simm.s32 @!p0 $0x0  }
0x3cf: {  	[tilespmem:s1], [sflag:$0x1] =	stream.linear.gather @!p0 [hbm4b:s0+s1], $0x2000, $0x38;
	[tilespmem:$0x8680] =	vst v63  }
0x3d0: {  	s12 =	simm.s32 @!p0 $0x4000;
	s0 =	sadd.s32 @!p0 $0x40000, s0  }
0x3d1: {  	[tilespmem:s12], [sflag:$0x3] =	stream.linear.gather @!p0 [hbm4b:s0+s1], $0x2000, $0x38;
	[tilespmem:$0x8680] =	vst v63  }
0x3d2: {  	_ =	swait.ge [sflag:s18], $0x2000  }
0x3d3: {  	[sflag:s18] =	ssyncset.done $0x0  }
0x3d4: {  	[sflag:s18] =	ssyncadd.s32 $0xFFFFE000  }
0x3d5: {  	_ =	swait.ge [sflag:s19], $0x2000  }
0x3d6: {  	[sflag:s19] =	ssyncset.done $0x0  }
0x3d7: {  	s29 =	simm.s32 $0x0;
	[sflag:s19] =	ssyncadd.s32 $0xFFFFE000  }
0x3d8: {  	v2 =	vld [tilespmem:s29+$0x2000]  }
0x3d9: {  	v3 =	vld [tilespmem:s29+$0x6000]  }
0x3da: {  	v4 =	vld [tilespmem:s29+$0x2010]  }
0x3db: {  	v5 =	vld [tilespmem:s29+$0x6010]  }
0x3dc: {  	v6 =	vld [tilespmem:s29+$0x2020]  }
0x3dd: {  	v7 =	vld [tilespmem:s29+$0x6020]  }
0x3de: {  	v8 =	vld [tilespmem:s29+$0x2030]  }
0x3df: {  	v9 =	vld [tilespmem:s29+$0x6030]  }
0x3e0: {  	v10 =	vld [tilespmem:s29+$0x2040];
	v2 =	vmul.f32 v3, v2;
	v3 =	vmul.f32 v5, v4  }
0x3e1: {  	v4 =	vld [tilespmem:s29+$0x6040]  }
0x3e2: {  	v5 =	vld [tilespmem:s29+$0x2050];
	v2 =	vadd.f32 v3, v2;
	v3 =	vmul.f32 v7, v6  }
0x3e3: {  	v6 =	vld [tilespmem:s29+$0x6050]  }
0x3e4: {  	v7 =	vld [tilespmem:s29+$0x2060];
	v2 =	vadd.f32 v3, v2;
	v3 =	vmul.f32 v9, v8  }
0x3e5: {  	v8 =	vld [tilespmem:s29+$0x6060]  }
0x3e6: {  	v9 =	vld [tilespmem:s29+$0x2070];
	v2 =	vadd.f32 v3, v2;
	v3 =	vmul.f32 v4, v10  }
0x3e7: {  	v4 =	vld [tilespmem:s29+$0x6070]  }
0x3e8: {  	s26 =	simm.s32 $0x0;
	v2 =	vadd.f32 v3, v2;
	v3 =	vmul.f32 v6, v5  }
0x3e9: {  	s28 =	smul.u32 $0x110, s26  }
0x3ea: {  	v2 =	vadd.f32 v3, v2;
	v3 =	vmul.f32 v8, v7  }
0x3eb: {  	v5 =	vadd.s32 s28, v1  }
0x3ec: {  	v2 =	vadd.f32 v3, v2;
	v3 =	vmul.f32 v4, v9;
	_ =	sdelay $0x1  }
0x3ed: {  	v2 =	vadd.f32 v3, v2;
	_ =	sdelay $0x1  }
0x3ee: {  	[tilespmem:v5+s17+$0x0] =	vst.idx.msk $0xffff, v2  }
0x3ef: {  	v2 =	vld [tilespmem:s29+$0x2080]  }
0x3f0: {  	v3 =	vld [tilespmem:s29+$0x6080]  }
0x3f1: {  	v4 =	vld [tilespmem:s29+$0x2090]  }
0x3f2: {  	v5 =	vld [tilespmem:s29+$0x6090]  }
0x3f3: {  	v6 =	vld [tilespmem:s29+$0x20A0]  }
0x3f4: {  	v7 =	vld [tilespmem:s29+$0x60A0]  }
0x3f5: {  	v8 =	vld [tilespmem:s29+$0x20B0]  }
0x3f6: {  	v9 =	vld [tilespmem:s29+$0x60B0]  }
0x3f7: {  	v10 =	vld [tilespmem:s29+$0x20C0];
	v2 =	vmul.f32 v3, v2;
	v3 =	vmul.f32 v5, v4  }
0x3f8: {  	v4 =	vld [tilespmem:s29+$0x60C0]  }
0x3f9: {  	v5 =	vld [tilespmem:s29+$0x20D0];
	v2 =	vadd.f32 v3, v2;
	v3 =	vmul.f32 v7, v6  }
0x3fa: {  	v6 =	vld [tilespmem:s29+$0x60D0]  }
0x3fb: {  	v7 =	vld [tilespmem:s29+$0x20E0];
	v2 =	vadd.f32 v3, v2;
	v3 =	vmul.f32 v9, v8  }
0x3fc: {  	v8 =	vld [tilespmem:s29+$0x60E0]  }
0x3fd: {  	v9 =	vld [tilespmem:s29+$0x20F0];
	v2 =	vadd.f32 v3, v2;
	v3 =	vmul.f32 v4, v10  }
0x3fe: {  	v4 =	vld [tilespmem:s29+$0x60F0]  }
0x3ff: {  	v2 =	vadd.f32 v3, v2;
	v3 =	vmul.f32 v6, v5;
	_ =	sdelay $0x1  }
0x400: {  	s1 =	sor.u32 $0x1, s28;
	v2 =	vadd.f32 v3, v2;
	v3 =	vmul.f32 v8, v7  }
0x401: {  	v5 =	vadd.s32 s1, v1  }
0x402: {  	v2 =	vadd.f32 v3, v2;
	v3 =	vmul.f32 v4, v9;
	_ =	sdelay $0x1  }
0x403: {  	v2 =	vadd.f32 v3, v2;
	_ =	sdelay $0x1  }
0x404: {  	[tilespmem:v5+s17+$0x0] =	vst.idx.msk $0xffff, v2  }
0x405: {  	v2 =	vld [tilespmem:s29+$0x2100]  }
0x406: {  	v3 =	vld [tilespmem:s29+$0x6100]  }
0x407: {  	v4 =	vld [tilespmem:s29+$0x2110]  }
0x408: {  	v5 =	vld [tilespmem:s29+$0x6110]  }
0x409: {  	v6 =	vld [tilespmem:s29+$0x2120]  }
0x40a: {  	v7 =	vld [tilespmem:s29+$0x6120]  }
0x40b: {  	v8 =	vld [tilespmem:s29+$0x2130]  }
0x40c: {  	v9 =	vld [tilespmem:s29+$0x6130]  }
0x40d: {  	v10 =	vld [tilespmem:s29+$0x2140];
	v2 =	vmul.f32 v3, v2;
	v3 =	vmul.f32 v5, v4  }
0x40e: {  	v4 =	vld [tilespmem:s29+$0x6140]  }
0x40f: {  	v5 =	vld [tilespmem:s29+$0x2150];
	v2 =	vadd.f32 v3, v2;
	v3 =	vmul.f32 v7, v6  }
0x410: {  	v6 =	vld [tilespmem:s29+$0x6150]  }
0x411: {  	v7 =	vld [tilespmem:s29+$0x2160];
	v2 =	vadd.f32 v3, v2;
	v3 =	vmul.f32 v9, v8  }
0x412: {  	v8 =	vld [tilespmem:s29+$0x6160]  }
0x413: {  	v9 =	vld [tilespmem:s29+$0x2170];
	v2 =	vadd.f32 v3, v2;
	v3 =	vmul.f32 v4, v10  }
0x414: {  	v4 =	vld [tilespmem:s29+$0x6170]  }
0x415: {  	v2 =	vadd.f32 v3, v2;
	v3 =	vmul.f32 v6, v5;
	_ =	sdelay $0x1  }
0x416: {  	s12 =	sor.u32 $0x2, s28;
	v2 =	vadd.f32 v3, v2;
	v3 =	vmul.f32 v8, v7  }
0x417: {  	v5 =	vadd.s32 s12, v1  }
0x418: {  	v2 =	vadd.f32 v3, v2;
	v3 =	vmul.f32 v4, v9;
	_ =	sdelay $0x1  }
0x419: {  	v2 =	vadd.f32 v3, v2;
	_ =	sdelay $0x1  }
0x41a: {  	[tilespmem:v5+s17+$0x0] =	vst.idx.msk $0xffff, v2  }
0x41b: {  	v2 =	vld [tilespmem:s29+$0x2180]  }
0x41c: {  	v3 =	vld [tilespmem:s29+$0x6180]  }
0x41d: {  	v4 =	vld [tilespmem:s29+$0x2190]  }
0x41e: {  	v5 =	vld [tilespmem:s29+$0x6190]  }
0x41f: {  	v6 =	vld [tilespmem:s29+$0x21A0]  }
0x420: {  	v7 =	vld [tilespmem:s29+$0x61A0]  }
0x421: {  	v8 =	vld [tilespmem:s29+$0x21B0]  }
0x422: {  	v9 =	vld [tilespmem:s29+$0x61B0]  }
0x423: {  	v10 =	vld [tilespmem:s29+$0x21C0];
	v2 =	vmul.f32 v3, v2;
	v3 =	vmul.f32 v5, v4  }
0x424: {  	v4 =	vld [tilespmem:s29+$0x61C0]  }
0x425: {  	v5 =	vld [tilespmem:s29+$0x21D0];
	v2 =	vadd.f32 v3, v2;
	v3 =	vmul.f32 v7, v6  }
0x426: {  	v6 =	vld [tilespmem:s29+$0x61D0]  }
0x427: {  	v7 =	vld [tilespmem:s29+$0x21E0];
	v2 =	vadd.f32 v3, v2;
	v3 =	vmul.f32 v9, v8  }
0x428: {  	v8 =	vld [tilespmem:s29+$0x61E0]  }
0x429: {  	v9 =	vld [tilespmem:s29+$0x21F0];
	v2 =	vadd.f32 v3, v2;
	v3 =	vmul.f32 v4, v10  }
0x42a: {  	v4 =	vld [tilespmem:s29+$0x61F0]  }
0x42b: {  	v2 =	vadd.f32 v3, v2;
	v3 =	vmul.f32 v6, v5;
	_ =	sdelay $0x1  }
0x42c: {  	s1 =	sor.u32 $0x3, s28;
	v2 =	vadd.f32 v3, v2;
	v3 =	vmul.f32 v8, v7  }
0x42d: {  	v5 =	vadd.s32 s1, v1  }
0x42e: {  	v2 =	vadd.f32 v3, v2;
	v3 =	vmul.f32 v4, v9;
	_ =	sdelay $0x1  }
0x42f: {  	v2 =	vadd.f32 v3, v2;
	_ =	sdelay $0x1  }
0x430: {  	[tilespmem:v5+s17+$0x0] =	vst.idx.msk $0xffff, v2  }
0x431: {  	v2 =	vld [tilespmem:s29+$0x2200]  }
0x432: {  	v3 =	vld [tilespmem:s29+$0x6200]  }
0x433: {  	v4 =	vld [tilespmem:s29+$0x2210]  }
0x434: {  	v5 =	vld [tilespmem:s29+$0x6210]  }
0x435: {  	v6 =	vld [tilespmem:s29+$0x2220]  }
0x436: {  	v7 =	vld [tilespmem:s29+$0x6220]  }
0x437: {  	v8 =	vld [tilespmem:s29+$0x2230]  }
0x438: {  	v9 =	vld [tilespmem:s29+$0x6230]  }
0x439: {  	v10 =	vld [tilespmem:s29+$0x2240];
	v2 =	vmul.f32 v3, v2;
	v3 =	vmul.f32 v5, v4  }
0x43a: {  	v4 =	vld [tilespmem:s29+$0x6240]  }
0x43b: {  	v5 =	vld [tilespmem:s29+$0x2250];
	v2 =	vadd.f32 v3, v2;
	v3 =	vmul.f32 v7, v6  }
0x43c: {  	v6 =	vld [tilespmem:s29+$0x6250]  }
0x43d: {  	v7 =	vld [tilespmem:s29+$0x2260];
	v2 =	vadd.f32 v3, v2;
	v3 =	vmul.f32 v9, v8  }
0x43e: {  	v8 =	vld [tilespmem:s29+$0x6260]  }
0x43f: {  	v9 =	vld [tilespmem:s29+$0x2270];
	v2 =	vadd.f32 v3, v2;
	v3 =	vmul.f32 v4, v10  }
0x440: {  	v4 =	vld [tilespmem:s29+$0x6270]  }
0x441: {  	v2 =	vadd.f32 v3, v2;
	v3 =	vmul.f32 v6, v5  }
0x442: {  	s31 =	simm.s32 $0x800  }
0x443: {  	v18 =	vld [tilespmem:s31+$0x6020];
	s12 =	sor.u32 $0x4, s28;
	v2 =	vadd.f32 v3, v2;
	v3 =	vmul.f32 v8, v7  }
0x444: {  	v5 =	vld [tilespmem:s31+$0x2070];
	v6 =	vadd.s32 s12, v1  }
0x445: {  	v7 =	vld [tilespmem:s31+$0x6070];
	v2 =	vadd.f32 v3, v2;
	v3 =	vmul.f32 v4, v9  }
0x446: {  	v8 =	vld [tilespmem:s31+$0x6060]  }
0x447: {  	v4 =	vld [tilespmem:s31+$0x2060];
	v2 =	vadd.f32 v3, v2  }
0x448: {  	v9 =	vld [tilespmem:s31+$0x6050]  }
0x449: {  	v3 =	vld [tilespmem:s31+$0x2050];
	[tilespmem:v6+s17+$0x0] =	vst.idx.msk $0xffff, v2  }
0x44a: {  	v6 =	vld [tilespmem:s29+$0x2280]  }
0x44b: {  	v10 =	vld [tilespmem:s29+$0x6280]  }
0x44c: {  	v11 =	vld [tilespmem:s29+$0x2290]  }
0x44d: {  	v12 =	vld [tilespmem:s29+$0x6290]  }
0x44e: {  	v13 =	vld [tilespmem:s29+$0x22A0]  }
0x44f: {  	v14 =	vld [tilespmem:s29+$0x62A0]  }
0x450: {  	v15 =	vld [tilespmem:s29+$0x22B0]  }
0x451: {  	v16 =	vld [tilespmem:s29+$0x62B0]  }
0x452: {  	v17 =	vld [tilespmem:s29+$0x22C0];
	v6 =	vmul.f32 v10, v6;
	v10 =	vmul.f32 v12, v11  }
0x453: {  	v11 =	vld [tilespmem:s29+$0x62C0]  }
0x454: {  	v2 =	vld [tilespmem:s29+$0x22D0];
	v6 =	vadd.f32 v10, v6;
	v10 =	vmul.f32 v14, v13  }
0x455: {  	v12 =	vld [tilespmem:s29+$0x62D0]  }
0x456: {  	v13 =	vld [tilespmem:s29+$0x22E0];
	v6 =	vadd.f32 v10, v6;
	v10 =	vmul.f32 v16, v15  }
0x457: {  	v14 =	vld [tilespmem:s29+$0x62E0]  }
0x458: {  	v15 =	vld [tilespmem:s29+$0x22F0];
	v6 =	vadd.f32 v10, v6;
	v10 =	vmul.f32 v11, v17  }
0x459: {  	v11 =	vld [tilespmem:s29+$0x62F0]  }
0x45a: {  	v16 =	vld [tilespmem:s31+$0x2040];
	v2 =	vmul.f32 v12, v2;
	v6 =	vadd.f32 v10, v6  }
0x45b: {  	v12 =	vld [tilespmem:s31+$0x2030]  }
0x45c: {  	s1 =	sor.u32 $0x5, s28;
	v17 =	vld [tilespmem:s31+$0x6000];
	v2 =	vadd.f32 v2, v6;
	v6 =	vmul.f32 v14, v13  }
0x45d: {  	v13 =	vld [tilespmem:s31+$0x2000];
	v14 =	vadd.s32 s1, v1  }
0x45e: {  	v2 =	vadd.f32 v6, v2;
	v6 =	vmul.f32 v11, v15;
	v11 =	vld [tilespmem:s31+$0x2010]  }
0x45f: {  	v15 =	vld [tilespmem:s31+$0x6010]  }
0x460: {  	v10 =	vld [tilespmem:s31+$0x6040];
	v2 =	vadd.f32 v6, v2  }
0x461: {  	v6 =	vld [tilespmem:s31+$0x2020]  }
0x462: {  	[tilespmem:v14+s17+$0x0] =	vst.idx.msk $0xffff, v2;
	v2 =	vld [tilespmem:s31+$0x6030]  }
0x463: {  	v14 =	vld [tilespmem:s29+$0x2300]  }
0x464: {  	v13 =	vmul.f32 v17, v13;
	v11 =	vmul.f32 v15, v11;
	v15 =	vld [tilespmem:s29+$0x6300]  }
0x465: {  	v17 =	vld [tilespmem:s29+$0x2310]  }
0x466: {  	v11 =	vadd.f32 v11, v13;
	v6 =	vmul.f32 v18, v6;
	v13 =	vld [tilespmem:s29+$0x6310]  }
0x467: {  	v18 =	vld [tilespmem:s29+$0x2320]  }
0x468: {  	v6 =	vadd.f32 v6, v11;
	v2 =	vmul.f32 v2, v12;
	v11 =	vld [tilespmem:s29+$0x6320]  }
0x469: {  	v12 =	vld [tilespmem:s29+$0x2330]  }
0x46a: {  	v2 =	vadd.f32 v2, v6;
	v6 =	vmul.f32 v10, v16;
	v10 =	vld [tilespmem:s29+$0x6330]  }
0x46b: {  	v14 =	vmul.f32 v15, v14;
	v15 =	vld [tilespmem:s29+$0x2340];
	v13 =	vmul.f32 v13, v17  }
0x46c: {  	s30 =	simm.s32 $0x1;
	v3 =	vmul.f32 v9, v3;
	v2 =	vadd.f32 v6, v2;
	v6 =	vld [tilespmem:s29+$0x6340]  }
0x46d: {  	s1 =	smul.u32 $0x110, s30;
	v9 =	vadd.f32 v13, v14;
	v11 =	vmul.f32 v11, v18;
	v13 =	vld [tilespmem:s29+$0x2350]  }
0x46e: {  	v2 =	vadd.f32 v3, v2;
	v3 =	vmul.f32 v8, v4;
	v4 =	vld [tilespmem:s29+$0x6350]  }
0x46f: {  	v8 =	vadd.s32 s1, v1;
	v9 =	vadd.f32 v11, v9;
	v10 =	vmul.f32 v10, v12;
	v11 =	vld [tilespmem:s29+$0x2360]  }
0x470: {  	v2 =	vadd.f32 v3, v2;
	v3 =	vmul.f32 v7, v5;
	v5 =	vld [tilespmem:s29+$0x6360]  }
0x471: {  	v7 =	vadd.f32 v10, v9;
	v6 =	vmul.f32 v6, v15;
	v9 =	vld [tilespmem:s29+$0x2370]  }
0x472: {  	v2 =	vadd.f32 v3, v2;
	v3 =	vld [tilespmem:s29+$0x6370]  }
0x473: {  	v6 =	vadd.f32 v6, v7;
	v4 =	vmul.f32 v4, v13  }
0x474: {  	[tilespmem:v8+s17+$0x0] =	vst.idx.msk $0xffff, v2  }
0x475: {  	s12 =	sor.u32 $0x6, s28;
	v2 =	vld [tilespmem:s31+$0x20F0];
	v4 =	vadd.f32 v4, v6;
	v5 =	vmul.f32 v5, v11  }
0x476: {  	v7 =	vadd.s32 s12, v1;
	v6 =	vld [tilespmem:s31+$0x60F0]  }
0x477: {  	v8 =	vld [tilespmem:s31+$0x20E0];
	v4 =	vadd.f32 v5, v4;
	v3 =	vmul.f32 v3, v9  }
0x478: {  	v10 =	vld [tilespmem:s31+$0x20C0]  }
0x479: {  	v17 =	vld [tilespmem:s31+$0x60C0];
	v3 =	vadd.f32 v3, v4  }
0x47a: {  	v18 =	vld [tilespmem:s31+$0x2090]  }
0x47b: {  	v19 =	vld [tilespmem:s31+$0x60B0];
	[tilespmem:v7+s17+$0x0] =	vst.idx.msk $0xffff, v3  }
0x47c: {  	v3 =	vld [tilespmem:s29+$0x2380]  }
0x47d: {  	v7 =	vld [tilespmem:s29+$0x6380]  }
0x47e: {  	v11 =	vld [tilespmem:s29+$0x2390]  }
0x47f: {  	v12 =	vld [tilespmem:s29+$0x6390]  }
0x480: {  	v13 =	vld [tilespmem:s29+$0x23A0]  }
0x481: {  	v14 =	vld [tilespmem:s29+$0x63A0]  }
0x482: {  	v15 =	vld [tilespmem:s29+$0x23B0]  }
0x483: {  	v16 =	vld [tilespmem:s29+$0x63B0]  }
0x484: {  	v3 =	vmul.f32 v7, v3;
	v7 =	vmul.f32 v12, v11;
	v11 =	vld [tilespmem:s29+$0x23C0]  }
0x485: {  	v12 =	vld [tilespmem:s29+$0x63C0]  }
0x486: {  	v3 =	vadd.f32 v7, v3;
	v7 =	vmul.f32 v14, v13;
	v13 =	vld [tilespmem:s29+$0x23D0]  }
0x487: {  	v14 =	vld [tilespmem:s29+$0x63D0]  }
0x488: {  	v3 =	vadd.f32 v7, v3;
	v7 =	vmul.f32 v16, v15;
	v15 =	vld [tilespmem:s29+$0x23E0]  }
0x489: {  	v16 =	vld [tilespmem:s29+$0x63E0]  }
0x48a: {  	v3 =	vadd.f32 v7, v3;
	v7 =	vmul.f32 v12, v11;
	v11 =	vld [tilespmem:s29+$0x23F0]  }
0x48b: {  	v12 =	vld [tilespmem:s29+$0x63F0]  }
0x48c: {  	v5 =	vld [tilespmem:s31+$0x60E0];
	v3 =	vadd.f32 v7, v3;
	v7 =	vmul.f32 v14, v13  }
0x48d: {  	v9 =	vld [tilespmem:s31+$0x20D0]  }
0x48e: {  	s12 =	sor.u32 $0x7, s28;
	v4 =	vld [tilespmem:s31+$0x60D0];
	v3 =	vadd.f32 v7, v3;
	v7 =	vmul.f32 v16, v15  }
0x48f: {  	v14 =	vld [tilespmem:s31+$0x2080];
	v16 =	vadd.s32 s12, v1  }
0x490: {  	v15 =	vld [tilespmem:s31+$0x6080];
	v3 =	vadd.f32 v7, v3;
	v7 =	vmul.f32 v12, v11  }
0x491: {  	v11 =	vld [tilespmem:s31+$0x6090]  }
0x492: {  	v12 =	vld [tilespmem:s31+$0x20A0];
	v3 =	vadd.f32 v7, v3  }
0x493: {  	v7 =	vld [tilespmem:s31+$0x60A0]  }
0x494: {  	v13 =	vld [tilespmem:s31+$0x20B0];
	[tilespmem:v16+s17+$0x0] =	vst.idx.msk $0xffff, v3  }
0x495: {  	v3 =	vld [tilespmem:s29+$0x2400]  }
0x496: {  	v14 =	vmul.f32 v15, v14;
	v11 =	vmul.f32 v11, v18;
	v15 =	vld [tilespmem:s29+$0x6400]  }
0x497: {  	v16 =	vld [tilespmem:s29+$0x2410]  }
0x498: {  	v11 =	vadd.f32 v11, v14;
	v7 =	vmul.f32 v7, v12;
	v12 =	vld [tilespmem:s29+$0x6410]  }
0x499: {  	v14 =	vld [tilespmem:s29+$0x2420]  }
0x49a: {  	v7 =	vadd.f32 v7, v11;
	v11 =	vmul.f32 v19, v13;
	v13 =	vld [tilespmem:s29+$0x6420]  }
0x49b: {  	v18 =	vld [tilespmem:s29+$0x2430]  }
0x49c: {  	v10 =	vmul.f32 v17, v10;
	v4 =	vmul.f32 v4, v9;
	v7 =	vadd.f32 v11, v7;
	v11 =	vld [tilespmem:s29+$0x6430]  }
0x49d: {  	v9 =	vld [tilespmem:s29+$0x6440];
	v3 =	vmul.f32 v15, v3;
	v12 =	vmul.f32 v12, v16  }
0x49e: {  	v15 =	vld [tilespmem:s29+$0x2440];
	v7 =	vadd.f32 v10, v7  }
0x49f: {  	v3 =	vadd.f32 v12, v3;
	v10 =	vmul.f32 v13, v14;
	v12 =	vld [tilespmem:s29+$0x2450]  }
0x4a0: {  	v5 =	vmul.f32 v5, v8;
	s12 =	sor.u32 $0x1, s1;
	v4 =	vadd.f32 v4, v7;
	v7 =	vld [tilespmem:s29+$0x6450]  }
0x4a1: {  	v8 =	vadd.s32 s12, v1;
	v3 =	vadd.f32 v10, v3;
	v10 =	vmul.f32 v11, v18;
	v11 =	vld [tilespmem:s29+$0x2460]  }
0x4a2: {  	v2 =	vmul.f32 v6, v2;
	v4 =	vadd.f32 v5, v4;
	v5 =	vld [tilespmem:s29+$0x6460]  }
0x4a3: {  	v6 =	vmul.f32 v9, v15;
	v9 =	vld [tilespmem:s29+$0x2470];
	v3 =	vadd.f32 v10, v3  }
0x4a4: {  	v2 =	vadd.f32 v2, v4;
	v4 =	vld [tilespmem:s29+$0x6470]  }
0x4a5: {  	v3 =	vadd.f32 v6, v3;
	v6 =	vmul.f32 v7, v12  }
0x4a6: {  	[tilespmem:v8+s17+$0x0] =	vst.idx.msk $0xffff, v2  }
0x4a7: {  	s12 =	sor.u32 $0x8, s28;
	v2 =	vld [tilespmem:s31+$0x2170];
	v3 =	vadd.f32 v6, v3;
	v5 =	vmul.f32 v5, v11  }
0x4a8: {  	v7 =	vadd.s32 s12, v1;
	v6 =	vld [tilespmem:s31+$0x6170]  }
0x4a9: {  	v8 =	vld [tilespmem:s31+$0x2160];
	v3 =	vadd.f32 v5, v3;
	v4 =	vmul.f32 v4, v9  }
0x4aa: {  	v10 =	vld [tilespmem:s31+$0x2140]  }
0x4ab: {  	v17 =	vld [tilespmem:s31+$0x6140];
	v3 =	vadd.f32 v4, v3  }
0x4ac: {  	v18 =	vld [tilespmem:s31+$0x2110]  }
0x4ad: {  	v19 =	vld [tilespmem:s31+$0x6130];
	[tilespmem:v7+s17+$0x0] =	vst.idx.msk $0xffff, v3  }
0x4ae: {  	v3 =	vld [tilespmem:s29+$0x2480]  }
0x4af: {  	v7 =	vld [tilespmem:s29+$0x6480]  }
0x4b0: {  	v11 =	vld [tilespmem:s29+$0x2490]  }
0x4b1: {  	v12 =	vld [tilespmem:s29+$0x6490]  }
0x4b2: {  	v13 =	vld [tilespmem:s29+$0x24A0]  }
0x4b3: {  	v14 =	vld [tilespmem:s29+$0x64A0]  }
0x4b4: {  	v15 =	vld [tilespmem:s29+$0x24B0]  }
0x4b5: {  	v16 =	vld [tilespmem:s29+$0x64B0]  }
0x4b6: {  	v3 =	vmul.f32 v7, v3;
	v7 =	vmul.f32 v12, v11;
	v11 =	vld [tilespmem:s29+$0x24C0]  }
0x4b7: {  	v12 =	vld [tilespmem:s29+$0x64C0]  }
0x4b8: {  	v3 =	vadd.f32 v7, v3;
	v7 =	vmul.f32 v14, v13;
	v13 =	vld [tilespmem:s29+$0x24D0]  }
0x4b9: {  	v14 =	vld [tilespmem:s29+$0x64D0]  }
0x4ba: {  	v3 =	vadd.f32 v7, v3;
	v7 =	vmul.f32 v16, v15;
	v15 =	vld [tilespmem:s29+$0x24E0]  }
0x4bb: {  	v16 =	vld [tilespmem:s29+$0x64E0]  }
0x4bc: {  	v3 =	vadd.f32 v7, v3;
	v7 =	vmul.f32 v12, v11;
	v11 =	vld [tilespmem:s29+$0x24F0]  }
0x4bd: {  	v12 =	vld [tilespmem:s29+$0x64F0]  }
0x4be: {  	v5 =	vld [tilespmem:s31+$0x6160];
	v3 =	vadd.f32 v7, v3;
	v7 =	vmul.f32 v14, v13  }
0x4bf: {  	v9 =	vld [tilespmem:s31+$0x2150]  }
0x4c0: {  	s12 =	sor.u32 $0x9, s28;
	v4 =	vld [tilespmem:s31+$0x6150];
	v3 =	vadd.f32 v7, v3;
	v7 =	vmul.f32 v16, v15  }
0x4c1: {  	v14 =	vld [tilespmem:s31+$0x2100];
	v16 =	vadd.s32 s12, v1  }
0x4c2: {  	v15 =	vld [tilespmem:s31+$0x6100];
	v3 =	vadd.f32 v7, v3;
	v7 =	vmul.f32 v12, v11  }
0x4c3: {  	v11 =	vld [tilespmem:s31+$0x6110]  }
0x4c4: {  	v12 =	vld [tilespmem:s31+$0x2120];
	v3 =	vadd.f32 v7, v3  }
0x4c5: {  	v7 =	vld [tilespmem:s31+$0x6120]  }
0x4c6: {  	v13 =	vld [tilespmem:s31+$0x2130];
	[tilespmem:v16+s17+$0x0] =	vst.idx.msk $0xffff, v3  }
0x4c7: {  	v3 =	vld [tilespmem:s29+$0x2500]  }
0x4c8: {  	v14 =	vmul.f32 v15, v14;
	v11 =	vmul.f32 v11, v18;
	v15 =	vld [tilespmem:s29+$0x6500]  }
0x4c9: {  	v16 =	vld [tilespmem:s29+$0x2510]  }
0x4ca: {  	v11 =	vadd.f32 v11, v14;
	v7 =	vmul.f32 v7, v12;
	v12 =	vld [tilespmem:s29+$0x6510]  }
0x4cb: {  	v14 =	vld [tilespmem:s29+$0x2520]  }
0x4cc: {  	v7 =	vadd.f32 v7, v11;
	v11 =	vmul.f32 v19, v13;
	v13 =	vld [tilespmem:s29+$0x6520]  }
0x4cd: {  	v18 =	vld [tilespmem:s29+$0x2530]  }
0x4ce: {  	v10 =	vmul.f32 v17, v10;
	v4 =	vmul.f32 v4, v9;
	v7 =	vadd.f32 v11, v7;
	v11 =	vld [tilespmem:s29+$0x6530]  }
0x4cf: {  	v9 =	vld [tilespmem:s29+$0x6540];
	v3 =	vmul.f32 v15, v3;
	v12 =	vmul.f32 v12, v16  }
0x4d0: {  	v15 =	vld [tilespmem:s29+$0x2540];
	v7 =	vadd.f32 v10, v7  }
0x4d1: {  	v3 =	vadd.f32 v12, v3;
	v10 =	vmul.f32 v13, v14;
	v12 =	vld [tilespmem:s29+$0x2550]  }
0x4d2: {  	v5 =	vmul.f32 v5, v8;
	s12 =	sor.u32 $0x2, s1;
	v4 =	vadd.f32 v4, v7;
	v7 =	vld [tilespmem:s29+$0x6550]  }
0x4d3: {  	v8 =	vadd.s32 s12, v1;
	v3 =	vadd.f32 v10, v3;
	v10 =	vmul.f32 v11, v18;
	v11 =	vld [tilespmem:s29+$0x2560]  }
0x4d4: {  	v2 =	vmul.f32 v6, v2;
	v4 =	vadd.f32 v5, v4;
	v5 =	vld [tilespmem:s29+$0x6560]  }
0x4d5: {  	v6 =	vmul.f32 v9, v15;
	v9 =	vld [tilespmem:s29+$0x2570];
	v3 =	vadd.f32 v10, v3  }
0x4d6: {  	v2 =	vadd.f32 v2, v4;
	v4 =	vld [tilespmem:s29+$0x6570]  }
0x4d7: {  	v3 =	vadd.f32 v6, v3;
	v6 =	vmul.f32 v7, v12  }
0x4d8: {  	[tilespmem:v8+s17+$0x0] =	vst.idx.msk $0xffff, v2  }
0x4d9: {  	s12 =	sor.u32 $0xA, s28;
	v2 =	vld [tilespmem:s31+$0x21F0];
	v3 =	vadd.f32 v6, v3;
	v5 =	vmul.f32 v5, v11  }
0x4da: {  	v7 =	vadd.s32 s12, v1;
	v6 =	vld [tilespmem:s31+$0x61F0]  }
0x4db: {  	v8 =	vld [tilespmem:s31+$0x21E0];
	v3 =	vadd.f32 v5, v3;
	v4 =	vmul.f32 v4, v9  }
0x4dc: {  	v10 =	vld [tilespmem:s31+$0x21C0]  }
0x4dd: {  	v17 =	vld [tilespmem:s31+$0x61C0];
	v3 =	vadd.f32 v4, v3  }
0x4de: {  	v18 =	vld [tilespmem:s31+$0x2190]  }
0x4df: {  	v19 =	vld [tilespmem:s31+$0x61B0];
	[tilespmem:v7+s17+$0x0] =	vst.idx.msk $0xffff, v3  }
0x4e0: {  	v3 =	vld [tilespmem:s29+$0x2580]  }
0x4e1: {  	v7 =	vld [tilespmem:s29+$0x6580]  }
0x4e2: {  	v11 =	vld [tilespmem:s29+$0x2590]  }
0x4e3: {  	v12 =	vld [tilespmem:s29+$0x6590]  }
0x4e4: {  	v13 =	vld [tilespmem:s29+$0x25A0]  }
0x4e5: {  	v14 =	vld [tilespmem:s29+$0x65A0]  }
0x4e6: {  	v15 =	vld [tilespmem:s29+$0x25B0]  }
0x4e7: {  	v16 =	vld [tilespmem:s29+$0x65B0]  }
0x4e8: {  	v3 =	vmul.f32 v7, v3;
	v7 =	vmul.f32 v12, v11;
	v11 =	vld [tilespmem:s29+$0x25C0]  }
0x4e9: {  	v12 =	vld [tilespmem:s29+$0x65C0]  }
0x4ea: {  	v3 =	vadd.f32 v7, v3;
	v7 =	vmul.f32 v14, v13;
	v13 =	vld [tilespmem:s29+$0x25D0]  }
0x4eb: {  	v14 =	vld [tilespmem:s29+$0x65D0]  }
0x4ec: {  	v3 =	vadd.f32 v7, v3;
	v7 =	vmul.f32 v16, v15;
	v15 =	vld [tilespmem:s29+$0x25E0]  }
0x4ed: {  	v16 =	vld [tilespmem:s29+$0x65E0]  }
0x4ee: {  	v3 =	vadd.f32 v7, v3;
	v7 =	vmul.f32 v12, v11;
	v11 =	vld [tilespmem:s29+$0x25F0]  }
0x4ef: {  	v12 =	vld [tilespmem:s29+$0x65F0]  }
0x4f0: {  	v5 =	vld [tilespmem:s31+$0x61E0];
	v3 =	vadd.f32 v7, v3;
	v7 =	vmul.f32 v14, v13  }
0x4f1: {  	v9 =	vld [tilespmem:s31+$0x21D0]  }
0x4f2: {  	s12 =	sor.u32 $0xB, s28;
	v4 =	vld [tilespmem:s31+$0x61D0];
	v3 =	vadd.f32 v7, v3;
	v7 =	vmul.f32 v16, v15  }
0x4f3: {  	v14 =	vld [tilespmem:s31+$0x2180];
	v16 =	vadd.s32 s12, v1  }
0x4f4: {  	v15 =	vld [tilespmem:s31+$0x6180];
	v3 =	vadd.f32 v7, v3;
	v7 =	vmul.f32 v12, v11  }
0x4f5: {  	v11 =	vld [tilespmem:s31+$0x6190]  }
0x4f6: {  	v12 =	vld [tilespmem:s31+$0x21A0];
	v3 =	vadd.f32 v7, v3  }
0x4f7: {  	v7 =	vld [tilespmem:s31+$0x61A0]  }
0x4f8: {  	v13 =	vld [tilespmem:s31+$0x21B0];
	[tilespmem:v16+s17+$0x0] =	vst.idx.msk $0xffff, v3  }
0x4f9: {  	v3 =	vld [tilespmem:s29+$0x2600]  }
0x4fa: {  	v14 =	vmul.f32 v15, v14;
	v11 =	vmul.f32 v11, v18;
	v15 =	vld [tilespmem:s29+$0x6600]  }
0x4fb: {  	v16 =	vld [tilespmem:s29+$0x2610]  }
0x4fc: {  	v11 =	vadd.f32 v11, v14;
	v7 =	vmul.f32 v7, v12;
	v12 =	vld [tilespmem:s29+$0x6610]  }
0x4fd: {  	v14 =	vld [tilespmem:s29+$0x2620]  }
0x4fe: {  	v7 =	vadd.f32 v7, v11;
	v11 =	vmul.f32 v19, v13;
	v13 =	vld [tilespmem:s29+$0x6620]  }
0x4ff: {  	v18 =	vld [tilespmem:s29+$0x2630]  }
0x500: {  	v10 =	vmul.f32 v17, v10;
	v4 =	vmul.f32 v4, v9;
	v7 =	vadd.f32 v11, v7;
	v11 =	vld [tilespmem:s29+$0x6630]  }
0x501: {  	v9 =	vld [tilespmem:s29+$0x6640];
	v3 =	vmul.f32 v15, v3;
	v12 =	vmul.f32 v12, v16  }
0x502: {  	v15 =	vld [tilespmem:s29+$0x2640];
	v7 =	vadd.f32 v10, v7  }
0x503: {  	v3 =	vadd.f32 v12, v3;
	v10 =	vmul.f32 v13, v14;
	v12 =	vld [tilespmem:s29+$0x2650]  }
0x504: {  	v5 =	vmul.f32 v5, v8;
	s12 =	sor.u32 $0x3, s1;
	v4 =	vadd.f32 v4, v7;
	v7 =	vld [tilespmem:s29+$0x6650]  }
0x505: {  	v8 =	vadd.s32 s12, v1;
	v3 =	vadd.f32 v10, v3;
	v10 =	vmul.f32 v11, v18;
	v11 =	vld [tilespmem:s29+$0x2660]  }
0x506: {  	v2 =	vmul.f32 v6, v2;
	v4 =	vadd.f32 v5, v4;
	v5 =	vld [tilespmem:s29+$0x6660]  }
0x507: {  	v6 =	vmul.f32 v9, v15;
	v9 =	vld [tilespmem:s29+$0x2670];
	v3 =	vadd.f32 v10, v3  }
0x508: {  	v2 =	vadd.f32 v2, v4;
	v4 =	vld [tilespmem:s29+$0x6670]  }
0x509: {  	v3 =	vadd.f32 v6, v3;
	v6 =	vmul.f32 v7, v12  }
0x50a: {  	[tilespmem:v8+s17+$0x0] =	vst.idx.msk $0xffff, v2  }
0x50b: {  	s12 =	sor.u32 $0xC, s28;
	v8 =	vld [tilespmem:s31+$0x2270];
	v2 =	vadd.f32 v6, v3;
	v3 =	vmul.f32 v5, v11  }
0x50c: {  	v5 =	vadd.s32 s12, v1;
	v10 =	vld [tilespmem:s31+$0x6270]  }
0x50d: {  	v11 =	vld [tilespmem:s31+$0x2260];
	v2 =	vadd.f32 v3, v2;
	v3 =	vmul.f32 v4, v9  }
0x50e: {  	v12 =	vld [tilespmem:s31+$0x6260]  }
0x50f: {  	v13 =	vld [tilespmem:s31+$0x2250];
	v2 =	vadd.f32 v3, v2  }
0x510: {  	v14 =	vld [tilespmem:s31+$0x6250]  }
0x511: {  	v15 =	vld [tilespmem:s31+$0x2240];
	[tilespmem:v5+s17+$0x0] =	vst.idx.msk $0xffff, v2  }
0x512: {  	v2 =	vld [tilespmem:s29+$0x2680]  }
0x513: {  	v3 =	vld [tilespmem:s29+$0x6680]  }
0x514: {  	v4 =	vld [tilespmem:s29+$0x2690]  }
0x515: {  	v5 =	vld [tilespmem:s29+$0x6690]  }
0x516: {  	v6 =	vld [tilespmem:s29+$0x26A0]  }
0x517: {  	v7 =	vld [tilespmem:s29+$0x66A0]  }
0x518: {  	v9 =	vld [tilespmem:s29+$0x26B0]  }
0x519: {  	v16 =	vld [tilespmem:s29+$0x66B0]  }
0x51a: {  	v17 =	vld [tilespmem:s29+$0x26C0];
	v2 =	vmul.f32 v3, v2;
	v3 =	vmul.f32 v5, v4  }
0x51b: {  	v4 =	vld [tilespmem:s29+$0x66C0]  }
0x51c: {  	v18 =	vld [tilespmem:s29+$0x26D0];
	v2 =	vadd.f32 v3, v2;
	v3 =	vmul.f32 v7, v6  }
0x51d: {  	v19 =	vld [tilespmem:s29+$0x66D0]  }
0x51e: {  	v5 =	vld [tilespmem:s29+$0x26E0];
	v7 =	vmul.f32 v16, v9;
	v2 =	vadd.f32 v3, v2  }
0x51f: {  	v6 =	vld [tilespmem:s29+$0x66E0]  }
0x520: {  	v3 =	vld [tilespmem:s29+$0x26F0];
	v9 =	vmul.f32 v4, v17;
	v7 =	vadd.f32 v7, v2  }
0x521: {  	v4 =	vld [tilespmem:s29+$0x66F0]  }
0x522: {  	s25 =	sadd.s32 $0x8040, s25;
	v16 =	vld [tilespmem:s31+$0x6240];
	v7 =	vadd.f32 v9, v7;
	v9 =	vmul.f32 v19, v18  }
0x523: {  	v17 =	vld [tilespmem:s31+$0x2230];
	v2 =	vmov s25;
	s25 =	simm.s32 $0x2  }
.LBB2_5:
0x524: {  	p1 =	sne.s32 s25, $0x3;
	v18 =	vld [tilespmem:s31+$0x6230];
	v7 =	vadd.f32 v9, v7;
	v5 =	vmul.f32 v6, v5;
	s0 =	sor.u32 $0xD, s28  }
0x525: {  	v6 =	vld [tilespmem:s31+$0x2220];
	v9 =	vadd.s32 s0, v1  }
0x526: {  	v19 =	vld [tilespmem:s31+$0x6220];
	v5 =	vadd.f32 v5, v7;
	v3 =	vmul.f32 v4, v3  }
0x527: {  	v4 =	vld [tilespmem:s31+$0x2200]  }
0x528: {  	v7 =	vld [tilespmem:s31+$0x6200];
	v3 =	vadd.f32 v3, v5  }
0x529: {  	v5 =	vld [tilespmem:s31+$0x2210]  }
0x52a: {  	v20 =	vld [tilespmem:s31+$0x6210];
	[tilespmem:v9+s17+$0x0] =	vst.idx.msk $0xffff, v3  }
0x52b: {  	v3 =	vld [tilespmem:s29+$0x2700]  }
0x52c: {  	v9 =	vld [tilespmem:s29+$0x6700]  }
0x52d: {  	v21 =	vld [tilespmem:s29+$0x2710]  }
0x52e: {  	v22 =	vld [tilespmem:s29+$0x6710]  }
0x52f: {  	v23 =	vld [tilespmem:s29+$0x2720]  }
0x530: {  	v4 =	vmul.f32 v7, v4;
	v5 =	vmul.f32 v20, v5;
	v7 =	vld [tilespmem:s29+$0x6720]  }
0x531: {  	v20 =	vld [tilespmem:s29+$0x2730]  }
0x532: {  	v4 =	vadd.f32 v5, v4;
	v5 =	vmul.f32 v19, v6;
	v6 =	vld [tilespmem:s29+$0x6730]  }
0x533: {  	v3 =	vmul.f32 v9, v3;
	v9 =	vmul.f32 v22, v21;
	v19 =	vld [tilespmem:s29+$0x2740]  }
0x534: {  	v4 =	vadd.f32 v5, v4;
	v5 =	vmul.f32 v18, v17;
	v17 =	vld [tilespmem:s29+$0x6740]  }
0x535: {  	v3 =	vadd.f32 v9, v3;
	v7 =	vmul.f32 v7, v23;
	v9 =	vld [tilespmem:s29+$0x2750]  }
0x536: {  	v4 =	vadd.f32 v5, v4;
	v5 =	vmul.f32 v16, v15;
	v15 =	vld [tilespmem:s29+$0x6750]  }
0x537: {  	v3 =	vadd.f32 v7, v3;
	v6 =	vmul.f32 v6, v20;
	v7 =	vld [tilespmem:s29+$0x2760]  }
0x538: {  	v4 =	vadd.f32 v5, v4;
	v5 =	vmul.f32 v14, v13;
	v13 =	vld [tilespmem:s29+$0x6760]  }
0x539: {  	v6 =	vadd.f32 v6, v3;
	v14 =	vmul.f32 v17, v19;
	v16 =	vld [tilespmem:s29+$0x2770]  }
0x53a: {  	v11 =	vmul.f32 v12, v11;
	s12 =	sor.u32 $0x4, s1;
	s0 =	sshll.u32 s25, $0xB;
	v5 =	vadd.f32 v5, v4;
	v12 =	vld [tilespmem:s29+$0x6770]  }
0x53b: {  	v17 =	vadd.s32 s12, v1;
	v3 =	vld [tilespmem:s0+$0x2070];
	v6 =	vadd.f32 v14, v6;
	v9 =	vmul.f32 v15, v9  }
0x53c: {  	v8 =	vmul.f32 v10, v8;
	v11 =	vadd.f32 v11, v5;
	v4 =	vld [tilespmem:s0+$0x6070]  }
0x53d: {  	s12 =	sor.u32 $0xE, s28;
	v5 =	vld [tilespmem:s0+$0x2060];
	v9 =	vadd.f32 v9, v6;
	v10 =	vmul.f32 v13, v7  }
0x53e: {  	v11 =	vadd.f32 v8, v11;
	v13 =	vadd.s32 s12, v1;
	v6 =	vld [tilespmem:s0+$0x6060]  }
0x53f: {  	v7 =	vld [tilespmem:s0+$0x2050];
	v10 =	vadd.f32 v10, v9;
	v12 =	vmul.f32 v12, v16  }
0x540: {  	v8 =	vld [tilespmem:s0+$0x6050];
	[tilespmem:v17+s17+$0x0] =	vst.idx.msk $0xffff, v11  }
0x541: {  	v9 =	vld [tilespmem:s31+$0x22D0];
	v12 =	vadd.f32 v12, v10  }
0x542: {  	v10 =	vld [tilespmem:s31+$0x62D0]  }
0x543: {  	v11 =	vld [tilespmem:s31+$0x22C0];
	[tilespmem:v13+s17+$0x0] =	vst.idx.msk $0xffff, v12  }
0x544: {  	v12 =	vld [tilespmem:s29+$0x2780]  }
0x545: {  	v13 =	vld [tilespmem:s29+$0x6780]  }
0x546: {  	v14 =	vld [tilespmem:s29+$0x2790]  }
0x547: {  	v15 =	vld [tilespmem:s29+$0x6790]  }
0x548: {  	v16 =	vld [tilespmem:s29+$0x27A0]  }
0x549: {  	v17 =	vld [tilespmem:s29+$0x67A0]  }
0x54a: {  	v18 =	vld [tilespmem:s29+$0x27B0]  }
0x54b: {  	v19 =	vld [tilespmem:s29+$0x67B0]  }
0x54c: {  	v12 =	vmul.f32 v13, v12;
	v13 =	vmul.f32 v15, v14;
	v14 =	vld [tilespmem:s29+$0x27C0]  }
0x54d: {  	v15 =	vld [tilespmem:s29+$0x67C0]  }
0x54e: {  	v12 =	vadd.f32 v13, v12;
	v13 =	vmul.f32 v17, v16;
	v16 =	vld [tilespmem:s29+$0x27D0]  }
0x54f: {  	v17 =	vld [tilespmem:s29+$0x67D0]  }
0x550: {  	v12 =	vadd.f32 v13, v12;
	v13 =	vmul.f32 v19, v18;
	v18 =	vld [tilespmem:s29+$0x27E0]  }
0x551: {  	v19 =	vld [tilespmem:s29+$0x67E0]  }
0x552: {  	v12 =	vadd.f32 v13, v12;
	v13 =	vmul.f32 v15, v14;
	v14 =	vld [tilespmem:s29+$0x27F0]  }
0x553: {  	v15 =	vld [tilespmem:s29+$0x67F0];
	s29 =	smov.u32 s31;
	s31 =	smov.u32 s0  }
0x554: {  	v20 =	vld [tilespmem:s29+$0x62C0];
	v12 =	vadd.f32 v13, v12;
	v13 =	vmul.f32 v17, v16  }
0x555: {  	v16 =	vld [tilespmem:s29+$0x22B0]  }
0x556: {  	s0 =	sor.u32 $0xF, s28;
	v17 =	vld [tilespmem:s29+$0x62B0];
	v12 =	vadd.f32 v13, v12;
	v13 =	vmul.f32 v19, v18  }
0x557: {  	v19 =	vadd.s32 s0, v1;
	v18 =	vld [tilespmem:s29+$0x22A0]  }
0x558: {  	s0 =	sadd.s32 $0x11, s28;
	v21 =	vld [tilespmem:s29+$0x62A0];
	v12 =	vadd.f32 v13, v12;
	v13 =	vmul.f32 v15, v14;
	v14 =	vor.u32 s28, v0  }
0x559: {  	v22 =	vadd.s32 s0, v0;
	s0 =	sadd.s32 $0x22, s28;
	v15 =	vld [tilespmem:s29+$0x2280]  }
0x55a: {  	v23 =	vld [tilespmem:s29+$0x6280];
	v12 =	vadd.f32 v13, v12;
	v13 =	vadd.s32 s0, v0;
	s0 =	sadd.s32 $0x33, s28  }
0x55b: {  	v24 =	vld [tilespmem:s29+$0x2290];
	v25 =	vadd.s32 s0, v0;
	s0 =	sadd.s32 $0x44, s28  }
0x55c: {  	v26 =	vld [tilespmem:s29+$0x6290];
	[tilespmem:v19+s17+$0x0] =	vst.idx.msk $0xffff, v12;
	v12 =	vadd.s32 s0, v0;
	s0 =	sadd.s32 $0x55, s28  }
0x55d: {  	v14 =	vld.idx.msk [tilespmem:v14+s17+$0x0], $0xffff;
	v19 =	vadd.s32 s0, v0;
	s0 =	sadd.s32 $0x66, s28  }
0x55e: {  	v22 =	vld.idx.msk [tilespmem:v22+s17+$0x0], $0xffff;
	v27 =	vadd.s32 s0, v0;
	s0 =	sadd.s32 $0x77, s28  }
0x55f: {  	v13 =	vld.idx.msk [tilespmem:v13+s17+$0x0], $0xffff;
	v28 =	vadd.s32 s0, v0;
	s0 =	sadd.s32 $0x88, s28  }
0x560: {  	v25 =	vld.idx.msk [tilespmem:v25+s17+$0x0], $0xffff;
	v29 =	vadd.s32 s0, v0;
	s0 =	sadd.s32 $0x99, s28  }
0x561: {  	v12 =	vld.idx.msk [tilespmem:v12+s17+$0x0], $0xffff;
	v30 =	vadd.s32 s0, v0;
	s0 =	sadd.s32 $0xAA, s28  }
0x562: {  	v19 =	vld.idx.msk [tilespmem:v19+s17+$0x0], $0xffff;
	v31 =	vadd.s32 s0, v0;
	s0 =	sadd.s32 $0xBB, s28  }
0x563: {  	v27 =	vld.idx.msk [tilespmem:v27+s17+$0x0], $0xffff;
	v32 =	vadd.s32 s0, v0;
	s0 =	sadd.s32 $0xCC, s28  }
0x564: {  	v15 =	vmul.f32 v23, v15;
	v23 =	vmul.f32 v26, v24;
	v24 =	vld.idx.msk [tilespmem:v28+s17+$0x0], $0xffff;
	v26 =	vadd.s32 s0, v0;
	s0 =	sadd.s32 $0xDD, s28  }
0x565: {  	v28 =	vld.idx.msk [tilespmem:v29+s17+$0x0], $0xffff;
	v29 =	vadd.s32 s0, v0;
	s0 =	sadd.s32 $0xEE, s28  }
0x566: {  	v18 =	vmul.f32 v21, v18;
	v15 =	vadd.f32 v23, v15;
	v21 =	vld.idx.msk [tilespmem:v30+s17+$0x0], $0xffff;
	v23 =	vadd.s32 s0, v0;
	s0 =	sadd.s32 $0xFF, s28;
	s28 =	smov.u32 s1  }
0x567: {  	v30 =	vld.idx.msk [tilespmem:v31+s17+$0x0], $0xffff;
	v31 =	vadd.s32 s0, v0  }
0x568: {  	v16 =	vmul.f32 v17, v16;
	v15 =	vadd.f32 v18, v15;
	v17 =	vld.idx.msk [tilespmem:v32+s17+$0x0], $0xffff  }
0x569: {  	v18 =	vld.idx.msk [tilespmem:v26+s17+$0x0], $0xffff  }
0x56a: {  	v11 =	vmul.f32 v20, v11;
	v15 =	vadd.f32 v16, v15;
	v16 =	vld.idx.msk [tilespmem:v29+s17+$0x0], $0xffff  }
0x56b: {  	v20 =	vld.idx.msk [tilespmem:v23+s17+$0x0], $0xffff  }
0x56c: {  	v9 =	vmul.f32 v10, v9;
	v11 =	vadd.f32 v11, v15;
	v10 =	vld.idx.msk [tilespmem:v31+s17+$0x0], $0xffff  }
0x56d: {  	v15 =	vld [tilespmem:s29+$0x22E0]  }
0x56e: {  	v9 =	vadd.f32 v9, v11;
	v11 =	vld [tilespmem:s29+$0x62E0]  }
0x56f: {  	v14 =	vadd.f32 v22, v14;
	v13 =	vadd.f32 v25, v13;
	v23 =	vld [tilespmem:s29+$0x22F0]  }
0x570: {  	v12 =	vadd.f32 v19, v12;
	v19 =	vadd.f32 v24, v27;
	v22 =	vld [tilespmem:s29+$0x62F0]  }
0x571: {  	v21 =	vadd.f32 v21, v28;
	v17 =	vadd.f32 v17, v30;
	v24 =	vld [tilespmem:s31+$0x2040]  }
0x572: {  	v16 =	vadd.f32 v16, v18;
	v10 =	vadd.f32 v10, v20;
	v25 =	vld [tilespmem:s31+$0x6040]  }
0x573: {  	s0 =	sor.u32 $0x5, s28;
	v13 =	vadd.f32 v13, v14;
	v12 =	vadd.f32 v19, v12;
	v18 =	vld [tilespmem:s31+$0x2030];
	v11 =	vmul.f32 v11, v15  }
0x574: {  	v17 =	vadd.f32 v17, v21;
	v15 =	vadd.s32 s0, v1;
	v10 =	vadd.f32 v10, v16;
	v14 =	vld [tilespmem:s31+$0x2000]  }
0x575: {  	v16 =	vld [tilespmem:s31+$0x6000];
	v9 =	vadd.f32 v11, v9;
	v11 =	vmul.f32 v22, v23  }
0x576: {  	v12 =	vadd.f32 v12, v13;
	v10 =	vadd.f32 v10, v17;
	v19 =	vld [tilespmem:s31+$0x2010]  }
0x577: {  	v13 =	vld [tilespmem:s31+$0x6010];
	v9 =	vadd.f32 v11, v9  }
0x578: {  	s0 =	sshll.u32 s26, $0x4;
	s26 =	smov.u32 s30;
	s30 =	smov.u32 s25;
	v10 =	vadd.f32 v10, v12;
	v11 =	vld [tilespmem:s31+$0x2020]  }
0x579: {  	s0 =	sand.u32 $0x3FFFFFF0, s0;
	v12 =	vld [tilespmem:s31+$0x6020];
	[tilespmem:v15+s17+$0x0] =	vst.idx.msk $0xffff, v9  }
0x57a: {  	v9 =	vld [tilespmem:s31+$0x6030];
	[tilespmem:v2+s0+$0x0 ss:$0x1] =	vst.idx.msk $0xffff, v10  }
0x57b: {  	v10 =	vld [tilespmem:s29+$0x2300]  }
0x57c: {  	v14 =	vmul.f32 v16, v14;
	v13 =	vmul.f32 v13, v19;
	v15 =	vld [tilespmem:s29+$0x6300]  }
0x57d: {  	v16 =	vld [tilespmem:s29+$0x2310]  }
0x57e: {  	v13 =	vadd.f32 v13, v14;
	v11 =	vmul.f32 v12, v11;
	v12 =	vld [tilespmem:s29+$0x6310]  }
0x57f: {  	v14 =	vld [tilespmem:s29+$0x2320]  }
0x580: {  	v9 =	vmul.f32 v9, v18;
	v11 =	vadd.f32 v11, v13;
	v13 =	vld [tilespmem:s29+$0x6320]  }
0x581: {  	v17 =	vld [tilespmem:s29+$0x2330]  }
0x582: {  	v9 =	vadd.f32 v9, v11;
	v11 =	vmul.f32 v25, v24;
	v18 =	vld [tilespmem:s29+$0x6330]  }
0x583: {  	v10 =	vmul.f32 v15, v10;
	v12 =	vmul.f32 v12, v16;
	v15 =	vld [tilespmem:s29+$0x2340]  }
0x584: {  	v7 =	vmul.f32 v8, v7;
	v9 =	vadd.f32 v11, v9;
	v8 =	vld [tilespmem:s29+$0x6340]  }
0x585: {  	s1 =	smul.u32 $0x110, s25;
	v10 =	vadd.f32 v12, v10;
	v11 =	vmul.f32 v13, v14;
	v12 =	vld [tilespmem:s29+$0x2350]  }
0x586: {  	v5 =	vmul.f32 v6, v5;
	v7 =	vadd.f32 v7, v9;
	v6 =	vld [tilespmem:s29+$0x6350]  }
0x587: {  	v9 =	vadd.s32 s1, v1;
	v10 =	vadd.f32 v11, v10;
	v11 =	vmul.f32 v18, v17;
	v13 =	vld [tilespmem:s29+$0x2360]  }
0x588: {  	v3 =	vmul.f32 v4, v3;
	v5 =	vadd.f32 v5, v7;
	v4 =	vld [tilespmem:s29+$0x6360]  }
0x589: {  	v7 =	vadd.f32 v11, v10;
	v8 =	vmul.f32 v8, v15;
	v10 =	vld [tilespmem:s29+$0x2370]  }
0x58a: {  	v3 =	vadd.f32 v3, v5;
	v5 =	vld [tilespmem:s29+$0x6370]  }
0x58b: {  	v7 =	vadd.f32 v8, v7;
	v6 =	vmul.f32 v6, v12  }
0x58c: {  	[tilespmem:v9+s17+$0x0] =	vst.idx.msk $0xffff, v3  }
0x58d: {  	s0 =	sor.u32 $0x6, s28;
	v3 =	vld [tilespmem:s31+$0x20F0];
	v6 =	vadd.f32 v6, v7;
	v7 =	vmul.f32 v4, v13  }
0x58e: {  	v8 =	vadd.s32 s0, v1;
	v4 =	vld [tilespmem:s31+$0x60F0]  }
0x58f: {  	v9 =	vld [tilespmem:s31+$0x20E0];
	v6 =	vadd.f32 v7, v6;
	v5 =	vmul.f32 v5, v10  }
0x590: {  	v7 =	vld [tilespmem:s31+$0x60E0]  }
0x591: {  	v10 =	vld [tilespmem:s31+$0x20D0];
	v5 =	vadd.f32 v5, v6  }
0x592: {  	v6 =	vld [tilespmem:s31+$0x60D0]  }
0x593: {  	v11 =	vld [tilespmem:s31+$0x20C0];
	[tilespmem:v8+s17+$0x0] =	vst.idx.msk $0xffff, v5  }
0x594: {  	v5 =	vld [tilespmem:s29+$0x2380]  }
0x595: {  	v8 =	vld [tilespmem:s29+$0x6380]  }
0x596: {  	v12 =	vld [tilespmem:s29+$0x2390]  }
0x597: {  	v13 =	vld [tilespmem:s29+$0x6390]  }
0x598: {  	v14 =	vld [tilespmem:s29+$0x23A0]  }
0x599: {  	v15 =	vld [tilespmem:s29+$0x63A0]  }
0x59a: {  	v16 =	vld [tilespmem:s29+$0x23B0]  }
0x59b: {  	v17 =	vld [tilespmem:s29+$0x63B0]  }
0x59c: {  	v5 =	vmul.f32 v8, v5;
	v8 =	vmul.f32 v13, v12;
	v12 =	vld [tilespmem:s29+$0x23C0]  }
0x59d: {  	v13 =	vld [tilespmem:s29+$0x63C0]  }
0x59e: {  	v5 =	vadd.f32 v8, v5;
	v8 =	vmul.f32 v15, v14;
	v14 =	vld [tilespmem:s29+$0x23D0]  }
0x59f: {  	v15 =	vld [tilespmem:s29+$0x63D0]  }
0x5a0: {  	v5 =	vadd.f32 v8, v5;
	v8 =	vmul.f32 v17, v16;
	v16 =	vld [tilespmem:s29+$0x23E0]  }
0x5a1: {  	v17 =	vld [tilespmem:s29+$0x63E0]  }
0x5a2: {  	v5 =	vadd.f32 v8, v5;
	v8 =	vmul.f32 v13, v12;
	v12 =	vld [tilespmem:s29+$0x23F0]  }
0x5a3: {  	v13 =	vld [tilespmem:s29+$0x63F0]  }
0x5a4: {  	v18 =	vld [tilespmem:s31+$0x60C0];
	v5 =	vadd.f32 v8, v5;
	v8 =	vmul.f32 v15, v14  }
0x5a5: {  	v14 =	vld [tilespmem:s31+$0x20B0]  }
0x5a6: {  	s0 =	sor.u32 $0x7, s28;
	v15 =	vld [tilespmem:s31+$0x2080];
	v5 =	vadd.f32 v8, v5;
	v8 =	vmul.f32 v17, v16  }
0x5a7: {  	v17 =	vadd.s32 s0, v1;
	v16 =	vld [tilespmem:s31+$0x6080]  }
0x5a8: {  	v19 =	vld [tilespmem:s31+$0x2090];
	v5 =	vadd.f32 v8, v5;
	v8 =	vmul.f32 v13, v12  }
0x5a9: {  	v12 =	vld [tilespmem:s31+$0x6090]  }
0x5aa: {  	v13 =	vld [tilespmem:s31+$0x20A0];
	v5 =	vadd.f32 v8, v5  }
0x5ab: {  	v8 =	vld [tilespmem:s31+$0x60A0]  }
0x5ac: {  	v20 =	vld [tilespmem:s31+$0x60B0];
	[tilespmem:v17+s17+$0x0] =	vst.idx.msk $0xffff, v5  }
0x5ad: {  	v5 =	vld [tilespmem:s29+$0x2400]  }
0x5ae: {  	v15 =	vmul.f32 v16, v15;
	v12 =	vmul.f32 v12, v19;
	v16 =	vld [tilespmem:s29+$0x6400]  }
0x5af: {  	v17 =	vld [tilespmem:s29+$0x2410]  }
0x5b0: {  	v12 =	vadd.f32 v12, v15;
	v8 =	vmul.f32 v8, v13;
	v13 =	vld [tilespmem:s29+$0x6410]  }
0x5b1: {  	v15 =	vld [tilespmem:s29+$0x2420]  }
0x5b2: {  	v8 =	vadd.f32 v8, v12;
	v12 =	vmul.f32 v20, v14;
	v14 =	vld [tilespmem:s29+$0x6420]  }
0x5b3: {  	v19 =	vld [tilespmem:s29+$0x2430]  }
0x5b4: {  	v11 =	vmul.f32 v18, v11;
	v8 =	vadd.f32 v12, v8;
	v12 =	vld [tilespmem:s29+$0x6430]  }
0x5b5: {  	v5 =	vmul.f32 v16, v5;
	v13 =	vmul.f32 v13, v17;
	v16 =	vld [tilespmem:s29+$0x2440]  }
0x5b6: {  	v6 =	vmul.f32 v6, v10;
	v8 =	vadd.f32 v11, v8;
	v10 =	vld [tilespmem:s29+$0x6440]  }
0x5b7: {  	v5 =	vadd.f32 v13, v5;
	v11 =	vmul.f32 v14, v15;
	v13 =	vld [tilespmem:s29+$0x2450]  }
0x5b8: {  	v7 =	vmul.f32 v7, v9;
	s0 =	sor.u32 $0x1, s1;
	v6 =	vadd.f32 v6, v8;
	v8 =	vld [tilespmem:s29+$0x6450]  }
0x5b9: {  	v9 =	vadd.s32 s0, v1;
	v5 =	vadd.f32 v11, v5;
	v11 =	vmul.f32 v12, v19;
	v12 =	vld [tilespmem:s29+$0x2460]  }
0x5ba: {  	v3 =	vmul.f32 v4, v3;
	v6 =	vadd.f32 v7, v6;
	v4 =	vld [tilespmem:s29+$0x6460]  }
0x5bb: {  	v5 =	vadd.f32 v11, v5;
	v7 =	vmul.f32 v10, v16;
	v10 =	vld [tilespmem:s29+$0x2470]  }
0x5bc: {  	v3 =	vadd.f32 v3, v6;
	v6 =	vld [tilespmem:s29+$0x6470]  }
0x5bd: {  	v5 =	vadd.f32 v7, v5;
	v7 =	vmul.f32 v8, v13  }
0x5be: {  	[tilespmem:v9+s17+$0x0] =	vst.idx.msk $0xffff, v3  }
0x5bf: {  	s0 =	sor.u32 $0x8, s28;
	v3 =	vld [tilespmem:s31+$0x2170];
	v5 =	vadd.f32 v7, v5;
	v7 =	vmul.f32 v4, v12  }
0x5c0: {  	v8 =	vadd.s32 s0, v1;
	v4 =	vld [tilespmem:s31+$0x6170]  }
0x5c1: {  	v9 =	vld [tilespmem:s31+$0x2160];
	v5 =	vadd.f32 v7, v5;
	v6 =	vmul.f32 v6, v10  }
0x5c2: {  	v7 =	vld [tilespmem:s31+$0x6160]  }
0x5c3: {  	v10 =	vld [tilespmem:s31+$0x2150];
	v5 =	vadd.f32 v6, v5  }
0x5c4: {  	v6 =	vld [tilespmem:s31+$0x6150]  }
0x5c5: {  	v11 =	vld [tilespmem:s31+$0x2140];
	[tilespmem:v8+s17+$0x0] =	vst.idx.msk $0xffff, v5  }
0x5c6: {  	v5 =	vld [tilespmem:s29+$0x2480]  }
0x5c7: {  	v8 =	vld [tilespmem:s29+$0x6480]  }
0x5c8: {  	v12 =	vld [tilespmem:s29+$0x2490]  }
0x5c9: {  	v13 =	vld [tilespmem:s29+$0x6490]  }
0x5ca: {  	v14 =	vld [tilespmem:s29+$0x24A0]  }
0x5cb: {  	v15 =	vld [tilespmem:s29+$0x64A0]  }
0x5cc: {  	v16 =	vld [tilespmem:s29+$0x24B0]  }
0x5cd: {  	v17 =	vld [tilespmem:s29+$0x64B0]  }
0x5ce: {  	v5 =	vmul.f32 v8, v5;
	v8 =	vmul.f32 v13, v12;
	v12 =	vld [tilespmem:s29+$0x24C0]  }
0x5cf: {  	v13 =	vld [tilespmem:s29+$0x64C0]  }
0x5d0: {  	v5 =	vadd.f32 v8, v5;
	v8 =	vmul.f32 v15, v14;
	v14 =	vld [tilespmem:s29+$0x24D0]  }
0x5d1: {  	v15 =	vld [tilespmem:s29+$0x64D0]  }
0x5d2: {  	v5 =	vadd.f32 v8, v5;
	v8 =	vmul.f32 v17, v16;
	v16 =	vld [tilespmem:s29+$0x24E0]  }
0x5d3: {  	v17 =	vld [tilespmem:s29+$0x64E0]  }
0x5d4: {  	v5 =	vadd.f32 v8, v5;
	v8 =	vmul.f32 v13, v12;
	v12 =	vld [tilespmem:s29+$0x24F0]  }
0x5d5: {  	v13 =	vld [tilespmem:s29+$0x64F0]  }
0x5d6: {  	v18 =	vld [tilespmem:s31+$0x6140];
	v5 =	vadd.f32 v8, v5;
	v8 =	vmul.f32 v15, v14  }
0x5d7: {  	v14 =	vld [tilespmem:s31+$0x2130]  }
0x5d8: {  	s0 =	sor.u32 $0x9, s28;
	v15 =	vld [tilespmem:s31+$0x2100];
	v5 =	vadd.f32 v8, v5;
	v8 =	vmul.f32 v17, v16  }
0x5d9: {  	v17 =	vadd.s32 s0, v1;
	v16 =	vld [tilespmem:s31+$0x6100]  }
0x5da: {  	v19 =	vld [tilespmem:s31+$0x2110];
	v5 =	vadd.f32 v8, v5;
	v8 =	vmul.f32 v13, v12  }
0x5db: {  	v12 =	vld [tilespmem:s31+$0x6110]  }
0x5dc: {  	v13 =	vld [tilespmem:s31+$0x2120];
	v5 =	vadd.f32 v8, v5  }
0x5dd: {  	v8 =	vld [tilespmem:s31+$0x6120]  }
0x5de: {  	v20 =	vld [tilespmem:s31+$0x6130];
	[tilespmem:v17+s17+$0x0] =	vst.idx.msk $0xffff, v5  }
0x5df: {  	v5 =	vld [tilespmem:s29+$0x2500]  }
0x5e0: {  	v15 =	vmul.f32 v16, v15;
	v12 =	vmul.f32 v12, v19;
	v16 =	vld [tilespmem:s29+$0x6500]  }
0x5e1: {  	v17 =	vld [tilespmem:s29+$0x2510]  }
0x5e2: {  	v12 =	vadd.f32 v12, v15;
	v8 =	vmul.f32 v8, v13;
	v13 =	vld [tilespmem:s29+$0x6510]  }
0x5e3: {  	v15 =	vld [tilespmem:s29+$0x2520]  }
0x5e4: {  	v8 =	vadd.f32 v8, v12;
	v12 =	vmul.f32 v20, v14;
	v14 =	vld [tilespmem:s29+$0x6520]  }
0x5e5: {  	v19 =	vld [tilespmem:s29+$0x2530]  }
0x5e6: {  	v11 =	vmul.f32 v18, v11;
	v8 =	vadd.f32 v12, v8;
	v12 =	vld [tilespmem:s29+$0x6530]  }
0x5e7: {  	v5 =	vmul.f32 v16, v5;
	v13 =	vmul.f32 v13, v17;
	v16 =	vld [tilespmem:s29+$0x2540]  }
0x5e8: {  	v6 =	vmul.f32 v6, v10;
	v8 =	vadd.f32 v11, v8;
	v10 =	vld [tilespmem:s29+$0x6540]  }
0x5e9: {  	v5 =	vadd.f32 v13, v5;
	v11 =	vmul.f32 v14, v15;
	v13 =	vld [tilespmem:s29+$0x2550]  }
0x5ea: {  	v7 =	vmul.f32 v7, v9;
	s0 =	sor.u32 $0x2, s1;
	v6 =	vadd.f32 v6, v8;
	v8 =	vld [tilespmem:s29+$0x6550]  }
0x5eb: {  	v9 =	vadd.s32 s0, v1;
	v5 =	vadd.f32 v11, v5;
	v11 =	vmul.f32 v12, v19;
	v12 =	vld [tilespmem:s29+$0x2560]  }
0x5ec: {  	v3 =	vmul.f32 v4, v3;
	v6 =	vadd.f32 v7, v6;
	v4 =	vld [tilespmem:s29+$0x6560]  }
0x5ed: {  	v5 =	vadd.f32 v11, v5;
	v7 =	vmul.f32 v10, v16;
	v10 =	vld [tilespmem:s29+$0x2570]  }
0x5ee: {  	v3 =	vadd.f32 v3, v6;
	v6 =	vld [tilespmem:s29+$0x6570]  }
0x5ef: {  	v5 =	vadd.f32 v7, v5;
	v7 =	vmul.f32 v8, v13  }
0x5f0: {  	[tilespmem:v9+s17+$0x0] =	vst.idx.msk $0xffff, v3  }
0x5f1: {  	s0 =	sor.u32 $0xA, s28;
	v3 =	vld [tilespmem:s31+$0x21F0];
	v5 =	vadd.f32 v7, v5;
	v7 =	vmul.f32 v4, v12  }
0x5f2: {  	v8 =	vadd.s32 s0, v1;
	v4 =	vld [tilespmem:s31+$0x61F0]  }
0x5f3: {  	v9 =	vld [tilespmem:s31+$0x21E0];
	v5 =	vadd.f32 v7, v5;
	v6 =	vmul.f32 v6, v10  }
0x5f4: {  	v7 =	vld [tilespmem:s31+$0x61E0]  }
0x5f5: {  	v10 =	vld [tilespmem:s31+$0x21D0];
	v5 =	vadd.f32 v6, v5  }
0x5f6: {  	v6 =	vld [tilespmem:s31+$0x61D0]  }
0x5f7: {  	v11 =	vld [tilespmem:s31+$0x21C0];
	[tilespmem:v8+s17+$0x0] =	vst.idx.msk $0xffff, v5  }
0x5f8: {  	v5 =	vld [tilespmem:s29+$0x2580]  }
0x5f9: {  	v8 =	vld [tilespmem:s29+$0x6580]  }
0x5fa: {  	v12 =	vld [tilespmem:s29+$0x2590]  }
0x5fb: {  	v13 =	vld [tilespmem:s29+$0x6590]  }
0x5fc: {  	v14 =	vld [tilespmem:s29+$0x25A0]  }
0x5fd: {  	v15 =	vld [tilespmem:s29+$0x65A0]  }
0x5fe: {  	v16 =	vld [tilespmem:s29+$0x25B0]  }
0x5ff: {  	v17 =	vld [tilespmem:s29+$0x65B0]  }
0x600: {  	v5 =	vmul.f32 v8, v5;
	v8 =	vmul.f32 v13, v12;
	v12 =	vld [tilespmem:s29+$0x25C0]  }
0x601: {  	v13 =	vld [tilespmem:s29+$0x65C0]  }
0x602: {  	v5 =	vadd.f32 v8, v5;
	v8 =	vmul.f32 v15, v14;
	v14 =	vld [tilespmem:s29+$0x25D0]  }
0x603: {  	v15 =	vld [tilespmem:s29+$0x65D0]  }
0x604: {  	v5 =	vadd.f32 v8, v5;
	v8 =	vmul.f32 v17, v16;
	v16 =	vld [tilespmem:s29+$0x25E0]  }
0x605: {  	v17 =	vld [tilespmem:s29+$0x65E0]  }
0x606: {  	v5 =	vadd.f32 v8, v5;
	v8 =	vmul.f32 v13, v12;
	v12 =	vld [tilespmem:s29+$0x25F0]  }
0x607: {  	v13 =	vld [tilespmem:s29+$0x65F0]  }
0x608: {  	v18 =	vld [tilespmem:s31+$0x61C0];
	v5 =	vadd.f32 v8, v5;
	v8 =	vmul.f32 v15, v14  }
0x609: {  	v14 =	vld [tilespmem:s31+$0x21B0]  }
0x60a: {  	s0 =	sor.u32 $0xB, s28;
	v15 =	vld [tilespmem:s31+$0x2180];
	v5 =	vadd.f32 v8, v5;
	v8 =	vmul.f32 v17, v16  }
0x60b: {  	v17 =	vadd.s32 s0, v1;
	v16 =	vld [tilespmem:s31+$0x6180]  }
0x60c: {  	v19 =	vld [tilespmem:s31+$0x2190];
	v5 =	vadd.f32 v8, v5;
	v8 =	vmul.f32 v13, v12  }
0x60d: {  	v12 =	vld [tilespmem:s31+$0x6190]  }
0x60e: {  	v13 =	vld [tilespmem:s31+$0x21A0];
	v5 =	vadd.f32 v8, v5  }
0x60f: {  	v8 =	vld [tilespmem:s31+$0x61A0]  }
0x610: {  	v20 =	vld [tilespmem:s31+$0x61B0];
	[tilespmem:v17+s17+$0x0] =	vst.idx.msk $0xffff, v5  }
0x611: {  	v5 =	vld [tilespmem:s29+$0x2600]  }
0x612: {  	v15 =	vmul.f32 v16, v15;
	v12 =	vmul.f32 v12, v19;
	v16 =	vld [tilespmem:s29+$0x6600]  }
0x613: {  	v17 =	vld [tilespmem:s29+$0x2610]  }
0x614: {  	v12 =	vadd.f32 v12, v15;
	v8 =	vmul.f32 v8, v13;
	v13 =	vld [tilespmem:s29+$0x6610]  }
0x615: {  	v15 =	vld [tilespmem:s29+$0x2620]  }
0x616: {  	v8 =	vadd.f32 v8, v12;
	v12 =	vmul.f32 v20, v14;
	v14 =	vld [tilespmem:s29+$0x6620]  }
0x617: {  	v19 =	vld [tilespmem:s29+$0x2630]  }
0x618: {  	v11 =	vmul.f32 v18, v11;
	v8 =	vadd.f32 v12, v8;
	v12 =	vld [tilespmem:s29+$0x6630]  }
0x619: {  	v5 =	vmul.f32 v16, v5;
	v13 =	vmul.f32 v13, v17;
	v16 =	vld [tilespmem:s29+$0x2640]  }
0x61a: {  	v6 =	vmul.f32 v6, v10;
	v8 =	vadd.f32 v11, v8;
	v10 =	vld [tilespmem:s29+$0x6640]  }
0x61b: {  	v5 =	vadd.f32 v13, v5;
	v11 =	vmul.f32 v14, v15;
	v13 =	vld [tilespmem:s29+$0x2650]  }
0x61c: {  	v7 =	vmul.f32 v7, v9;
	s0 =	sor.u32 $0x3, s1;
	v6 =	vadd.f32 v6, v8;
	v8 =	vld [tilespmem:s29+$0x6650]  }
0x61d: {  	v9 =	vadd.s32 s0, v1;
	v5 =	vadd.f32 v11, v5;
	v11 =	vmul.f32 v12, v19;
	v12 =	vld [tilespmem:s29+$0x2660]  }
0x61e: {  	v3 =	vmul.f32 v4, v3;
	v6 =	vadd.f32 v7, v6;
	v4 =	vld [tilespmem:s29+$0x6660]  }
0x61f: {  	v5 =	vadd.f32 v11, v5;
	v7 =	vmul.f32 v10, v16;
	v14 =	vld [tilespmem:s29+$0x2670]  }
0x620: {  	v3 =	vadd.f32 v3, v6;
	v6 =	vld [tilespmem:s29+$0x6670]  }
0x621: {  	v5 =	vadd.f32 v7, v5;
	v7 =	vmul.f32 v8, v13  }
0x622: {  	[tilespmem:v9+s17+$0x0] =	vst.idx.msk $0xffff, v3  }
0x623: {  	s0 =	sor.u32 $0xC, s28;
	v8 =	vld [tilespmem:s31+$0x2270];
	v3 =	vadd.f32 v7, v5;
	v4 =	vmul.f32 v4, v12  }
0x624: {  	v5 =	vadd.s32 s0, v1;
	v10 =	vld [tilespmem:s31+$0x6270]  }
0x625: {  	v11 =	vld [tilespmem:s31+$0x2260];
	v3 =	vadd.f32 v4, v3;
	v4 =	vmul.f32 v6, v14  }
0x626: {  	v12 =	vld [tilespmem:s31+$0x6260]  }
0x627: {  	v13 =	vld [tilespmem:s31+$0x2250];
	v3 =	vadd.f32 v4, v3  }
0x628: {  	v14 =	vld [tilespmem:s31+$0x6250]  }
0x629: {  	v15 =	vld [tilespmem:s31+$0x2240];
	[tilespmem:v5+s17+$0x0] =	vst.idx.msk $0xffff, v3  }
0x62a: {  	v3 =	vld [tilespmem:s29+$0x2680]  }
0x62b: {  	v4 =	vld [tilespmem:s29+$0x6680]  }
0x62c: {  	v5 =	vld [tilespmem:s29+$0x2690]  }
0x62d: {  	v6 =	vld [tilespmem:s29+$0x6690]  }
0x62e: {  	v7 =	vld [tilespmem:s29+$0x26A0]  }
0x62f: {  	v9 =	vld [tilespmem:s29+$0x66A0]  }
0x630: {  	v16 =	vld [tilespmem:s29+$0x26B0]  }
0x631: {  	v17 =	vld [tilespmem:s29+$0x66B0]  }
0x632: {  	v3 =	vmul.f32 v4, v3;
	v4 =	vmul.f32 v6, v5;
	v18 =	vld [tilespmem:s29+$0x26C0]  }
0x633: {  	v19 =	vld [tilespmem:s29+$0x66C0]  }
0x634: {  	v3 =	vadd.f32 v4, v3;
	v4 =	vmul.f32 v9, v7;
	v9 =	vld [tilespmem:s29+$0x26D0]  }
0x635: {  	v20 =	vld [tilespmem:s29+$0x66D0]  }
0x636: {  	v3 =	vadd.f32 v4, v3;
	v4 =	vmul.f32 v17, v16;
	v5 =	vld [tilespmem:s29+$0x26E0]  }
.Ltmp3:
0x637: {  	v6 =	vld [tilespmem:s29+$0x66E0];
	(pc) =	sbr.rel @p1 .LBB2_5-.Ltmp3, $4  }
0x638: {  	v7 =	vadd.f32 v4, v3;
	v17 =	vmul.f32 v19, v18;
	v3 =	vld [tilespmem:s29+$0x26F0]  }
0x639: {  	v4 =	vld [tilespmem:s29+$0x66F0]  }
0x63a: {  	v16 =	vld [tilespmem:s31+$0x6240];
	v7 =	vadd.f32 v17, v7;
	v9 =	vmul.f32 v20, v9  }
0x63b: {  	s25 =	sadd.s32 $0x1, s25;
	v17 =	vld [tilespmem:s31+$0x2230]  }
0x63c: {  	v18 =	vld [tilespmem:s31+$0x2200]  }
0x63d: {  	v19 =	vld [tilespmem:s31+$0x6200]  }
0x63e: {  	v20 =	vld [tilespmem:s31+$0x2210]  }
0x63f: {  	v21 =	vld [tilespmem:s31+$0x6210]  }
0x640: {  	v22 =	vld [tilespmem:s31+$0x2220]  }
0x641: {  	v23 =	vld [tilespmem:s31+$0x6220];
	_ =	sdelay $0x1  }
0x642: {  	v24 =	vld [tilespmem:s31+$0x6230]  }
0x643: {  	v18 =	vmul.f32 v19, v18;
	v33 =	vmul.f32 v21, v20;
	_ =	sdelay $0x1  }
0x644: {  	v34 =	vmul.f32 v23, v22;
	v18 =	vadd.f32 v33, v18;
	_ =	sdelay $0x1  }
0x645: {  	v17 =	vmul.f32 v24, v17;
	v18 =	vadd.f32 v34, v18;
	_ =	sdelay $0x1  }
0x646: {  	v15 =	vmul.f32 v16, v15;
	v17 =	vadd.f32 v17, v18;
	_ =	sdelay $0x1  }
0x647: {  	v13 =	vmul.f32 v14, v13;
	v15 =	vadd.f32 v15, v17;
	_ =	sdelay $0x1  }
0x648: {  	v11 =	vmul.f32 v12, v11;
	s0 =	sor.u32 $0x4, s1;
	v13 =	vadd.f32 v13, v15  }
0x649: {  	v35 =	vadd.s32 s0, v1  }
0x64a: {  	v8 =	vmul.f32 v10, v8;
	v11 =	vadd.f32 v11, v13;
	_ =	sdelay $0x1  }
0x64b: {  	v8 =	vadd.f32 v8, v11;
	_ =	sdelay $0x1  }
0x64c: {  	[tilespmem:v35+s17+$0x0] =	vst.idx.msk $0xffff, v8  }
0x64d: {  	v8 =	vld [tilespmem:s31+$0x2280]  }
0x64e: {  	v36 =	vld [tilespmem:s31+$0x6280]  }
0x64f: {  	v37 =	vld [tilespmem:s31+$0x2290]  }
0x650: {  	v12 =	vld [tilespmem:s31+$0x6290]  }
0x651: {  	v38 =	vld [tilespmem:s31+$0x22A0]  }
0x652: {  	v39 =	vld [tilespmem:s31+$0x62A0]  }
0x653: {  	v40 =	vld [tilespmem:s31+$0x22B0]  }
0x654: {  	v41 =	vld [tilespmem:s31+$0x62B0]  }
0x655: {  	v42 =	vld [tilespmem:s31+$0x22C0];
	v8 =	vmul.f32 v36, v8;
	v43 =	vmul.f32 v12, v37  }
0x656: {  	v44 =	vld [tilespmem:s31+$0x62C0]  }
0x657: {  	v45 =	vld [tilespmem:s31+$0x22D0];
	v46 =	vmul.f32 v39, v38;
	v8 =	vadd.f32 v43, v8  }
0x658: {  	v47 =	vld [tilespmem:s31+$0x62D0]  }
0x659: {  	v49 =	vld [tilespmem:s31+$0x22E0];
	v48 =	vmul.f32 v41, v40;
	v8 =	vadd.f32 v46, v8  }
0x65a: {  	v50 =	vld [tilespmem:s31+$0x62E0]  }
0x65b: {  	v52 =	vld [tilespmem:s31+$0x22F0];
	v51 =	vmul.f32 v44, v42;
	v8 =	vadd.f32 v48, v8  }
0x65c: {  	v53 =	vld [tilespmem:s31+$0x62F0]  }
0x65d: {  	v54 =	vmul.f32 v47, v45;
	v8 =	vadd.f32 v51, v8;
	_ =	sdelay $0x1  }
0x65e: {  	s25 =	sor.u32 $0x5, s1;
	v55 =	vmul.f32 v50, v49;
	v8 =	vadd.f32 v54, v8  }
0x65f: {  	v56 =	vadd.s32 s25, v1  }
0x660: {  	v57 =	vmul.f32 v53, v52;
	v8 =	vadd.f32 v55, v8;
	_ =	sdelay $0x1  }
0x661: {  	v8 =	vadd.f32 v57, v8;
	_ =	sdelay $0x1  }
0x662: {  	[tilespmem:v56+s17+$0x0] =	vst.idx.msk $0xffff, v8  }
0x663: {  	v8 =	vld [tilespmem:s31+$0x2300]  }
0x664: {  	v58 =	vld [tilespmem:s31+$0x6300]  }
0x665: {  	v59 =	vld [tilespmem:s31+$0x2310]  }
0x666: {  	v12 =	vld [tilespmem:s31+$0x6310]  }
0x667: {  	v60 =	vld [tilespmem:s31+$0x2320]  }
0x668: {  	v61 =	vld [tilespmem:s31+$0x6320]  }
0x669: {  	v62 =	vld [tilespmem:s31+$0x2330]  }
0x66a: {  	v63 =	vld [tilespmem:s31+$0x6330]  }
0x66b: {  	v21 =	vld [tilespmem:s31+$0x2340];
	v8 =	vmul.f32 v58, v8;
	v20 =	vmul.f32 v12, v59  }
0x66c: {  	v22 =	vld [tilespmem:s31+$0x6340]  }
0x66d: {  	v24 =	vld [tilespmem:s31+$0x2350];
	v23 =	vmul.f32 v61, v60;
	v8 =	vadd.f32 v20, v8  }
0x66e: {  	v25 =	vld [tilespmem:s31+$0x6350]  }
0x66f: {  	v27 =	vld [tilespmem:s31+$0x2360];
	v26 =	vmul.f32 v63, v62;
	v8 =	vadd.f32 v23, v8  }
0x670: {  	v28 =	vld [tilespmem:s31+$0x6360]  }
0x671: {  	v30 =	vld [tilespmem:s31+$0x2370];
	v29 =	vmul.f32 v22, v21;
	v8 =	vadd.f32 v26, v8  }
0x672: {  	v31 =	vld [tilespmem:s31+$0x6370]  }
0x673: {  	v32 =	vmul.f32 v25, v24;
	v8 =	vadd.f32 v29, v8;
	_ =	sdelay $0x1  }
0x674: {  	s12 =	sor.u32 $0x6, s1;
	v33 =	vmul.f32 v28, v27;
	v8 =	vadd.f32 v32, v8  }
0x675: {  	v34 =	vadd.s32 s12, v1  }
0x676: {  	v35 =	vmul.f32 v31, v30;
	v8 =	vadd.f32 v33, v8;
	_ =	sdelay $0x1  }
0x677: {  	v8 =	vadd.f32 v35, v8;
	_ =	sdelay $0x1  }
0x678: {  	[tilespmem:v34+s17+$0x0] =	vst.idx.msk $0xffff, v8  }
0x679: {  	v8 =	vld [tilespmem:s31+$0x2380]  }
0x67a: {  	v36 =	vld [tilespmem:s31+$0x6380]  }
0x67b: {  	v37 =	vld [tilespmem:s31+$0x2390]  }
0x67c: {  	v38 =	vld [tilespmem:s31+$0x6390]  }
0x67d: {  	v13 =	vld [tilespmem:s31+$0x23A0]  }
0x67e: {  	v39 =	vld [tilespmem:s31+$0x63A0]  }
0x67f: {  	v40 =	vld [tilespmem:s31+$0x23B0]  }
0x680: {  	v41 =	vld [tilespmem:s31+$0x63B0]  }
0x681: {  	v43 =	vld [tilespmem:s31+$0x23C0];
	v8 =	vmul.f32 v36, v8;
	v42 =	vmul.f32 v38, v37  }
0x682: {  	v44 =	vld [tilespmem:s31+$0x63C0]  }
0x683: {  	v46 =	vld [tilespmem:s31+$0x23D0];
	v45 =	vmul.f32 v39, v13;
	v8 =	vadd.f32 v42, v8  }
0x684: {  	v47 =	vld [tilespmem:s31+$0x63D0]  }
0x685: {  	v49 =	vld [tilespmem:s31+$0x23E0];
	v48 =	vmul.f32 v41, v40;
	v8 =	vadd.f32 v45, v8  }
0x686: {  	v50 =	vld [tilespmem:s31+$0x63E0]  }
0x687: {  	v52 =	vld [tilespmem:s31+$0x23F0];
	v51 =	vmul.f32 v44, v43;
	v8 =	vadd.f32 v48, v8  }
0x688: {  	v53 =	vld [tilespmem:s31+$0x63F0]  }
0x689: {  	v54 =	vmul.f32 v47, v46;
	v8 =	vadd.f32 v51, v8;
	_ =	sdelay $0x1  }
0x68a: {  	s25 =	sor.u32 $0x7, s1;
	v55 =	vmul.f32 v50, v49;
	v8 =	vadd.f32 v54, v8  }
0x68b: {  	v56 =	vadd.s32 s25, v1  }
0x68c: {  	v57 =	vmul.f32 v53, v52;
	v8 =	vadd.f32 v55, v8;
	_ =	sdelay $0x1  }
0x68d: {  	v8 =	vadd.f32 v57, v8;
	_ =	sdelay $0x1  }
0x68e: {  	[tilespmem:v56+s17+$0x0] =	vst.idx.msk $0xffff, v8  }
0x68f: {  	v8 =	vld [tilespmem:s31+$0x2400]  }
0x690: {  	v58 =	vld [tilespmem:s31+$0x6400]  }
0x691: {  	v59 =	vld [tilespmem:s31+$0x2410]  }
0x692: {  	v60 =	vld [tilespmem:s31+$0x6410]  }
0x693: {  	v13 =	vld [tilespmem:s31+$0x2420]  }
0x694: {  	v61 =	vld [tilespmem:s31+$0x6420]  }
0x695: {  	v62 =	vld [tilespmem:s31+$0x2430]  }
0x696: {  	v63 =	vld [tilespmem:s31+$0x6430]  }
0x697: {  	v21 =	vld [tilespmem:s31+$0x2440];
	v8 =	vmul.f32 v58, v8;
	v20 =	vmul.f32 v60, v59  }
0x698: {  	v22 =	vld [tilespmem:s31+$0x6440]  }
0x699: {  	v24 =	vld [tilespmem:s31+$0x2450];
	v23 =	vmul.f32 v61, v13;
	v8 =	vadd.f32 v20, v8  }
0x69a: {  	v25 =	vld [tilespmem:s31+$0x6450]  }
0x69b: {  	v27 =	vld [tilespmem:s31+$0x2460];
	v26 =	vmul.f32 v63, v62;
	v8 =	vadd.f32 v23, v8  }
0x69c: {  	v28 =	vld [tilespmem:s31+$0x6460]  }
0x69d: {  	v30 =	vld [tilespmem:s31+$0x2470];
	v29 =	vmul.f32 v22, v21;
	v8 =	vadd.f32 v26, v8  }
0x69e: {  	v31 =	vld [tilespmem:s31+$0x6470]  }
0x69f: {  	v32 =	vmul.f32 v25, v24;
	v8 =	vadd.f32 v29, v8;
	_ =	sdelay $0x1  }
0x6a0: {  	s12 =	sor.u32 $0x8, s1;
	v33 =	vmul.f32 v28, v27;
	v8 =	vadd.f32 v32, v8  }
0x6a1: {  	v34 =	vadd.s32 s12, v1  }
0x6a2: {  	v35 =	vmul.f32 v31, v30;
	v8 =	vadd.f32 v33, v8;
	_ =	sdelay $0x1  }
0x6a3: {  	v8 =	vadd.f32 v35, v8;
	_ =	sdelay $0x1  }
0x6a4: {  	[tilespmem:v34+s17+$0x0] =	vst.idx.msk $0xffff, v8  }
0x6a5: {  	v8 =	vld [tilespmem:s31+$0x2480]  }
0x6a6: {  	v36 =	vld [tilespmem:s31+$0x6480]  }
0x6a7: {  	v37 =	vld [tilespmem:s31+$0x2490]  }
0x6a8: {  	v38 =	vld [tilespmem:s31+$0x6490]  }
0x6a9: {  	v13 =	vld [tilespmem:s31+$0x24A0]  }
0x6aa: {  	v39 =	vld [tilespmem:s31+$0x64A0]  }
0x6ab: {  	v40 =	vld [tilespmem:s31+$0x24B0]  }
0x6ac: {  	v41 =	vld [tilespmem:s31+$0x64B0]  }
0x6ad: {  	v43 =	vld [tilespmem:s31+$0x24C0];
	v8 =	vmul.f32 v36, v8;
	v42 =	vmul.f32 v38, v37  }
0x6ae: {  	v44 =	vld [tilespmem:s31+$0x64C0]  }
0x6af: {  	v46 =	vld [tilespmem:s31+$0x24D0];
	v45 =	vmul.f32 v39, v13;
	v8 =	vadd.f32 v42, v8  }
0x6b0: {  	v47 =	vld [tilespmem:s31+$0x64D0]  }
0x6b1: {  	v49 =	vld [tilespmem:s31+$0x24E0];
	v48 =	vmul.f32 v41, v40;
	v8 =	vadd.f32 v45, v8  }
0x6b2: {  	v50 =	vld [tilespmem:s31+$0x64E0]  }
0x6b3: {  	v52 =	vld [tilespmem:s31+$0x24F0];
	v51 =	vmul.f32 v44, v43;
	v8 =	vadd.f32 v48, v8  }
0x6b4: {  	v53 =	vld [tilespmem:s31+$0x64F0]  }
0x6b5: {  	v54 =	vmul.f32 v47, v46;
	v8 =	vadd.f32 v51, v8;
	_ =	sdelay $0x1  }
0x6b6: {  	s25 =	sor.u32 $0x9, s1;
	v55 =	vmul.f32 v50, v49;
	v8 =	vadd.f32 v54, v8  }
0x6b7: {  	v56 =	vadd.s32 s25, v1  }
0x6b8: {  	v57 =	vmul.f32 v53, v52;
	v8 =	vadd.f32 v55, v8;
	_ =	sdelay $0x1  }
0x6b9: {  	v8 =	vadd.f32 v57, v8;
	_ =	sdelay $0x1  }
0x6ba: {  	[tilespmem:v56+s17+$0x0] =	vst.idx.msk $0xffff, v8  }
0x6bb: {  	v8 =	vld [tilespmem:s31+$0x2500]  }
0x6bc: {  	v58 =	vld [tilespmem:s31+$0x6500]  }
0x6bd: {  	v59 =	vld [tilespmem:s31+$0x2510]  }
0x6be: {  	v60 =	vld [tilespmem:s31+$0x6510]  }
0x6bf: {  	v13 =	vld [tilespmem:s31+$0x2520]  }
0x6c0: {  	v61 =	vld [tilespmem:s31+$0x6520]  }
0x6c1: {  	v62 =	vld [tilespmem:s31+$0x2530]  }
0x6c2: {  	v63 =	vld [tilespmem:s31+$0x6530]  }
0x6c3: {  	v19 =	vld [tilespmem:s31+$0x2540];
	v8 =	vmul.f32 v58, v8;
	v18 =	vmul.f32 v60, v59  }
0x6c4: {  	v20 =	vld [tilespmem:s31+$0x6540]  }
0x6c5: {  	v22 =	vld [tilespmem:s31+$0x2550];
	v21 =	vmul.f32 v61, v13;
	v8 =	vadd.f32 v18, v8  }
0x6c6: {  	v7 =	vadd.f32 v9, v7;
	v5 =	vmul.f32 v6, v5;
	s12 =	sor.u32 $0xD, s28;
	v23 =	vld [tilespmem:s31+$0x6550]  }
0x6c7: {  	v24 =	vadd.s32 s12, v1;
	v26 =	vld [tilespmem:s31+$0x2560];
	v25 =	vmul.f32 v63, v62;
	v8 =	vadd.f32 v21, v8  }
0x6c8: {  	v5 =	vadd.f32 v5, v7;
	v3 =	vmul.f32 v4, v3;
	v27 =	vld [tilespmem:s31+$0x6560]  }
0x6c9: {  	v30 =	vld [tilespmem:s31+$0x2570];
	v29 =	vmul.f32 v20, v19;
	v28 =	vadd.f32 v25, v8  }
0x6ca: {  	v3 =	vadd.f32 v3, v5;
	v31 =	vld [tilespmem:s31+$0x6570]  }
0x6cb: {  	v6 =	vmul.f32 v23, v22;
	v7 =	vadd.f32 v29, v28  }
0x6cc: {  	[tilespmem:v24+s17+$0x0] =	vst.idx.msk $0xffff, v3  }
0x6cd: {  	s25 =	sor.u32 $0xA, s1;
	v3 =	vld [tilespmem:s29+$0x2700];
	v4 =	vmul.f32 v27, v26;
	v6 =	vadd.f32 v6, v7  }
0x6ce: {  	v9 =	vld [tilespmem:s29+$0x2710];
	v33 =	vadd.s32 s25, v1  }
0x6cf: {  	v32 =	vld [tilespmem:s29+$0x6700];
	v5 =	vmul.f32 v31, v30;
	v4 =	vadd.f32 v4, v6  }
0x6d0: {  	v35 =	vld [tilespmem:s29+$0x2720]  }
0x6d1: {  	v34 =	vld [tilespmem:s29+$0x6710];
	v4 =	vadd.f32 v5, v4  }
0x6d2: {  	v36 =	vld [tilespmem:s29+$0x6720]  }
0x6d3: {  	v37 =	vld [tilespmem:s29+$0x2730];
	[tilespmem:v33+s17+$0x0] =	vst.idx.msk $0xffff, v4  }
0x6d4: {  	v4 =	vld [tilespmem:s31+$0x2580]  }
0x6d5: {  	v8 =	vld [tilespmem:s31+$0x6580]  }
0x6d6: {  	v38 =	vld [tilespmem:s31+$0x2590]  }
0x6d7: {  	v39 =	vld [tilespmem:s31+$0x6590]  }
0x6d8: {  	v40 =	vld [tilespmem:s31+$0x25A0]  }
0x6d9: {  	v41 =	vld [tilespmem:s31+$0x65A0]  }
0x6da: {  	v42 =	vld [tilespmem:s31+$0x25B0]  }
0x6db: {  	v43 =	vld [tilespmem:s31+$0x65B0]  }
0x6dc: {  	v45 =	vld [tilespmem:s31+$0x25C0];
	v4 =	vmul.f32 v8, v4;
	v44 =	vmul.f32 v39, v38  }
0x6dd: {  	v46 =	vld [tilespmem:s31+$0x65C0]  }
0x6de: {  	v48 =	vld [tilespmem:s31+$0x25D0];
	v47 =	vmul.f32 v41, v40;
	v4 =	vadd.f32 v44, v4  }
0x6df: {  	v49 =	vld [tilespmem:s31+$0x65D0]  }
0x6e0: {  	v51 =	vld [tilespmem:s31+$0x25E0];
	v50 =	vmul.f32 v43, v42;
	v4 =	vadd.f32 v47, v4  }
0x6e1: {  	v52 =	vld [tilespmem:s31+$0x65E0]  }
0x6e2: {  	v54 =	vld [tilespmem:s31+$0x25F0];
	v53 =	vmul.f32 v46, v45;
	v4 =	vadd.f32 v50, v4  }
0x6e3: {  	v55 =	vld [tilespmem:s31+$0x65F0]  }
0x6e4: {  	v56 =	vld [tilespmem:s29+$0x6730];
	v57 =	vmul.f32 v49, v48;
	v4 =	vadd.f32 v53, v4  }
0x6e5: {  	v58 =	vld [tilespmem:s29+$0x2740]  }
0x6e6: {  	s12 =	sor.u32 $0xB, s1;
	v59 =	vld [tilespmem:s29+$0x6740];
	v60 =	vmul.f32 v52, v51;
	v4 =	vadd.f32 v57, v4  }
0x6e7: {  	v61 =	vld [tilespmem:s29+$0x2750];
	v62 =	vadd.s32 s12, v1  }
0x6e8: {  	v63 =	vld [tilespmem:s29+$0x6750];
	v24 =	vmul.f32 v55, v54;
	v4 =	vadd.f32 v60, v4  }
0x6e9: {  	v26 =	vld [tilespmem:s29+$0x6760]  }
0x6ea: {  	v27 =	vld [tilespmem:s29+$0x2770];
	v4 =	vadd.f32 v24, v4  }
0x6eb: {  	v25 =	vld [tilespmem:s29+$0x2760]  }
0x6ec: {  	v28 =	vld [tilespmem:s29+$0x6770];
	[tilespmem:v62+s17+$0x0] =	vst.idx.msk $0xffff, v4  }
0x6ed: {  	v4 =	vld [tilespmem:s31+$0x2600]  }
0x6ee: {  	v3 =	vmul.f32 v32, v3;
	v6 =	vmul.f32 v34, v9;
	v29 =	vld [tilespmem:s31+$0x6600]  }
0x6ef: {  	v30 =	vld [tilespmem:s31+$0x2610]  }
0x6f0: {  	v3 =	vadd.f32 v6, v3;
	v5 =	vmul.f32 v36, v35;
	v31 =	vld [tilespmem:s31+$0x6610]  }
0x6f1: {  	v32 =	vld [tilespmem:s31+$0x2620]  }
0x6f2: {  	v3 =	vadd.f32 v5, v3;
	v33 =	vmul.f32 v56, v37;
	v34 =	vld [tilespmem:s31+$0x6620]  }
0x6f3: {  	v17 =	vld [tilespmem:s31+$0x2630]  }
0x6f4: {  	v35 =	vmul.f32 v59, v58;
	v3 =	vadd.f32 v33, v3;
	v36 =	vld [tilespmem:s31+$0x6630]  }
0x6f5: {  	v37 =	vld [tilespmem:s31+$0x2640];
	v4 =	vmul.f32 v29, v4;
	v6 =	vmul.f32 v31, v30  }
0x6f6: {  	v3 =	vadd.f32 v35, v3;
	v38 =	vmul.f32 v63, v61;
	v39 =	vld [tilespmem:s31+$0x6640]  }
0x6f7: {  	v41 =	vld [tilespmem:s31+$0x2650];
	v40 =	vmul.f32 v34, v32;
	v4 =	vadd.f32 v6, v4  }
0x6f8: {  	s25 =	sor.u32 $0xE, s28;
	v42 =	vmul.f32 v26, v25;
	v3 =	vadd.f32 v38, v3;
	v43 =	vld [tilespmem:s31+$0x6650]  }
0x6f9: {  	v44 =	vadd.s32 s25, v1;
	v46 =	vld [tilespmem:s31+$0x2660];
	v45 =	vmul.f32 v36, v17;
	v4 =	vadd.f32 v40, v4  }
0x6fa: {  	v3 =	vadd.f32 v42, v3;
	v47 =	vmul.f32 v28, v27;
	v48 =	vld [tilespmem:s31+$0x6660]  }
0x6fb: {  	v50 =	vld [tilespmem:s31+$0x2670];
	v49 =	vmul.f32 v39, v37;
	v4 =	vadd.f32 v45, v4  }
0x6fc: {  	v3 =	vadd.f32 v47, v3;
	v51 =	vld [tilespmem:s31+$0x6670]  }
0x6fd: {  	v52 =	vmul.f32 v43, v41;
	v4 =	vadd.f32 v49, v4  }
0x6fe: {  	[tilespmem:v44+s17+$0x0] =	vst.idx.msk $0xffff, v3  }
0x6ff: {  	s12 =	sor.u32 $0xC, s1;
	v3 =	vld [tilespmem:s29+$0x2780];
	v53 =	vmul.f32 v48, v46;
	v4 =	vadd.f32 v52, v4  }
0x700: {  	v55 =	vadd.s32 s12, v1;
	v54 =	vld [tilespmem:s29+$0x6780]  }
0x701: {  	v56 =	vld [tilespmem:s29+$0x2790];
	v5 =	vmul.f32 v51, v50;
	v4 =	vadd.f32 v53, v4  }
0x702: {  	v58 =	vld [tilespmem:s29+$0x27A0]  }
0x703: {  	v59 =	vld [tilespmem:s29+$0x67A0];
	v4 =	vadd.f32 v5, v4  }
0x704: {  	v35 =	vld [tilespmem:s29+$0x67B0]  }
0x705: {  	v38 =	vld [tilespmem:s29+$0x67C0];
	[tilespmem:v55+s17+$0x0] =	vst.idx.msk $0xffff, v4  }
0x706: {  	v4 =	vld [tilespmem:s31+$0x2680]  }
0x707: {  	v9 =	vld [tilespmem:s31+$0x6680]  }
0x708: {  	v61 =	vld [tilespmem:s31+$0x2690]  }
0x709: {  	v62 =	vld [tilespmem:s31+$0x6690]  }
0x70a: {  	v63 =	vld [tilespmem:s31+$0x26A0]  }
0x70b: {  	v20 =	vld [tilespmem:s31+$0x66A0]  }
0x70c: {  	v21 =	vld [tilespmem:s31+$0x26B0]  }
0x70d: {  	v22 =	vld [tilespmem:s31+$0x66B0]  }
0x70e: {  	v24 =	vld [tilespmem:s31+$0x26C0];
	v4 =	vmul.f32 v9, v4;
	v23 =	vmul.f32 v62, v61  }
0x70f: {  	v25 =	vld [tilespmem:s31+$0x66C0]  }
0x710: {  	v27 =	vld [tilespmem:s31+$0x26D0];
	v26 =	vmul.f32 v20, v63;
	v4 =	vadd.f32 v23, v4  }
0x711: {  	v28 =	vld [tilespmem:s31+$0x66D0]  }
0x712: {  	v30 =	vld [tilespmem:s31+$0x26E0];
	v29 =	vmul.f32 v22, v21;
	v4 =	vadd.f32 v26, v4  }
0x713: {  	v31 =	vld [tilespmem:s31+$0x66E0]  }
0x714: {  	v33 =	vld [tilespmem:s31+$0x26F0];
	v32 =	vmul.f32 v25, v24;
	v4 =	vadd.f32 v29, v4  }
0x715: {  	v34 =	vld [tilespmem:s31+$0x66F0]  }
0x716: {  	v42 =	vld [tilespmem:s29+$0x67D0];
	v36 =	vmul.f32 v28, v27;
	v4 =	vadd.f32 v32, v4  }
0x717: {  	v44 =	vld [tilespmem:s29+$0x27E0]  }
0x718: {  	s25 =	sor.u32 $0xD, s1;
	v47 =	vld [tilespmem:s29+$0x67F0];
	v39 =	vmul.f32 v31, v30;
	v4 =	vadd.f32 v36, v4  }
0x719: {  	v57 =	vld [tilespmem:s29+$0x6790];
	v41 =	vadd.s32 s25, v1  }
0x71a: {  	v60 =	vld [tilespmem:s29+$0x27B0];
	v43 =	vmul.f32 v34, v33;
	v4 =	vadd.f32 v39, v4  }
0x71b: {  	v37 =	vld [tilespmem:s29+$0x27C0]  }
0x71c: {  	v46 =	vld [tilespmem:s29+$0x27F0];
	v4 =	vadd.f32 v43, v4  }
0x71d: {  	v40 =	vld [tilespmem:s29+$0x27D0]  }
0x71e: {  	v45 =	vld [tilespmem:s29+$0x67E0];
	[tilespmem:v41+s17+$0x0] =	vst.idx.msk $0xffff, v4  }
0x71f: {  	v4 =	vld [tilespmem:s31+$0x2700]  }
0x720: {  	v3 =	vmul.f32 v54, v3;
	v6 =	vmul.f32 v57, v56;
	v48 =	vld [tilespmem:s31+$0x6700]  }
0x721: {  	v49 =	vld [tilespmem:s31+$0x2710]  }
0x722: {  	v3 =	vadd.f32 v6, v3;
	v5 =	vmul.f32 v59, v58;
	v50 =	vld [tilespmem:s31+$0x6710]  }
0x723: {  	v51 =	vld [tilespmem:s31+$0x2720]  }
0x724: {  	v52 =	vmul.f32 v35, v60;
	v3 =	vadd.f32 v5, v3;
	v53 =	vld [tilespmem:s31+$0x6720]  }
0x725: {  	v17 =	vld [tilespmem:s31+$0x2730]  }
0x726: {  	v54 =	vmul.f32 v38, v37;
	v3 =	vadd.f32 v52, v3;
	v55 =	vld [tilespmem:s31+$0x6730]  }
0x727: {  	v56 =	vld [tilespmem:s31+$0x2740];
	v4 =	vmul.f32 v48, v4;
	v6 =	vmul.f32 v50, v49  }
0x728: {  	v57 =	vmul.f32 v42, v40;
	v3 =	vadd.f32 v54, v3;
	v58 =	vld [tilespmem:s31+$0x6740]  }
0x729: {  	v60 =	vld [tilespmem:s31+$0x2750];
	v59 =	vmul.f32 v53, v51;
	v4 =	vadd.f32 v6, v4  }
0x72a: {  	s29 =	sor.u32 $0xF, s28;
	v3 =	vadd.f32 v57, v3;
	v61 =	vmul.f32 v45, v44;
	v62 =	vld [tilespmem:s31+$0x6750]  }
0x72b: {  	v63 =	vadd.s32 s29, v1;
	v22 =	vld [tilespmem:s31+$0x2760];
	v21 =	vmul.f32 v55, v17;
	v4 =	vadd.f32 v59, v4  }
0x72c: {  	v24 =	vor.u32 s28, v0;
	s29 =	sadd.s32 $0x33, s28;
	v3 =	vadd.f32 v61, v3;
	v23 =	vmul.f32 v47, v46;
	v25 =	vld [tilespmem:s31+$0x6760]  }
0x72d: {  	v31 =	vadd.s32 s29, v0;
	s29 =	sadd.s32 $0x66, s28;
	v28 =	vld [tilespmem:s31+$0x2770];
	v27 =	vmul.f32 v58, v56;
	v4 =	vadd.f32 v21, v4  }
0x72e: {  	s12 =	sadd.s32 $0x11, s28;
	v35 =	vadd.s32 s29, v0;
	v3 =	vadd.f32 v23, v3;
	v30 =	vld [tilespmem:s31+$0x6770]  }
0x72f: {  	s25 =	sadd.s32 $0x22, s28;
	v26 =	vadd.s32 s12, v0;
	v32 =	vmul.f32 v62, v60;
	v4 =	vadd.f32 v27, v4  }
0x730: {  	s12 =	sadd.s32 $0x44, s28;
	v29 =	vadd.s32 s25, v0;
	[tilespmem:v63+s17+$0x0] =	vst.idx.msk $0xffff, v3  }
0x731: {  	s29 =	sadd.s32 $0x99, s28;
	v3 =	vadd.s32 s12, v0;
	s12 =	sor.u32 $0xE, s1;
	v7 =	vld.idx.msk [tilespmem:v24+s17+$0x0], $0xffff;
	v34 =	vmul.f32 v25, v22;
	v4 =	vadd.f32 v32, v4  }
0x732: {  	v54 =	vadd.s32 s29, v0;
	v8 =	vld.idx.msk [tilespmem:v31+s17+$0x0], $0xffff;
	v36 =	vadd.s32 s12, v1  }
0x733: {  	v9 =	vld.idx.msk [tilespmem:v35+s17+$0x0], $0xffff;
	v37 =	vmul.f32 v30, v28;
	v4 =	vadd.f32 v34, v4  }
0x734: {  	v11 =	vld.idx.msk [tilespmem:v26+s17+$0x0], $0xffff  }
0x735: {  	v5 =	vld.idx.msk [tilespmem:v29+s17+$0x0], $0xffff;
	v4 =	vadd.f32 v37, v4  }
0x736: {  	v3 =	vld.idx.msk [tilespmem:v3+s17+$0x0], $0xffff  }
0x737: {  	v17 =	vld.idx.msk [tilespmem:v54+s17+$0x0], $0xffff;
	[tilespmem:v36+s17+$0x0] =	vst.idx.msk $0xffff, v4  }
0x738: {  	v4 =	vld [tilespmem:s31+$0x2780]  }
0x739: {  	v38 =	vld [tilespmem:s31+$0x6780]  }
0x73a: {  	v39 =	vld [tilespmem:s31+$0x2790]  }
0x73b: {  	v13 =	vld [tilespmem:s31+$0x6790]  }
0x73c: {  	v40 =	vld [tilespmem:s31+$0x27A0]  }
0x73d: {  	v41 =	vld [tilespmem:s31+$0x67A0]  }
0x73e: {  	v42 =	vld [tilespmem:s31+$0x27B0]  }
0x73f: {  	v43 =	vld [tilespmem:s31+$0x67B0]  }
0x740: {  	v45 =	vld [tilespmem:s31+$0x27C0];
	v4 =	vmul.f32 v38, v4;
	v44 =	vmul.f32 v13, v39  }
0x741: {  	v46 =	vld [tilespmem:s31+$0x67C0]  }
0x742: {  	s25 =	sadd.s32 $0x55, s28;
	v48 =	vld [tilespmem:s31+$0x27D0];
	v47 =	vmul.f32 v41, v40;
	v4 =	vadd.f32 v44, v4  }
0x743: {  	v33 =	vadd.s32 s25, v0;
	s12 =	sadd.s32 $0x77, s28;
	v50 =	vld [tilespmem:s31+$0x67D0]  }
0x744: {  	s25 =	sadd.s32 $0x88, s28;
	v49 =	vadd.s32 s12, v0;
	s12 =	sadd.s32 $0xAA, s28;
	v53 =	vld [tilespmem:s31+$0x27E0];
	v52 =	vmul.f32 v43, v42;
	v4 =	vadd.f32 v47, v4  }
0x745: {  	v51 =	vadd.s32 s25, v0;
	v56 =	vadd.s32 s12, v0;
	s12 =	sadd.s32 $0xEE, s28;
	v55 =	vld [tilespmem:s31+$0x67E0]  }
0x746: {  	v37 =	vadd.s32 s12, v0;
	v58 =	vld [tilespmem:s31+$0x27F0];
	v57 =	vmul.f32 v46, v45;
	v4 =	vadd.f32 v52, v4  }
0x747: {  	s25 =	sadd.s32 $0xBB, s28;
	v60 =	vld [tilespmem:s31+$0x67F0]  }
0x748: {  	v6 =	vld.idx.msk [tilespmem:v33+s17+$0x0], $0xffff;
	v59 =	vadd.s32 s25, v0;
	s31 =	sadd.s32 $0xDD, s28;
	v62 =	vmul.f32 v50, v48;
	v4 =	vadd.f32 v57, v4  }
0x749: {  	s29 =	sadd.s32 $0xCC, s28;
	v15 =	vld.idx.msk [tilespmem:v49+s17+$0x0], $0xffff;
	v36 =	vadd.s32 s31, v0  }
0x74a: {  	v61 =	vadd.s32 s29, v0;
	s25 =	sadd.s32 $0xFF, s28;
	v63 =	vld.idx.msk [tilespmem:v51+s17+$0x0], $0xffff;
	s28 =	sor.u32 $0xF, s1;
	v38 =	vmul.f32 v55, v53;
	v4 =	vadd.f32 v62, v4  }
0x74b: {  	v19 =	vld.idx.msk [tilespmem:v37+s17+$0x0], $0xffff;
	v40 =	vadd.s32 s25, v0;
	v41 =	vadd.s32 s28, v1  }
0x74c: {  	s29 =	sadd.s32 $0x11, s1;
	v39 =	vld.idx.msk [tilespmem:v56+s17+$0x0], $0xffff;
	v42 =	vmul.f32 v60, v58;
	v43 =	vor.u32 s1, v0;
	v4 =	vadd.f32 v38, v4  }
0x74d: {  	s31 =	sadd.s32 $0x22, s1;
	v13 =	vld.idx.msk [tilespmem:v59+s17+$0x0], $0xffff;
	v45 =	vadd.s32 s29, v0  }
0x74e: {  	s12 =	sadd.s32 $0x33, s1;
	v46 =	vadd.s32 s31, v0;
	v18 =	vld.idx.msk [tilespmem:v36+s17+$0x0], $0xffff;
	v4 =	vadd.f32 v42, v4  }
0x74f: {  	s25 =	sadd.s32 $0x44, s1;
	v44 =	vld.idx.msk [tilespmem:v61+s17+$0x0], $0xffff;
	v47 =	vadd.s32 s12, v0  }
0x750: {  	s28 =	sadd.s32 $0x55, s1;
	v48 =	vadd.s32 s25, v0;
	v20 =	vld.idx.msk [tilespmem:v40+s17+$0x0], $0xffff;
	[tilespmem:v41+s17+$0x0] =	vst.idx.msk $0xffff, v4  }
0x751: {  	s29 =	sadd.s32 $0x66, s1;
	v49 =	vadd.s32 s28, v0;
	v12 =	vld.idx.msk [tilespmem:v43+s17+$0x0], $0xffff  }
0x752: {  	s31 =	sadd.s32 $0x77, s1;
	v25 =	vadd.s32 s29, v0;
	v23 =	vld.idx.msk [tilespmem:v45+s17+$0x0], $0xffff  }
0x753: {  	v26 =	vadd.s32 s31, v0;
	s12 =	sadd.s32 $0x88, s1;
	v10 =	vld.idx.msk [tilespmem:v46+s17+$0x0], $0xffff  }
0x754: {  	s25 =	sadd.s32 $0x99, s1;
	v27 =	vadd.s32 s12, v0;
	v24 =	vld.idx.msk [tilespmem:v47+s17+$0x0], $0xffff  }
0x755: {  	s28 =	sadd.s32 $0xAA, s1;
	v28 =	vadd.s32 s25, v0;
	v4 =	vld.idx.msk [tilespmem:v48+s17+$0x0], $0xffff  }
0x756: {  	s29 =	sadd.s32 $0xBB, s1;
	v29 =	vadd.s32 s28, v0;
	v21 =	vld.idx.msk [tilespmem:v49+s17+$0x0], $0xffff  }
0x757: {  	s31 =	sadd.s32 $0xCC, s1;
	v30 =	vadd.s32 s29, v0;
	v25 =	vld.idx.msk [tilespmem:v25+s17+$0x0], $0xffff  }
0x758: {  	v31 =	vadd.s32 s31, v0;
	s12 =	sadd.s32 $0xDD, s1;
	v26 =	vld.idx.msk [tilespmem:v26+s17+$0x0], $0xffff  }
0x759: {  	s25 =	sadd.s32 $0xEE, s1;
	v32 =	vadd.s32 s12, v0;
	v27 =	vld.idx.msk [tilespmem:v27+s17+$0x0], $0xffff  }
0x75a: {  	s28 =	sadd.s32 $0xFF, s1;
	v33 =	vadd.s32 s25, v0;
	v28 =	vld.idx.msk [tilespmem:v28+s17+$0x0], $0xffff  }
0x75b: {  	v34 =	vadd.s32 s28, v0;
	v29 =	vld.idx.msk [tilespmem:v29+s17+$0x0], $0xffff  }
0x75c: {  	v7 =	vadd.f32 v11, v7;
	v5 =	vadd.f32 v8, v5;
	v50 =	vld.idx.msk [tilespmem:v30+s17+$0x0], $0xffff  }
0x75d: {  	v3 =	vadd.f32 v6, v3;
	v51 =	vadd.f32 v15, v9;
	v52 =	vld.idx.msk [tilespmem:v31+s17+$0x0], $0xffff  }
0x75e: {  	v53 =	vadd.f32 v17, v63;
	v13 =	vadd.f32 v13, v39;
	v54 =	vld.idx.msk [tilespmem:v32+s17+$0x0], $0xffff  }
0x75f: {  	v55 =	vadd.f32 v18, v44;
	v56 =	vadd.f32 v20, v19;
	v57 =	vld.idx.msk [tilespmem:v33+s17+$0x0], $0xffff  }
0x760: {  	v5 =	vadd.f32 v5, v7;
	v3 =	vadd.f32 v51, v3;
	v58 =	vld.idx.msk [tilespmem:v34+s17+$0x0], $0xffff  }
0x761: {  	v59 =	vadd.f32 v13, v53;
	v60 =	vadd.f32 v56, v55  }
0x762: {  	v12 =	vadd.f32 v23, v12;
	v10 =	vadd.f32 v24, v10  }
0x763: {  	v4 =	vadd.f32 v21, v4;
	v61 =	vadd.f32 v26, v25  }
0x764: {  	v62 =	vadd.f32 v28, v27;
	v8 =	vadd.f32 v50, v29  }
0x765: {  	v9 =	vadd.f32 v54, v52;
	v6 =	vadd.f32 v58, v57  }
0x766: {  	v10 =	vadd.f32 v10, v12;
	v4 =	vadd.f32 v61, v4  }
0x767: {  	v8 =	vadd.f32 v8, v62;
	v6 =	vadd.f32 v6, v9  }
0x768: {  	v3 =	vadd.f32 v3, v5;
	v63 =	vadd.f32 v60, v59  }
.Ltmp4:
0x769: {  	v4 =	vadd.f32 v4, v10;
	v6 =	vadd.f32 v6, v8;
	(pc) =	sbr.rel @p0 .LBB2_8-.Ltmp4, $4  }
0x76a: {  	s29 =	sshll.u32 s26, $0x4;
	v3 =	vadd.f32 v63, v3  }
0x76b: {  	s30 =	sshll.u32 s30, $0x4;
	s0 =	sand.u32 $0x3FFFFFF0, s29;
	v4 =	vadd.f32 v6, v4  }
0x76c: {  	s31 =	sand.u32 $0x3FFFFFF0, s30;
	[tilespmem:v2+s0+$0x0 ss:$0x1] =	vst.idx.msk $0xffff, v3  }
0x76d: {  	[tilespmem:v2+s31+$0x0 ss:$0x1] =	vst.idx.msk $0xffff, v4  }
0x76e: {  	s0 =	sadd.s32 s24, s9  }
.Ltmp5:
0x76f: {  	s0 =	sshrl.u32 s0, $0x3;
	(pc) =	sbr.rel .LBB2_2-.Ltmp5, $4  }
0x770: {  	s0 =	sadd.s32 s2, s0  }
0x771: {  	[tilespmem:s13], [sflag:$0x2] =	stream.linear.gather [hbm4b:s0+s3], $0x2000, $0x38;
	[tilespmem:$0x8680] =	vst v63  }
0x772: {  	s23 =	sadd.s32 $0x1, s23;
	s0 =	sadd.s32 $0x40000, s0  }
0x773: {  	[tilespmem:s14], [sflag:$0x4] =	stream.linear.gather [hbm4b:s0+s3], $0x2000, $0x38;
	[tilespmem:$0x8680] =	vst v63  }
.LBB2_9:
0x774: {  	_ =	sfence.sel $0x180000  }
0x775: {  	[bflag:$0x0] =	sbarrier.arrive $0xFFFF  }
0x776: {  	_ =	strace $0x90000047  }
0x777: {  	s0 =	stileid.u32;
	[bflag:$0x2] =	sbarrier.arrive $0xFFFF  }
0x778: {  	p0 =	sne.s32 s0, $0x0;
	s0 =	rddreg [dreg:$0x2]  }
0x779: {  	s0 =	sadd.s32 @!p0 $0x100000, s0  }
0x77a: {  	[sflag:s0] =	ssyncadd.tile.s32 @!p0 $0x1;
	_ =	shalt  }
.Lfunc_end2:
_tile_overlayer_lowered:
.L_overlay_start_2:
0x77b: {  	(tag) =	ssettag $0x2  }
0x77c: {  	s0 =	rddreg [dreg:$0x0];
	s2 =	stileid.u32  }
0x77d: {  	s1 =	rddreg [dreg:$0x1];
	p0 =	sne.s32 s2, $0x0  }
0x77e: {  	s3 =	rddreg [dreg:$0x2];
	[bflag:$0x3] =	sbarrier.arrive $0xFFFF;
	s2 =	simm.s32 @!p0 $0x1C05  }
0x77f: {  	[timem:s3], [sflag:s2] =	dma.local @!p0 [hbm:s0], s1  }
0x780: {  	s0 =	simm.s32 @!p0 $0x5  }
0x781: {  	_ =	swait.ge @!p0 [sflag:s0], s1  }
0x782: {  	s1 =	ssub.s32 @!p0 $0x0, s1;
	[sflag:s0] =	ssyncset.done @!p0 $0x0  }
0x783: {  	[sflag:s0] =	ssyncadd.s32 @!p0 s1  }
0x784: {  	[bflag:$0x3] =	sbarrier.arrive $0xFFFF  }
0x785: {  	_ =	shalt  }

</sc_bundles>
